<compile_context>
chip_gen: v7x
topology: tpu7x:2x2x1
jax: 0.10.2.dev20260603
libtpu: 0.0.44.dev20260713+nightly
codegen_flags: <defaults>
</compile_context>

<pallas_src>
import functools

import jax
import jax.numpy as jnp
from jax import lax
from jax.experimental import pallas as pl
from jax.experimental.pallas import tpu as pltpu
from jax.experimental.pallas import tpu_sc as plsc

N = 10000
NPAD = 10240
D = 128
E = 320000
EPS = 1e-5

NC = 2
NS = 16
NW = NC * NS
CHUNK = 128
NCHUNK = 80
EPW = NCHUNK * CHUNK
EP = NW * EPW
STRIPE = NPAD // NS
UNROLL = 16

ROWS = 1024
GRID = NPAD // ROWS


def _sc_degree(sd):
    mesh = plsc.VectorSubcoreMesh(core_axis_name="c", subcore_axis_name="s")

    @functools.partial(
        pl.kernel,
        out_type=jax.ShapeDtypeStruct((NC, NPAD, 16), jnp.float32),
        mesh=mesh,
        scratch_types=[
            pltpu.VMEM((NCHUNK, 2, CHUNK), jnp.int32),
            pltpu.VMEM((CHUNK, 16), jnp.float32),
            pltpu.VMEM_SHARED((NPAD, 16), jnp.float32),
            pltpu.SemaphoreType.DMA,
        ],
    )
    def k(sd_hbm, cnt_hbm, sd_v, buf_v, cnt_sh, sem):
        c = lax.axis_index("c")
        s = lax.axis_index("s")
        w = s * NC + c

        def fill_zero(i, _):
            buf_v[i, :] = jnp.zeros((16,), jnp.float32)
            return 0

        lax.fori_loop(0, CHUNK, fill_zero, 0)
        for j in range(STRIPE // CHUNK):
            pltpu.sync_copy(buf_v,
                            cnt_sh.at[pl.ds(s * STRIPE + j * CHUNK, CHUNK)])
        pltpu.sync_copy(sd_hbm.at[w], sd_v)

        def fill_one(i, _):
            buf_v[i, :] = jnp.ones((16,), jnp.float32)
            return 0

        lax.fori_loop(0, CHUNK, fill_one, 0)
        plsc.subcore_barrier()

        def body(i, _):
            pltpu.sync_copy(buf_v, cnt_sh.at[sd_v.at[i, 1]], add=True)
            return 0

        lax.fori_loop(0, NCHUNK, body, 0)

        plsc.subcore_barrier()
        pltpu.sync_copy(cnt_sh.at[pl.ds(s * STRIPE, STRIPE)],
                        cnt_hbm.at[c, pl.ds(s * STRIPE, STRIPE)])

    return k(sd)


def _sc_edge_pass(t, sd):
    mesh = plsc.VectorSubcoreMesh(core_axis_name="c", subcore_axis_name="s")
    SUPER = NCHUNK // UNROLL

    @functools.partial(
        pl.kernel,
        out_type=jax.ShapeDtypeStruct((NC, NPAD, D), jnp.float32),
        mesh=mesh,
        scratch_types=[
            pltpu.VMEM((UNROLL, 2, CHUNK), jnp.int32),
            pltpu.VMEM((CHUNK, D), jnp.float32),
            pltpu.VMEM((CHUNK, D), jnp.float32),
            pltpu.VMEM_SHARED((NPAD, D), jnp.float32),
            pltpu.SemaphoreType.DMA,
            pltpu.SemaphoreType.DMA,
        ],
    )
    def k(t_hbm, sd_hbm, acc_hbm, sd_v, r0, r1, acc_sh, g0, g1):
        c = lax.axis_index("c")
        s = lax.axis_index("s")
        w = s * NC + c
        rows = (r0, r1)
        gsem = (g0, g1)

        pltpu.sync_copy(t_hbm.at[pl.ds(s * STRIPE, STRIPE)],
                        acc_sh.at[pl.ds(s * STRIPE, STRIPE)])
        plsc.subcore_barrier()

        def super_body(m, _):
            base = m * UNROLL
            pltpu.sync_copy(sd_hbm.at[w, pl.ds(base, UNROLL)], sd_v)
            descs = [pltpu.async_copy(t_hbm.at[sd_v.at[0, 0]], rows[0],
                                      gsem[0])]
            for j in range(UNROLL):
                if j + 1 < UNROLL:
                    bk = (j + 1) % 2
                    descs.append(
                        pltpu.async_copy(t_hbm.at[sd_v.at[j + 1, 0]],
                                         rows[bk], gsem[bk]))
                descs[j].wait()
                pltpu.sync_copy(rows[j % 2], acc_sh.at[sd_v.at[j, 1]],
                                add=True)
            return 0

        lax.fori_loop(0, SUPER, super_body, 0)
        plsc.subcore_barrier()
        pltpu.sync_copy(acc_sh.at[pl.ds(s * STRIPE, STRIPE)],
                        acc_hbm.at[c, pl.ds(s * STRIPE, STRIPE)])

    return k(t, sd)


def _tc_pre(cnt, x, W):

    def body(cnt_ref, x_ref, w_ref, dinv_ref, t_ref):
        total = cnt_ref[0, :, 0:1] + cnt_ref[1, :, 0:1] + 1.0
        dinv = jnp.broadcast_to(lax.rsqrt(total), (ROWS, D))
        dinv_ref[...] = dinv
        t_ref[...] = jnp.dot(x_ref[...] * dinv, w_ref[...],
                             preferred_element_type=jnp.float32)

    return pl.pallas_call(
        body,
        grid=(GRID,),
        in_specs=[
            pl.BlockSpec((NC, ROWS, 16), lambda i: (0, i, 0)),
            pl.BlockSpec((ROWS, D), lambda i: (i, 0)),
            pl.BlockSpec((D, D), lambda i: (0, 0)),
        ],
        out_specs=[
            pl.BlockSpec((ROWS, D), lambda i: (i, 0)),
            pl.BlockSpec((ROWS, D), lambda i: (i, 0)),
        ],
        out_shape=[
            jax.ShapeDtypeStruct((NPAD, D), jnp.float32),
            jax.ShapeDtypeStruct((NPAD, D), jnp.float32),
        ],
    )(cnt, x, W)


def _ln(z, g, be):
    mu = jnp.mean(z, axis=-1, keepdims=True)
    zc = z - mu
    var = jnp.mean(zc * zc, axis=-1, keepdims=True)
    return zc * lax.rsqrt(var + EPS) * g + be


def _tc_mid(acc, t, dinv, b, g, be, Wn):

    def body(acc_ref, t_ref, dinv_ref, b_ref, g_ref, be_ref, w_ref, out_ref):
        dinv = dinv_ref[...]
        z = (acc_ref[0] + acc_ref[1] - t_ref[...]) * dinv + b_ref[...]
        y = jnp.maximum(_ln(z, g_ref[...], be_ref[...]), 0.0)
        out_ref[...] = jnp.dot(y * dinv, w_ref[...],
                               preferred_element_type=jnp.float32)

    return pl.pallas_call(
        body,
        grid=(GRID,),
        in_specs=[
            pl.BlockSpec((NC, ROWS, D), lambda i: (0, i, 0)),
            pl.BlockSpec((ROWS, D), lambda i: (i, 0)),
            pl.BlockSpec((ROWS, D), lambda i: (i, 0)),
            pl.BlockSpec((1, D), lambda i: (0, 0)),
            pl.BlockSpec((1, D), lambda i: (0, 0)),
            pl.BlockSpec((1, D), lambda i: (0, 0)),
            pl.BlockSpec((D, D), lambda i: (0, 0)),
        ],
        out_specs=pl.BlockSpec((ROWS, D), lambda i: (i, 0)),
        out_shape=jax.ShapeDtypeStruct((NPAD, D), jnp.float32),
    )(acc, t, dinv, b.reshape(1, D), g.reshape(1, D), be.reshape(1, D), Wn)


def _tc_fin(acc, t, dinv, b, g, be):

    def body(acc_ref, t_ref, dinv_ref, b_ref, g_ref, be_ref, out_ref):
        z = ((acc_ref[0] + acc_ref[1] - t_ref[...]) * dinv_ref[...]
             + b_ref[...])
        out_ref[...] = _ln(z, g_ref[...], be_ref[...])

    return pl.pallas_call(
        body,
        grid=(GRID,),
        in_specs=[
            pl.BlockSpec((NC, ROWS, D), lambda i: (0, i, 0)),
            pl.BlockSpec((ROWS, D), lambda i: (i, 0)),
            pl.BlockSpec((ROWS, D), lambda i: (i, 0)),
            pl.BlockSpec((1, D), lambda i: (0, 0)),
            pl.BlockSpec((1, D), lambda i: (0, 0)),
            pl.BlockSpec((1, D), lambda i: (0, 0)),
        ],
        out_specs=pl.BlockSpec((ROWS, D), lambda i: (i, 0)),
        out_shape=jax.ShapeDtypeStruct((NPAD, D), jnp.float32),
    )(acc, t, dinv, b.reshape(1, D), g.reshape(1, D), be.reshape(1, D))


def kernel(x, edge_index, W0, b0, g0, be0, W1, b1, g1, be1, W2, b2, g2, be2):
    pad_ids = N + (jnp.arange(EP - E, dtype=jnp.int32) % (NPAD - N))
    srcr = jnp.concatenate([edge_index[0], pad_ids]).reshape(NW, NCHUNK, CHUNK)
    dstr = jnp.concatenate([edge_index[1], pad_ids]).reshape(NW, NCHUNK, CHUNK)
    sd = jnp.stack((srcr, dstr), axis=2)
    xp = jnp.pad(x, ((0, NPAD - N), (0, 0)))

    cnt = _sc_degree(sd)
    dinv, t = _tc_pre(cnt, xp, W0)
    for (b, g, be, Wn) in ((b0, g0, be0, W1), (b1, g1, be1, W2)):
        acc = _sc_edge_pass(t, sd)
        t = _tc_mid(acc, t, dinv, b, g, be, Wn)
    acc = _sc_edge_pass(t, sd)
    out = _tc_fin(acc, t, dinv, b2, g2, be2)
    return out[:N]

# --- scband reference (transcript-rebuilt; emitter-appended) ---
"""Pipeline reference for scband-gnnencoder-46978352284503 (READ-ONLY COPY).

The authoritative reference and input builder live on the scoring server;
editing this copy changes nothing except your own understanding.
"""

import jax, jax.numpy as jnp
import numpy as np

N = 10000
E = 320000
D = 128
EPS = 1e-5


def gcn_conv(x, src, dst, W, b):
    num_nodes = x.shape[0]
    deg = jax.ops.segment_sum(jnp.ones_like(dst, dtype=x.dtype), dst, num_segments=num_nodes)
    dinv = jnp.where(deg > 0, deg ** -0.5, 0.0)
    norm = dinv[src] * dinv[dst]
    h = x @ W
    msg = h[src] * norm[:, None]
    out = jax.ops.segment_sum(msg, dst, num_segments=num_nodes)
    return out + b


def layer_norm(h, g, b):
    mu = jnp.mean(h, axis=-1, keepdims=True)
    var = jnp.var(h, axis=-1, keepdims=True)
    return (h - mu) / jnp.sqrt(var + EPS) * g + b


def setup_inputs(seed: int = 0) -> dict:
    key = jax.random.key(seed)
    ks = jax.random.split(key, 20)
    inp = {}
    inp["x"] = jax.random.normal(ks[0], (N, D), dtype=jnp.float32)
    inp["edge_index"] = jax.random.randint(ks[1], (2, E), 0, N, dtype=jnp.int32)
    scale = 1.0 / np.sqrt(D)
    for i in range(3):
        inp["W%d" % i] = jax.random.normal(ks[2 + 4 * i], (D, D), dtype=jnp.float32) * scale
        inp["b%d" % i] = jnp.zeros((D,), dtype=jnp.float32)
        inp["g%d" % i] = jnp.ones((D,), dtype=jnp.float32)
        inp["be%d" % i] = jnp.zeros((D,), dtype=jnp.float32)
    return inp


def reference(x, edge_index, W0, b0, g0, be0, W1, b1, g1, be1, W2, b2, g2, be2):
    # GNNEncoder with gnn_type='gcn', JK='last', drop_ratio=0 (eval: dropout no-op).
    # GCNConv: add self-loops, symmetric deg^{-1/2} normalization, linear + scatter-add.
    num_nodes = x.shape[0]
    loop = jnp.arange(num_nodes, dtype=edge_index.dtype)
    src = jnp.concatenate([edge_index[0], loop])
    dst = jnp.concatenate([edge_index[1], loop])
    params = [(W0, b0, g0, be0), (W1, b1, g1, be1), (W2, b2, g2, be2)]
    h = x
    num_layer = len(params)
    for layer, (W, b, g, be) in enumerate(params):
        h = gcn_conv(h, src, dst, W, b)
        h = layer_norm(h, g, be)
        if layer < num_layer - 1:
            h = jax.nn.relu(h)
    return h

if __name__ == "__main__":
    import jax
    _d = setup_inputs()
    print(jax.jit(kernel)(*tuple(_d.values())))

</pallas_src>

<mosaic_0001>
#map = affine_map<(d0, d1) -> (0, 0)>
#map1 = affine_map<(d0, d1) -> (0, 0, 0, 0)>
#map2 = affine_map<(d0, d1) -> (0, 0, 0)>
module attributes {stable_mosaic.version = 14 : i64} {
  func.func @k(%arg0: i32, %arg1: i32, %arg2: memref<10240x128xf32, #tpu.memory_space<hbm>>, %arg3: memref<32x80x2x128xi32, #tpu.memory_space<hbm>>, %arg4: memref<2x10240x128xf32, #tpu.memory_space<hbm>>, %arg5: memref<16x2x128xi32, #tpu.memory_space<vmem>>, %arg6: memref<128x128xf32, #tpu.memory_space<vmem>>, %arg7: memref<128x128xf32, #tpu.memory_space<vmem>>, %arg8: memref<10240x128xf32, #tpu.memory_space<vmem_shared>>, %arg9: memref<!tpu.dma_semaphore, #tpu.memory_space<semaphore_mem>>, %arg10: memref<!tpu.dma_semaphore, #tpu.memory_space<semaphore_mem>>) attributes {dimension_semantics = [#tpu.dimension_semantics<core_parallel>, #tpu.dimension_semantics<subcore_parallel>], iteration_bounds = array<i64: 2, 16>, scalar_prefetch = 0 : i64, scratch_operands = 6 : i64, tpu.core_type = #tpu.core_type<sc_vector_subcore>, window_params = [{transform_indices = #map}, {transform_indices = #map1}, {transform_indices = #map2}]} {
    %mul3A = arith.constant 2 : i32
    %mul3A_0 = arith.muli %arg1, %mul3A : i32
    %add3A = arith.addi %mul3A_0, %arg0 : i32
    %mul3A_1 = arith.constant 640 : i32
    %mul3A_2 = arith.muli %arg1, %mul3A_1 : i32
    %mul3A_3 = arith.constant 640 : i32
    %mul3A_4 = arith.muli %arg1, %mul3A_3 : i32
    "tpu.region"() ({
      %run_scoped3A = tpu.sem_alloc : memref<!tpu.dma_semaphore, #tpu.memory_space<semaphore_mem>>
      %dma_start3A = arith.constant 0 : i32
      %dma_start3A_16 = tpu.memref_slice %arg8[%mul3A_4, %dma_start3A] : memref<10240x128xf32, #tpu.memory_space<vmem_shared>> -> memref<640x128xf32, #tpu.memory_space<vmem_shared>>
      %dma_start3A_17 = arith.constant 0 : i32
      %dma_start3A_18 = tpu.memref_slice %arg2[%mul3A_2, %dma_start3A_17] : memref<10240x128xf32, #tpu.memory_space<hbm>> -> memref<640x128xf32, #tpu.memory_space<hbm>>
      tpu.enqueue_dma source(%dma_start3A_18 : memref<640x128xf32, #tpu.memory_space<hbm>>) target(%dma_start3A_16 : memref<640x128xf32, #tpu.memory_space<vmem_shared>>) target_semaphore(%run_scoped3A : memref<!tpu.dma_semaphore, #tpu.memory_space<semaphore_mem>>)
      %dma_wait3A = arith.constant 0 : i32
      %dma_wait3A_19 = tpu.memref_slice %arg8[%mul3A_4, %dma_wait3A] : memref<10240x128xf32, #tpu.memory_space<vmem_shared>> -> memref<640x128xf32, #tpu.memory_space<vmem_shared>>
      %dma_wait3A_20 = arith.constant 0 : i32
      %dma_wait3A_21 = tpu.memref_slice %arg2[%mul3A_2, %dma_wait3A_20] : memref<10240x128xf32, #tpu.memory_space<hbm>> -> memref<640x128xf32, #tpu.memory_space<hbm>>
      tpu.wait_dma2 semaphore(%run_scoped3A : memref<!tpu.dma_semaphore, #tpu.memory_space<semaphore_mem>>) src(%dma_wait3A_21 : memref<640x128xf32, #tpu.memory_space<hbm>>) dst(%dma_wait3A_19 : memref<640x128xf32, #tpu.memory_space<vmem_shared>>)
      tpu.yield
    }) : () -> ()
    %barrier3A = arith.constant 0 : index
    tpu.barrier barrier_id(%barrier3A)
    %scan3A = arith.constant 0 : i32
    %scan3A_5 = arith.constant 0 : i32
    %scan3A_6 = arith.constant 5 : i32
    %scan3A_7 = arith.addi %scan3A_5, %scan3A_6 : i32
    %scan3A_8 = arith.constant 1 : i32
    %scan3A_9 = scf.for %scan3A_16 = %scan3A_5 to %scan3A_7 step %scan3A_8 iter_args(%scan3A_17 = %scan3A) -> (i32)  : i32 {
      %mul3A_18 = arith.constant 16 : i32
      %mul3A_19 = arith.muli %scan3A_16, %mul3A_18 : i32
      "tpu.region"() ({
        %run_scoped3A_306 = tpu.sem_alloc : memref<!tpu.dma_semaphore, #tpu.memory_space<semaphore_mem>>
        %dma_start3A_307 = arith.constant 0 : i32
        %dma_start3A_308 = arith.constant 0 : i32
        %dma_start3A_309 = tpu.memref_slice %arg3[%add3A, %mul3A_19, %dma_start3A_307, %dma_start3A_308] : memref<32x80x2x128xi32, #tpu.memory_space<hbm>> -> memref<1x16x2x128xi32, #tpu.memory_space<hbm>>
        %dma_start3A_310 = tpu.memref_squeeze %dma_start3A_309 : memref<1x16x2x128xi32, #tpu.memory_space<hbm>> -> memref<16x2x128xi32, #tpu.memory_space<hbm>>
        %dma_start3A_311 = arith.constant 0 : i32
        %dma_start3A_312 = arith.constant 0 : i32
        %dma_start3A_313 = tpu.memref_slice %arg3[%add3A, %mul3A_19, %dma_start3A_311, %dma_start3A_312] : memref<32x80x2x128xi32, #tpu.memory_space<hbm>> -> memref<1x16x2x128xi32, #tpu.memory_space<hbm>>
        %dma_start3A_314 = tpu.memref_squeeze %dma_start3A_313 : memref<1x16x2x128xi32, #tpu.memory_space<hbm>> -> memref<16x2x128xi32, #tpu.memory_space<hbm>>
        tpu.enqueue_dma source(%dma_start3A_314 : memref<16x2x128xi32, #tpu.memory_space<hbm>>) target(%arg5 : memref<16x2x128xi32, #tpu.memory_space<vmem>>) target_semaphore(%run_scoped3A_306 : memref<!tpu.dma_semaphore, #tpu.memory_space<semaphore_mem>>)
        %dma_wait3A_315 = arith.constant 0 : i32
        %dma_wait3A_316 = arith.constant 0 : i32
        %dma_wait3A_317 = tpu.memref_slice %arg3[%add3A, %mul3A_19, %dma_wait3A_315, %dma_wait3A_316] : memref<32x80x2x128xi32, #tpu.memory_space<hbm>> -> memref<1x16x2x128xi32, #tpu.memory_space<hbm>>
        %dma_wait3A_318 = tpu.memref_squeeze %dma_wait3A_317 : memref<1x16x2x128xi32, #tpu.memory_space<hbm>> -> memref<16x2x128xi32, #tpu.memory_space<hbm>>
        %dma_wait3A_319 = arith.constant 0 : i32
        %dma_wait3A_320 = arith.constant 0 : i32
        %dma_wait3A_321 = tpu.memref_slice %arg3[%add3A, %mul3A_19, %dma_wait3A_319, %dma_wait3A_320] : memref<32x80x2x128xi32, #tpu.memory_space<hbm>> -> memref<1x16x2x128xi32, #tpu.memory_space<hbm>>
        %dma_wait3A_322 = tpu.memref_squeeze %dma_wait3A_321 : memref<1x16x2x128xi32, #tpu.memory_space<hbm>> -> memref<16x2x128xi32, #tpu.memory_space<hbm>>
        tpu.wait_dma2 semaphore(%run_scoped3A_306 : memref<!tpu.dma_semaphore, #tpu.memory_space<semaphore_mem>>) src(%dma_wait3A_322 : memref<16x2x128xi32, #tpu.memory_space<hbm>>) dst(%arg5 : memref<16x2x128xi32, #tpu.memory_space<vmem>>)
        tpu.yield
      }) : () -> ()
      %dma_start3A = arith.constant 0 : i32
      %dma_start3A_20 = arith.constant 0 : i32
      %dma_start3A_21 = arith.constant 0 : i32
      %dma_start3A_22 = tpu.memref_slice %arg5[%dma_start3A, %dma_start3A_20, %dma_start3A_21] : memref<16x2x128xi32, #tpu.memory_space<vmem>> -> memref<1x1x128xi32, #tpu.memory_space<vmem>>
      %dma_start3A_23 = tpu.memref_squeeze %dma_start3A_22 : memref<1x1x128xi32, #tpu.memory_space<vmem>> -> memref<128xi32, #tpu.memory_space<vmem>>
      %dma_start3A_24 = arith.constant 0 : i32
      %dma_start3A_25 = arith.constant 0 : i32
      %dma_start3A_26 = tpu.memref_slice %arg2[%dma_start3A_24, %dma_start3A_25] : memref<10240x128xf32, #tpu.memory_space<hbm>> -> memref<10240x128xf32, #tpu.memory_space<hbm>>
      tpu.enqueue_indirect_dma source(%dma_start3A_26 : memref<10240x128xf32, #tpu.memory_space<hbm>>) target(%arg6 : memref<128x128xf32, #tpu.memory_space<vmem>>) offsets(%dma_start3A_23 : memref<128xi32, #tpu.memory_space<vmem>>) semaphore(%arg9 : memref<!tpu.dma_semaphore, #tpu.memory_space<semaphore_mem>>)
      %dma_start3A_27 = arith.constant 1 : i32
      %dma_start3A_28 = arith.constant 0 : i32
      %dma_start3A_29 = arith.constant 0 : i32
      %dma_start3A_30 = tpu.memref_slice %arg5[%dma_start3A_27, %dma_start3A_28, %dma_start3A_29] : memref<16x2x128xi32, #tpu.memory_space<vmem>> -> memref<1x1x128xi32, #tpu.memory_space<vmem>>
      %dma_start3A_31 = tpu.memref_squeeze %dma_start3A_30 : memref<1x1x128xi32, #tpu.memory_space<vmem>> -> memref<128xi32, #tpu.memory_space<vmem>>
      %dma_start3A_32 = arith.constant 0 : i32
      %dma_start3A_33 = arith.constant 0 : i32
      %dma_start3A_34 = tpu.memref_slice %arg2[%dma_start3A_32, %dma_start3A_33] : memref<10240x128xf32, #tpu.memory_space<hbm>> -> memref<10240x128xf32, #tpu.memory_space<hbm>>
      tpu.enqueue_indirect_dma source(%dma_start3A_34 : memref<10240x128xf32, #tpu.memory_space<hbm>>) target(%arg7 : memref<128x128xf32, #tpu.memory_space<vmem>>) offsets(%dma_start3A_31 : memref<128xi32, #tpu.memory_space<vmem>>) semaphore(%arg10 : memref<!tpu.dma_semaphore, #tpu.memory_space<semaphore_mem>>)
      %dma_wait3A = arith.constant 0 : i32
      %dma_wait3A_35 = arith.constant 0 : i32
      %dma_wait3A_36 = arith.constant 0 : i32
      %dma_wait3A_37 = tpu.memref_slice %arg5[%dma_wait3A, %dma_wait3A_35, %dma_wait3A_36] : memref<16x2x128xi32, #tpu.memory_space<vmem>> -> memref<1x1x128xi32, #tpu.memory_space<vmem>>
      %dma_wait3A_38 = tpu.memref_squeeze %dma_wait3A_37 : memref<1x1x128xi32, #tpu.memory_space<vmem>> -> memref<128xi32, #tpu.memory_space<vmem>>
      %dma_wait3A_39 = arith.constant 0 : i32
      %dma_wait3A_40 = arith.constant 0 : i32
      %dma_wait3A_41 = tpu.memref_slice %arg2[%dma_wait3A_39, %dma_wait3A_40] : memref<10240x128xf32, #tpu.memory_space<hbm>> -> memref<10240x128xf32, #tpu.memory_space<hbm>>
      tpu.wait_indirect_dma semaphore(%arg9 : memref<!tpu.dma_semaphore, #tpu.memory_space<semaphore_mem>>) src(%dma_wait3A_41 : memref<10240x128xf32, #tpu.memory_space<hbm>>) dst(%arg6 : memref<128x128xf32, #tpu.memory_space<vmem>>)
      %run_scoped3A = arith.constant 0 : i32
      %run_scoped3A_42 = arith.constant 1 : i32
      "tpu.region"() ({
        %run_scoped3A_306 = tpu.sem_alloc : memref<!tpu.dma_semaphore, #tpu.memory_space<semaphore_mem>>
        %dma_start3A_307 = arith.constant 0 : i32
        %dma_start3A_308 = tpu.memref_slice %arg5[%run_scoped3A, %run_scoped3A_42, %dma_start3A_307] : memref<16x2x128xi32, #tpu.memory_space<vmem>> -> memref<1x1x128xi32, #tpu.memory_space<vmem>>
        %dma_start3A_309 = tpu.memref_squeeze %dma_start3A_308 : memref<1x1x128xi32, #tpu.memory_space<vmem>> -> memref<128xi32, #tpu.memory_space<vmem>>
        %dma_start3A_310 = arith.constant 0 : i32
        %dma_start3A_311 = arith.constant 0 : i32
        %dma_start3A_312 = tpu.memref_slice %arg8[%dma_start3A_310, %dma_start3A_311] : memref<10240x128xf32, #tpu.memory_space<vmem_shared>> -> memref<10240x128xf32, #tpu.memory_space<vmem_shared>>
        tpu.enqueue_indirect_dma source(%arg6 : memref<128x128xf32, #tpu.memory_space<vmem>>) target(%dma_start3A_312 : memref<10240x128xf32, #tpu.memory_space<vmem_shared>>) offsets(%dma_start3A_309 : memref<128xi32, #tpu.memory_space<vmem>>) semaphore(%run_scoped3A_306 : memref<!tpu.dma_semaphore, #tpu.memory_space<semaphore_mem>>) {add = true}
        %dma_wait3A_313 = arith.constant 0 : i32
        %dma_wait3A_314 = tpu.memref_slice %arg5[%run_scoped3A, %run_scoped3A_42, %dma_wait3A_313] : memref<16x2x128xi32, #tpu.memory_space<vmem>> -> memref<1x1x128xi32, #tpu.memory_space<vmem>>
        %dma_wait3A_315 = tpu.memref_squeeze %dma_wait3A_314 : memref<1x1x128xi32, #tpu.memory_space<vmem>> -> memref<128xi32, #tpu.memory_space<vmem>>
        %dma_wait3A_316 = arith.constant 0 : i32
        %dma_wait3A_317 = arith.constant 0 : i32
        %dma_wait3A_318 = tpu.memref_slice %arg8[%dma_wait3A_316, %dma_wait3A_317] : memref<10240x128xf32, #tpu.memory_space<vmem_shared>> -> memref<10240x128xf32, #tpu.memory_space<vmem_shared>>
        tpu.wait_indirect_dma semaphore(%run_scoped3A_306 : memref<!tpu.dma_semaphore, #tpu.memory_space<semaphore_mem>>) src(%arg6 : memref<128x128xf32, #tpu.memory_space<vmem>>) dst(%dma_wait3A_318 : memref<10240x128xf32, #tpu.memory_space<vmem_shared>>)
        tpu.yield
      }) : () -> ()
      %dma_start3A_43 = arith.constant 2 : i32
      %dma_start3A_44 = arith.constant 0 : i32
      %dma_start3A_45 = arith.constant 0 : i32
      %dma_start3A_46 = tpu.memref_slice %arg5[%dma_start3A_43, %dma_start3A_44, %dma_start3A_45] : memref<16x2x128xi32, #tpu.memory_space<vmem>> -> memref<1x1x128xi32, #tpu.memory_space<vmem>>
      %dma_start3A_47 = tpu.memref_squeeze %dma_start3A_46 : memref<1x1x128xi32, #tpu.memory_space<vmem>> -> memref<128xi32, #tpu.memory_space<vmem>>
      %dma_start3A_48 = arith.constant 0 : i32
      %dma_start3A_49 = arith.constant 0 : i32
      %dma_start3A_50 = tpu.memref_slice %arg2[%dma_start3A_48, %dma_start3A_49] : memref<10240x128xf32, #tpu.memory_space<hbm>> -> memref<10240x128xf32, #tpu.memory_space<hbm>>
      tpu.enqueue_indirect_dma source(%dma_start3A_50 : memref<10240x128xf32, #tpu.memory_space<hbm>>) target(%arg6 : memref<128x128xf32, #tpu.memory_space<vmem>>) offsets(%dma_start3A_47 : memref<128xi32, #tpu.memory_space<vmem>>) semaphore(%arg9 : memref<!tpu.dma_semaphore, #tpu.memory_space<semaphore_mem>>)
      %dma_wait3A_51 = arith.constant 1 : i32
      %dma_wait3A_52 = arith.constant 0 : i32
      %dma_wait3A_53 = arith.constant 0 : i32
      %dma_wait3A_54 = tpu.memref_slice %arg5[%dma_wait3A_51, %dma_wait3A_52, %dma_wait3A_53] : memref<16x2x128xi32, #tpu.memory_space<vmem>> -> memref<1x1x128xi32, #tpu.memory_space<vmem>>
      %dma_wait3A_55 = tpu.memref_squeeze %dma_wait3A_54 : memref<1x1x128xi32, #tpu.memory_space<vmem>> -> memref<128xi32, #tpu.memory_space<vmem>>
      %dma_wait3A_56 = arith.constant 0 : i32
      %dma_wait3A_57 = arith.constant 0 : i32
      %dma_wait3A_58 = tpu.memref_slice %arg2[%dma_wait3A_56, %dma_wait3A_57] : memref<10240x128xf32, #tpu.memory_space<hbm>> -> memref<10240x128xf32, #tpu.memory_space<hbm>>
      tpu.wait_indirect_dma semaphore(%arg10 : memref<!tpu.dma_semaphore, #tpu.memory_space<semaphore_mem>>) src(%dma_wait3A_58 : memref<10240x128xf32, #tpu.memory_space<hbm>>) dst(%arg7 : memref<128x128xf32, #tpu.memory_space<vmem>>)
      %run_scoped3A_59 = arith.constant 1 : i32
      %run_scoped3A_60 = arith.constant 1 : i32
      "tpu.region"() ({
        %run_scoped3A_306 = tpu.sem_alloc : memref<!tpu.dma_semaphore, #tpu.memory_space<semaphore_mem>>
        %dma_start3A_307 = arith.constant 0 : i32
        %dma_start3A_308 = tpu.memref_slice %arg5[%run_scoped3A_59, %run_scoped3A_60, %dma_start3A_307] : memref<16x2x128xi32, #tpu.memory_space<vmem>> -> memref<1x1x128xi32, #tpu.memory_space<vmem>>
        %dma_start3A_309 = tpu.memref_squeeze %dma_start3A_308 : memref<1x1x128xi32, #tpu.memory_space<vmem>> -> memref<128xi32, #tpu.memory_space<vmem>>
        %dma_start3A_310 = arith.constant 0 : i32
        %dma_start3A_311 = arith.constant 0 : i32
        %dma_start3A_312 = tpu.memref_slice %arg8[%dma_start3A_310, %dma_start3A_311] : memref<10240x128xf32, #tpu.memory_space<vmem_shared>> -> memref<10240x128xf32, #tpu.memory_space<vmem_shared>>
        tpu.enqueue_indirect_dma source(%arg7 : memref<128x128xf32, #tpu.memory_space<vmem>>) target(%dma_start3A_312 : memref<10240x128xf32, #tpu.memory_space<vmem_shared>>) offsets(%dma_start3A_309 : memref<128xi32, #tpu.memory_space<vmem>>) semaphore(%run_scoped3A_306 : memref<!tpu.dma_semaphore, #tpu.memory_space<semaphore_mem>>) {add = true}
        %dma_wait3A_313 = arith.constant 0 : i32
        %dma_wait3A_314 = tpu.memref_slice %arg5[%run_scoped3A_59, %run_scoped3A_60, %dma_wait3A_313] : memref<16x2x128xi32, #tpu.memory_space<vmem>> -> memref<1x1x128xi32, #tpu.memory_space<vmem>>
        %dma_wait3A_315 = tpu.memref_squeeze %dma_wait3A_314 : memref<1x1x128xi32, #tpu.memory_space<vmem>> -> memref<128xi32, #tpu.memory_space<vmem>>
        %dma_wait3A_316 = arith.constant 0 : i32
        %dma_wait3A_317 = arith.constant 0 : i32
        %dma_wait3A_318 = tpu.memref_slice %arg8[%dma_wait3A_316, %dma_wait3A_317] : memref<10240x128xf32, #tpu.memory_space<vmem_shared>> -> memref<10240x128xf32, #tpu.memory_space<vmem_shared>>
        tpu.wait_indirect_dma semaphore(%run_scoped3A_306 : memref<!tpu.dma_semaphore, #tpu.memory_space<semaphore_mem>>) src(%arg7 : memref<128x128xf32, #tpu.memory_space<vmem>>) dst(%dma_wait3A_318 : memref<10240x128xf32, #tpu.memory_space<vmem_shared>>)
        tpu.yield
      }) : () -> ()
      %dma_start3A_61 = arith.constant 3 : i32
      %dma_start3A_62 = arith.constant 0 : i32
      %dma_start3A_63 = arith.constant 0 : i32
      %dma_start3A_64 = tpu.memref_slice %arg5[%dma_start3A_61, %dma_start3A_62, %dma_start3A_63] : memref<16x2x128xi32, #tpu.memory_space<vmem>> -> memref<1x1x128xi32, #tpu.memory_space<vmem>>
      %dma_start3A_65 = tpu.memref_squeeze %dma_start3A_64 : memref<1x1x128xi32, #tpu.memory_space<vmem>> -> memref<128xi32, #tpu.memory_space<vmem>>
      %dma_start3A_66 = arith.constant 0 : i32
      %dma_start3A_67 = arith.constant 0 : i32
      %dma_start3A_68 = tpu.memref_slice %arg2[%dma_start3A_66, %dma_start3A_67] : memref<10240x128xf32, #tpu.memory_space<hbm>> -> memref<10240x128xf32, #tpu.memory_space<hbm>>
      tpu.enqueue_indirect_dma source(%dma_start3A_68 : memref<10240x128xf32, #tpu.memory_space<hbm>>) target(%arg7 : memref<128x128xf32, #tpu.memory_space<vmem>>) offsets(%dma_start3A_65 : memref<128xi32, #tpu.memory_space<vmem>>) semaphore(%arg10 : memref<!tpu.dma_semaphore, #tpu.memory_space<semaphore_mem>>)
      %dma_wait3A_69 = arith.constant 2 : i32
      %dma_wait3A_70 = arith.constant 0 : i32
      %dma_wait3A_71 = arith.constant 0 : i32
      %dma_wait3A_72 = tpu.memref_slice %arg5[%dma_wait3A_69, %dma_wait3A_70, %dma_wait3A_71] : memref<16x2x128xi32, #tpu.memory_space<vmem>> -> memref<1x1x128xi32, #tpu.memory_space<vmem>>
      %dma_wait3A_73 = tpu.memref_squeeze %dma_wait3A_72 : memref<1x1x128xi32, #tpu.memory_space<vmem>> -> memref<128xi32, #tpu.memory_space<vmem>>
      %dma_wait3A_74 = arith.constant 0 : i32
      %dma_wait3A_75 = arith.constant 0 : i32
      %dma_wait3A_76 = tpu.memref_slice %arg2[%dma_wait3A_74, %dma_wait3A_75] : memref<10240x128xf32, #tpu.memory_space<hbm>> -> memref<10240x128xf32, #tpu.memory_space<hbm>>
      tpu.wait_indirect_dma semaphore(%arg9 : memref<!tpu.dma_semaphore, #tpu.memory_space<semaphore_mem>>) src(%dma_wait3A_76 : memref<10240x128xf32, #tpu.memory_space<hbm>>) dst(%arg6 : memref<128x128xf32, #tpu.memory_space<vmem>>)
      %run_scoped3A_77 = arith.constant 2 : i32
      %run_scoped3A_78 = arith.constant 1 : i32
      "tpu.region"() ({
        %run_scoped3A_306 = tpu.sem_alloc : memref<!tpu.dma_semaphore, #tpu.memory_space<semaphore_mem>>
        %dma_start3A_307 = arith.constant 0 : i32
        %dma_start3A_308 = tpu.memref_slice %arg5[%run_scoped3A_77, %run_scoped3A_78, %dma_start3A_307] : memref<16x2x128xi32, #tpu.memory_space<vmem>> -> memref<1x1x128xi32, #tpu.memory_space<vmem>>
        %dma_start3A_309 = tpu.memref_squeeze %dma_start3A_308 : memref<1x1x128xi32, #tpu.memory_space<vmem>> -> memref<128xi32, #tpu.memory_space<vmem>>
        %dma_start3A_310 = arith.constant 0 : i32
        %dma_start3A_311 = arith.constant 0 : i32
        %dma_start3A_312 = tpu.memref_slice %arg8[%dma_start3A_310, %dma_start3A_311] : memref<10240x128xf32, #tpu.memory_space<vmem_shared>> -> memref<10240x128xf32, #tpu.memory_space<vmem_shared>>
        tpu.enqueue_indirect_dma source(%arg6 : memref<128x128xf32, #tpu.memory_space<vmem>>) target(%dma_start3A_312 : memref<10240x128xf32, #tpu.memory_space<vmem_shared>>) offsets(%dma_start3A_309 : memref<128xi32, #tpu.memory_space<vmem>>) semaphore(%run_scoped3A_306 : memref<!tpu.dma_semaphore, #tpu.memory_space<semaphore_mem>>) {add = true}
        %dma_wait3A_313 = arith.constant 0 : i32
        %dma_wait3A_314 = tpu.memref_slice %arg5[%run_scoped3A_77, %run_scoped3A_78, %dma_wait3A_313] : memref<16x2x128xi32, #tpu.memory_space<vmem>> -> memref<1x1x128xi32, #tpu.memory_space<vmem>>
        %dma_wait3A_315 = tpu.memref_squeeze %dma_wait3A_314 : memref<1x1x128xi32, #tpu.memory_space<vmem>> -> memref<128xi32, #tpu.memory_space<vmem>>
        %dma_wait3A_316 = arith.constant 0 : i32
        %dma_wait3A_317 = arith.constant 0 : i32
        %dma_wait3A_318 = tpu.memref_slice %arg8[%dma_wait3A_316, %dma_wait3A_317] : memref<10240x128xf32, #tpu.memory_space<vmem_shared>> -> memref<10240x128xf32, #tpu.memory_space<vmem_shared>>
        tpu.wait_indirect_dma semaphore(%run_scoped3A_306 : memref<!tpu.dma_semaphore, #tpu.memory_space<semaphore_mem>>) src(%arg6 : memref<128x128xf32, #tpu.memory_space<vmem>>) dst(%dma_wait3A_318 : memref<10240x128xf32, #tpu.memory_space<vmem_shared>>)
        tpu.yield
      }) : () -> ()
      %dma_start3A_79 = arith.constant 4 : i32
      %dma_start3A_80 = arith.constant 0 : i32
      %dma_start3A_81 = arith.constant 0 : i32
      %dma_start3A_82 = tpu.memref_slice %arg5[%dma_start3A_79, %dma_start3A_80, %dma_start3A_81] : memref<16x2x128xi32, #tpu.memory_space<vmem>> -> memref<1x1x128xi32, #tpu.memory_space<vmem>>
      %dma_start3A_83 = tpu.memref_squeeze %dma_start3A_82 : memref<1x1x128xi32, #tpu.memory_space<vmem>> -> memref<128xi32, #tpu.memory_space<vmem>>
      %dma_start3A_84 = arith.constant 0 : i32
      %dma_start3A_85 = arith.constant 0 : i32
      %dma_start3A_86 = tpu.memref_slice %arg2[%dma_start3A_84, %dma_start3A_85] : memref<10240x128xf32, #tpu.memory_space<hbm>> -> memref<10240x128xf32, #tpu.memory_space<hbm>>
      tpu.enqueue_indirect_dma source(%dma_start3A_86 : memref<10240x128xf32, #tpu.memory_space<hbm>>) target(%arg6 : memref<128x128xf32, #tpu.memory_space<vmem>>) offsets(%dma_start3A_83 : memref<128xi32, #tpu.memory_space<vmem>>) semaphore(%arg9 : memref<!tpu.dma_semaphore, #tpu.memory_space<semaphore_mem>>)
      %dma_wait3A_87 = arith.constant 3 : i32
      %dma_wait3A_88 = arith.constant 0 : i32
      %dma_wait3A_89 = arith.constant 0 : i32
      %dma_wait3A_90 = tpu.memref_slice %arg5[%dma_wait3A_87, %dma_wait3A_88, %dma_wait3A_89] : memref<16x2x128xi32, #tpu.memory_space<vmem>> -> memref<1x1x128xi32, #tpu.memory_space<vmem>>
      %dma_wait3A_91 = tpu.memref_squeeze %dma_wait3A_90 : memref<1x1x128xi32, #tpu.memory_space<vmem>> -> memref<128xi32, #tpu.memory_space<vmem>>
      %dma_wait3A_92 = arith.constant 0 : i32
      %dma_wait3A_93 = arith.constant 0 : i32
      %dma_wait3A_94 = tpu.memref_slice %arg2[%dma_wait3A_92, %dma_wait3A_93] : memref<10240x128xf32, #tpu.memory_space<hbm>> -> memref<10240x128xf32, #tpu.memory_space<hbm>>
      tpu.wait_indirect_dma semaphore(%arg10 : memref<!tpu.dma_semaphore, #tpu.memory_space<semaphore_mem>>) src(%dma_wait3A_94 : memref<10240x128xf32, #tpu.memory_space<hbm>>) dst(%arg7 : memref<128x128xf32, #tpu.memory_space<vmem>>)
      %run_scoped3A_95 = arith.constant 3 : i32
      %run_scoped3A_96 = arith.constant 1 : i32
      "tpu.region"() ({
        %run_scoped3A_306 = tpu.sem_alloc : memref<!tpu.dma_semaphore, #tpu.memory_space<semaphore_mem>>
        %dma_start3A_307 = arith.constant 0 : i32
        %dma_start3A_308 = tpu.memref_slice %arg5[%run_scoped3A_95, %run_scoped3A_96, %dma_start3A_307] : memref<16x2x128xi32, #tpu.memory_space<vmem>> -> memref<1x1x128xi32, #tpu.memory_space<vmem>>
        %dma_start3A_309 = tpu.memref_squeeze %dma_start3A_308 : memref<1x1x128xi32, #tpu.memory_space<vmem>> -> memref<128xi32, #tpu.memory_space<vmem>>
        %dma_start3A_310 = arith.constant 0 : i32
        %dma_start3A_311 = arith.constant 0 : i32
        %dma_start3A_312 = tpu.memref_slice %arg8[%dma_start3A_310, %dma_start3A_311] : memref<10240x128xf32, #tpu.memory_space<vmem_shared>> -> memref<10240x128xf32, #tpu.memory_space<vmem_shared>>
        tpu.enqueue_indirect_dma source(%arg7 : memref<128x128xf32, #tpu.memory_space<vmem>>) target(%dma_start3A_312 : memref<10240x128xf32, #tpu.memory_space<vmem_shared>>) offsets(%dma_start3A_309 : memref<128xi32, #tpu.memory_space<vmem>>) semaphore(%run_scoped3A_306 : memref<!tpu.dma_semaphore, #tpu.memory_space<semaphore_mem>>) {add = true}
        %dma_wait3A_313 = arith.constant 0 : i32
        %dma_wait3A_314 = tpu.memref_slice %arg5[%run_scoped3A_95, %run_scoped3A_96, %dma_wait3A_313] : memref<16x2x128xi32, #tpu.memory_space<vmem>> -> memref<1x1x128xi32, #tpu.memory_space<vmem>>
        %dma_wait3A_315 = tpu.memref_squeeze %dma_wait3A_314 : memref<1x1x128xi32, #tpu.memory_space<vmem>> -> memref<128xi32, #tpu.memory_space<vmem>>
        %dma_wait3A_316 = arith.constant 0 : i32
        %dma_wait3A_317 = arith.constant 0 : i32
        %dma_wait3A_318 = tpu.memref_slice %arg8[%dma_wait3A_316, %dma_wait3A_317] : memref<10240x128xf32, #tpu.memory_space<vmem_shared>> -> memref<10240x128xf32, #tpu.memory_space<vmem_shared>>
        tpu.wait_indirect_dma semaphore(%run_scoped3A_306 : memref<!tpu.dma_semaphore, #tpu.memory_space<semaphore_mem>>) src(%arg7 : memref<128x128xf32, #tpu.memory_space<vmem>>) dst(%dma_wait3A_318 : memref<10240x128xf32, #tpu.memory_space<vmem_shared>>)
        tpu.yield
      }) : () -> ()
      %dma_start3A_97 = arith.constant 5 : i32
      %dma_start3A_98 = arith.constant 0 : i32
      %dma_start3A_99 = arith.constant 0 : i32
      %dma_start3A_100 = tpu.memref_slice %arg5[%dma_start3A_97, %dma_start3A_98, %dma_start3A_99] : memref<16x2x128xi32, #tpu.memory_space<vmem>> -> memref<1x1x128xi32, #tpu.memory_space<vmem>>
      %dma_start3A_101 = tpu.memref_squeeze %dma_start3A_100 : memref<1x1x128xi32, #tpu.memory_space<vmem>> -> memref<128xi32, #tpu.memory_space<vmem>>
      %dma_start3A_102 = arith.constant 0 : i32
      %dma_start3A_103 = arith.constant 0 : i32
      %dma_start3A_104 = tpu.memref_slice %arg2[%dma_start3A_102, %dma_start3A_103] : memref<10240x128xf32, #tpu.memory_space<hbm>> -> memref<10240x128xf32, #tpu.memory_space<hbm>>
      tpu.enqueue_indirect_dma source(%dma_start3A_104 : memref<10240x128xf32, #tpu.memory_space<hbm>>) target(%arg7 : memref<128x128xf32, #tpu.memory_space<vmem>>) offsets(%dma_start3A_101 : memref<128xi32, #tpu.memory_space<vmem>>) semaphore(%arg10 : memref<!tpu.dma_semaphore, #tpu.memory_space<semaphore_mem>>)
      %dma_wait3A_105 = arith.constant 4 : i32
      %dma_wait3A_106 = arith.constant 0 : i32
      %dma_wait3A_107 = arith.constant 0 : i32
      %dma_wait3A_108 = tpu.memref_slice %arg5[%dma_wait3A_105, %dma_wait3A_106, %dma_wait3A_107] : memref<16x2x128xi32, #tpu.memory_space<vmem>> -> memref<1x1x128xi32, #tpu.memory_space<vmem>>
      %dma_wait3A_109 = tpu.memref_squeeze %dma_wait3A_108 : memref<1x1x128xi32, #tpu.memory_space<vmem>> -> memref<128xi32, #tpu.memory_space<vmem>>
      %dma_wait3A_110 = arith.constant 0 : i32
      %dma_wait3A_111 = arith.constant 0 : i32
      %dma_wait3A_112 = tpu.memref_slice %arg2[%dma_wait3A_110, %dma_wait3A_111] : memref<10240x128xf32, #tpu.memory_space<hbm>> -> memref<10240x128xf32, #tpu.memory_space<hbm>>
      tpu.wait_indirect_dma semaphore(%arg9 : memref<!tpu.dma_semaphore, #tpu.memory_space<semaphore_mem>>) src(%dma_wait3A_112 : memref<10240x128xf32, #tpu.memory_space<hbm>>) dst(%arg6 : memref<128x128xf32, #tpu.memory_space<vmem>>)
      %run_scoped3A_113 = arith.constant 4 : i32
      %run_scoped3A_114 = arith.constant 1 : i32
      "tpu.region"() ({
        %run_scoped3A_306 = tpu.sem_alloc : memref<!tpu.dma_semaphore, #tpu.memory_space<semaphore_mem>>
        %dma_start3A_307 = arith.constant 0 : i32
        %dma_start3A_308 = tpu.memref_slice %arg5[%run_scoped3A_113, %run_scoped3A_114, %dma_start3A_307] : memref<16x2x128xi32, #tpu.memory_space<vmem>> -> memref<1x1x128xi32, #tpu.memory_space<vmem>>
        %dma_start3A_309 = tpu.memref_squeeze %dma_start3A_308 : memref<1x1x128xi32, #tpu.memory_space<vmem>> -> memref<128xi32, #tpu.memory_space<vmem>>
        %dma_start3A_310 = arith.constant 0 : i32
        %dma_start3A_311 = arith.constant 0 : i32
        %dma_start3A_312 = tpu.memref_slice %arg8[%dma_start3A_310, %dma_start3A_311] : memref<10240x128xf32, #tpu.memory_space<vmem_shared>> -> memref<10240x128xf32, #tpu.memory_space<vmem_shared>>
        tpu.enqueue_indirect_dma source(%arg6 : memref<128x128xf32, #tpu.memory_space<vmem>>) target(%dma_start3A_312 : memref<10240x128xf32, #tpu.memory_space<vmem_shared>>) offsets(%dma_start3A_309 : memref<128xi32, #tpu.memory_space<vmem>>) semaphore(%run_scoped3A_306 : memref<!tpu.dma_semaphore, #tpu.memory_space<semaphore_mem>>) {add = true}
        %dma_wait3A_313 = arith.constant 0 : i32
        %dma_wait3A_314 = tpu.memref_slice %arg5[%run_scoped3A_113, %run_scoped3A_114, %dma_wait3A_313] : memref<16x2x128xi32, #tpu.memory_space<vmem>> -> memref<1x1x128xi32, #tpu.memory_space<vmem>>
        %dma_wait3A_315 = tpu.memref_squeeze %dma_wait3A_314 : memref<1x1x128xi32, #tpu.memory_space<vmem>> -> memref<128xi32, #tpu.memory_space<vmem>>
        %dma_wait3A_316 = arith.constant 0 : i32
        %dma_wait3A_317 = arith.constant 0 : i32
        %dma_wait3A_318 = tpu.memref_slice %arg8[%dma_wait3A_316, %dma_wait3A_317] : memref<10240x128xf32, #tpu.memory_space<vmem_shared>> -> memref<10240x128xf32, #tpu.memory_space<vmem_shared>>
        tpu.wait_indirect_dma semaphore(%run_scoped3A_306 : memref<!tpu.dma_semaphore, #tpu.memory_space<semaphore_mem>>) src(%arg6 : memref<128x128xf32, #tpu.memory_space<vmem>>) dst(%dma_wait3A_318 : memref<10240x128xf32, #tpu.memory_space<vmem_shared>>)
        tpu.yield
      }) : () -> ()
      %dma_start3A_115 = arith.constant 6 : i32
      %dma_start3A_116 = arith.constant 0 : i32
      %dma_start3A_117 = arith.constant 0 : i32
      %dma_start3A_118 = tpu.memref_slice %arg5[%dma_start3A_115, %dma_start3A_116, %dma_start3A_117] : memref<16x2x128xi32, #tpu.memory_space<vmem>> -> memref<1x1x128xi32, #tpu.memory_space<vmem>>
      %dma_start3A_119 = tpu.memref_squeeze %dma_start3A_118 : memref<1x1x128xi32, #tpu.memory_space<vmem>> -> memref<128xi32, #tpu.memory_space<vmem>>
      %dma_start3A_120 = arith.constant 0 : i32
      %dma_start3A_121 = arith.constant 0 : i32
      %dma_start3A_122 = tpu.memref_slice %arg2[%dma_start3A_120, %dma_start3A_121] : memref<10240x128xf32, #tpu.memory_space<hbm>> -> memref<10240x128xf32, #tpu.memory_space<hbm>>
      tpu.enqueue_indirect_dma source(%dma_start3A_122 : memref<10240x128xf32, #tpu.memory_space<hbm>>) target(%arg6 : memref<128x128xf32, #tpu.memory_space<vmem>>) offsets(%dma_start3A_119 : memref<128xi32, #tpu.memory_space<vmem>>) semaphore(%arg9 : memref<!tpu.dma_semaphore, #tpu.memory_space<semaphore_mem>>)
      %dma_wait3A_123 = arith.constant 5 : i32
      %dma_wait3A_124 = arith.constant 0 : i32
      %dma_wait3A_125 = arith.constant 0 : i32
      %dma_wait3A_126 = tpu.memref_slice %arg5[%dma_wait3A_123, %dma_wait3A_124, %dma_wait3A_125] : memref<16x2x128xi32, #tpu.memory_space<vmem>> -> memref<1x1x128xi32, #tpu.memory_space<vmem>>
      %dma_wait3A_127 = tpu.memref_squeeze %dma_wait3A_126 : memref<1x1x128xi32, #tpu.memory_space<vmem>> -> memref<128xi32, #tpu.memory_space<vmem>>
      %dma_wait3A_128 = arith.constant 0 : i32
      %dma_wait3A_129 = arith.constant 0 : i32
      %dma_wait3A_130 = tpu.memref_slice %arg2[%dma_wait3A_128, %dma_wait3A_129] : memref<10240x128xf32, #tpu.memory_space<hbm>> -> memref<10240x128xf32, #tpu.memory_space<hbm>>
      tpu.wait_indirect_dma semaphore(%arg10 : memref<!tpu.dma_semaphore, #tpu.memory_space<semaphore_mem>>) src(%dma_wait3A_130 : memref<10240x128xf32, #tpu.memory_space<hbm>>) dst(%arg7 : memref<128x128xf32, #tpu.memory_space<vmem>>)
      %run_scoped3A_131 = arith.constant 5 : i32
      %run_scoped3A_132 = arith.constant 1 : i32
      "tpu.region"() ({
        %run_scoped3A_306 = tpu.sem_alloc : memref<!tpu.dma_semaphore, #tpu.memory_space<semaphore_mem>>
        %dma_start3A_307 = arith.constant 0 : i32
        %dma_start3A_308 = tpu.memref_slice %arg5[%run_scoped3A_131, %run_scoped3A_132, %dma_start3A_307] : memref<16x2x128xi32, #tpu.memory_space<vmem>> -> memref<1x1x128xi32, #tpu.memory_space<vmem>>
        %dma_start3A_309 = tpu.memref_squeeze %dma_start3A_308 : memref<1x1x128xi32, #tpu.memory_space<vmem>> -> memref<128xi32, #tpu.memory_space<vmem>>
        %dma_start3A_310 = arith.constant 0 : i32
        %dma_start3A_311 = arith.constant 0 : i32
        %dma_start3A_312 = tpu.memref_slice %arg8[%dma_start3A_310, %dma_start3A_311] : memref<10240x128xf32, #tpu.memory_space<vmem_shared>> -> memref<10240x128xf32, #tpu.memory_space<vmem_shared>>
        tpu.enqueue_indirect_dma source(%arg7 : memref<128x128xf32, #tpu.memory_space<vmem>>) target(%dma_start3A_312 : memref<10240x128xf32, #tpu.memory_space<vmem_shared>>) offsets(%dma_start3A_309 : memref<128xi32, #tpu.memory_space<vmem>>) semaphore(%run_scoped3A_306 : memref<!tpu.dma_semaphore, #tpu.memory_space<semaphore_mem>>) {add = true}
        %dma_wait3A_313 = arith.constant 0 : i32
        %dma_wait3A_314 = tpu.memref_slice %arg5[%run_scoped3A_131, %run_scoped3A_132, %dma_wait3A_313] : memref<16x2x128xi32, #tpu.memory_space<vmem>> -> memref<1x1x128xi32, #tpu.memory_space<vmem>>
        %dma_wait3A_315 = tpu.memref_squeeze %dma_wait3A_314 : memref<1x1x128xi32, #tpu.memory_space<vmem>> -> memref<128xi32, #tpu.memory_space<vmem>>
        %dma_wait3A_316 = arith.constant 0 : i32
        %dma_wait3A_317 = arith.constant 0 : i32
        %dma_wait3A_318 = tpu.memref_slice %arg8[%dma_wait3A_316, %dma_wait3A_317] : memref<10240x128xf32, #tpu.memory_space<vmem_shared>> -> memref<10240x128xf32, #tpu.memory_space<vmem_shared>>
        tpu.wait_indirect_dma semaphore(%run_scoped3A_306 : memref<!tpu.dma_semaphore, #tpu.memory_space<semaphore_mem>>) src(%arg7 : memref<128x128xf32, #tpu.memory_space<vmem>>) dst(%dma_wait3A_318 : memref<10240x128xf32, #tpu.memory_space<vmem_shared>>)
        tpu.yield
      }) : () -> ()
      %dma_start3A_133 = arith.constant 7 : i32
      %dma_start3A_134 = arith.constant 0 : i32
      %dma_start3A_135 = arith.constant 0 : i32
      %dma_start3A_136 = tpu.memref_slice %arg5[%dma_start3A_133, %dma_start3A_134, %dma_start3A_135] : memref<16x2x128xi32, #tpu.memory_space<vmem>> -> memref<1x1x128xi32, #tpu.memory_space<vmem>>
      %dma_start3A_137 = tpu.memref_squeeze %dma_start3A_136 : memref<1x1x128xi32, #tpu.memory_space<vmem>> -> memref<128xi32, #tpu.memory_space<vmem>>
      %dma_start3A_138 = arith.constant 0 : i32
      %dma_start3A_139 = arith.constant 0 : i32
      %dma_start3A_140 = tpu.memref_slice %arg2[%dma_start3A_138, %dma_start3A_139] : memref<10240x128xf32, #tpu.memory_space<hbm>> -> memref<10240x128xf32, #tpu.memory_space<hbm>>
      tpu.enqueue_indirect_dma source(%dma_start3A_140 : memref<10240x128xf32, #tpu.memory_space<hbm>>) target(%arg7 : memref<128x128xf32, #tpu.memory_space<vmem>>) offsets(%dma_start3A_137 : memref<128xi32, #tpu.memory_space<vmem>>) semaphore(%arg10 : memref<!tpu.dma_semaphore, #tpu.memory_space<semaphore_mem>>)
      %dma_wait3A_141 = arith.constant 6 : i32
      %dma_wait3A_142 = arith.constant 0 : i32
      %dma_wait3A_143 = arith.constant 0 : i32
      %dma_wait3A_144 = tpu.memref_slice %arg5[%dma_wait3A_141, %dma_wait3A_142, %dma_wait3A_143] : memref<16x2x128xi32, #tpu.memory_space<vmem>> -> memref<1x1x128xi32, #tpu.memory_space<vmem>>
      %dma_wait3A_145 = tpu.memref_squeeze %dma_wait3A_144 : memref<1x1x128xi32, #tpu.memory_space<vmem>> -> memref<128xi32, #tpu.memory_space<vmem>>
      %dma_wait3A_146 = arith.constant 0 : i32
      %dma_wait3A_147 = arith.constant 0 : i32
      %dma_wait3A_148 = tpu.memref_slice %arg2[%dma_wait3A_146, %dma_wait3A_147] : memref<10240x128xf32, #tpu.memory_space<hbm>> -> memref<10240x128xf32, #tpu.memory_space<hbm>>
      tpu.wait_indirect_dma semaphore(%arg9 : memref<!tpu.dma_semaphore, #tpu.memory_space<semaphore_mem>>) src(%dma_wait3A_148 : memref<10240x128xf32, #tpu.memory_space<hbm>>) dst(%arg6 : memref<128x128xf32, #tpu.memory_space<vmem>>)
      %run_scoped3A_149 = arith.constant 6 : i32
      %run_scoped3A_150 = arith.constant 1 : i32
      "tpu.region"() ({
        %run_scoped3A_306 = tpu.sem_alloc : memref<!tpu.dma_semaphore, #tpu.memory_space<semaphore_mem>>
        %dma_start3A_307 = arith.constant 0 : i32
        %dma_start3A_308 = tpu.memref_slice %arg5[%run_scoped3A_149, %run_scoped3A_150, %dma_start3A_307] : memref<16x2x128xi32, #tpu.memory_space<vmem>> -> memref<1x1x128xi32, #tpu.memory_space<vmem>>
        %dma_start3A_309 = tpu.memref_squeeze %dma_start3A_308 : memref<1x1x128xi32, #tpu.memory_space<vmem>> -> memref<128xi32, #tpu.memory_space<vmem>>
        %dma_start3A_310 = arith.constant 0 : i32
        %dma_start3A_311 = arith.constant 0 : i32
        %dma_start3A_312 = tpu.memref_slice %arg8[%dma_start3A_310, %dma_start3A_311] : memref<10240x128xf32, #tpu.memory_space<vmem_shared>> -> memref<10240x128xf32, #tpu.memory_space<vmem_shared>>
        tpu.enqueue_indirect_dma source(%arg6 : memref<128x128xf32, #tpu.memory_space<vmem>>) target(%dma_start3A_312 : memref<10240x128xf32, #tpu.memory_space<vmem_shared>>) offsets(%dma_start3A_309 : memref<128xi32, #tpu.memory_space<vmem>>) semaphore(%run_scoped3A_306 : memref<!tpu.dma_semaphore, #tpu.memory_space<semaphore_mem>>) {add = true}
        %dma_wait3A_313 = arith.constant 0 : i32
        %dma_wait3A_314 = tpu.memref_slice %arg5[%run_scoped3A_149, %run_scoped3A_150, %dma_wait3A_313] : memref<16x2x128xi32, #tpu.memory_space<vmem>> -> memref<1x1x128xi32, #tpu.memory_space<vmem>>
        %dma_wait3A_315 = tpu.memref_squeeze %dma_wait3A_314 : memref<1x1x128xi32, #tpu.memory_space<vmem>> -> memref<128xi32, #tpu.memory_space<vmem>>
        %dma_wait3A_316 = arith.constant 0 : i32
        %dma_wait3A_317 = arith.constant 0 : i32
        %dma_wait3A_318 = tpu.memref_slice %arg8[%dma_wait3A_316, %dma_wait3A_317] : memref<10240x128xf32, #tpu.memory_space<vmem_shared>> -> memref<10240x128xf32, #tpu.memory_space<vmem_shared>>
        tpu.wait_indirect_dma semaphore(%run_scoped3A_306 : memref<!tpu.dma_semaphore, #tpu.memory_space<semaphore_mem>>) src(%arg6 : memref<128x128xf32, #tpu.memory_space<vmem>>) dst(%dma_wait3A_318 : memref<10240x128xf32, #tpu.memory_space<vmem_shared>>)
        tpu.yield
      }) : () -> ()
      %dma_start3A_151 = arith.constant 8 : i32
      %dma_start3A_152 = arith.constant 0 : i32
      %dma_start3A_153 = arith.constant 0 : i32
      %dma_start3A_154 = tpu.memref_slice %arg5[%dma_start3A_151, %dma_start3A_152, %dma_start3A_153] : memref<16x2x128xi32, #tpu.memory_space<vmem>> -> memref<1x1x128xi32, #tpu.memory_space<vmem>>
      %dma_start3A_155 = tpu.memref_squeeze %dma_start3A_154 : memref<1x1x128xi32, #tpu.memory_space<vmem>> -> memref<128xi32, #tpu.memory_space<vmem>>
      %dma_start3A_156 = arith.constant 0 : i32
      %dma_start3A_157 = arith.constant 0 : i32
      %dma_start3A_158 = tpu.memref_slice %arg2[%dma_start3A_156, %dma_start3A_157] : memref<10240x128xf32, #tpu.memory_space<hbm>> -> memref<10240x128xf32, #tpu.memory_space<hbm>>
      tpu.enqueue_indirect_dma source(%dma_start3A_158 : memref<10240x128xf32, #tpu.memory_space<hbm>>) target(%arg6 : memref<128x128xf32, #tpu.memory_space<vmem>>) offsets(%dma_start3A_155 : memref<128xi32, #tpu.memory_space<vmem>>) semaphore(%arg9 : memref<!tpu.dma_semaphore, #tpu.memory_space<semaphore_mem>>)
      %dma_wait3A_159 = arith.constant 7 : i32
      %dma_wait3A_160 = arith.constant 0 : i32
      %dma_wait3A_161 = arith.constant 0 : i32
      %dma_wait3A_162 = tpu.memref_slice %arg5[%dma_wait3A_159, %dma_wait3A_160, %dma_wait3A_161] : memref<16x2x128xi32, #tpu.memory_space<vmem>> -> memref<1x1x128xi32, #tpu.memory_space<vmem>>
      %dma_wait3A_163 = tpu.memref_squeeze %dma_wait3A_162 : memref<1x1x128xi32, #tpu.memory_space<vmem>> -> memref<128xi32, #tpu.memory_space<vmem>>
      %dma_wait3A_164 = arith.constant 0 : i32
      %dma_wait3A_165 = arith.constant 0 : i32
      %dma_wait3A_166 = tpu.memref_slice %arg2[%dma_wait3A_164, %dma_wait3A_165] : memref<10240x128xf32, #tpu.memory_space<hbm>> -> memref<10240x128xf32, #tpu.memory_space<hbm>>
      tpu.wait_indirect_dma semaphore(%arg10 : memref<!tpu.dma_semaphore, #tpu.memory_space<semaphore_mem>>) src(%dma_wait3A_166 : memref<10240x128xf32, #tpu.memory_space<hbm>>) dst(%arg7 : memref<128x128xf32, #tpu.memory_space<vmem>>)
      %run_scoped3A_167 = arith.constant 7 : i32
      %run_scoped3A_168 = arith.constant 1 : i32
      "tpu.region"() ({
        %run_scoped3A_306 = tpu.sem_alloc : memref<!tpu.dma_semaphore, #tpu.memory_space<semaphore_mem>>
        %dma_start3A_307 = arith.constant 0 : i32
        %dma_start3A_308 = tpu.memref_slice %arg5[%run_scoped3A_167, %run_scoped3A_168, %dma_start3A_307] : memref<16x2x128xi32, #tpu.memory_space<vmem>> -> memref<1x1x128xi32, #tpu.memory_space<vmem>>
        %dma_start3A_309 = tpu.memref_squeeze %dma_start3A_308 : memref<1x1x128xi32, #tpu.memory_space<vmem>> -> memref<128xi32, #tpu.memory_space<vmem>>
        %dma_start3A_310 = arith.constant 0 : i32
        %dma_start3A_311 = arith.constant 0 : i32
        %dma_start3A_312 = tpu.memref_slice %arg8[%dma_start3A_310, %dma_start3A_311] : memref<10240x128xf32, #tpu.memory_space<vmem_shared>> -> memref<10240x128xf32, #tpu.memory_space<vmem_shared>>
        tpu.enqueue_indirect_dma source(%arg7 : memref<128x128xf32, #tpu.memory_space<vmem>>) target(%dma_start3A_312 : memref<10240x128xf32, #tpu.memory_space<vmem_shared>>) offsets(%dma_start3A_309 : memref<128xi32, #tpu.memory_space<vmem>>) semaphore(%run_scoped3A_306 : memref<!tpu.dma_semaphore, #tpu.memory_space<semaphore_mem>>) {add = true}
        %dma_wait3A_313 = arith.constant 0 : i32
        %dma_wait3A_314 = tpu.memref_slice %arg5[%run_scoped3A_167, %run_scoped3A_168, %dma_wait3A_313] : memref<16x2x128xi32, #tpu.memory_space<vmem>> -> memref<1x1x128xi32, #tpu.memory_space<vmem>>
        %dma_wait3A_315 = tpu.memref_squeeze %dma_wait3A_314 : memref<1x1x128xi32, #tpu.memory_space<vmem>> -> memref<128xi32, #tpu.memory_space<vmem>>
        %dma_wait3A_316 = arith.constant 0 : i32
        %dma_wait3A_317 = arith.constant 0 : i32
        %dma_wait3A_318 = tpu.memref_slice %arg8[%dma_wait3A_316, %dma_wait3A_317] : memref<10240x128xf32, #tpu.memory_space<vmem_shared>> -> memref<10240x128xf32, #tpu.memory_space<vmem_shared>>
        tpu.wait_indirect_dma semaphore(%run_scoped3A_306 : memref<!tpu.dma_semaphore, #tpu.memory_space<semaphore_mem>>) src(%arg7 : memref<128x128xf32, #tpu.memory_space<vmem>>) dst(%dma_wait3A_318 : memref<10240x128xf32, #tpu.memory_space<vmem_shared>>)
        tpu.yield
      }) : () -> ()
      %dma_start3A_169 = arith.constant 9 : i32
      %dma_start3A_170 = arith.constant 0 : i32
      %dma_start3A_171 = arith.constant 0 : i32
      %dma_start3A_172 = tpu.memref_slice %arg5[%dma_start3A_169, %dma_start3A_170, %dma_start3A_171] : memref<16x2x128xi32, #tpu.memory_space<vmem>> -> memref<1x1x128xi32, #tpu.memory_space<vmem>>
      %dma_start3A_173 = tpu.memref_squeeze %dma_start3A_172 : memref<1x1x128xi32, #tpu.memory_space<vmem>> -> memref<128xi32, #tpu.memory_space<vmem>>
      %dma_start3A_174 = arith.constant 0 : i32
      %dma_start3A_175 = arith.constant 0 : i32
      %dma_start3A_176 = tpu.memref_slice %arg2[%dma_start3A_174, %dma_start3A_175] : memref<10240x128xf32, #tpu.memory_space<hbm>> -> memref<10240x128xf32, #tpu.memory_space<hbm>>
      tpu.enqueue_indirect_dma source(%dma_start3A_176 : memref<10240x128xf32, #tpu.memory_space<hbm>>) target(%arg7 : memref<128x128xf32, #tpu.memory_space<vmem>>) offsets(%dma_start3A_173 : memref<128xi32, #tpu.memory_space<vmem>>) semaphore(%arg10 : memref<!tpu.dma_semaphore, #tpu.memory_space<semaphore_mem>>)
      %dma_wait3A_177 = arith.constant 8 : i32
      %dma_wait3A_178 = arith.constant 0 : i32
      %dma_wait3A_179 = arith.constant 0 : i32
      %dma_wait3A_180 = tpu.memref_slice %arg5[%dma_wait3A_177, %dma_wait3A_178, %dma_wait3A_179] : memref<16x2x128xi32, #tpu.memory_space<vmem>> -> memref<1x1x128xi32, #tpu.memory_space<vmem>>
      %dma_wait3A_181 = tpu.memref_squeeze %dma_wait3A_180 : memref<1x1x128xi32, #tpu.memory_space<vmem>> -> memref<128xi32, #tpu.memory_space<vmem>>
      %dma_wait3A_182 = arith.constant 0 : i32
      %dma_wait3A_183 = arith.constant 0 : i32
      %dma_wait3A_184 = tpu.memref_slice %arg2[%dma_wait3A_182, %dma_wait3A_183] : memref<10240x128xf32, #tpu.memory_space<hbm>> -> memref<10240x128xf32, #tpu.memory_space<hbm>>
      tpu.wait_indirect_dma semaphore(%arg9 : memref<!tpu.dma_semaphore, #tpu.memory_space<semaphore_mem>>) src(%dma_wait3A_184 : memref<10240x128xf32, #tpu.memory_space<hbm>>) dst(%arg6 : memref<128x128xf32, #tpu.memory_space<vmem>>)
      %run_scoped3A_185 = arith.constant 8 : i32
      %run_scoped3A_186 = arith.constant 1 : i32
      "tpu.region"() ({
        %run_scoped3A_306 = tpu.sem_alloc : memref<!tpu.dma_semaphore, #tpu.memory_space<semaphore_mem>>
        %dma_start3A_307 = arith.constant 0 : i32
        %dma_start3A_308 = tpu.memref_slice %arg5[%run_scoped3A_185, %run_scoped3A_186, %dma_start3A_307] : memref<16x2x128xi32, #tpu.memory_space<vmem>> -> memref<1x1x128xi32, #tpu.memory_space<vmem>>
        %dma_start3A_309 = tpu.memref_squeeze %dma_start3A_308 : memref<1x1x128xi32, #tpu.memory_space<vmem>> -> memref<128xi32, #tpu.memory_space<vmem>>
        %dma_start3A_310 = arith.constant 0 : i32
        %dma_start3A_311 = arith.constant 0 : i32
        %dma_start3A_312 = tpu.memref_slice %arg8[%dma_start3A_310, %dma_start3A_311] : memref<10240x128xf32, #tpu.memory_space<vmem_shared>> -> memref<10240x128xf32, #tpu.memory_space<vmem_shared>>
        tpu.enqueue_indirect_dma source(%arg6 : memref<128x128xf32, #tpu.memory_space<vmem>>) target(%dma_start3A_312 : memref<10240x128xf32, #tpu.memory_space<vmem_shared>>) offsets(%dma_start3A_309 : memref<128xi32, #tpu.memory_space<vmem>>) semaphore(%run_scoped3A_306 : memref<!tpu.dma_semaphore, #tpu.memory_space<semaphore_mem>>) {add = true}
        %dma_wait3A_313 = arith.constant 0 : i32
        %dma_wait3A_314 = tpu.memref_slice %arg5[%run_scoped3A_185, %run_scoped3A_186, %dma_wait3A_313] : memref<16x2x128xi32, #tpu.memory_space<vmem>> -> memref<1x1x128xi32, #tpu.memory_space<vmem>>
        %dma_wait3A_315 = tpu.memref_squeeze %dma_wait3A_314 : memref<1x1x128xi32, #tpu.memory_space<vmem>> -> memref<128xi32, #tpu.memory_space<vmem>>
        %dma_wait3A_316 = arith.constant 0 : i32
        %dma_wait3A_317 = arith.constant 0 : i32
        %dma_wait3A_318 = tpu.memref_slice %arg8[%dma_wait3A_316, %dma_wait3A_317] : memref<10240x128xf32, #tpu.memory_space<vmem_shared>> -> memref<10240x128xf32, #tpu.memory_space<vmem_shared>>
        tpu.wait_indirect_dma semaphore(%run_scoped3A_306 : memref<!tpu.dma_semaphore, #tpu.memory_space<semaphore_mem>>) src(%arg6 : memref<128x128xf32, #tpu.memory_space<vmem>>) dst(%dma_wait3A_318 : memref<10240x128xf32, #tpu.memory_space<vmem_shared>>)
        tpu.yield
      }) : () -> ()
      %dma_start3A_187 = arith.constant 10 : i32
      %dma_start3A_188 = arith.constant 0 : i32
      %dma_start3A_189 = arith.constant 0 : i32
      %dma_start3A_190 = tpu.memref_slice %arg5[%dma_start3A_187, %dma_start3A_188, %dma_start3A_189] : memref<16x2x128xi32, #tpu.memory_space<vmem>> -> memref<1x1x128xi32, #tpu.memory_space<vmem>>
      %dma_start3A_191 = tpu.memref_squeeze %dma_start3A_190 : memref<1x1x128xi32, #tpu.memory_space<vmem>> -> memref<128xi32, #tpu.memory_space<vmem>>
      %dma_start3A_192 = arith.constant 0 : i32
      %dma_start3A_193 = arith.constant 0 : i32
      %dma_start3A_194 = tpu.memref_slice %arg2[%dma_start3A_192, %dma_start3A_193] : memref<10240x128xf32, #tpu.memory_space<hbm>> -> memref<10240x128xf32, #tpu.memory_space<hbm>>
      tpu.enqueue_indirect_dma source(%dma_start3A_194 : memref<10240x128xf32, #tpu.memory_space<hbm>>) target(%arg6 : memref<128x128xf32, #tpu.memory_space<vmem>>) offsets(%dma_start3A_191 : memref<128xi32, #tpu.memory_space<vmem>>) semaphore(%arg9 : memref<!tpu.dma_semaphore, #tpu.memory_space<semaphore_mem>>)
      %dma_wait3A_195 = arith.constant 9 : i32
      %dma_wait3A_196 = arith.constant 0 : i32
      %dma_wait3A_197 = arith.constant 0 : i32
      %dma_wait3A_198 = tpu.memref_slice %arg5[%dma_wait3A_195, %dma_wait3A_196, %dma_wait3A_197] : memref<16x2x128xi32, #tpu.memory_space<vmem>> -> memref<1x1x128xi32, #tpu.memory_space<vmem>>
      %dma_wait3A_199 = tpu.memref_squeeze %dma_wait3A_198 : memref<1x1x128xi32, #tpu.memory_space<vmem>> -> memref<128xi32, #tpu.memory_space<vmem>>
      %dma_wait3A_200 = arith.constant 0 : i32
      %dma_wait3A_201 = arith.constant 0 : i32
      %dma_wait3A_202 = tpu.memref_slice %arg2[%dma_wait3A_200, %dma_wait3A_201] : memref<10240x128xf32, #tpu.memory_space<hbm>> -> memref<10240x128xf32, #tpu.memory_space<hbm>>
      tpu.wait_indirect_dma semaphore(%arg10 : memref<!tpu.dma_semaphore, #tpu.memory_space<semaphore_mem>>) src(%dma_wait3A_202 : memref<10240x128xf32, #tpu.memory_space<hbm>>) dst(%arg7 : memref<128x128xf32, #tpu.memory_space<vmem>>)
      %run_scoped3A_203 = arith.constant 9 : i32
      %run_scoped3A_204 = arith.constant 1 : i32
      "tpu.region"() ({
        %run_scoped3A_306 = tpu.sem_alloc : memref<!tpu.dma_semaphore, #tpu.memory_space<semaphore_mem>>
        %dma_start3A_307 = arith.constant 0 : i32
        %dma_start3A_308 = tpu.memref_slice %arg5[%run_scoped3A_203, %run_scoped3A_204, %dma_start3A_307] : memref<16x2x128xi32, #tpu.memory_space<vmem>> -> memref<1x1x128xi32, #tpu.memory_space<vmem>>
        %dma_start3A_309 = tpu.memref_squeeze %dma_start3A_308 : memref<1x1x128xi32, #tpu.memory_space<vmem>> -> memref<128xi32, #tpu.memory_space<vmem>>
        %dma_start3A_310 = arith.constant 0 : i32
        %dma_start3A_311 = arith.constant 0 : i32
        %dma_start3A_312 = tpu.memref_slice %arg8[%dma_start3A_310, %dma_start3A_311] : memref<10240x128xf32, #tpu.memory_space<vmem_shared>> -> memref<10240x128xf32, #tpu.memory_space<vmem_shared>>
        tpu.enqueue_indirect_dma source(%arg7 : memref<128x128xf32, #tpu.memory_space<vmem>>) target(%dma_start3A_312 : memref<10240x128xf32, #tpu.memory_space<vmem_shared>>) offsets(%dma_start3A_309 : memref<128xi32, #tpu.memory_space<vmem>>) semaphore(%run_scoped3A_306 : memref<!tpu.dma_semaphore, #tpu.memory_space<semaphore_mem>>) {add = true}
        %dma_wait3A_313 = arith.constant 0 : i32
        %dma_wait3A_314 = tpu.memref_slice %arg5[%run_scoped3A_203, %run_scoped3A_204, %dma_wait3A_313] : memref<16x2x128xi32, #tpu.memory_space<vmem>> -> memref<1x1x128xi32, #tpu.memory_space<vmem>>
        %dma_wait3A_315 = tpu.memref_squeeze %dma_wait3A_314 : memref<1x1x128xi32, #tpu.memory_space<vmem>> -> memref<128xi32, #tpu.memory_space<vmem>>
        %dma_wait3A_316 = arith.constant 0 : i32
        %dma_wait3A_317 = arith.constant 0 : i32
        %dma_wait3A_318 = tpu.memref_slice %arg8[%dma_wait3A_316, %dma_wait3A_317] : memref<10240x128xf32, #tpu.memory_space<vmem_shared>> -> memref<10240x128xf32, #tpu.memory_space<vmem_shared>>
        tpu.wait_indirect_dma semaphore(%run_scoped3A_306 : memref<!tpu.dma_semaphore, #tpu.memory_space<semaphore_mem>>) src(%arg7 : memref<128x128xf32, #tpu.memory_space<vmem>>) dst(%dma_wait3A_318 : memref<10240x128xf32, #tpu.memory_space<vmem_shared>>)
        tpu.yield
      }) : () -> ()
      %dma_start3A_205 = arith.constant 11 : i32
      %dma_start3A_206 = arith.constant 0 : i32
      %dma_start3A_207 = arith.constant 0 : i32
      %dma_start3A_208 = tpu.memref_slice %arg5[%dma_start3A_205, %dma_start3A_206, %dma_start3A_207] : memref<16x2x128xi32, #tpu.memory_space<vmem>> -> memref<1x1x128xi32, #tpu.memory_space<vmem>>
      %dma_start3A_209 = tpu.memref_squeeze %dma_start3A_208 : memref<1x1x128xi32, #tpu.memory_space<vmem>> -> memref<128xi32, #tpu.memory_space<vmem>>
      %dma_start3A_210 = arith.constant 0 : i32
      %dma_start3A_211 = arith.constant 0 : i32
      %dma_start3A_212 = tpu.memref_slice %arg2[%dma_start3A_210, %dma_start3A_211] : memref<10240x128xf32, #tpu.memory_space<hbm>> -> memref<10240x128xf32, #tpu.memory_space<hbm>>
      tpu.enqueue_indirect_dma source(%dma_start3A_212 : memref<10240x128xf32, #tpu.memory_space<hbm>>) target(%arg7 : memref<128x128xf32, #tpu.memory_space<vmem>>) offsets(%dma_start3A_209 : memref<128xi32, #tpu.memory_space<vmem>>) semaphore(%arg10 : memref<!tpu.dma_semaphore, #tpu.memory_space<semaphore_mem>>)
      %dma_wait3A_213 = arith.constant 10 : i32
      %dma_wait3A_214 = arith.constant 0 : i32
      %dma_wait3A_215 = arith.constant 0 : i32
      %dma_wait3A_216 = tpu.memref_slice %arg5[%dma_wait3A_213, %dma_wait3A_214, %dma_wait3A_215] : memref<16x2x128xi32, #tpu.memory_space<vmem>> -> memref<1x1x128xi32, #tpu.memory_space<vmem>>
      %dma_wait3A_217 = tpu.memref_squeeze %dma_wait3A_216 : memref<1x1x128xi32, #tpu.memory_space<vmem>> -> memref<128xi32, #tpu.memory_space<vmem>>
      %dma_wait3A_218 = arith.constant 0 : i32
      %dma_wait3A_219 = arith.constant 0 : i32
      %dma_wait3A_220 = tpu.memref_slice %arg2[%dma_wait3A_218, %dma_wait3A_219] : memref<10240x128xf32, #tpu.memory_space<hbm>> -> memref<10240x128xf32, #tpu.memory_space<hbm>>
      tpu.wait_indirect_dma semaphore(%arg9 : memref<!tpu.dma_semaphore, #tpu.memory_space<semaphore_mem>>) src(%dma_wait3A_220 : memref<10240x128xf32, #tpu.memory_space<hbm>>) dst(%arg6 : memref<128x128xf32, #tpu.memory_space<vmem>>)
      %run_scoped3A_221 = arith.constant 10 : i32
      %run_scoped3A_222 = arith.constant 1 : i32
      "tpu.region"() ({
        %run_scoped3A_306 = tpu.sem_alloc : memref<!tpu.dma_semaphore, #tpu.memory_space<semaphore_mem>>
        %dma_start3A_307 = arith.constant 0 : i32
        %dma_start3A_308 = tpu.memref_slice %arg5[%run_scoped3A_221, %run_scoped3A_222, %dma_start3A_307] : memref<16x2x128xi32, #tpu.memory_space<vmem>> -> memref<1x1x128xi32, #tpu.memory_space<vmem>>
        %dma_start3A_309 = tpu.memref_squeeze %dma_start3A_308 : memref<1x1x128xi32, #tpu.memory_space<vmem>> -> memref<128xi32, #tpu.memory_space<vmem>>
        %dma_start3A_310 = arith.constant 0 : i32
        %dma_start3A_311 = arith.constant 0 : i32
        %dma_start3A_312 = tpu.memref_slice %arg8[%dma_start3A_310, %dma_start3A_311] : memref<10240x128xf32, #tpu.memory_space<vmem_shared>> -> memref<10240x128xf32, #tpu.memory_space<vmem_shared>>
        tpu.enqueue_indirect_dma source(%arg6 : memref<128x128xf32, #tpu.memory_space<vmem>>) target(%dma_start3A_312 : memref<10240x128xf32, #tpu.memory_space<vmem_shared>>) offsets(%dma_start3A_309 : memref<128xi32, #tpu.memory_space<vmem>>) semaphore(%run_scoped3A_306 : memref<!tpu.dma_semaphore, #tpu.memory_space<semaphore_mem>>) {add = true}
        %dma_wait3A_313 = arith.constant 0 : i32
        %dma_wait3A_314 = tpu.memref_slice %arg5[%run_scoped3A_221, %run_scoped3A_222, %dma_wait3A_313] : memref<16x2x128xi32, #tpu.memory_space<vmem>> -> memref<1x1x128xi32, #tpu.memory_space<vmem>>
        %dma_wait3A_315 = tpu.memref_squeeze %dma_wait3A_314 : memref<1x1x128xi32, #tpu.memory_space<vmem>> -> memref<128xi32, #tpu.memory_space<vmem>>
        %dma_wait3A_316 = arith.constant 0 : i32
        %dma_wait3A_317 = arith.constant 0 : i32
        %dma_wait3A_318 = tpu.memref_slice %arg8[%dma_wait3A_316, %dma_wait3A_317] : memref<10240x128xf32, #tpu.memory_space<vmem_shared>> -> memref<10240x128xf32, #tpu.memory_space<vmem_shared>>
        tpu.wait_indirect_dma semaphore(%run_scoped3A_306 : memref<!tpu.dma_semaphore, #tpu.memory_space<semaphore_mem>>) src(%arg6 : memref<128x128xf32, #tpu.memory_space<vmem>>) dst(%dma_wait3A_318 : memref<10240x128xf32, #tpu.memory_space<vmem_shared>>)
        tpu.yield
      }) : () -> ()
      %dma_start3A_223 = arith.constant 12 : i32
      %dma_start3A_224 = arith.constant 0 : i32
      %dma_start3A_225 = arith.constant 0 : i32
      %dma_start3A_226 = tpu.memref_slice %arg5[%dma_start3A_223, %dma_start3A_224, %dma_start3A_225] : memref<16x2x128xi32, #tpu.memory_space<vmem>> -> memref<1x1x128xi32, #tpu.memory_space<vmem>>
      %dma_start3A_227 = tpu.memref_squeeze %dma_start3A_226 : memref<1x1x128xi32, #tpu.memory_space<vmem>> -> memref<128xi32, #tpu.memory_space<vmem>>
      %dma_start3A_228 = arith.constant 0 : i32
      %dma_start3A_229 = arith.constant 0 : i32
      %dma_start3A_230 = tpu.memref_slice %arg2[%dma_start3A_228, %dma_start3A_229] : memref<10240x128xf32, #tpu.memory_space<hbm>> -> memref<10240x128xf32, #tpu.memory_space<hbm>>
      tpu.enqueue_indirect_dma source(%dma_start3A_230 : memref<10240x128xf32, #tpu.memory_space<hbm>>) target(%arg6 : memref<128x128xf32, #tpu.memory_space<vmem>>) offsets(%dma_start3A_227 : memref<128xi32, #tpu.memory_space<vmem>>) semaphore(%arg9 : memref<!tpu.dma_semaphore, #tpu.memory_space<semaphore_mem>>)
      %dma_wait3A_231 = arith.constant 11 : i32
      %dma_wait3A_232 = arith.constant 0 : i32
      %dma_wait3A_233 = arith.constant 0 : i32
      %dma_wait3A_234 = tpu.memref_slice %arg5[%dma_wait3A_231, %dma_wait3A_232, %dma_wait3A_233] : memref<16x2x128xi32, #tpu.memory_space<vmem>> -> memref<1x1x128xi32, #tpu.memory_space<vmem>>
      %dma_wait3A_235 = tpu.memref_squeeze %dma_wait3A_234 : memref<1x1x128xi32, #tpu.memory_space<vmem>> -> memref<128xi32, #tpu.memory_space<vmem>>
      %dma_wait3A_236 = arith.constant 0 : i32
      %dma_wait3A_237 = arith.constant 0 : i32
      %dma_wait3A_238 = tpu.memref_slice %arg2[%dma_wait3A_236, %dma_wait3A_237] : memref<10240x128xf32, #tpu.memory_space<hbm>> -> memref<10240x128xf32, #tpu.memory_space<hbm>>
      tpu.wait_indirect_dma semaphore(%arg10 : memref<!tpu.dma_semaphore, #tpu.memory_space<semaphore_mem>>) src(%dma_wait3A_238 : memref<10240x128xf32, #tpu.memory_space<hbm>>) dst(%arg7 : memref<128x128xf32, #tpu.memory_space<vmem>>)
      %run_scoped3A_239 = arith.constant 11 : i32
      %run_scoped3A_240 = arith.constant 1 : i32
      "tpu.region"() ({
        %run_scoped3A_306 = tpu.sem_alloc : memref<!tpu.dma_semaphore, #tpu.memory_space<semaphore_mem>>
        %dma_start3A_307 = arith.constant 0 : i32
        %dma_start3A_308 = tpu.memref_slice %arg5[%run_scoped3A_239, %run_scoped3A_240, %dma_start3A_307] : memref<16x2x128xi32, #tpu.memory_space<vmem>> -> memref<1x1x128xi32, #tpu.memory_space<vmem>>
        %dma_start3A_309 = tpu.memref_squeeze %dma_start3A_308 : memref<1x1x128xi32, #tpu.memory_space<vmem>> -> memref<128xi32, #tpu.memory_space<vmem>>
        %dma_start3A_310 = arith.constant 0 : i32
        %dma_start3A_311 = arith.constant 0 : i32
        %dma_start3A_312 = tpu.memref_slice %arg8[%dma_start3A_310, %dma_start3A_311] : memref<10240x128xf32, #tpu.memory_space<vmem_shared>> -> memref<10240x128xf32, #tpu.memory_space<vmem_shared>>
        tpu.enqueue_indirect_dma source(%arg7 : memref<128x128xf32, #tpu.memory_space<vmem>>) target(%dma_start3A_312 : memref<10240x128xf32, #tpu.memory_space<vmem_shared>>) offsets(%dma_start3A_309 : memref<128xi32, #tpu.memory_space<vmem>>) semaphore(%run_scoped3A_306 : memref<!tpu.dma_semaphore, #tpu.memory_space<semaphore_mem>>) {add = true}
        %dma_wait3A_313 = arith.constant 0 : i32
        %dma_wait3A_314 = tpu.memref_slice %arg5[%run_scoped3A_239, %run_scoped3A_240, %dma_wait3A_313] : memref<16x2x128xi32, #tpu.memory_space<vmem>> -> memref<1x1x128xi32, #tpu.memory_space<vmem>>
        %dma_wait3A_315 = tpu.memref_squeeze %dma_wait3A_314 : memref<1x1x128xi32, #tpu.memory_space<vmem>> -> memref<128xi32, #tpu.memory_space<vmem>>
        %dma_wait3A_316 = arith.constant 0 : i32
        %dma_wait3A_317 = arith.constant 0 : i32
        %dma_wait3A_318 = tpu.memref_slice %arg8[%dma_wait3A_316, %dma_wait3A_317] : memref<10240x128xf32, #tpu.memory_space<vmem_shared>> -> memref<10240x128xf32, #tpu.memory_space<vmem_shared>>
        tpu.wait_indirect_dma semaphore(%run_scoped3A_306 : memref<!tpu.dma_semaphore, #tpu.memory_space<semaphore_mem>>) src(%arg7 : memref<128x128xf32, #tpu.memory_space<vmem>>) dst(%dma_wait3A_318 : memref<10240x128xf32, #tpu.memory_space<vmem_shared>>)
        tpu.yield
      }) : () -> ()
      %dma_start3A_241 = arith.constant 13 : i32
      %dma_start3A_242 = arith.constant 0 : i32
      %dma_start3A_243 = arith.constant 0 : i32
      %dma_start3A_244 = tpu.memref_slice %arg5[%dma_start3A_241, %dma_start3A_242, %dma_start3A_243] : memref<16x2x128xi32, #tpu.memory_space<vmem>> -> memref<1x1x128xi32, #tpu.memory_space<vmem>>
      %dma_start3A_245 = tpu.memref_squeeze %dma_start3A_244 : memref<1x1x128xi32, #tpu.memory_space<vmem>> -> memref<128xi32, #tpu.memory_space<vmem>>
      %dma_start3A_246 = arith.constant 0 : i32
      %dma_start3A_247 = arith.constant 0 : i32
      %dma_start3A_248 = tpu.memref_slice %arg2[%dma_start3A_246, %dma_start3A_247] : memref<10240x128xf32, #tpu.memory_space<hbm>> -> memref<10240x128xf32, #tpu.memory_space<hbm>>
      tpu.enqueue_indirect_dma source(%dma_start3A_248 : memref<10240x128xf32, #tpu.memory_space<hbm>>) target(%arg7 : memref<128x128xf32, #tpu.memory_space<vmem>>) offsets(%dma_start3A_245 : memref<128xi32, #tpu.memory_space<vmem>>) semaphore(%arg10 : memref<!tpu.dma_semaphore, #tpu.memory_space<semaphore_mem>>)
      %dma_wait3A_249 = arith.constant 12 : i32
      %dma_wait3A_250 = arith.constant 0 : i32
      %dma_wait3A_251 = arith.constant 0 : i32
      %dma_wait3A_252 = tpu.memref_slice %arg5[%dma_wait3A_249, %dma_wait3A_250, %dma_wait3A_251] : memref<16x2x128xi32, #tpu.memory_space<vmem>> -> memref<1x1x128xi32, #tpu.memory_space<vmem>>
      %dma_wait3A_253 = tpu.memref_squeeze %dma_wait3A_252 : memref<1x1x128xi32, #tpu.memory_space<vmem>> -> memref<128xi32, #tpu.memory_space<vmem>>
      %dma_wait3A_254 = arith.constant 0 : i32
      %dma_wait3A_255 = arith.constant 0 : i32
      %dma_wait3A_256 = tpu.memref_slice %arg2[%dma_wait3A_254, %dma_wait3A_255] : memref<10240x128xf32, #tpu.memory_space<hbm>> -> memref<10240x128xf32, #tpu.memory_space<hbm>>
      tpu.wait_indirect_dma semaphore(%arg9 : memref<!tpu.dma_semaphore, #tpu.memory_space<semaphore_mem>>) src(%dma_wait3A_256 : memref<10240x128xf32, #tpu.memory_space<hbm>>) dst(%arg6 : memref<128x128xf32, #tpu.memory_space<vmem>>)
      %run_scoped3A_257 = arith.constant 12 : i32
      %run_scoped3A_258 = arith.constant 1 : i32
      "tpu.region"() ({
        %run_scoped3A_306 = tpu.sem_alloc : memref<!tpu.dma_semaphore, #tpu.memory_space<semaphore_mem>>
        %dma_start3A_307 = arith.constant 0 : i32
        %dma_start3A_308 = tpu.memref_slice %arg5[%run_scoped3A_257, %run_scoped3A_258, %dma_start3A_307] : memref<16x2x128xi32, #tpu.memory_space<vmem>> -> memref<1x1x128xi32, #tpu.memory_space<vmem>>
        %dma_start3A_309 = tpu.memref_squeeze %dma_start3A_308 : memref<1x1x128xi32, #tpu.memory_space<vmem>> -> memref<128xi32, #tpu.memory_space<vmem>>
        %dma_start3A_310 = arith.constant 0 : i32
        %dma_start3A_311 = arith.constant 0 : i32
        %dma_start3A_312 = tpu.memref_slice %arg8[%dma_start3A_310, %dma_start3A_311] : memref<10240x128xf32, #tpu.memory_space<vmem_shared>> -> memref<10240x128xf32, #tpu.memory_space<vmem_shared>>
        tpu.enqueue_indirect_dma source(%arg6 : memref<128x128xf32, #tpu.memory_space<vmem>>) target(%dma_start3A_312 : memref<10240x128xf32, #tpu.memory_space<vmem_shared>>) offsets(%dma_start3A_309 : memref<128xi32, #tpu.memory_space<vmem>>) semaphore(%run_scoped3A_306 : memref<!tpu.dma_semaphore, #tpu.memory_space<semaphore_mem>>) {add = true}
        %dma_wait3A_313 = arith.constant 0 : i32
        %dma_wait3A_314 = tpu.memref_slice %arg5[%run_scoped3A_257, %run_scoped3A_258, %dma_wait3A_313] : memref<16x2x128xi32, #tpu.memory_space<vmem>> -> memref<1x1x128xi32, #tpu.memory_space<vmem>>
        %dma_wait3A_315 = tpu.memref_squeeze %dma_wait3A_314 : memref<1x1x128xi32, #tpu.memory_space<vmem>> -> memref<128xi32, #tpu.memory_space<vmem>>
        %dma_wait3A_316 = arith.constant 0 : i32
        %dma_wait3A_317 = arith.constant 0 : i32
        %dma_wait3A_318 = tpu.memref_slice %arg8[%dma_wait3A_316, %dma_wait3A_317] : memref<10240x128xf32, #tpu.memory_space<vmem_shared>> -> memref<10240x128xf32, #tpu.memory_space<vmem_shared>>
        tpu.wait_indirect_dma semaphore(%run_scoped3A_306 : memref<!tpu.dma_semaphore, #tpu.memory_space<semaphore_mem>>) src(%arg6 : memref<128x128xf32, #tpu.memory_space<vmem>>) dst(%dma_wait3A_318 : memref<10240x128xf32, #tpu.memory_space<vmem_shared>>)
        tpu.yield
      }) : () -> ()
      %dma_start3A_259 = arith.constant 14 : i32
      %dma_start3A_260 = arith.constant 0 : i32
      %dma_start3A_261 = arith.constant 0 : i32
      %dma_start3A_262 = tpu.memref_slice %arg5[%dma_start3A_259, %dma_start3A_260, %dma_start3A_261] : memref<16x2x128xi32, #tpu.memory_space<vmem>> -> memref<1x1x128xi32, #tpu.memory_space<vmem>>
      %dma_start3A_263 = tpu.memref_squeeze %dma_start3A_262 : memref<1x1x128xi32, #tpu.memory_space<vmem>> -> memref<128xi32, #tpu.memory_space<vmem>>
      %dma_start3A_264 = arith.constant 0 : i32
      %dma_start3A_265 = arith.constant 0 : i32
      %dma_start3A_266 = tpu.memref_slice %arg2[%dma_start3A_264, %dma_start3A_265] : memref<10240x128xf32, #tpu.memory_space<hbm>> -> memref<10240x128xf32, #tpu.memory_space<hbm>>
      tpu.enqueue_indirect_dma source(%dma_start3A_266 : memref<10240x128xf32, #tpu.memory_space<hbm>>) target(%arg6 : memref<128x128xf32, #tpu.memory_space<vmem>>) offsets(%dma_start3A_263 : memref<128xi32, #tpu.memory_space<vmem>>) semaphore(%arg9 : memref<!tpu.dma_semaphore, #tpu.memory_space<semaphore_mem>>)
      %dma_wait3A_267 = arith.constant 13 : i32
      %dma_wait3A_268 = arith.constant 0 : i32
      %dma_wait3A_269 = arith.constant 0 : i32
      %dma_wait3A_270 = tpu.memref_slice %arg5[%dma_wait3A_267, %dma_wait3A_268, %dma_wait3A_269] : memref<16x2x128xi32, #tpu.memory_space<vmem>> -> memref<1x1x128xi32, #tpu.memory_space<vmem>>
      %dma_wait3A_271 = tpu.memref_squeeze %dma_wait3A_270 : memref<1x1x128xi32, #tpu.memory_space<vmem>> -> memref<128xi32, #tpu.memory_space<vmem>>
      %dma_wait3A_272 = arith.constant 0 : i32
      %dma_wait3A_273 = arith.constant 0 : i32
      %dma_wait3A_274 = tpu.memref_slice %arg2[%dma_wait3A_272, %dma_wait3A_273] : memref<10240x128xf32, #tpu.memory_space<hbm>> -> memref<10240x128xf32, #tpu.memory_space<hbm>>
      tpu.wait_indirect_dma semaphore(%arg10 : memref<!tpu.dma_semaphore, #tpu.memory_space<semaphore_mem>>) src(%dma_wait3A_274 : memref<10240x128xf32, #tpu.memory_space<hbm>>) dst(%arg7 : memref<128x128xf32, #tpu.memory_space<vmem>>)
      %run_scoped3A_275 = arith.constant 13 : i32
      %run_scoped3A_276 = arith.constant 1 : i32
      "tpu.region"() ({
        %run_scoped3A_306 = tpu.sem_alloc : memref<!tpu.dma_semaphore, #tpu.memory_space<semaphore_mem>>
        %dma_start3A_307 = arith.constant 0 : i32
        %dma_start3A_308 = tpu.memref_slice %arg5[%run_scoped3A_275, %run_scoped3A_276, %dma_start3A_307] : memref<16x2x128xi32, #tpu.memory_space<vmem>> -> memref<1x1x128xi32, #tpu.memory_space<vmem>>
        %dma_start3A_309 = tpu.memref_squeeze %dma_start3A_308 : memref<1x1x128xi32, #tpu.memory_space<vmem>> -> memref<128xi32, #tpu.memory_space<vmem>>
        %dma_start3A_310 = arith.constant 0 : i32
        %dma_start3A_311 = arith.constant 0 : i32
        %dma_start3A_312 = tpu.memref_slice %arg8[%dma_start3A_310, %dma_start3A_311] : memref<10240x128xf32, #tpu.memory_space<vmem_shared>> -> memref<10240x128xf32, #tpu.memory_space<vmem_shared>>
        tpu.enqueue_indirect_dma source(%arg7 : memref<128x128xf32, #tpu.memory_space<vmem>>) target(%dma_start3A_312 : memref<10240x128xf32, #tpu.memory_space<vmem_shared>>) offsets(%dma_start3A_309 : memref<128xi32, #tpu.memory_space<vmem>>) semaphore(%run_scoped3A_306 : memref<!tpu.dma_semaphore, #tpu.memory_space<semaphore_mem>>) {add = true}
        %dma_wait3A_313 = arith.constant 0 : i32
        %dma_wait3A_314 = tpu.memref_slice %arg5[%run_scoped3A_275, %run_scoped3A_276, %dma_wait3A_313] : memref<16x2x128xi32, #tpu.memory_space<vmem>> -> memref<1x1x128xi32, #tpu.memory_space<vmem>>
        %dma_wait3A_315 = tpu.memref_squeeze %dma_wait3A_314 : memref<1x1x128xi32, #tpu.memory_space<vmem>> -> memref<128xi32, #tpu.memory_space<vmem>>
        %dma_wait3A_316 = arith.constant 0 : i32
        %dma_wait3A_317 = arith.constant 0 : i32
        %dma_wait3A_318 = tpu.memref_slice %arg8[%dma_wait3A_316, %dma_wait3A_317] : memref<10240x128xf32, #tpu.memory_space<vmem_shared>> -> memref<10240x128xf32, #tpu.memory_space<vmem_shared>>
        tpu.wait_indirect_dma semaphore(%run_scoped3A_306 : memref<!tpu.dma_semaphore, #tpu.memory_space<semaphore_mem>>) src(%arg7 : memref<128x128xf32, #tpu.memory_space<vmem>>) dst(%dma_wait3A_318 : memref<10240x128xf32, #tpu.memory_space<vmem_shared>>)
        tpu.yield
      }) : () -> ()
      %dma_start3A_277 = arith.constant 15 : i32
      %dma_start3A_278 = arith.constant 0 : i32
      %dma_start3A_279 = arith.constant 0 : i32
      %dma_start3A_280 = tpu.memref_slice %arg5[%dma_start3A_277, %dma_start3A_278, %dma_start3A_279] : memref<16x2x128xi32, #tpu.memory_space<vmem>> -> memref<1x1x128xi32, #tpu.memory_space<vmem>>
      %dma_start3A_281 = tpu.memref_squeeze %dma_start3A_280 : memref<1x1x128xi32, #tpu.memory_space<vmem>> -> memref<128xi32, #tpu.memory_space<vmem>>
      %dma_start3A_282 = arith.constant 0 : i32
      %dma_start3A_283 = arith.constant 0 : i32
      %dma_start3A_284 = tpu.memref_slice %arg2[%dma_start3A_282, %dma_start3A_283] : memref<10240x128xf32, #tpu.memory_space<hbm>> -> memref<10240x128xf32, #tpu.memory_space<hbm>>
      tpu.enqueue_indirect_dma source(%dma_start3A_284 : memref<10240x128xf32, #tpu.memory_space<hbm>>) target(%arg7 : memref<128x128xf32, #tpu.memory_space<vmem>>) offsets(%dma_start3A_281 : memref<128xi32, #tpu.memory_space<vmem>>) semaphore(%arg10 : memref<!tpu.dma_semaphore, #tpu.memory_space<semaphore_mem>>)
      %dma_wait3A_285 = arith.constant 14 : i32
      %dma_wait3A_286 = arith.constant 0 : i32
      %dma_wait3A_287 = arith.constant 0 : i32
      %dma_wait3A_288 = tpu.memref_slice %arg5[%dma_wait3A_285, %dma_wait3A_286, %dma_wait3A_287] : memref<16x2x128xi32, #tpu.memory_space<vmem>> -> memref<1x1x128xi32, #tpu.memory_space<vmem>>
      %dma_wait3A_289 = tpu.memref_squeeze %dma_wait3A_288 : memref<1x1x128xi32, #tpu.memory_space<vmem>> -> memref<128xi32, #tpu.memory_space<vmem>>
      %dma_wait3A_290 = arith.constant 0 : i32
      %dma_wait3A_291 = arith.constant 0 : i32
      %dma_wait3A_292 = tpu.memref_slice %arg2[%dma_wait3A_290, %dma_wait3A_291] : memref<10240x128xf32, #tpu.memory_space<hbm>> -> memref<10240x128xf32, #tpu.memory_space<hbm>>
      tpu.wait_indirect_dma semaphore(%arg9 : memref<!tpu.dma_semaphore, #tpu.memory_space<semaphore_mem>>) src(%dma_wait3A_292 : memref<10240x128xf32, #tpu.memory_space<hbm>>) dst(%arg6 : memref<128x128xf32, #tpu.memory_space<vmem>>)
      %run_scoped3A_293 = arith.constant 14 : i32
      %run_scoped3A_294 = arith.constant 1 : i32
      "tpu.region"() ({
        %run_scoped3A_306 = tpu.sem_alloc : memref<!tpu.dma_semaphore, #tpu.memory_space<semaphore_mem>>
        %dma_start3A_307 = arith.constant 0 : i32
        %dma_start3A_308 = tpu.memref_slice %arg5[%run_scoped3A_293, %run_scoped3A_294, %dma_start3A_307] : memref<16x2x128xi32, #tpu.memory_space<vmem>> -> memref<1x1x128xi32, #tpu.memory_space<vmem>>
        %dma_start3A_309 = tpu.memref_squeeze %dma_start3A_308 : memref<1x1x128xi32, #tpu.memory_space<vmem>> -> memref<128xi32, #tpu.memory_space<vmem>>
        %dma_start3A_310 = arith.constant 0 : i32
        %dma_start3A_311 = arith.constant 0 : i32
        %dma_start3A_312 = tpu.memref_slice %arg8[%dma_start3A_310, %dma_start3A_311] : memref<10240x128xf32, #tpu.memory_space<vmem_shared>> -> memref<10240x128xf32, #tpu.memory_space<vmem_shared>>
        tpu.enqueue_indirect_dma source(%arg6 : memref<128x128xf32, #tpu.memory_space<vmem>>) target(%dma_start3A_312 : memref<10240x128xf32, #tpu.memory_space<vmem_shared>>) offsets(%dma_start3A_309 : memref<128xi32, #tpu.memory_space<vmem>>) semaphore(%run_scoped3A_306 : memref<!tpu.dma_semaphore, #tpu.memory_space<semaphore_mem>>) {add = true}
        %dma_wait3A_313 = arith.constant 0 : i32
        %dma_wait3A_314 = tpu.memref_slice %arg5[%run_scoped3A_293, %run_scoped3A_294, %dma_wait3A_313] : memref<16x2x128xi32, #tpu.memory_space<vmem>> -> memref<1x1x128xi32, #tpu.memory_space<vmem>>
        %dma_wait3A_315 = tpu.memref_squeeze %dma_wait3A_314 : memref<1x1x128xi32, #tpu.memory_space<vmem>> -> memref<128xi32, #tpu.memory_space<vmem>>
        %dma_wait3A_316 = arith.constant 0 : i32
        %dma_wait3A_317 = arith.constant 0 : i32
        %dma_wait3A_318 = tpu.memref_slice %arg8[%dma_wait3A_316, %dma_wait3A_317] : memref<10240x128xf32, #tpu.memory_space<vmem_shared>> -> memref<10240x128xf32, #tpu.memory_space<vmem_shared>>
        tpu.wait_indirect_dma semaphore(%run_scoped3A_306 : memref<!tpu.dma_semaphore, #tpu.memory_space<semaphore_mem>>) src(%arg6 : memref<128x128xf32, #tpu.memory_space<vmem>>) dst(%dma_wait3A_318 : memref<10240x128xf32, #tpu.memory_space<vmem_shared>>)
        tpu.yield
      }) : () -> ()
      %dma_wait3A_295 = arith.constant 15 : i32
      %dma_wait3A_296 = arith.constant 0 : i32
      %dma_wait3A_297 = arith.constant 0 : i32
      %dma_wait3A_298 = tpu.memref_slice %arg5[%dma_wait3A_295, %dma_wait3A_296, %dma_wait3A_297] : memref<16x2x128xi32, #tpu.memory_space<vmem>> -> memref<1x1x128xi32, #tpu.memory_space<vmem>>
      %dma_wait3A_299 = tpu.memref_squeeze %dma_wait3A_298 : memref<1x1x128xi32, #tpu.memory_space<vmem>> -> memref<128xi32, #tpu.memory_space<vmem>>
      %dma_wait3A_300 = arith.constant 0 : i32
      %dma_wait3A_301 = arith.constant 0 : i32
      %dma_wait3A_302 = tpu.memref_slice %arg2[%dma_wait3A_300, %dma_wait3A_301] : memref<10240x128xf32, #tpu.memory_space<hbm>> -> memref<10240x128xf32, #tpu.memory_space<hbm>>
      tpu.wait_indirect_dma semaphore(%arg10 : memref<!tpu.dma_semaphore, #tpu.memory_space<semaphore_mem>>) src(%dma_wait3A_302 : memref<10240x128xf32, #tpu.memory_space<hbm>>) dst(%arg7 : memref<128x128xf32, #tpu.memory_space<vmem>>)
      %run_scoped3A_303 = arith.constant 15 : i32
      %run_scoped3A_304 = arith.constant 1 : i32
      "tpu.region"() ({
        %run_scoped3A_306 = tpu.sem_alloc : memref<!tpu.dma_semaphore, #tpu.memory_space<semaphore_mem>>
        %dma_start3A_307 = arith.constant 0 : i32
        %dma_start3A_308 = tpu.memref_slice %arg5[%run_scoped3A_303, %run_scoped3A_304, %dma_start3A_307] : memref<16x2x128xi32, #tpu.memory_space<vmem>> -> memref<1x1x128xi32, #tpu.memory_space<vmem>>
        %dma_start3A_309 = tpu.memref_squeeze %dma_start3A_308 : memref<1x1x128xi32, #tpu.memory_space<vmem>> -> memref<128xi32, #tpu.memory_space<vmem>>
        %dma_start3A_310 = arith.constant 0 : i32
        %dma_start3A_311 = arith.constant 0 : i32
        %dma_start3A_312 = tpu.memref_slice %arg8[%dma_start3A_310, %dma_start3A_311] : memref<10240x128xf32, #tpu.memory_space<vmem_shared>> -> memref<10240x128xf32, #tpu.memory_space<vmem_shared>>
        tpu.enqueue_indirect_dma source(%arg7 : memref<128x128xf32, #tpu.memory_space<vmem>>) target(%dma_start3A_312 : memref<10240x128xf32, #tpu.memory_space<vmem_shared>>) offsets(%dma_start3A_309 : memref<128xi32, #tpu.memory_space<vmem>>) semaphore(%run_scoped3A_306 : memref<!tpu.dma_semaphore, #tpu.memory_space<semaphore_mem>>) {add = true}
        %dma_wait3A_313 = arith.constant 0 : i32
        %dma_wait3A_314 = tpu.memref_slice %arg5[%run_scoped3A_303, %run_scoped3A_304, %dma_wait3A_313] : memref<16x2x128xi32, #tpu.memory_space<vmem>> -> memref<1x1x128xi32, #tpu.memory_space<vmem>>
        %dma_wait3A_315 = tpu.memref_squeeze %dma_wait3A_314 : memref<1x1x128xi32, #tpu.memory_space<vmem>> -> memref<128xi32, #tpu.memory_space<vmem>>
        %dma_wait3A_316 = arith.constant 0 : i32
        %dma_wait3A_317 = arith.constant 0 : i32
        %dma_wait3A_318 = tpu.memref_slice %arg8[%dma_wait3A_316, %dma_wait3A_317] : memref<10240x128xf32, #tpu.memory_space<vmem_shared>> -> memref<10240x128xf32, #tpu.memory_space<vmem_shared>>
        tpu.wait_indirect_dma semaphore(%run_scoped3A_306 : memref<!tpu.dma_semaphore, #tpu.memory_space<semaphore_mem>>) src(%arg7 : memref<128x128xf32, #tpu.memory_space<vmem>>) dst(%dma_wait3A_318 : memref<10240x128xf32, #tpu.memory_space<vmem_shared>>)
        tpu.yield
      }) : () -> ()
      %scan3A_305 = arith.constant 0 : i32
      scf.yield %scan3A_305 : i32
    }
    %scan3A_10 = arith.constant 5 : i32
    %barrier3A_11 = arith.constant 0 : index
    tpu.barrier barrier_id(%barrier3A_11)
    %mul3A_12 = arith.constant 640 : i32
    %mul3A_13 = arith.muli %arg1, %mul3A_12 : i32
    %mul3A_14 = arith.constant 640 : i32
    %mul3A_15 = arith.muli %arg1, %mul3A_14 : i32
    "tpu.region"() ({
      %run_scoped3A = tpu.sem_alloc : memref<!tpu.dma_semaphore, #tpu.memory_space<semaphore_mem>>
      %dma_start3A = arith.constant 0 : i32
      %dma_start3A_16 = tpu.memref_slice %arg4[%arg0, %mul3A_15, %dma_start3A] : memref<2x10240x128xf32, #tpu.memory_space<hbm>> -> memref<1x640x128xf32, #tpu.memory_space<hbm>>
      %dma_start3A_17 = tpu.memref_squeeze %dma_start3A_16 : memref<1x640x128xf32, #tpu.memory_space<hbm>> -> memref<640x128xf32, #tpu.memory_space<hbm>>
      %dma_start3A_18 = arith.constant 0 : i32
      %dma_start3A_19 = tpu.memref_slice %arg8[%mul3A_13, %dma_start3A_18] : memref<10240x128xf32, #tpu.memory_space<vmem_shared>> -> memref<640x128xf32, #tpu.memory_space<vmem_shared>>
      tpu.enqueue_dma source(%dma_start3A_19 : memref<640x128xf32, #tpu.memory_space<vmem_shared>>) target(%dma_start3A_17 : memref<640x128xf32, #tpu.memory_space<hbm>>) target_semaphore(%run_scoped3A : memref<!tpu.dma_semaphore, #tpu.memory_space<semaphore_mem>>)
      %dma_wait3A = arith.constant 0 : i32
      %dma_wait3A_20 = tpu.memref_slice %arg4[%arg0, %mul3A_15, %dma_wait3A] : memref<2x10240x128xf32, #tpu.memory_space<hbm>> -> memref<1x640x128xf32, #tpu.memory_space<hbm>>
      %dma_wait3A_21 = tpu.memref_squeeze %dma_wait3A_20 : memref<1x640x128xf32, #tpu.memory_space<hbm>> -> memref<640x128xf32, #tpu.memory_space<hbm>>
      %dma_wait3A_22 = arith.constant 0 : i32
      %dma_wait3A_23 = tpu.memref_slice %arg8[%mul3A_13, %dma_wait3A_22] : memref<10240x128xf32, #tpu.memory_space<vmem_shared>> -> memref<640x128xf32, #tpu.memory_space<vmem_shared>>
      tpu.wait_dma2 semaphore(%run_scoped3A : memref<!tpu.dma_semaphore, #tpu.memory_space<semaphore_mem>>) src(%dma_wait3A_23 : memref<640x128xf32, #tpu.memory_space<vmem_shared>>) dst(%dma_wait3A_21 : memref<640x128xf32, #tpu.memory_space<hbm>>)
      tpu.yield
    }) : () -> ()
    return
  }
}

#map = affine_map<(d0, d1) -> (0, 0, 0, 0)>
#map1 = affine_map<(d0, d1) -> (0, 0, 0)>
module attributes {stable_mosaic.version = 14 : i64} {
  func.func @k(%arg0: i32, %arg1: i32, %arg2: memref<32x80x2x128xi32, #tpu.memory_space<hbm>>, %arg3: memref<2x10240x16xf32, #tpu.memory_space<hbm>>, %arg4: memref<80x2x128xi32, #tpu.memory_space<vmem>>, %arg5: memref<128x16xf32, #tpu.memory_space<vmem>>, %arg6: memref<10240x16xf32, #tpu.memory_space<vmem_shared>>, %arg7: memref<!tpu.dma_semaphore, #tpu.memory_space<semaphore_mem>>) attributes {dimension_semantics = [#tpu.dimension_semantics<core_parallel>, #tpu.dimension_semantics<subcore_parallel>], iteration_bounds = array<i64: 2, 16>, scalar_prefetch = 0 : i64, scratch_operands = 4 : i64, tpu.core_type = #tpu.core_type<sc_vector_subcore>, window_params = [{transform_indices = #map}, {transform_indices = #map1}]} {
    %mul3A = arith.constant 2 : i32
    %mul3A_0 = arith.muli %arg1, %mul3A : i32
    %add3A = arith.addi %mul3A_0, %arg0 : i32
    %scan3A = arith.constant 0 : i32
    %scan3A_1 = arith.constant 0 : i32
    %scan3A_2 = arith.constant 128 : i32
    %scan3A_3 = arith.addi %scan3A_1, %scan3A_2 : i32
    %scan3A_4 = arith.constant 1 : i32
    %scan3A_5 = scf.for %scan3A_46 = %scan3A_1 to %scan3A_3 step %scan3A_4 iter_args(%scan3A_47 = %scan3A) -> (i32)  : i32 {
      %broadcast_in_dim3A = arith.constant 0.000000e+00 : f32
      %broadcast_in_dim3A_48 = vector.broadcast %broadcast_in_dim3A : f32 to vector<16xf32>
      %swap3A = arith.index_cast %scan3A_46 : i32 to index
      %swap3A_49 = arith.constant 0 : index
      %swap3A_50 = tpu.vector_load %arg5[%swap3A, %swap3A_49] {strides = array<i32>} : memref<128x16xf32, #tpu.memory_space<vmem>>, vector<1x16xf32>,
      %swap3A_51 = vector.shape_cast %swap3A_50 : vector<1x16xf32> to vector<16xf32>
      %swap3A_52 = vector.shape_cast %broadcast_in_dim3A_48 : vector<16xf32> to vector<1x16xf32>
      tpu.vector_store %arg5[%swap3A, %swap3A_49], %swap3A_52 {strides = array<i32>} : memref<128x16xf32, #tpu.memory_space<vmem>>, vector<1x16xf32>,
      %scan3A_53 = arith.constant 0 : i32
      scf.yield %scan3A_53 : i32
    }
    %scan3A_6 = arith.constant 128 : i32
    %mul3A_7 = arith.constant 640 : i32
    %mul3A_8 = arith.muli %arg1, %mul3A_7 : i32
    %add3A_9 = arith.constant 0 : i32
    %add3A_10 = arith.addi %mul3A_8, %add3A_9 : i32
    "tpu.region"() ({
      %run_scoped3A = tpu.sem_alloc : memref<!tpu.dma_semaphore, #tpu.memory_space<semaphore_mem>>
      %dma_start3A = arith.constant 0 : i32
      %dma_start3A_46 = tpu.memref_slice %arg6[%add3A_10, %dma_start3A] : memref<10240x16xf32, #tpu.memory_space<vmem_shared>> -> memref<128x16xf32, #tpu.memory_space<vmem_shared>>
      %dma_start3A_47 = arith.constant 0 : i32
      %dma_start3A_48 = tpu.memref_slice %arg6[%add3A_10, %dma_start3A_47] : memref<10240x16xf32, #tpu.memory_space<vmem_shared>> -> memref<128x16xf32, #tpu.memory_space<vmem_shared>>
      tpu.enqueue_dma source(%arg5 : memref<128x16xf32, #tpu.memory_space<vmem>>) target(%dma_start3A_48 : memref<128x16xf32, #tpu.memory_space<vmem_shared>>) target_semaphore(%run_scoped3A : memref<!tpu.dma_semaphore, #tpu.memory_space<semaphore_mem>>)
      %dma_wait3A = arith.constant 0 : i32
      %dma_wait3A_49 = tpu.memref_slice %arg6[%add3A_10, %dma_wait3A] : memref<10240x16xf32, #tpu.memory_space<vmem_shared>> -> memref<128x16xf32, #tpu.memory_space<vmem_shared>>
      %dma_wait3A_50 = arith.constant 0 : i32
      %dma_wait3A_51 = tpu.memref_slice %arg6[%add3A_10, %dma_wait3A_50] : memref<10240x16xf32, #tpu.memory_space<vmem_shared>> -> memref<128x16xf32, #tpu.memory_space<vmem_shared>>
      tpu.wait_dma2 semaphore(%run_scoped3A : memref<!tpu.dma_semaphore, #tpu.memory_space<semaphore_mem>>) src(%arg5 : memref<128x16xf32, #tpu.memory_space<vmem>>) dst(%dma_wait3A_51 : memref<128x16xf32, #tpu.memory_space<vmem_shared>>)
      tpu.yield
    }) : () -> ()
    %mul3A_11 = arith.constant 640 : i32
    %mul3A_12 = arith.muli %arg1, %mul3A_11 : i32
    %add3A_13 = arith.constant 128 : i32
    %add3A_14 = arith.addi %mul3A_12, %add3A_13 : i32
    "tpu.region"() ({
      %run_scoped3A = tpu.sem_alloc : memref<!tpu.dma_semaphore, #tpu.memory_space<semaphore_mem>>
      %dma_start3A = arith.constant 0 : i32
      %dma_start3A_46 = tpu.memref_slice %arg6[%add3A_14, %dma_start3A] : memref<10240x16xf32, #tpu.memory_space<vmem_shared>> -> memref<128x16xf32, #tpu.memory_space<vmem_shared>>
      %dma_start3A_47 = arith.constant 0 : i32
      %dma_start3A_48 = tpu.memref_slice %arg6[%add3A_14, %dma_start3A_47] : memref<10240x16xf32, #tpu.memory_space<vmem_shared>> -> memref<128x16xf32, #tpu.memory_space<vmem_shared>>
      tpu.enqueue_dma source(%arg5 : memref<128x16xf32, #tpu.memory_space<vmem>>) target(%dma_start3A_48 : memref<128x16xf32, #tpu.memory_space<vmem_shared>>) target_semaphore(%run_scoped3A : memref<!tpu.dma_semaphore, #tpu.memory_space<semaphore_mem>>)
      %dma_wait3A = arith.constant 0 : i32
      %dma_wait3A_49 = tpu.memref_slice %arg6[%add3A_14, %dma_wait3A] : memref<10240x16xf32, #tpu.memory_space<vmem_shared>> -> memref<128x16xf32, #tpu.memory_space<vmem_shared>>
      %dma_wait3A_50 = arith.constant 0 : i32
      %dma_wait3A_51 = tpu.memref_slice %arg6[%add3A_14, %dma_wait3A_50] : memref<10240x16xf32, #tpu.memory_space<vmem_shared>> -> memref<128x16xf32, #tpu.memory_space<vmem_shared>>
      tpu.wait_dma2 semaphore(%run_scoped3A : memref<!tpu.dma_semaphore, #tpu.memory_space<semaphore_mem>>) src(%arg5 : memref<128x16xf32, #tpu.memory_space<vmem>>) dst(%dma_wait3A_51 : memref<128x16xf32, #tpu.memory_space<vmem_shared>>)
      tpu.yield
    }) : () -> ()
    %mul3A_15 = arith.constant 640 : i32
    %mul3A_16 = arith.muli %arg1, %mul3A_15 : i32
    %add3A_17 = arith.constant 256 : i32
    %add3A_18 = arith.addi %mul3A_16, %add3A_17 : i32
    "tpu.region"() ({
      %run_scoped3A = tpu.sem_alloc : memref<!tpu.dma_semaphore, #tpu.memory_space<semaphore_mem>>
      %dma_start3A = arith.constant 0 : i32
      %dma_start3A_46 = tpu.memref_slice %arg6[%add3A_18, %dma_start3A] : memref<10240x16xf32, #tpu.memory_space<vmem_shared>> -> memref<128x16xf32, #tpu.memory_space<vmem_shared>>
      %dma_start3A_47 = arith.constant 0 : i32
      %dma_start3A_48 = tpu.memref_slice %arg6[%add3A_18, %dma_start3A_47] : memref<10240x16xf32, #tpu.memory_space<vmem_shared>> -> memref<128x16xf32, #tpu.memory_space<vmem_shared>>
      tpu.enqueue_dma source(%arg5 : memref<128x16xf32, #tpu.memory_space<vmem>>) target(%dma_start3A_48 : memref<128x16xf32, #tpu.memory_space<vmem_shared>>) target_semaphore(%run_scoped3A : memref<!tpu.dma_semaphore, #tpu.memory_space<semaphore_mem>>)
      %dma_wait3A = arith.constant 0 : i32
      %dma_wait3A_49 = tpu.memref_slice %arg6[%add3A_18, %dma_wait3A] : memref<10240x16xf32, #tpu.memory_space<vmem_shared>> -> memref<128x16xf32, #tpu.memory_space<vmem_shared>>
      %dma_wait3A_50 = arith.constant 0 : i32
      %dma_wait3A_51 = tpu.memref_slice %arg6[%add3A_18, %dma_wait3A_50] : memref<10240x16xf32, #tpu.memory_space<vmem_shared>> -> memref<128x16xf32, #tpu.memory_space<vmem_shared>>
      tpu.wait_dma2 semaphore(%run_scoped3A : memref<!tpu.dma_semaphore, #tpu.memory_space<semaphore_mem>>) src(%arg5 : memref<128x16xf32, #tpu.memory_space<vmem>>) dst(%dma_wait3A_51 : memref<128x16xf32, #tpu.memory_space<vmem_shared>>)
      tpu.yield
    }) : () -> ()
    %mul3A_19 = arith.constant 640 : i32
    %mul3A_20 = arith.muli %arg1, %mul3A_19 : i32
    %add3A_21 = arith.constant 384 : i32
    %add3A_22 = arith.addi %mul3A_20, %add3A_21 : i32
    "tpu.region"() ({
      %run_scoped3A = tpu.sem_alloc : memref<!tpu.dma_semaphore, #tpu.memory_space<semaphore_mem>>
      %dma_start3A = arith.constant 0 : i32
      %dma_start3A_46 = tpu.memref_slice %arg6[%add3A_22, %dma_start3A] : memref<10240x16xf32, #tpu.memory_space<vmem_shared>> -> memref<128x16xf32, #tpu.memory_space<vmem_shared>>
      %dma_start3A_47 = arith.constant 0 : i32
      %dma_start3A_48 = tpu.memref_slice %arg6[%add3A_22, %dma_start3A_47] : memref<10240x16xf32, #tpu.memory_space<vmem_shared>> -> memref<128x16xf32, #tpu.memory_space<vmem_shared>>
      tpu.enqueue_dma source(%arg5 : memref<128x16xf32, #tpu.memory_space<vmem>>) target(%dma_start3A_48 : memref<128x16xf32, #tpu.memory_space<vmem_shared>>) target_semaphore(%run_scoped3A : memref<!tpu.dma_semaphore, #tpu.memory_space<semaphore_mem>>)
      %dma_wait3A = arith.constant 0 : i32
      %dma_wait3A_49 = tpu.memref_slice %arg6[%add3A_22, %dma_wait3A] : memref<10240x16xf32, #tpu.memory_space<vmem_shared>> -> memref<128x16xf32, #tpu.memory_space<vmem_shared>>
      %dma_wait3A_50 = arith.constant 0 : i32
      %dma_wait3A_51 = tpu.memref_slice %arg6[%add3A_22, %dma_wait3A_50] : memref<10240x16xf32, #tpu.memory_space<vmem_shared>> -> memref<128x16xf32, #tpu.memory_space<vmem_shared>>
      tpu.wait_dma2 semaphore(%run_scoped3A : memref<!tpu.dma_semaphore, #tpu.memory_space<semaphore_mem>>) src(%arg5 : memref<128x16xf32, #tpu.memory_space<vmem>>) dst(%dma_wait3A_51 : memref<128x16xf32, #tpu.memory_space<vmem_shared>>)
      tpu.yield
    }) : () -> ()
    %mul3A_23 = arith.constant 640 : i32
    %mul3A_24 = arith.muli %arg1, %mul3A_23 : i32
    %add3A_25 = arith.constant 512 : i32
    %add3A_26 = arith.addi %mul3A_24, %add3A_25 : i32
    "tpu.region"() ({
      %run_scoped3A = tpu.sem_alloc : memref<!tpu.dma_semaphore, #tpu.memory_space<semaphore_mem>>
      %dma_start3A = arith.constant 0 : i32
      %dma_start3A_46 = tpu.memref_slice %arg6[%add3A_26, %dma_start3A] : memref<10240x16xf32, #tpu.memory_space<vmem_shared>> -> memref<128x16xf32, #tpu.memory_space<vmem_shared>>
      %dma_start3A_47 = arith.constant 0 : i32
      %dma_start3A_48 = tpu.memref_slice %arg6[%add3A_26, %dma_start3A_47] : memref<10240x16xf32, #tpu.memory_space<vmem_shared>> -> memref<128x16xf32, #tpu.memory_space<vmem_shared>>
      tpu.enqueue_dma source(%arg5 : memref<128x16xf32, #tpu.memory_space<vmem>>) target(%dma_start3A_48 : memref<128x16xf32, #tpu.memory_space<vmem_shared>>) target_semaphore(%run_scoped3A : memref<!tpu.dma_semaphore, #tpu.memory_space<semaphore_mem>>)
      %dma_wait3A = arith.constant 0 : i32
      %dma_wait3A_49 = tpu.memref_slice %arg6[%add3A_26, %dma_wait3A] : memref<10240x16xf32, #tpu.memory_space<vmem_shared>> -> memref<128x16xf32, #tpu.memory_space<vmem_shared>>
      %dma_wait3A_50 = arith.constant 0 : i32
      %dma_wait3A_51 = tpu.memref_slice %arg6[%add3A_26, %dma_wait3A_50] : memref<10240x16xf32, #tpu.memory_space<vmem_shared>> -> memref<128x16xf32, #tpu.memory_space<vmem_shared>>
      tpu.wait_dma2 semaphore(%run_scoped3A : memref<!tpu.dma_semaphore, #tpu.memory_space<semaphore_mem>>) src(%arg5 : memref<128x16xf32, #tpu.memory_space<vmem>>) dst(%dma_wait3A_51 : memref<128x16xf32, #tpu.memory_space<vmem_shared>>)
      tpu.yield
    }) : () -> ()
    "tpu.region"() ({
      %run_scoped3A = tpu.sem_alloc : memref<!tpu.dma_semaphore, #tpu.memory_space<semaphore_mem>>
      %dma_start3A = arith.constant 0 : i32
      %dma_start3A_46 = arith.constant 0 : i32
      %dma_start3A_47 = arith.constant 0 : i32
      %dma_start3A_48 = tpu.memref_slice %arg2[%add3A, %dma_start3A, %dma_start3A_46, %dma_start3A_47] : memref<32x80x2x128xi32, #tpu.memory_space<hbm>> -> memref<1x80x2x128xi32, #tpu.memory_space<hbm>>
      %dma_start3A_49 = tpu.memref_squeeze %dma_start3A_48 : memref<1x80x2x128xi32, #tpu.memory_space<hbm>> -> memref<80x2x128xi32, #tpu.memory_space<hbm>>
      %dma_start3A_50 = arith.constant 0 : i32
      %dma_start3A_51 = arith.constant 0 : i32
      %dma_start3A_52 = arith.constant 0 : i32
      %dma_start3A_53 = tpu.memref_slice %arg2[%add3A, %dma_start3A_50, %dma_start3A_51, %dma_start3A_52] : memref<32x80x2x128xi32, #tpu.memory_space<hbm>> -> memref<1x80x2x128xi32, #tpu.memory_space<hbm>>
      %dma_start3A_54 = tpu.memref_squeeze %dma_start3A_53 : memref<1x80x2x128xi32, #tpu.memory_space<hbm>> -> memref<80x2x128xi32, #tpu.memory_space<hbm>>
      tpu.enqueue_dma source(%dma_start3A_54 : memref<80x2x128xi32, #tpu.memory_space<hbm>>) target(%arg4 : memref<80x2x128xi32, #tpu.memory_space<vmem>>) target_semaphore(%run_scoped3A : memref<!tpu.dma_semaphore, #tpu.memory_space<semaphore_mem>>)
      %dma_wait3A = arith.constant 0 : i32
      %dma_wait3A_55 = arith.constant 0 : i32
      %dma_wait3A_56 = arith.constant 0 : i32
      %dma_wait3A_57 = tpu.memref_slice %arg2[%add3A, %dma_wait3A, %dma_wait3A_55, %dma_wait3A_56] : memref<32x80x2x128xi32, #tpu.memory_space<hbm>> -> memref<1x80x2x128xi32, #tpu.memory_space<hbm>>
      %dma_wait3A_58 = tpu.memref_squeeze %dma_wait3A_57 : memref<1x80x2x128xi32, #tpu.memory_space<hbm>> -> memref<80x2x128xi32, #tpu.memory_space<hbm>>
      %dma_wait3A_59 = arith.constant 0 : i32
      %dma_wait3A_60 = arith.constant 0 : i32
      %dma_wait3A_61 = arith.constant 0 : i32
      %dma_wait3A_62 = tpu.memref_slice %arg2[%add3A, %dma_wait3A_59, %dma_wait3A_60, %dma_wait3A_61] : memref<32x80x2x128xi32, #tpu.memory_space<hbm>> -> memref<1x80x2x128xi32, #tpu.memory_space<hbm>>
      %dma_wait3A_63 = tpu.memref_squeeze %dma_wait3A_62 : memref<1x80x2x128xi32, #tpu.memory_space<hbm>> -> memref<80x2x128xi32, #tpu.memory_space<hbm>>
      tpu.wait_dma2 semaphore(%run_scoped3A : memref<!tpu.dma_semaphore, #tpu.memory_space<semaphore_mem>>) src(%dma_wait3A_63 : memref<80x2x128xi32, #tpu.memory_space<hbm>>) dst(%arg4 : memref<80x2x128xi32, #tpu.memory_space<vmem>>)
      tpu.yield
    }) : () -> ()
    %scan3A_27 = arith.constant 0 : i32
    %scan3A_28 = arith.constant 0 : i32
    %scan3A_29 = arith.constant 128 : i32
    %scan3A_30 = arith.addi %scan3A_28, %scan3A_29 : i32
    %scan3A_31 = arith.constant 1 : i32
    %scan3A_32 = scf.for %scan3A_46 = %scan3A_28 to %scan3A_30 step %scan3A_31 iter_args(%scan3A_47 = %scan3A_27) -> (i32)  : i32 {
      %broadcast_in_dim3A = arith.constant 1.000000e+00 : f32
      %broadcast_in_dim3A_48 = vector.broadcast %broadcast_in_dim3A : f32 to vector<16xf32>
      %swap3A = arith.index_cast %scan3A_46 : i32 to index
      %swap3A_49 = arith.constant 0 : index
      %swap3A_50 = tpu.vector_load %arg5[%swap3A, %swap3A_49] {strides = array<i32>} : memref<128x16xf32, #tpu.memory_space<vmem>>, vector<1x16xf32>,
      %swap3A_51 = vector.shape_cast %swap3A_50 : vector<1x16xf32> to vector<16xf32>
      %swap3A_52 = vector.shape_cast %broadcast_in_dim3A_48 : vector<16xf32> to vector<1x16xf32>
      tpu.vector_store %arg5[%swap3A, %swap3A_49], %swap3A_52 {strides = array<i32>} : memref<128x16xf32, #tpu.memory_space<vmem>>, vector<1x16xf32>,
      %scan3A_53 = arith.constant 0 : i32
      scf.yield %scan3A_53 : i32
    }
    %scan3A_33 = arith.constant 128 : i32
    %barrier3A = arith.constant 0 : index
    tpu.barrier barrier_id(%barrier3A)
    %scan3A_34 = arith.constant 0 : i32
    %scan3A_35 = arith.constant 0 : i32
    %scan3A_36 = arith.constant 80 : i32
    %scan3A_37 = arith.addi %scan3A_35, %scan3A_36 : i32
    %scan3A_38 = arith.constant 1 : i32
    %scan3A_39 = scf.for %scan3A_46 = %scan3A_35 to %scan3A_37 step %scan3A_38 iter_args(%scan3A_47 = %scan3A_34) -> (i32)  : i32 {
      %run_scoped3A = arith.constant 1 : i32
      "tpu.region"() ({
        %run_scoped3A_49 = tpu.sem_alloc : memref<!tpu.dma_semaphore, #tpu.memory_space<semaphore_mem>>
        %dma_start3A = arith.constant 0 : i32
        %dma_start3A_50 = tpu.memref_slice %arg4[%scan3A_46, %run_scoped3A, %dma_start3A] : memref<80x2x128xi32, #tpu.memory_space<vmem>> -> memref<1x1x128xi32, #tpu.memory_space<vmem>>
        %dma_start3A_51 = tpu.memref_squeeze %dma_start3A_50 : memref<1x1x128xi32, #tpu.memory_space<vmem>> -> memref<128xi32, #tpu.memory_space<vmem>>
        %dma_start3A_52 = arith.constant 0 : i32
        %dma_start3A_53 = arith.constant 0 : i32
        %dma_start3A_54 = tpu.memref_slice %arg6[%dma_start3A_52, %dma_start3A_53] : memref<10240x16xf32, #tpu.memory_space<vmem_shared>> -> memref<10240x16xf32, #tpu.memory_space<vmem_shared>>
        tpu.enqueue_indirect_dma source(%arg5 : memref<128x16xf32, #tpu.memory_space<vmem>>) target(%dma_start3A_54 : memref<10240x16xf32, #tpu.memory_space<vmem_shared>>) offsets(%dma_start3A_51 : memref<128xi32, #tpu.memory_space<vmem>>) semaphore(%run_scoped3A_49 : memref<!tpu.dma_semaphore, #tpu.memory_space<semaphore_mem>>) {add = true}
        %dma_wait3A = arith.constant 0 : i32
        %dma_wait3A_55 = tpu.memref_slice %arg4[%scan3A_46, %run_scoped3A, %dma_wait3A] : memref<80x2x128xi32, #tpu.memory_space<vmem>> -> memref<1x1x128xi32, #tpu.memory_space<vmem>>
        %dma_wait3A_56 = tpu.memref_squeeze %dma_wait3A_55 : memref<1x1x128xi32, #tpu.memory_space<vmem>> -> memref<128xi32, #tpu.memory_space<vmem>>
        %dma_wait3A_57 = arith.constant 0 : i32
        %dma_wait3A_58 = arith.constant 0 : i32
        %dma_wait3A_59 = tpu.memref_slice %arg6[%dma_wait3A_57, %dma_wait3A_58] : memref<10240x16xf32, #tpu.memory_space<vmem_shared>> -> memref<10240x16xf32, #tpu.memory_space<vmem_shared>>
        tpu.wait_indirect_dma semaphore(%run_scoped3A_49 : memref<!tpu.dma_semaphore, #tpu.memory_space<semaphore_mem>>) src(%arg5 : memref<128x16xf32, #tpu.memory_space<vmem>>) dst(%dma_wait3A_59 : memref<10240x16xf32, #tpu.memory_space<vmem_shared>>)
        tpu.yield
      }) : () -> ()
      %scan3A_48 = arith.constant 0 : i32
      scf.yield %scan3A_48 : i32
    }
    %scan3A_40 = arith.constant 80 : i32
    %barrier3A_41 = arith.constant 0 : index
    tpu.barrier barrier_id(%barrier3A_41)
    %mul3A_42 = arith.constant 640 : i32
    %mul3A_43 = arith.muli %arg1, %mul3A_42 : i32
    %mul3A_44 = arith.constant 640 : i32
    %mul3A_45 = arith.muli %arg1, %mul3A_44 : i32
    "tpu.region"() ({
      %run_scoped3A = tpu.sem_alloc : memref<!tpu.dma_semaphore, #tpu.memory_space<semaphore_mem>>
      %dma_start3A = arith.constant 0 : i32
      %dma_start3A_46 = tpu.memref_slice %arg3[%arg0, %mul3A_45, %dma_start3A] : memref<2x10240x16xf32, #tpu.memory_space<hbm>> -> memref<1x640x16xf32, #tpu.memory_space<hbm>>
      %dma_start3A_47 = tpu.memref_squeeze %dma_start3A_46 : memref<1x640x16xf32, #tpu.memory_space<hbm>> -> memref<640x16xf32, #tpu.memory_space<hbm>>
      %dma_start3A_48 = arith.constant 0 : i32
      %dma_start3A_49 = tpu.memref_slice %arg6[%mul3A_43, %dma_start3A_48] : memref<10240x16xf32, #tpu.memory_space<vmem_shared>> -> memref<640x16xf32, #tpu.memory_space<vmem_shared>>
      tpu.enqueue_dma source(%dma_start3A_49 : memref<640x16xf32, #tpu.memory_space<vmem_shared>>) target(%dma_start3A_47 : memref<640x16xf32, #tpu.memory_space<hbm>>) target_semaphore(%run_scoped3A : memref<!tpu.dma_semaphore, #tpu.memory_space<semaphore_mem>>)
      %dma_wait3A = arith.constant 0 : i32
      %dma_wait3A_50 = tpu.memref_slice %arg3[%arg0, %mul3A_45, %dma_wait3A] : memref<2x10240x16xf32, #tpu.memory_space<hbm>> -> memref<1x640x16xf32, #tpu.memory_space<hbm>>
      %dma_wait3A_51 = tpu.memref_squeeze %dma_wait3A_50 : memref<1x640x16xf32, #tpu.memory_space<hbm>> -> memref<640x16xf32, #tpu.memory_space<hbm>>
      %dma_wait3A_52 = arith.constant 0 : i32
      %dma_wait3A_53 = tpu.memref_slice %arg6[%mul3A_43, %dma_wait3A_52] : memref<10240x16xf32, #tpu.memory_space<vmem_shared>> -> memref<640x16xf32, #tpu.memory_space<vmem_shared>>
      tpu.wait_dma2 semaphore(%run_scoped3A : memref<!tpu.dma_semaphore, #tpu.memory_space<semaphore_mem>>) src(%dma_wait3A_53 : memref<640x16xf32, #tpu.memory_space<vmem_shared>>) dst(%dma_wait3A_51 : memref<640x16xf32, #tpu.memory_space<hbm>>)
      tpu.yield
    }) : () -> ()
    return
  }
}

#map = affine_map<(d0, d1) -> (0, 0)>
#map1 = affine_map<(d0, d1) -> (0, 0, 0, 0)>
#map2 = affine_map<(d0, d1) -> (0, 0, 0)>
module attributes {stable_mosaic.version = 14 : i64} {
  func.func @k(%arg0: i32, %arg1: i32, %arg2: memref<10240x128xf32, #tpu.memory_space<hbm>>, %arg3: memref<32x80x2x128xi32, #tpu.memory_space<hbm>>, %arg4: memref<2x10240x128xf32, #tpu.memory_space<hbm>>, %arg5: memref<16x2x128xi32, #tpu.memory_space<vmem>>, %arg6: memref<128x128xf32, #tpu.memory_space<vmem>>, %arg7: memref<128x128xf32, #tpu.memory_space<vmem>>, %arg8: memref<10240x128xf32, #tpu.memory_space<vmem_shared>>, %arg9: memref<!tpu.dma_semaphore, #tpu.memory_space<semaphore_mem>>, %arg10: memref<!tpu.dma_semaphore, #tpu.memory_space<semaphore_mem>>) attributes {dimension_semantics = [#tpu.dimension_semantics<core_parallel>, #tpu.dimension_semantics<subcore_parallel>], iteration_bounds = array<i64: 2, 16>, scalar_prefetch = 0 : i64, scratch_operands = 6 : i64, tpu.core_type = #tpu.core_type<sc_vector_subcore>, window_params = [{transform_indices = #map}, {transform_indices = #map1}, {transform_indices = #map2}]} {
    %mul3A = arith.constant 2 : i32
    %mul3A_0 = arith.muli %arg1, %mul3A : i32
    %add3A = arith.addi %mul3A_0, %arg0 : i32
    %mul3A_1 = arith.constant 640 : i32
    %mul3A_2 = arith.muli %arg1, %mul3A_1 : i32
    %mul3A_3 = arith.constant 640 : i32
    %mul3A_4 = arith.muli %arg1, %mul3A_3 : i32
    "tpu.region"() ({
      %run_scoped3A = tpu.sem_alloc : memref<!tpu.dma_semaphore, #tpu.memory_space<semaphore_mem>>
      %dma_start3A = arith.constant 0 : i32
      %dma_start3A_16 = tpu.memref_slice %arg8[%mul3A_4, %dma_start3A] : memref<10240x128xf32, #tpu.memory_space<vmem_shared>> -> memref<640x128xf32, #tpu.memory_space<vmem_shared>>
      %dma_start3A_17 = arith.constant 0 : i32
      %dma_start3A_18 = tpu.memref_slice %arg2[%mul3A_2, %dma_start3A_17] : memref<10240x128xf32, #tpu.memory_space<hbm>> -> memref<640x128xf32, #tpu.memory_space<hbm>>
      tpu.enqueue_dma source(%dma_start3A_18 : memref<640x128xf32, #tpu.memory_space<hbm>>) target(%dma_start3A_16 : memref<640x128xf32, #tpu.memory_space<vmem_shared>>) target_semaphore(%run_scoped3A : memref<!tpu.dma_semaphore, #tpu.memory_space<semaphore_mem>>)
      %dma_wait3A = arith.constant 0 : i32
      %dma_wait3A_19 = tpu.memref_slice %arg8[%mul3A_4, %dma_wait3A] : memref<10240x128xf32, #tpu.memory_space<vmem_shared>> -> memref<640x128xf32, #tpu.memory_space<vmem_shared>>
      %dma_wait3A_20 = arith.constant 0 : i32
      %dma_wait3A_21 = tpu.memref_slice %arg2[%mul3A_2, %dma_wait3A_20] : memref<10240x128xf32, #tpu.memory_space<hbm>> -> memref<640x128xf32, #tpu.memory_space<hbm>>
      tpu.wait_dma2 semaphore(%run_scoped3A : memref<!tpu.dma_semaphore, #tpu.memory_space<semaphore_mem>>) src(%dma_wait3A_21 : memref<640x128xf32, #tpu.memory_space<hbm>>) dst(%dma_wait3A_19 : memref<640x128xf32, #tpu.memory_space<vmem_shared>>)
      tpu.yield
    }) : () -> ()
    %barrier3A = arith.constant 0 : index
    tpu.barrier barrier_id(%barrier3A)
    %scan3A = arith.constant 0 : i32
    %scan3A_5 = arith.constant 0 : i32
    %scan3A_6 = arith.constant 5 : i32
    %scan3A_7 = arith.addi %scan3A_5, %scan3A_6 : i32
    %scan3A_8 = arith.constant 1 : i32
    %scan3A_9 = scf.for %scan3A_16 = %scan3A_5 to %scan3A_7 step %scan3A_8 iter_args(%scan3A_17 = %scan3A) -> (i32)  : i32 {
      %mul3A_18 = arith.constant 16 : i32
      %mul3A_19 = arith.muli %scan3A_16, %mul3A_18 : i32
      "tpu.region"() ({
        %run_scoped3A_306 = tpu.sem_alloc : memref<!tpu.dma_semaphore, #tpu.memory_space<semaphore_mem>>
        %dma_start3A_307 = arith.constant 0 : i32
        %dma_start3A_308 = arith.constant 0 : i32
        %dma_start3A_309 = tpu.memref_slice %arg3[%add3A, %mul3A_19, %dma_start3A_307, %dma_start3A_308] : memref<32x80x2x128xi32, #tpu.memory_space<hbm>> -> memref<1x16x2x128xi32, #tpu.memory_space<hbm>>
        %dma_start3A_310 = tpu.memref_squeeze %dma_start3A_309 : memref<1x16x2x128xi32, #tpu.memory_space<hbm>> -> memref<16x2x128xi32, #tpu.memory_space<hbm>>
        %dma_start3A_311 = arith.constant 0 : i32
        %dma_start3A_312 = arith.constant 0 : i32
        %dma_start3A_313 = tpu.memref_slice %arg3[%add3A, %mul3A_19, %dma_start3A_311, %dma_start3A_312] : memref<32x80x2x128xi32, #tpu.memory_space<hbm>> -> memref<1x16x2x128xi32, #tpu.memory_space<hbm>>
        %dma_start3A_314 = tpu.memref_squeeze %dma_start3A_313 : memref<1x16x2x128xi32, #tpu.memory_space<hbm>> -> memref<16x2x128xi32, #tpu.memory_space<hbm>>
        tpu.enqueue_dma source(%dma_start3A_314 : memref<16x2x128xi32, #tpu.memory_space<hbm>>) target(%arg5 : memref<16x2x128xi32, #tpu.memory_space<vmem>>) target_semaphore(%run_scoped3A_306 : memref<!tpu.dma_semaphore, #tpu.memory_space<semaphore_mem>>)
        %dma_wait3A_315 = arith.constant 0 : i32
        %dma_wait3A_316 = arith.constant 0 : i32
        %dma_wait3A_317 = tpu.memref_slice %arg3[%add3A, %mul3A_19, %dma_wait3A_315, %dma_wait3A_316] : memref<32x80x2x128xi32, #tpu.memory_space<hbm>> -> memref<1x16x2x128xi32, #tpu.memory_space<hbm>>
        %dma_wait3A_318 = tpu.memref_squeeze %dma_wait3A_317 : memref<1x16x2x128xi32, #tpu.memory_space<hbm>> -> memref<16x2x128xi32, #tpu.memory_space<hbm>>
        %dma_wait3A_319 = arith.constant 0 : i32
        %dma_wait3A_320 = arith.constant 0 : i32
        %dma_wait3A_321 = tpu.memref_slice %arg3[%add3A, %mul3A_19, %dma_wait3A_319, %dma_wait3A_320] : memref<32x80x2x128xi32, #tpu.memory_space<hbm>> -> memref<1x16x2x128xi32, #tpu.memory_space<hbm>>
        %dma_wait3A_322 = tpu.memref_squeeze %dma_wait3A_321 : memref<1x16x2x128xi32, #tpu.memory_space<hbm>> -> memref<16x2x128xi32, #tpu.memory_space<hbm>>
        tpu.wait_dma2 semaphore(%run_scoped3A_306 : memref<!tpu.dma_semaphore, #tpu.memory_space<semaphore_mem>>) src(%dma_wait3A_322 : memref<16x2x128xi32, #tpu.memory_space<hbm>>) dst(%arg5 : memref<16x2x128xi32, #tpu.memory_space<vmem>>)
        tpu.yield
      }) : () -> ()
      %dma_start3A = arith.constant 0 : i32
      %dma_start3A_20 = arith.constant 0 : i32
      %dma_start3A_21 = arith.constant 0 : i32
      %dma_start3A_22 = tpu.memref_slice %arg5[%dma_start3A, %dma_start3A_20, %dma_start3A_21] : memref<16x2x128xi32, #tpu.memory_space<vmem>> -> memref<1x1x128xi32, #tpu.memory_space<vmem>>
      %dma_start3A_23 = tpu.memref_squeeze %dma_start3A_22 : memref<1x1x128xi32, #tpu.memory_space<vmem>> -> memref<128xi32, #tpu.memory_space<vmem>>
      %dma_start3A_24 = arith.constant 0 : i32
      %dma_start3A_25 = arith.constant 0 : i32
      %dma_start3A_26 = tpu.memref_slice %arg2[%dma_start3A_24, %dma_start3A_25] : memref<10240x128xf32, #tpu.memory_space<hbm>> -> memref<10240x128xf32, #tpu.memory_space<hbm>>
      tpu.enqueue_indirect_dma source(%dma_start3A_26 : memref<10240x128xf32, #tpu.memory_space<hbm>>) target(%arg6 : memref<128x128xf32, #tpu.memory_space<vmem>>) offsets(%dma_start3A_23 : memref<128xi32, #tpu.memory_space<vmem>>) semaphore(%arg9 : memref<!tpu.dma_semaphore, #tpu.memory_space<semaphore_mem>>)
      %dma_start3A_27 = arith.constant 1 : i32
      %dma_start3A_28 = arith.constant 0 : i32
      %dma_start3A_29 = arith.constant 0 : i32
      %dma_start3A_30 = tpu.memref_slice %arg5[%dma_start3A_27, %dma_start3A_28, %dma_start3A_29] : memref<16x2x128xi32, #tpu.memory_space<vmem>> -> memref<1x1x128xi32, #tpu.memory_space<vmem>>
      %dma_start3A_31 = tpu.memref_squeeze %dma_start3A_30 : memref<1x1x128xi32, #tpu.memory_space<vmem>> -> memref<128xi32, #tpu.memory_space<vmem>>
      %dma_start3A_32 = arith.constant 0 : i32
      %dma_start3A_33 = arith.constant 0 : i32
      %dma_start3A_34 = tpu.memref_slice %arg2[%dma_start3A_32, %dma_start3A_33] : memref<10240x128xf32, #tpu.memory_space<hbm>> -> memref<10240x128xf32, #tpu.memory_space<hbm>>
      tpu.enqueue_indirect_dma source(%dma_start3A_34 : memref<10240x128xf32, #tpu.memory_space<hbm>>) target(%arg7 : memref<128x128xf32, #tpu.memory_space<vmem>>) offsets(%dma_start3A_31 : memref<128xi32, #tpu.memory_space<vmem>>) semaphore(%arg10 : memref<!tpu.dma_semaphore, #tpu.memory_space<semaphore_mem>>)
      %dma_wait3A = arith.constant 0 : i32
      %dma_wait3A_35 = arith.constant 0 : i32
      %dma_wait3A_36 = arith.constant 0 : i32
      %dma_wait3A_37 = tpu.memref_slice %arg5[%dma_wait3A, %dma_wait3A_35, %dma_wait3A_36] : memref<16x2x128xi32, #tpu.memory_space<vmem>> -> memref<1x1x128xi32, #tpu.memory_space<vmem>>
      %dma_wait3A_38 = tpu.memref_squeeze %dma_wait3A_37 : memref<1x1x128xi32, #tpu.memory_space<vmem>> -> memref<128xi32, #tpu.memory_space<vmem>>
      %dma_wait3A_39 = arith.constant 0 : i32
      %dma_wait3A_40 = arith.constant 0 : i32
      %dma_wait3A_41 = tpu.memref_slice %arg2[%dma_wait3A_39, %dma_wait3A_40] : memref<10240x128xf32, #tpu.memory_space<hbm>> -> memref<10240x128xf32, #tpu.memory_space<hbm>>
      tpu.wait_indirect_dma semaphore(%arg9 : memref<!tpu.dma_semaphore, #tpu.memory_space<semaphore_mem>>) src(%dma_wait3A_41 : memref<10240x128xf32, #tpu.memory_space<hbm>>) dst(%arg6 : memref<128x128xf32, #tpu.memory_space<vmem>>)
      %run_scoped3A = arith.constant 0 : i32
      %run_scoped3A_42 = arith.constant 1 : i32
      "tpu.region"() ({
        %run_scoped3A_306 = tpu.sem_alloc : memref<!tpu.dma_semaphore, #tpu.memory_space<semaphore_mem>>
        %dma_start3A_307 = arith.constant 0 : i32
        %dma_start3A_308 = tpu.memref_slice %arg5[%run_scoped3A, %run_scoped3A_42, %dma_start3A_307] : memref<16x2x128xi32, #tpu.memory_space<vmem>> -> memref<1x1x128xi32, #tpu.memory_space<vmem>>
        %dma_start3A_309 = tpu.memref_squeeze %dma_start3A_308 : memref<1x1x128xi32, #tpu.memory_space<vmem>> -> memref<128xi32, #tpu.memory_space<vmem>>
        %dma_start3A_310 = arith.constant 0 : i32
        %dma_start3A_311 = arith.constant 0 : i32
        %dma_start3A_312 = tpu.memref_slice %arg8[%dma_start3A_310, %dma_start3A_311] : memref<10240x128xf32, #tpu.memory_space<vmem_shared>> -> memref<10240x128xf32, #tpu.memory_space<vmem_shared>>
        tpu.enqueue_indirect_dma source(%arg6 : memref<128x128xf32, #tpu.memory_space<vmem>>) target(%dma_start3A_312 : memref<10240x128xf32, #tpu.memory_space<vmem_shared>>) offsets(%dma_start3A_309 : memref<128xi32, #tpu.memory_space<vmem>>) semaphore(%run_scoped3A_306 : memref<!tpu.dma_semaphore, #tpu.memory_space<semaphore_mem>>) {add = true}
        %dma_wait3A_313 = arith.constant 0 : i32
        %dma_wait3A_314 = tpu.memref_slice %arg5[%run_scoped3A, %run_scoped3A_42, %dma_wait3A_313] : memref<16x2x128xi32, #tpu.memory_space<vmem>> -> memref<1x1x128xi32, #tpu.memory_space<vmem>>
        %dma_wait3A_315 = tpu.memref_squeeze %dma_wait3A_314 : memref<1x1x128xi32, #tpu.memory_space<vmem>> -> memref<128xi32, #tpu.memory_space<vmem>>
        %dma_wait3A_316 = arith.constant 0 : i32
        %dma_wait3A_317 = arith.constant 0 : i32
        %dma_wait3A_318 = tpu.memref_slice %arg8[%dma_wait3A_316, %dma_wait3A_317] : memref<10240x128xf32, #tpu.memory_space<vmem_shared>> -> memref<10240x128xf32, #tpu.memory_space<vmem_shared>>
        tpu.wait_indirect_dma semaphore(%run_scoped3A_306 : memref<!tpu.dma_semaphore, #tpu.memory_space<semaphore_mem>>) src(%arg6 : memref<128x128xf32, #tpu.memory_space<vmem>>) dst(%dma_wait3A_318 : memref<10240x128xf32, #tpu.memory_space<vmem_shared>>)
        tpu.yield
      }) : () -> ()
      %dma_start3A_43 = arith.constant 2 : i32
      %dma_start3A_44 = arith.constant 0 : i32
      %dma_start3A_45 = arith.constant 0 : i32
      %dma_start3A_46 = tpu.memref_slice %arg5[%dma_start3A_43, %dma_start3A_44, %dma_start3A_45] : memref<16x2x128xi32, #tpu.memory_space<vmem>> -> memref<1x1x128xi32, #tpu.memory_space<vmem>>
      %dma_start3A_47 = tpu.memref_squeeze %dma_start3A_46 : memref<1x1x128xi32, #tpu.memory_space<vmem>> -> memref<128xi32, #tpu.memory_space<vmem>>
      %dma_start3A_48 = arith.constant 0 : i32
      %dma_start3A_49 = arith.constant 0 : i32
      %dma_start3A_50 = tpu.memref_slice %arg2[%dma_start3A_48, %dma_start3A_49] : memref<10240x128xf32, #tpu.memory_space<hbm>> -> memref<10240x128xf32, #tpu.memory_space<hbm>>
      tpu.enqueue_indirect_dma source(%dma_start3A_50 : memref<10240x128xf32, #tpu.memory_space<hbm>>) target(%arg6 : memref<128x128xf32, #tpu.memory_space<vmem>>) offsets(%dma_start3A_47 : memref<128xi32, #tpu.memory_space<vmem>>) semaphore(%arg9 : memref<!tpu.dma_semaphore, #tpu.memory_space<semaphore_mem>>)
      %dma_wait3A_51 = arith.constant 1 : i32
      %dma_wait3A_52 = arith.constant 0 : i32
      %dma_wait3A_53 = arith.constant 0 : i32
      %dma_wait3A_54 = tpu.memref_slice %arg5[%dma_wait3A_51, %dma_wait3A_52, %dma_wait3A_53] : memref<16x2x128xi32, #tpu.memory_space<vmem>> -> memref<1x1x128xi32, #tpu.memory_space<vmem>>
      %dma_wait3A_55 = tpu.memref_squeeze %dma_wait3A_54 : memref<1x1x128xi32, #tpu.memory_space<vmem>> -> memref<128xi32, #tpu.memory_space<vmem>>
      %dma_wait3A_56 = arith.constant 0 : i32
      %dma_wait3A_57 = arith.constant 0 : i32
      %dma_wait3A_58 = tpu.memref_slice %arg2[%dma_wait3A_56, %dma_wait3A_57] : memref<10240x128xf32, #tpu.memory_space<hbm>> -> memref<10240x128xf32, #tpu.memory_space<hbm>>
      tpu.wait_indirect_dma semaphore(%arg10 : memref<!tpu.dma_semaphore, #tpu.memory_space<semaphore_mem>>) src(%dma_wait3A_58 : memref<10240x128xf32, #tpu.memory_space<hbm>>) dst(%arg7 : memref<128x128xf32, #tpu.memory_space<vmem>>)
      %run_scoped3A_59 = arith.constant 1 : i32
      %run_scoped3A_60 = arith.constant 1 : i32
      "tpu.region"() ({
        %run_scoped3A_306 = tpu.sem_alloc : memref<!tpu.dma_semaphore, #tpu.memory_space<semaphore_mem>>
        %dma_start3A_307 = arith.constant 0 : i32
        %dma_start3A_308 = tpu.memref_slice %arg5[%run_scoped3A_59, %run_scoped3A_60, %dma_start3A_307] : memref<16x2x128xi32, #tpu.memory_space<vmem>> -> memref<1x1x128xi32, #tpu.memory_space<vmem>>
        %dma_start3A_309 = tpu.memref_squeeze %dma_start3A_308 : memref<1x1x128xi32, #tpu.memory_space<vmem>> -> memref<128xi32, #tpu.memory_space<vmem>>
        %dma_start3A_310 = arith.constant 0 : i32
        %dma_start3A_311 = arith.constant 0 : i32
        %dma_start3A_312 = tpu.memref_slice %arg8[%dma_start3A_310, %dma_start3A_311] : memref<10240x128xf32, #tpu.memory_space<vmem_shared>> -> memref<10240x128xf32, #tpu.memory_space<vmem_shared>>
        tpu.enqueue_indirect_dma source(%arg7 : memref<128x128xf32, #tpu.memory_space<vmem>>) target(%dma_start3A_312 : memref<10240x128xf32, #tpu.memory_space<vmem_shared>>) offsets(%dma_start3A_309 : memref<128xi32, #tpu.memory_space<vmem>>) semaphore(%run_scoped3A_306 : memref<!tpu.dma_semaphore, #tpu.memory_space<semaphore_mem>>) {add = true}
        %dma_wait3A_313 = arith.constant 0 : i32
        %dma_wait3A_314 = tpu.memref_slice %arg5[%run_scoped3A_59, %run_scoped3A_60, %dma_wait3A_313] : memref<16x2x128xi32, #tpu.memory_space<vmem>> -> memref<1x1x128xi32, #tpu.memory_space<vmem>>
        %dma_wait3A_315 = tpu.memref_squeeze %dma_wait3A_314 : memref<1x1x128xi32, #tpu.memory_space<vmem>> -> memref<128xi32, #tpu.memory_space<vmem>>
        %dma_wait3A_316 = arith.constant 0 : i32
        %dma_wait3A_317 = arith.constant 0 : i32
        %dma_wait3A_318 = tpu.memref_slice %arg8[%dma_wait3A_316, %dma_wait3A_317] : memref<10240x128xf32, #tpu.memory_space<vmem_shared>> -> memref<10240x128xf32, #tpu.memory_space<vmem_shared>>
        tpu.wait_indirect_dma semaphore(%run_scoped3A_306 : memref<!tpu.dma_semaphore, #tpu.memory_space<semaphore_mem>>) src(%arg7 : memref<128x128xf32, #tpu.memory_space<vmem>>) dst(%dma_wait3A_318 : memref<10240x128xf32, #tpu.memory_space<vmem_shared>>)
        tpu.yield
      }) : () -> ()
      %dma_start3A_61 = arith.constant 3 : i32
      %dma_start3A_62 = arith.constant 0 : i32
      %dma_start3A_63 = arith.constant 0 : i32
      %dma_start3A_64 = tpu.memref_slice %arg5[%dma_start3A_61, %dma_start3A_62, %dma_start3A_63] : memref<16x2x128xi32, #tpu.memory_space<vmem>> -> memref<1x1x128xi32, #tpu.memory_space<vmem>>
      %dma_start3A_65 = tpu.memref_squeeze %dma_start3A_64 : memref<1x1x128xi32, #tpu.memory_space<vmem>> -> memref<128xi32, #tpu.memory_space<vmem>>
      %dma_start3A_66 = arith.constant 0 : i32
      %dma_start3A_67 = arith.constant 0 : i32
      %dma_start3A_68 = tpu.memref_slice %arg2[%dma_start3A_66, %dma_start3A_67] : memref<10240x128xf32, #tpu.memory_space<hbm>> -> memref<10240x128xf32, #tpu.memory_space<hbm>>
      tpu.enqueue_indirect_dma source(%dma_start3A_68 : memref<10240x128xf32, #tpu.memory_space<hbm>>) target(%arg7 : memref<128x128xf32, #tpu.memory_space<vmem>>) offsets(%dma_start3A_65 : memref<128xi32, #tpu.memory_space<vmem>>) semaphore(%arg10 : memref<!tpu.dma_semaphore, #tpu.memory_space<semaphore_mem>>)
      %dma_wait3A_69 = arith.constant 2 : i32
      %dma_wait3A_70 = arith.constant 0 : i32
      %dma_wait3A_71 = arith.constant 0 : i32
      %dma_wait3A_72 = tpu.memref_slice %arg5[%dma_wait3A_69, %dma_wait3A_70, %dma_wait3A_71] : memref<16x2x128xi32, #tpu.memory_space<vmem>> -> memref<1x1x128xi32, #tpu.memory_space<vmem>>
      %dma_wait3A_73 = tpu.memref_squeeze %dma_wait3A_72 : memref<1x1x128xi32, #tpu.memory_space<vmem>> -> memref<128xi32, #tpu.memory_space<vmem>>
      %dma_wait3A_74 = arith.constant 0 : i32
      %dma_wait3A_75 = arith.constant 0 : i32
      %dma_wait3A_76 = tpu.memref_slice %arg2[%dma_wait3A_74, %dma_wait3A_75] : memref<10240x128xf32, #tpu.memory_space<hbm>> -> memref<10240x128xf32, #tpu.memory_space<hbm>>
      tpu.wait_indirect_dma semaphore(%arg9 : memref<!tpu.dma_semaphore, #tpu.memory_space<semaphore_mem>>) src(%dma_wait3A_76 : memref<10240x128xf32, #tpu.memory_space<hbm>>) dst(%arg6 : memref<128x128xf32, #tpu.memory_space<vmem>>)
      %run_scoped3A_77 = arith.constant 2 : i32
      %run_scoped3A_78 = arith.constant 1 : i32
      "tpu.region"() ({
        %run_scoped3A_306 = tpu.sem_alloc : memref<!tpu.dma_semaphore, #tpu.memory_space<semaphore_mem>>
        %dma_start3A_307 = arith.constant 0 : i32
        %dma_start3A_308 = tpu.memref_slice %arg5[%run_scoped3A_77, %run_scoped3A_78, %dma_start3A_307] : memref<16x2x128xi32, #tpu.memory_space<vmem>> -> memref<1x1x128xi32, #tpu.memory_space<vmem>>
        %dma_start3A_309 = tpu.memref_squeeze %dma_start3A_308 : memref<1x1x128xi32, #tpu.memory_space<vmem>> -> memref<128xi32, #tpu.memory_space<vmem>>
        %dma_start3A_310 = arith.constant 0 : i32
        %dma_start3A_311 = arith.constant 0 : i32
        %dma_start3A_312 = tpu.memref_slice %arg8[%dma_start3A_310, %dma_start3A_311] : memref<10240x128xf32, #tpu.memory_space<vmem_shared>> -> memref<10240x128xf32, #tpu.memory_space<vmem_shared>>
        tpu.enqueue_indirect_dma source(%arg6 : memref<128x128xf32, #tpu.memory_space<vmem>>) target(%dma_start3A_312 : memref<10240x128xf32, #tpu.memory_space<vmem_shared>>) offsets(%dma_start3A_309 : memref<128xi32, #tpu.memory_space<vmem>>) semaphore(%run_scoped3A_306 : memref<!tpu.dma_semaphore, #tpu.memory_space<semaphore_mem>>) {add = true}
        %dma_wait3A_313 = arith.constant 0 : i32
        %dma_wait3A_314 = tpu.memref_slice %arg5[%run_scoped3A_77, %run_scoped3A_78, %dma_wait3A_313] : memref<16x2x128xi32, #tpu.memory_space<vmem>> -> memref<1x1x128xi32, #tpu.memory_space<vmem>>
        %dma_wait3A_315 = tpu.memref_squeeze %dma_wait3A_314 : memref<1x1x128xi32, #tpu.memory_space<vmem>> -> memref<128xi32, #tpu.memory_space<vmem>>
        %dma_wait3A_316 = arith.constant 0 : i32
        %dma_wait3A_317 = arith.constant 0 : i32
        %dma_wait3A_318 = tpu.memref_slice %arg8[%dma_wait3A_316, %dma_wait3A_317] : memref<10240x128xf32, #tpu.memory_space<vmem_shared>> -> memref<10240x128xf32, #tpu.memory_space<vmem_shared>>
        tpu.wait_indirect_dma semaphore(%run_scoped3A_306 : memref<!tpu.dma_semaphore, #tpu.memory_space<semaphore_mem>>) src(%arg6 : memref<128x128xf32, #tpu.memory_space<vmem>>) dst(%dma_wait3A_318 : memref<10240x128xf32, #tpu.memory_space<vmem_shared>>)
        tpu.yield
      }) : () -> ()
      %dma_start3A_79 = arith.constant 4 : i32
      %dma_start3A_80 = arith.constant 0 : i32
      %dma_start3A_81 = arith.constant 0 : i32
      %dma_start3A_82 = tpu.memref_slice %arg5[%dma_start3A_79, %dma_start3A_80, %dma_start3A_81] : memref<16x2x128xi32, #tpu.memory_space<vmem>> -> memref<1x1x128xi32, #tpu.memory_space<vmem>>
      %dma_start3A_83 = tpu.memref_squeeze %dma_start3A_82 : memref<1x1x128xi32, #tpu.memory_space<vmem>> -> memref<128xi32, #tpu.memory_space<vmem>>
      %dma_start3A_84 = arith.constant 0 : i32
      %dma_start3A_85 = arith.constant 0 : i32
      %dma_start3A_86 = tpu.memref_slice %arg2[%dma_start3A_84, %dma_start3A_85] : memref<10240x128xf32, #tpu.memory_space<hbm>> -> memref<10240x128xf32, #tpu.memory_space<hbm>>
      tpu.enqueue_indirect_dma source(%dma_start3A_86 : memref<10240x128xf32, #tpu.memory_space<hbm>>) target(%arg6 : memref<128x128xf32, #tpu.memory_space<vmem>>) offsets(%dma_start3A_83 : memref<128xi32, #tpu.memory_space<vmem>>) semaphore(%arg9 : memref<!tpu.dma_semaphore, #tpu.memory_space<semaphore_mem>>)
      %dma_wait3A_87 = arith.constant 3 : i32
      %dma_wait3A_88 = arith.constant 0 : i32
      %dma_wait3A_89 = arith.constant 0 : i32
      %dma_wait3A_90 = tpu.memref_slice %arg5[%dma_wait3A_87, %dma_wait3A_88, %dma_wait3A_89] : memref<16x2x128xi32, #tpu.memory_space<vmem>> -> memref<1x1x128xi32, #tpu.memory_space<vmem>>
      %dma_wait3A_91 = tpu.memref_squeeze %dma_wait3A_90 : memref<1x1x128xi32, #tpu.memory_space<vmem>> -> memref<128xi32, #tpu.memory_space<vmem>>
      %dma_wait3A_92 = arith.constant 0 : i32
      %dma_wait3A_93 = arith.constant 0 : i32
      %dma_wait3A_94 = tpu.memref_slice %arg2[%dma_wait3A_92, %dma_wait3A_93] : memref<10240x128xf32, #tpu.memory_space<hbm>> -> memref<10240x128xf32, #tpu.memory_space<hbm>>
      tpu.wait_indirect_dma semaphore(%arg10 : memref<!tpu.dma_semaphore, #tpu.memory_space<semaphore_mem>>) src(%dma_wait3A_94 : memref<10240x128xf32, #tpu.memory_space<hbm>>) dst(%arg7 : memref<128x128xf32, #tpu.memory_space<vmem>>)
      %run_scoped3A_95 = arith.constant 3 : i32
      %run_scoped3A_96 = arith.constant 1 : i32
      "tpu.region"() ({
        %run_scoped3A_306 = tpu.sem_alloc : memref<!tpu.dma_semaphore, #tpu.memory_space<semaphore_mem>>
        %dma_start3A_307 = arith.constant 0 : i32
        %dma_start3A_308 = tpu.memref_slice %arg5[%run_scoped3A_95, %run_scoped3A_96, %dma_start3A_307] : memref<16x2x128xi32, #tpu.memory_space<vmem>> -> memref<1x1x128xi32, #tpu.memory_space<vmem>>
        %dma_start3A_309 = tpu.memref_squeeze %dma_start3A_308 : memref<1x1x128xi32, #tpu.memory_space<vmem>> -> memref<128xi32, #tpu.memory_space<vmem>>
        %dma_start3A_310 = arith.constant 0 : i32
        %dma_start3A_311 = arith.constant 0 : i32
        %dma_start3A_312 = tpu.memref_slice %arg8[%dma_start3A_310, %dma_start3A_311] : memref<10240x128xf32, #tpu.memory_space<vmem_shared>> -> memref<10240x128xf32, #tpu.memory_space<vmem_shared>>
        tpu.enqueue_indirect_dma source(%arg7 : memref<128x128xf32, #tpu.memory_space<vmem>>) target(%dma_start3A_312 : memref<10240x128xf32, #tpu.memory_space<vmem_shared>>) offsets(%dma_start3A_309 : memref<128xi32, #tpu.memory_space<vmem>>) semaphore(%run_scoped3A_306 : memref<!tpu.dma_semaphore, #tpu.memory_space<semaphore_mem>>) {add = true}
        %dma_wait3A_313 = arith.constant 0 : i32
        %dma_wait3A_314 = tpu.memref_slice %arg5[%run_scoped3A_95, %run_scoped3A_96, %dma_wait3A_313] : memref<16x2x128xi32, #tpu.memory_space<vmem>> -> memref<1x1x128xi32, #tpu.memory_space<vmem>>
        %dma_wait3A_315 = tpu.memref_squeeze %dma_wait3A_314 : memref<1x1x128xi32, #tpu.memory_space<vmem>> -> memref<128xi32, #tpu.memory_space<vmem>>
        %dma_wait3A_316 = arith.constant 0 : i32
        %dma_wait3A_317 = arith.constant 0 : i32
        %dma_wait3A_318 = tpu.memref_slice %arg8[%dma_wait3A_316, %dma_wait3A_317] : memref<10240x128xf32, #tpu.memory_space<vmem_shared>> -> memref<10240x128xf32, #tpu.memory_space<vmem_shared>>
        tpu.wait_indirect_dma semaphore(%run_scoped3A_306 : memref<!tpu.dma_semaphore, #tpu.memory_space<semaphore_mem>>) src(%arg7 : memref<128x128xf32, #tpu.memory_space<vmem>>) dst(%dma_wait3A_318 : memref<10240x128xf32, #tpu.memory_space<vmem_shared>>)
        tpu.yield
      }) : () -> ()
      %dma_start3A_97 = arith.constant 5 : i32
      %dma_start3A_98 = arith.constant 0 : i32
      %dma_start3A_99 = arith.constant 0 : i32
      %dma_start3A_100 = tpu.memref_slice %arg5[%dma_start3A_97, %dma_start3A_98, %dma_start3A_99] : memref<16x2x128xi32, #tpu.memory_space<vmem>> -> memref<1x1x128xi32, #tpu.memory_space<vmem>>
      %dma_start3A_101 = tpu.memref_squeeze %dma_start3A_100 : memref<1x1x128xi32, #tpu.memory_space<vmem>> -> memref<128xi32, #tpu.memory_space<vmem>>
      %dma_start3A_102 = arith.constant 0 : i32
      %dma_start3A_103 = arith.constant 0 : i32
      %dma_start3A_104 = tpu.memref_slice %arg2[%dma_start3A_102, %dma_start3A_103] : memref<10240x128xf32, #tpu.memory_space<hbm>> -> memref<10240x128xf32, #tpu.memory_space<hbm>>
      tpu.enqueue_indirect_dma source(%dma_start3A_104 : memref<10240x128xf32, #tpu.memory_space<hbm>>) target(%arg7 : memref<128x128xf32, #tpu.memory_space<vmem>>) offsets(%dma_start3A_101 : memref<128xi32, #tpu.memory_space<vmem>>) semaphore(%arg10 : memref<!tpu.dma_semaphore, #tpu.memory_space<semaphore_mem>>)
      %dma_wait3A_105 = arith.constant 4 : i32
      %dma_wait3A_106 = arith.constant 0 : i32
      %dma_wait3A_107 = arith.constant 0 : i32
      %dma_wait3A_108 = tpu.memref_slice %arg5[%dma_wait3A_105, %dma_wait3A_106, %dma_wait3A_107] : memref<16x2x128xi32, #tpu.memory_space<vmem>> -> memref<1x1x128xi32, #tpu.memory_space<vmem>>
      %dma_wait3A_109 = tpu.memref_squeeze %dma_wait3A_108 : memref<1x1x128xi32, #tpu.memory_space<vmem>> -> memref<128xi32, #tpu.memory_space<vmem>>
      %dma_wait3A_110 = arith.constant 0 : i32
      %dma_wait3A_111 = arith.constant 0 : i32
      %dma_wait3A_112 = tpu.memref_slice %arg2[%dma_wait3A_110, %dma_wait3A_111] : memref<10240x128xf32, #tpu.memory_space<hbm>> -> memref<10240x128xf32, #tpu.memory_space<hbm>>
      tpu.wait_indirect_dma semaphore(%arg9 : memref<!tpu.dma_semaphore, #tpu.memory_space<semaphore_mem>>) src(%dma_wait3A_112 : memref<10240x128xf32, #tpu.memory_space<hbm>>) dst(%arg6 : memref<128x128xf32, #tpu.memory_space<vmem>>)
      %run_scoped3A_113 = arith.constant 4 : i32
      %run_scoped3A_114 = arith.constant 1 : i32
      "tpu.region"() ({
        %run_scoped3A_306 = tpu.sem_alloc : memref<!tpu.dma_semaphore, #tpu.memory_space<semaphore_mem>>
        %dma_start3A_307 = arith.constant 0 : i32
        %dma_start3A_308 = tpu.memref_slice %arg5[%run_scoped3A_113, %run_scoped3A_114, %dma_start3A_307] : memref<16x2x128xi32, #tpu.memory_space<vmem>> -> memref<1x1x128xi32, #tpu.memory_space<vmem>>
        %dma_start3A_309 = tpu.memref_squeeze %dma_start3A_308 : memref<1x1x128xi32, #tpu.memory_space<vmem>> -> memref<128xi32, #tpu.memory_space<vmem>>
        %dma_start3A_310 = arith.constant 0 : i32
        %dma_start3A_311 = arith.constant 0 : i32
        %dma_start3A_312 = tpu.memref_slice %arg8[%dma_start3A_310, %dma_start3A_311] : memref<10240x128xf32, #tpu.memory_space<vmem_shared>> -> memref<10240x128xf32, #tpu.memory_space<vmem_shared>>
        tpu.enqueue_indirect_dma source(%arg6 : memref<128x128xf32, #tpu.memory_space<vmem>>) target(%dma_start3A_312 : memref<10240x128xf32, #tpu.memory_space<vmem_shared>>) offsets(%dma_start3A_309 : memref<128xi32, #tpu.memory_space<vmem>>) semaphore(%run_scoped3A_306 : memref<!tpu.dma_semaphore, #tpu.memory_space<semaphore_mem>>) {add = true}
        %dma_wait3A_313 = arith.constant 0 : i32
        %dma_wait3A_314 = tpu.memref_slice %arg5[%run_scoped3A_113, %run_scoped3A_114, %dma_wait3A_313] : memref<16x2x128xi32, #tpu.memory_space<vmem>> -> memref<1x1x128xi32, #tpu.memory_space<vmem>>
        %dma_wait3A_315 = tpu.memref_squeeze %dma_wait3A_314 : memref<1x1x128xi32, #tpu.memory_space<vmem>> -> memref<128xi32, #tpu.memory_space<vmem>>
        %dma_wait3A_316 = arith.constant 0 : i32
        %dma_wait3A_317 = arith.constant 0 : i32
        %dma_wait3A_318 = tpu.memref_slice %arg8[%dma_wait3A_316, %dma_wait3A_317] : memref<10240x128xf32, #tpu.memory_space<vmem_shared>> -> memref<10240x128xf32, #tpu.memory_space<vmem_shared>>
        tpu.wait_indirect_dma semaphore(%run_scoped3A_306 : memref<!tpu.dma_semaphore, #tpu.memory_space<semaphore_mem>>) src(%arg6 : memref<128x128xf32, #tpu.memory_space<vmem>>) dst(%dma_wait3A_318 : memref<10240x128xf32, #tpu.memory_space<vmem_shared>>)
        tpu.yield
      }) : () -> ()
      %dma_start3A_115 = arith.constant 6 : i32
      %dma_start3A_116 = arith.constant 0 : i32
      %dma_start3A_117 = arith.constant 0 : i32
      %dma_start3A_118 = tpu.memref_slice %arg5[%dma_start3A_115, %dma_start3A_116, %dma_start3A_117] : memref<16x2x128xi32, #tpu.memory_space<vmem>> -> memref<1x1x128xi32, #tpu.memory_space<vmem>>
      %dma_start3A_119 = tpu.memref_squeeze %dma_start3A_118 : memref<1x1x128xi32, #tpu.memory_space<vmem>> -> memref<128xi32, #tpu.memory_space<vmem>>
      %dma_start3A_120 = arith.constant 0 : i32
      %dma_start3A_121 = arith.constant 0 : i32
      %dma_start3A_122 = tpu.memref_slice %arg2[%dma_start3A_120, %dma_start3A_121] : memref<10240x128xf32, #tpu.memory_space<hbm>> -> memref<10240x128xf32, #tpu.memory_space<hbm>>
      tpu.enqueue_indirect_dma source(%dma_start3A_122 : memref<10240x128xf32, #tpu.memory_space<hbm>>) target(%arg6 : memref<128x128xf32, #tpu.memory_space<vmem>>) offsets(%dma_start3A_119 : memref<128xi32, #tpu.memory_space<vmem>>) semaphore(%arg9 : memref<!tpu.dma_semaphore, #tpu.memory_space<semaphore_mem>>)
      %dma_wait3A_123 = arith.constant 5 : i32
      %dma_wait3A_124 = arith.constant 0 : i32
      %dma_wait3A_125 = arith.constant 0 : i32
      %dma_wait3A_126 = tpu.memref_slice %arg5[%dma_wait3A_123, %dma_wait3A_124, %dma_wait3A_125] : memref<16x2x128xi32, #tpu.memory_space<vmem>> -> memref<1x1x128xi32, #tpu.memory_space<vmem>>
      %dma_wait3A_127 = tpu.memref_squeeze %dma_wait3A_126 : memref<1x1x128xi32, #tpu.memory_space<vmem>> -> memref<128xi32, #tpu.memory_space<vmem>>
      %dma_wait3A_128 = arith.constant 0 : i32
      %dma_wait3A_129 = arith.constant 0 : i32
      %dma_wait3A_130 = tpu.memref_slice %arg2[%dma_wait3A_128, %dma_wait3A_129] : memref<10240x128xf32, #tpu.memory_space<hbm>> -> memref<10240x128xf32, #tpu.memory_space<hbm>>
      tpu.wait_indirect_dma semaphore(%arg10 : memref<!tpu.dma_semaphore, #tpu.memory_space<semaphore_mem>>) src(%dma_wait3A_130 : memref<10240x128xf32, #tpu.memory_space<hbm>>) dst(%arg7 : memref<128x128xf32, #tpu.memory_space<vmem>>)
      %run_scoped3A_131 = arith.constant 5 : i32
      %run_scoped3A_132 = arith.constant 1 : i32
      "tpu.region"() ({
        %run_scoped3A_306 = tpu.sem_alloc : memref<!tpu.dma_semaphore, #tpu.memory_space<semaphore_mem>>
        %dma_start3A_307 = arith.constant 0 : i32
        %dma_start3A_308 = tpu.memref_slice %arg5[%run_scoped3A_131, %run_scoped3A_132, %dma_start3A_307] : memref<16x2x128xi32, #tpu.memory_space<vmem>> -> memref<1x1x128xi32, #tpu.memory_space<vmem>>
        %dma_start3A_309 = tpu.memref_squeeze %dma_start3A_308 : memref<1x1x128xi32, #tpu.memory_space<vmem>> -> memref<128xi32, #tpu.memory_space<vmem>>
        %dma_start3A_310 = arith.constant 0 : i32
        %dma_start3A_311 = arith.constant 0 : i32
        %dma_start3A_312 = tpu.memref_slice %arg8[%dma_start3A_310, %dma_start3A_311] : memref<10240x128xf32, #tpu.memory_space<vmem_shared>> -> memref<10240x128xf32, #tpu.memory_space<vmem_shared>>
        tpu.enqueue_indirect_dma source(%arg7 : memref<128x128xf32, #tpu.memory_space<vmem>>) target(%dma_start3A_312 : memref<10240x128xf32, #tpu.memory_space<vmem_shared>>) offsets(%dma_start3A_309 : memref<128xi32, #tpu.memory_space<vmem>>) semaphore(%run_scoped3A_306 : memref<!tpu.dma_semaphore, #tpu.memory_space<semaphore_mem>>) {add = true}
        %dma_wait3A_313 = arith.constant 0 : i32
        %dma_wait3A_314 = tpu.memref_slice %arg5[%run_scoped3A_131, %run_scoped3A_132, %dma_wait3A_313] : memref<16x2x128xi32, #tpu.memory_space<vmem>> -> memref<1x1x128xi32, #tpu.memory_space<vmem>>
        %dma_wait3A_315 = tpu.memref_squeeze %dma_wait3A_314 : memref<1x1x128xi32, #tpu.memory_space<vmem>> -> memref<128xi32, #tpu.memory_space<vmem>>
        %dma_wait3A_316 = arith.constant 0 : i32
        %dma_wait3A_317 = arith.constant 0 : i32
        %dma_wait3A_318 = tpu.memref_slice %arg8[%dma_wait3A_316, %dma_wait3A_317] : memref<10240x128xf32, #tpu.memory_space<vmem_shared>> -> memref<10240x128xf32, #tpu.memory_space<vmem_shared>>
        tpu.wait_indirect_dma semaphore(%run_scoped3A_306 : memref<!tpu.dma_semaphore, #tpu.memory_space<semaphore_mem>>) src(%arg7 : memref<128x128xf32, #tpu.memory_space<vmem>>) dst(%dma_wait3A_318 : memref<10240x128xf32, #tpu.memory_space<vmem_shared>>)
        tpu.yield
      }) : () -> ()
      %dma_start3A_133 = arith.constant 7 : i32
      %dma_start3A_134 = arith.constant 0 : i32
      %dma_start3A_135 = arith.constant 0 : i32
      %dma_start3A_136 = tpu.memref_slice %arg5[%dma_start3A_133, %dma_start3A_134, %dma_start3A_135] : memref<16x2x128xi32, #tpu.memory_space<vmem>> -> memref<1x1x128xi32, #tpu.memory_space<vmem>>
      %dma_start3A_137 = tpu.memref_squeeze %dma_start3A_136 : memref<1x1x128xi32, #tpu.memory_space<vmem>> -> memref<128xi32, #tpu.memory_space<vmem>>
      %dma_start3A_138 = arith.constant 0 : i32
      %dma_start3A_139 = arith.constant 0 : i32
      %dma_start3A_140 = tpu.memref_slice %arg2[%dma_start3A_138, %dma_start3A_139] : memref<10240x128xf32, #tpu.memory_space<hbm>> -> memref<10240x128xf32, #tpu.memory_space<hbm>>
      tpu.enqueue_indirect_dma source(%dma_start3A_140 : memref<10240x128xf32, #tpu.memory_space<hbm>>) target(%arg7 : memref<128x128xf32, #tpu.memory_space<vmem>>) offsets(%dma_start3A_137 : memref<128xi32, #tpu.memory_space<vmem>>) semaphore(%arg10 : memref<!tpu.dma_semaphore, #tpu.memory_space<semaphore_mem>>)
      %dma_wait3A_141 = arith.constant 6 : i32
      %dma_wait3A_142 = arith.constant 0 : i32
      %dma_wait3A_143 = arith.constant 0 : i32
      %dma_wait3A_144 = tpu.memref_slice %arg5[%dma_wait3A_141, %dma_wait3A_142, %dma_wait3A_143] : memref<16x2x128xi32, #tpu.memory_space<vmem>> -> memref<1x1x128xi32, #tpu.memory_space<vmem>>
      %dma_wait3A_145 = tpu.memref_squeeze %dma_wait3A_144 : memref<1x1x128xi32, #tpu.memory_space<vmem>> -> memref<128xi32, #tpu.memory_space<vmem>>
      %dma_wait3A_146 = arith.constant 0 : i32
      %dma_wait3A_147 = arith.constant 0 : i32
      %dma_wait3A_148 = tpu.memref_slice %arg2[%dma_wait3A_146, %dma_wait3A_147] : memref<10240x128xf32, #tpu.memory_space<hbm>> -> memref<10240x128xf32, #tpu.memory_space<hbm>>
      tpu.wait_indirect_dma semaphore(%arg9 : memref<!tpu.dma_semaphore, #tpu.memory_space<semaphore_mem>>) src(%dma_wait3A_148 : memref<10240x128xf32, #tpu.memory_space<hbm>>) dst(%arg6 : memref<128x128xf32, #tpu.memory_space<vmem>>)
      %run_scoped3A_149 = arith.constant 6 : i32
      %run_scoped3A_150 = arith.constant 1 : i32
      "tpu.region"() ({
        %run_scoped3A_306 = tpu.sem_alloc : memref<!tpu.dma_semaphore, #tpu.memory_space<semaphore_mem>>
        %dma_start3A_307 = arith.constant 0 : i32
        %dma_start3A_308 = tpu.memref_slice %arg5[%run_scoped3A_149, %run_scoped3A_150, %dma_start3A_307] : memref<16x2x128xi32, #tpu.memory_space<vmem>> -> memref<1x1x128xi32, #tpu.memory_space<vmem>>
        %dma_start3A_309 = tpu.memref_squeeze %dma_start3A_308 : memref<1x1x128xi32, #tpu.memory_space<vmem>> -> memref<128xi32, #tpu.memory_space<vmem>>
        %dma_start3A_310 = arith.constant 0 : i32
        %dma_start3A_311 = arith.constant 0 : i32
        %dma_start3A_312 = tpu.memref_slice %arg8[%dma_start3A_310, %dma_start3A_311] : memref<10240x128xf32, #tpu.memory_space<vmem_shared>> -> memref<10240x128xf32, #tpu.memory_space<vmem_shared>>
        tpu.enqueue_indirect_dma source(%arg6 : memref<128x128xf32, #tpu.memory_space<vmem>>) target(%dma_start3A_312 : memref<10240x128xf32, #tpu.memory_space<vmem_shared>>) offsets(%dma_start3A_309 : memref<128xi32, #tpu.memory_space<vmem>>) semaphore(%run_scoped3A_306 : memref<!tpu.dma_semaphore, #tpu.memory_space<semaphore_mem>>) {add = true}
        %dma_wait3A_313 = arith.constant 0 : i32
        %dma_wait3A_314 = tpu.memref_slice %arg5[%run_scoped3A_149, %run_scoped3A_150, %dma_wait3A_313] : memref<16x2x128xi32, #tpu.memory_space<vmem>> -> memref<1x1x128xi32, #tpu.memory_space<vmem>>
        %dma_wait3A_315 = tpu.memref_squeeze %dma_wait3A_314 : memref<1x1x128xi32, #tpu.memory_space<vmem>> -> memref<128xi32, #tpu.memory_space<vmem>>
        %dma_wait3A_316 = arith.constant 0 : i32
        %dma_wait3A_317 = arith.constant 0 : i32
        %dma_wait3A_318 = tpu.memref_slice %arg8[%dma_wait3A_316, %dma_wait3A_317] : memref<10240x128xf32, #tpu.memory_space<vmem_shared>> -> memref<10240x128xf32, #tpu.memory_space<vmem_shared>>
        tpu.wait_indirect_dma semaphore(%run_scoped3A_306 : memref<!tpu.dma_semaphore, #tpu.memory_space<semaphore_mem>>) src(%arg6 : memref<128x128xf32, #tpu.memory_space<vmem>>) dst(%dma_wait3A_318 : memref<10240x128xf32, #tpu.memory_space<vmem_shared>>)
        tpu.yield
      }) : () -> ()
      %dma_start3A_151 = arith.constant 8 : i32
      %dma_start3A_152 = arith.constant 0 : i32
      %dma_start3A_153 = arith.constant 0 : i32
      %dma_start3A_154 = tpu.memref_slice %arg5[%dma_start3A_151, %dma_start3A_152, %dma_start3A_153] : memref<16x2x128xi32, #tpu.memory_space<vmem>> -> memref<1x1x128xi32, #tpu.memory_space<vmem>>
      %dma_start3A_155 = tpu.memref_squeeze %dma_start3A_154 : memref<1x1x128xi32, #tpu.memory_space<vmem>> -> memref<128xi32, #tpu.memory_space<vmem>>
      %dma_start3A_156 = arith.constant 0 : i32
      %dma_start3A_157 = arith.constant 0 : i32
      %dma_start3A_158 = tpu.memref_slice %arg2[%dma_start3A_156, %dma_start3A_157] : memref<10240x128xf32, #tpu.memory_space<hbm>> -> memref<10240x128xf32, #tpu.memory_space<hbm>>
      tpu.enqueue_indirect_dma source(%dma_start3A_158 : memref<10240x128xf32, #tpu.memory_space<hbm>>) target(%arg6 : memref<128x128xf32, #tpu.memory_space<vmem>>) offsets(%dma_start3A_155 : memref<128xi32, #tpu.memory_space<vmem>>) semaphore(%arg9 : memref<!tpu.dma_semaphore, #tpu.memory_space<semaphore_mem>>)
      %dma_wait3A_159 = arith.constant 7 : i32
      %dma_wait3A_160 = arith.constant 0 : i32
      %dma_wait3A_161 = arith.constant 0 : i32
      %dma_wait3A_162 = tpu.memref_slice %arg5[%dma_wait3A_159, %dma_wait3A_160, %dma_wait3A_161] : memref<16x2x128xi32, #tpu.memory_space<vmem>> -> memref<1x1x128xi32, #tpu.memory_space<vmem>>
      %dma_wait3A_163 = tpu.memref_squeeze %dma_wait3A_162 : memref<1x1x128xi32, #tpu.memory_space<vmem>> -> memref<128xi32, #tpu.memory_space<vmem>>
      %dma_wait3A_164 = arith.constant 0 : i32
      %dma_wait3A_165 = arith.constant 0 : i32
      %dma_wait3A_166 = tpu.memref_slice %arg2[%dma_wait3A_164, %dma_wait3A_165] : memref<10240x128xf32, #tpu.memory_space<hbm>> -> memref<10240x128xf32, #tpu.memory_space<hbm>>
      tpu.wait_indirect_dma semaphore(%arg10 : memref<!tpu.dma_semaphore, #tpu.memory_space<semaphore_mem>>) src(%dma_wait3A_166 : memref<10240x128xf32, #tpu.memory_space<hbm>>) dst(%arg7 : memref<128x128xf32, #tpu.memory_space<vmem>>)
      %run_scoped3A_167 = arith.constant 7 : i32
      %run_scoped3A_168 = arith.constant 1 : i32
      "tpu.region"() ({
        %run_scoped3A_306 = tpu.sem_alloc : memref<!tpu.dma_semaphore, #tpu.memory_space<semaphore_mem>>
        %dma_start3A_307 = arith.constant 0 : i32
        %dma_start3A_308 = tpu.memref_slice %arg5[%run_scoped3A_167, %run_scoped3A_168, %dma_start3A_307] : memref<16x2x128xi32, #tpu.memory_space<vmem>> -> memref<1x1x128xi32, #tpu.memory_space<vmem>>
        %dma_start3A_309 = tpu.memref_squeeze %dma_start3A_308 : memref<1x1x128xi32, #tpu.memory_space<vmem>> -> memref<128xi32, #tpu.memory_space<vmem>>
        %dma_start3A_310 = arith.constant 0 : i32
        %dma_start3A_311 = arith.constant 0 : i32
        %dma_start3A_312 = tpu.memref_slice %arg8[%dma_start3A_310, %dma_start3A_311] : memref<10240x128xf32, #tpu.memory_space<vmem_shared>> -> memref<10240x128xf32, #tpu.memory_space<vmem_shared>>
        tpu.enqueue_indirect_dma source(%arg7 : memref<128x128xf32, #tpu.memory_space<vmem>>) target(%dma_start3A_312 : memref<10240x128xf32, #tpu.memory_space<vmem_shared>>) offsets(%dma_start3A_309 : memref<128xi32, #tpu.memory_space<vmem>>) semaphore(%run_scoped3A_306 : memref<!tpu.dma_semaphore, #tpu.memory_space<semaphore_mem>>) {add = true}
        %dma_wait3A_313 = arith.constant 0 : i32
        %dma_wait3A_314 = tpu.memref_slice %arg5[%run_scoped3A_167, %run_scoped3A_168, %dma_wait3A_313] : memref<16x2x128xi32, #tpu.memory_space<vmem>> -> memref<1x1x128xi32, #tpu.memory_space<vmem>>
        %dma_wait3A_315 = tpu.memref_squeeze %dma_wait3A_314 : memref<1x1x128xi32, #tpu.memory_space<vmem>> -> memref<128xi32, #tpu.memory_space<vmem>>
        %dma_wait3A_316 = arith.constant 0 : i32
        %dma_wait3A_317 = arith.constant 0 : i32
        %dma_wait3A_318 = tpu.memref_slice %arg8[%dma_wait3A_316, %dma_wait3A_317] : memref<10240x128xf32, #tpu.memory_space<vmem_shared>> -> memref<10240x128xf32, #tpu.memory_space<vmem_shared>>
        tpu.wait_indirect_dma semaphore(%run_scoped3A_306 : memref<!tpu.dma_semaphore, #tpu.memory_space<semaphore_mem>>) src(%arg7 : memref<128x128xf32, #tpu.memory_space<vmem>>) dst(%dma_wait3A_318 : memref<10240x128xf32, #tpu.memory_space<vmem_shared>>)
        tpu.yield
      }) : () -> ()
      %dma_start3A_169 = arith.constant 9 : i32
      %dma_start3A_170 = arith.constant 0 : i32
      %dma_start3A_171 = arith.constant 0 : i32
      %dma_start3A_172 = tpu.memref_slice %arg5[%dma_start3A_169, %dma_start3A_170, %dma_start3A_171] : memref<16x2x128xi32, #tpu.memory_space<vmem>> -> memref<1x1x128xi32, #tpu.memory_space<vmem>>
      %dma_start3A_173 = tpu.memref_squeeze %dma_start3A_172 : memref<1x1x128xi32, #tpu.memory_space<vmem>> -> memref<128xi32, #tpu.memory_space<vmem>>
      %dma_start3A_174 = arith.constant 0 : i32
      %dma_start3A_175 = arith.constant 0 : i32
      %dma_start3A_176 = tpu.memref_slice %arg2[%dma_start3A_174, %dma_start3A_175] : memref<10240x128xf32, #tpu.memory_space<hbm>> -> memref<10240x128xf32, #tpu.memory_space<hbm>>
      tpu.enqueue_indirect_dma source(%dma_start3A_176 : memref<10240x128xf32, #tpu.memory_space<hbm>>) target(%arg7 : memref<128x128xf32, #tpu.memory_space<vmem>>) offsets(%dma_start3A_173 : memref<128xi32, #tpu.memory_space<vmem>>) semaphore(%arg10 : memref<!tpu.dma_semaphore, #tpu.memory_space<semaphore_mem>>)
      %dma_wait3A_177 = arith.constant 8 : i32
      %dma_wait3A_178 = arith.constant 0 : i32
      %dma_wait3A_179 = arith.constant 0 : i32
      %dma_wait3A_180 = tpu.memref_slice %arg5[%dma_wait3A_177, %dma_wait3A_178, %dma_wait3A_179] : memref<16x2x128xi32, #tpu.memory_space<vmem>> -> memref<1x1x128xi32, #tpu.memory_space<vmem>>
      %dma_wait3A_181 = tpu.memref_squeeze %dma_wait3A_180 : memref<1x1x128xi32, #tpu.memory_space<vmem>> -> memref<128xi32, #tpu.memory_space<vmem>>
      %dma_wait3A_182 = arith.constant 0 : i32
      %dma_wait3A_183 = arith.constant 0 : i32
      %dma_wait3A_184 = tpu.memref_slice %arg2[%dma_wait3A_182, %dma_wait3A_183] : memref<10240x128xf32, #tpu.memory_space<hbm>> -> memref<10240x128xf32, #tpu.memory_space<hbm>>
      tpu.wait_indirect_dma semaphore(%arg9 : memref<!tpu.dma_semaphore, #tpu.memory_space<semaphore_mem>>) src(%dma_wait3A_184 : memref<10240x128xf32, #tpu.memory_space<hbm>>) dst(%arg6 : memref<128x128xf32, #tpu.memory_space<vmem>>)
      %run_scoped3A_185 = arith.constant 8 : i32
      %run_scoped3A_186 = arith.constant 1 : i32
      "tpu.region"() ({
        %run_scoped3A_306 = tpu.sem_alloc : memref<!tpu.dma_semaphore, #tpu.memory_space<semaphore_mem>>
        %dma_start3A_307 = arith.constant 0 : i32
        %dma_start3A_308 = tpu.memref_slice %arg5[%run_scoped3A_185, %run_scoped3A_186, %dma_start3A_307] : memref<16x2x128xi32, #tpu.memory_space<vmem>> -> memref<1x1x128xi32, #tpu.memory_space<vmem>>
        %dma_start3A_309 = tpu.memref_squeeze %dma_start3A_308 : memref<1x1x128xi32, #tpu.memory_space<vmem>> -> memref<128xi32, #tpu.memory_space<vmem>>
        %dma_start3A_310 = arith.constant 0 : i32
        %dma_start3A_311 = arith.constant 0 : i32
        %dma_start3A_312 = tpu.memref_slice %arg8[%dma_start3A_310, %dma_start3A_311] : memref<10240x128xf32, #tpu.memory_space<vmem_shared>> -> memref<10240x128xf32, #tpu.memory_space<vmem_shared>>
        tpu.enqueue_indirect_dma source(%arg6 : memref<128x128xf32, #tpu.memory_space<vmem>>) target(%dma_start3A_312 : memref<10240x128xf32, #tpu.memory_space<vmem_shared>>) offsets(%dma_start3A_309 : memref<128xi32, #tpu.memory_space<vmem>>) semaphore(%run_scoped3A_306 : memref<!tpu.dma_semaphore, #tpu.memory_space<semaphore_mem>>) {add = true}
        %dma_wait3A_313 = arith.constant 0 : i32
        %dma_wait3A_314 = tpu.memref_slice %arg5[%run_scoped3A_185, %run_scoped3A_186, %dma_wait3A_313] : memref<16x2x128xi32, #tpu.memory_space<vmem>> -> memref<1x1x128xi32, #tpu.memory_space<vmem>>
        %dma_wait3A_315 = tpu.memref_squeeze %dma_wait3A_314 : memref<1x1x128xi32, #tpu.memory_space<vmem>> -> memref<128xi32, #tpu.memory_space<vmem>>
        %dma_wait3A_316 = arith.constant 0 : i32
        %dma_wait3A_317 = arith.constant 0 : i32
        %dma_wait3A_318 = tpu.memref_slice %arg8[%dma_wait3A_316, %dma_wait3A_317] : memref<10240x128xf32, #tpu.memory_space<vmem_shared>> -> memref<10240x128xf32, #tpu.memory_space<vmem_shared>>
        tpu.wait_indirect_dma semaphore(%run_scoped3A_306 : memref<!tpu.dma_semaphore, #tpu.memory_space<semaphore_mem>>) src(%arg6 : memref<128x128xf32, #tpu.memory_space<vmem>>) dst(%dma_wait3A_318 : memref<10240x128xf32, #tpu.memory_space<vmem_shared>>)
        tpu.yield
      }) : () -> ()
      %dma_start3A_187 = arith.constant 10 : i32
      %dma_start3A_188 = arith.constant 0 : i32
      %dma_start3A_189 = arith.constant 0 : i32
      %dma_start3A_190 = tpu.memref_slice %arg5[%dma_start3A_187, %dma_start3A_188, %dma_start3A_189] : memref<16x2x128xi32, #tpu.memory_space<vmem>> -> memref<1x1x128xi32, #tpu.memory_space<vmem>>
      %dma_start3A_191 = tpu.memref_squeeze %dma_start3A_190 : memref<1x1x128xi32, #tpu.memory_space<vmem>> -> memref<128xi32, #tpu.memory_space<vmem>>
      %dma_start3A_192 = arith.constant 0 : i32
      %dma_start3A_193 = arith.constant 0 : i32
      %dma_start3A_194 = tpu.memref_slice %arg2[%dma_start3A_192, %dma_start3A_193] : memref<10240x128xf32, #tpu.memory_space<hbm>> -> memref<10240x128xf32, #tpu.memory_space<hbm>>
      tpu.enqueue_indirect_dma source(%dma_start3A_194 : memref<10240x128xf32, #tpu.memory_space<hbm>>) target(%arg6 : memref<128x128xf32, #tpu.memory_space<vmem>>) offsets(%dma_start3A_191 : memref<128xi32, #tpu.memory_space<vmem>>) semaphore(%arg9 : memref<!tpu.dma_semaphore, #tpu.memory_space<semaphore_mem>>)
      %dma_wait3A_195 = arith.constant 9 : i32
      %dma_wait3A_196 = arith.constant 0 : i32
      %dma_wait3A_197 = arith.constant 0 : i32
      %dma_wait3A_198 = tpu.memref_slice %arg5[%dma_wait3A_195, %dma_wait3A_196, %dma_wait3A_197] : memref<16x2x128xi32, #tpu.memory_space<vmem>> -> memref<1x1x128xi32, #tpu.memory_space<vmem>>
      %dma_wait3A_199 = tpu.memref_squeeze %dma_wait3A_198 : memref<1x1x128xi32, #tpu.memory_space<vmem>> -> memref<128xi32, #tpu.memory_space<vmem>>
      %dma_wait3A_200 = arith.constant 0 : i32
      %dma_wait3A_201 = arith.constant 0 : i32
      %dma_wait3A_202 = tpu.memref_slice %arg2[%dma_wait3A_200, %dma_wait3A_201] : memref<10240x128xf32, #tpu.memory_space<hbm>> -> memref<10240x128xf32, #tpu.memory_space<hbm>>
      tpu.wait_indirect_dma semaphore(%arg10 : memref<!tpu.dma_semaphore, #tpu.memory_space<semaphore_mem>>) src(%dma_wait3A_202 : memref<10240x128xf32, #tpu.memory_space<hbm>>) dst(%arg7 : memref<128x128xf32, #tpu.memory_space<vmem>>)
      %run_scoped3A_203 = arith.constant 9 : i32
      %run_scoped3A_204 = arith.constant 1 : i32
      "tpu.region"() ({
        %run_scoped3A_306 = tpu.sem_alloc : memref<!tpu.dma_semaphore, #tpu.memory_space<semaphore_mem>>
        %dma_start3A_307 = arith.constant 0 : i32
        %dma_start3A_308 = tpu.memref_slice %arg5[%run_scoped3A_203, %run_scoped3A_204, %dma_start3A_307] : memref<16x2x128xi32, #tpu.memory_space<vmem>> -> memref<1x1x128xi32, #tpu.memory_space<vmem>>
        %dma_start3A_309 = tpu.memref_squeeze %dma_start3A_308 : memref<1x1x128xi32, #tpu.memory_space<vmem>> -> memref<128xi32, #tpu.memory_space<vmem>>
        %dma_start3A_310 = arith.constant 0 : i32
        %dma_start3A_311 = arith.constant 0 : i32
        %dma_start3A_312 = tpu.memref_slice %arg8[%dma_start3A_310, %dma_start3A_311] : memref<10240x128xf32, #tpu.memory_space<vmem_shared>> -> memref<10240x128xf32, #tpu.memory_space<vmem_shared>>
        tpu.enqueue_indirect_dma source(%arg7 : memref<128x128xf32, #tpu.memory_space<vmem>>) target(%dma_start3A_312 : memref<10240x128xf32, #tpu.memory_space<vmem_shared>>) offsets(%dma_start3A_309 : memref<128xi32, #tpu.memory_space<vmem>>) semaphore(%run_scoped3A_306 : memref<!tpu.dma_semaphore, #tpu.memory_space<semaphore_mem>>) {add = true}
        %dma_wait3A_313 = arith.constant 0 : i32
        %dma_wait3A_314 = tpu.memref_slice %arg5[%run_scoped3A_203, %run_scoped3A_204, %dma_wait3A_313] : memref<16x2x128xi32, #tpu.memory_space<vmem>> -> memref<1x1x128xi32, #tpu.memory_space<vmem>>
        %dma_wait3A_315 = tpu.memref_squeeze %dma_wait3A_314 : memref<1x1x128xi32, #tpu.memory_space<vmem>> -> memref<128xi32, #tpu.memory_space<vmem>>
        %dma_wait3A_316 = arith.constant 0 : i32
        %dma_wait3A_317 = arith.constant 0 : i32
        %dma_wait3A_318 = tpu.memref_slice %arg8[%dma_wait3A_316, %dma_wait3A_317] : memref<10240x128xf32, #tpu.memory_space<vmem_shared>> -> memref<10240x128xf32, #tpu.memory_space<vmem_shared>>
        tpu.wait_indirect_dma semaphore(%run_scoped3A_306 : memref<!tpu.dma_semaphore, #tpu.memory_space<semaphore_mem>>) src(%arg7 : memref<128x128xf32, #tpu.memory_space<vmem>>) dst(%dma_wait3A_318 : memref<10240x128xf32, #tpu.memory_space<vmem_shared>>)
        tpu.yield
      }) : () -> ()
      %dma_start3A_205 = arith.constant 11 : i32
      %dma_start3A_206 = arith.constant 0 : i32
      %dma_start3A_207 = arith.constant 0 : i32
      %dma_start3A_208 = tpu.memref_slice %arg5[%dma_start3A_205, %dma_start3A_206, %dma_start3A_207] : memref<16x2x128xi32, #tpu.memory_space<vmem>> -> memref<1x1x128xi32, #tpu.memory_space<vmem>>
      %dma_start3A_209 = tpu.memref_squeeze %dma_start3A_208 : memref<1x1x128xi32, #tpu.memory_space<vmem>> -> memref<128xi32, #tpu.memory_space<vmem>>
      %dma_start3A_210 = arith.constant 0 : i32
      %dma_start3A_211 = arith.constant 0 : i32
      %dma_start3A_212 = tpu.memref_slice %arg2[%dma_start3A_210, %dma_start3A_211] : memref<10240x128xf32, #tpu.memory_space<hbm>> -> memref<10240x128xf32, #tpu.memory_space<hbm>>
      tpu.enqueue_indirect_dma source(%dma_start3A_212 : memref<10240x128xf32, #tpu.memory_space<hbm>>) target(%arg7 : memref<128x128xf32, #tpu.memory_space<vmem>>) offsets(%dma_start3A_209 : memref<128xi32, #tpu.memory_space<vmem>>) semaphore(%arg10 : memref<!tpu.dma_semaphore, #tpu.memory_space<semaphore_mem>>)
      %dma_wait3A_213 = arith.constant 10 : i32
      %dma_wait3A_214 = arith.constant 0 : i32
      %dma_wait3A_215 = arith.constant 0 : i32
      %dma_wait3A_216 = tpu.memref_slice %arg5[%dma_wait3A_213, %dma_wait3A_214, %dma_wait3A_215] : memref<16x2x128xi32, #tpu.memory_space<vmem>> -> memref<1x1x128xi32, #tpu.memory_space<vmem>>
      %dma_wait3A_217 = tpu.memref_squeeze %dma_wait3A_216 : memref<1x1x128xi32, #tpu.memory_space<vmem>> -> memref<128xi32, #tpu.memory_space<vmem>>
      %dma_wait3A_218 = arith.constant 0 : i32
      %dma_wait3A_219 = arith.constant 0 : i32
      %dma_wait3A_220 = tpu.memref_slice %arg2[%dma_wait3A_218, %dma_wait3A_219] : memref<10240x128xf32, #tpu.memory_space<hbm>> -> memref<10240x128xf32, #tpu.memory_space<hbm>>
      tpu.wait_indirect_dma semaphore(%arg9 : memref<!tpu.dma_semaphore, #tpu.memory_space<semaphore_mem>>) src(%dma_wait3A_220 : memref<10240x128xf32, #tpu.memory_space<hbm>>) dst(%arg6 : memref<128x128xf32, #tpu.memory_space<vmem>>)
      %run_scoped3A_221 = arith.constant 10 : i32
      %run_scoped3A_222 = arith.constant 1 : i32
      "tpu.region"() ({
        %run_scoped3A_306 = tpu.sem_alloc : memref<!tpu.dma_semaphore, #tpu.memory_space<semaphore_mem>>
        %dma_start3A_307 = arith.constant 0 : i32
        %dma_start3A_308 = tpu.memref_slice %arg5[%run_scoped3A_221, %run_scoped3A_222, %dma_start3A_307] : memref<16x2x128xi32, #tpu.memory_space<vmem>> -> memref<1x1x128xi32, #tpu.memory_space<vmem>>
        %dma_start3A_309 = tpu.memref_squeeze %dma_start3A_308 : memref<1x1x128xi32, #tpu.memory_space<vmem>> -> memref<128xi32, #tpu.memory_space<vmem>>
        %dma_start3A_310 = arith.constant 0 : i32
        %dma_start3A_311 = arith.constant 0 : i32
        %dma_start3A_312 = tpu.memref_slice %arg8[%dma_start3A_310, %dma_start3A_311] : memref<10240x128xf32, #tpu.memory_space<vmem_shared>> -> memref<10240x128xf32, #tpu.memory_space<vmem_shared>>
        tpu.enqueue_indirect_dma source(%arg6 : memref<128x128xf32, #tpu.memory_space<vmem>>) target(%dma_start3A_312 : memref<10240x128xf32, #tpu.memory_space<vmem_shared>>) offsets(%dma_start3A_309 : memref<128xi32, #tpu.memory_space<vmem>>) semaphore(%run_scoped3A_306 : memref<!tpu.dma_semaphore, #tpu.memory_space<semaphore_mem>>) {add = true}
        %dma_wait3A_313 = arith.constant 0 : i32
        %dma_wait3A_314 = tpu.memref_slice %arg5[%run_scoped3A_221, %run_scoped3A_222, %dma_wait3A_313] : memref<16x2x128xi32, #tpu.memory_space<vmem>> -> memref<1x1x128xi32, #tpu.memory_space<vmem>>
        %dma_wait3A_315 = tpu.memref_squeeze %dma_wait3A_314 : memref<1x1x128xi32, #tpu.memory_space<vmem>> -> memref<128xi32, #tpu.memory_space<vmem>>
        %dma_wait3A_316 = arith.constant 0 : i32
        %dma_wait3A_317 = arith.constant 0 : i32
        %dma_wait3A_318 = tpu.memref_slice %arg8[%dma_wait3A_316, %dma_wait3A_317] : memref<10240x128xf32, #tpu.memory_space<vmem_shared>> -> memref<10240x128xf32, #tpu.memory_space<vmem_shared>>
        tpu.wait_indirect_dma semaphore(%run_scoped3A_306 : memref<!tpu.dma_semaphore, #tpu.memory_space<semaphore_mem>>) src(%arg6 : memref<128x128xf32, #tpu.memory_space<vmem>>) dst(%dma_wait3A_318 : memref<10240x128xf32, #tpu.memory_space<vmem_shared>>)
        tpu.yield
      }) : () -> ()
      %dma_start3A_223 = arith.constant 12 : i32
      %dma_start3A_224 = arith.constant 0 : i32
      %dma_start3A_225 = arith.constant 0 : i32
      %dma_start3A_226 = tpu.memref_slice %arg5[%dma_start3A_223, %dma_start3A_224, %dma_start3A_225] : memref<16x2x128xi32, #tpu.memory_space<vmem>> -> memref<1x1x128xi32, #tpu.memory_space<vmem>>
      %dma_start3A_227 = tpu.memref_squeeze %dma_start3A_226 : memref<1x1x128xi32, #tpu.memory_space<vmem>> -> memref<128xi32, #tpu.memory_space<vmem>>
      %dma_start3A_228 = arith.constant 0 : i32
      %dma_start3A_229 = arith.constant 0 : i32
      %dma_start3A_230 = tpu.memref_slice %arg2[%dma_start3A_228, %dma_start3A_229] : memref<10240x128xf32, #tpu.memory_space<hbm>> -> memref<10240x128xf32, #tpu.memory_space<hbm>>
      tpu.enqueue_indirect_dma source(%dma_start3A_230 : memref<10240x128xf32, #tpu.memory_space<hbm>>) target(%arg6 : memref<128x128xf32, #tpu.memory_space<vmem>>) offsets(%dma_start3A_227 : memref<128xi32, #tpu.memory_space<vmem>>) semaphore(%arg9 : memref<!tpu.dma_semaphore, #tpu.memory_space<semaphore_mem>>)
      %dma_wait3A_231 = arith.constant 11 : i32
      %dma_wait3A_232 = arith.constant 0 : i32
      %dma_wait3A_233 = arith.constant 0 : i32
      %dma_wait3A_234 = tpu.memref_slice %arg5[%dma_wait3A_231, %dma_wait3A_232, %dma_wait3A_233] : memref<16x2x128xi32, #tpu.memory_space<vmem>> -> memref<1x1x128xi32, #tpu.memory_space<vmem>>
      %dma_wait3A_235 = tpu.memref_squeeze %dma_wait3A_234 : memref<1x1x128xi32, #tpu.memory_space<vmem>> -> memref<128xi32, #tpu.memory_space<vmem>>
      %dma_wait3A_236 = arith.constant 0 : i32
      %dma_wait3A_237 = arith.constant 0 : i32
      %dma_wait3A_238 = tpu.memref_slice %arg2[%dma_wait3A_236, %dma_wait3A_237] : memref<10240x128xf32, #tpu.memory_space<hbm>> -> memref<10240x128xf32, #tpu.memory_space<hbm>>
      tpu.wait_indirect_dma semaphore(%arg10 : memref<!tpu.dma_semaphore, #tpu.memory_space<semaphore_mem>>) src(%dma_wait3A_238 : memref<10240x128xf32, #tpu.memory_space<hbm>>) dst(%arg7 : memref<128x128xf32, #tpu.memory_space<vmem>>)
      %run_scoped3A_239 = arith.constant 11 : i32
      %run_scoped3A_240 = arith.constant 1 : i32
      "tpu.region"() ({
        %run_scoped3A_306 = tpu.sem_alloc : memref<!tpu.dma_semaphore, #tpu.memory_space<semaphore_mem>>
        %dma_start3A_307 = arith.constant 0 : i32
        %dma_start3A_308 = tpu.memref_slice %arg5[%run_scoped3A_239, %run_scoped3A_240, %dma_start3A_307] : memref<16x2x128xi32, #tpu.memory_space<vmem>> -> memref<1x1x128xi32, #tpu.memory_space<vmem>>
        %dma_start3A_309 = tpu.memref_squeeze %dma_start3A_308 : memref<1x1x128xi32, #tpu.memory_space<vmem>> -> memref<128xi32, #tpu.memory_space<vmem>>
        %dma_start3A_310 = arith.constant 0 : i32
        %dma_start3A_311 = arith.constant 0 : i32
        %dma_start3A_312 = tpu.memref_slice %arg8[%dma_start3A_310, %dma_start3A_311] : memref<10240x128xf32, #tpu.memory_space<vmem_shared>> -> memref<10240x128xf32, #tpu.memory_space<vmem_shared>>
        tpu.enqueue_indirect_dma source(%arg7 : memref<128x128xf32, #tpu.memory_space<vmem>>) target(%dma_start3A_312 : memref<10240x128xf32, #tpu.memory_space<vmem_shared>>) offsets(%dma_start3A_309 : memref<128xi32, #tpu.memory_space<vmem>>) semaphore(%run_scoped3A_306 : memref<!tpu.dma_semaphore, #tpu.memory_space<semaphore_mem>>) {add = true}
        %dma_wait3A_313 = arith.constant 0 : i32
        %dma_wait3A_314 = tpu.memref_slice %arg5[%run_scoped3A_239, %run_scoped3A_240, %dma_wait3A_313] : memref<16x2x128xi32, #tpu.memory_space<vmem>> -> memref<1x1x128xi32, #tpu.memory_space<vmem>>
        %dma_wait3A_315 = tpu.memref_squeeze %dma_wait3A_314 : memref<1x1x128xi32, #tpu.memory_space<vmem>> -> memref<128xi32, #tpu.memory_space<vmem>>
        %dma_wait3A_316 = arith.constant 0 : i32
        %dma_wait3A_317 = arith.constant 0 : i32
        %dma_wait3A_318 = tpu.memref_slice %arg8[%dma_wait3A_316, %dma_wait3A_317] : memref<10240x128xf32, #tpu.memory_space<vmem_shared>> -> memref<10240x128xf32, #tpu.memory_space<vmem_shared>>
        tpu.wait_indirect_dma semaphore(%run_scoped3A_306 : memref<!tpu.dma_semaphore, #tpu.memory_space<semaphore_mem>>) src(%arg7 : memref<128x128xf32, #tpu.memory_space<vmem>>) dst(%dma_wait3A_318 : memref<10240x128xf32, #tpu.memory_space<vmem_shared>>)
        tpu.yield
      }) : () -> ()
      %dma_start3A_241 = arith.constant 13 : i32
      %dma_start3A_242 = arith.constant 0 : i32
      %dma_start3A_243 = arith.constant 0 : i32
      %dma_start3A_244 = tpu.memref_slice %arg5[%dma_start3A_241, %dma_start3A_242, %dma_start3A_243] : memref<16x2x128xi32, #tpu.memory_space<vmem>> -> memref<1x1x128xi32, #tpu.memory_space<vmem>>
      %dma_start3A_245 = tpu.memref_squeeze %dma_start3A_244 : memref<1x1x128xi32, #tpu.memory_space<vmem>> -> memref<128xi32, #tpu.memory_space<vmem>>
      %dma_start3A_246 = arith.constant 0 : i32
      %dma_start3A_247 = arith.constant 0 : i32
      %dma_start3A_248 = tpu.memref_slice %arg2[%dma_start3A_246, %dma_start3A_247] : memref<10240x128xf32, #tpu.memory_space<hbm>> -> memref<10240x128xf32, #tpu.memory_space<hbm>>
      tpu.enqueue_indirect_dma source(%dma_start3A_248 : memref<10240x128xf32, #tpu.memory_space<hbm>>) target(%arg7 : memref<128x128xf32, #tpu.memory_space<vmem>>) offsets(%dma_start3A_245 : memref<128xi32, #tpu.memory_space<vmem>>) semaphore(%arg10 : memref<!tpu.dma_semaphore, #tpu.memory_space<semaphore_mem>>)
      %dma_wait3A_249 = arith.constant 12 : i32
      %dma_wait3A_250 = arith.constant 0 : i32
      %dma_wait3A_251 = arith.constant 0 : i32
      %dma_wait3A_252 = tpu.memref_slice %arg5[%dma_wait3A_249, %dma_wait3A_250, %dma_wait3A_251] : memref<16x2x128xi32, #tpu.memory_space<vmem>> -> memref<1x1x128xi32, #tpu.memory_space<vmem>>
      %dma_wait3A_253 = tpu.memref_squeeze %dma_wait3A_252 : memref<1x1x128xi32, #tpu.memory_space<vmem>> -> memref<128xi32, #tpu.memory_space<vmem>>
      %dma_wait3A_254 = arith.constant 0 : i32
      %dma_wait3A_255 = arith.constant 0 : i32
      %dma_wait3A_256 = tpu.memref_slice %arg2[%dma_wait3A_254, %dma_wait3A_255] : memref<10240x128xf32, #tpu.memory_space<hbm>> -> memref<10240x128xf32, #tpu.memory_space<hbm>>
      tpu.wait_indirect_dma semaphore(%arg9 : memref<!tpu.dma_semaphore, #tpu.memory_space<semaphore_mem>>) src(%dma_wait3A_256 : memref<10240x128xf32, #tpu.memory_space<hbm>>) dst(%arg6 : memref<128x128xf32, #tpu.memory_space<vmem>>)
      %run_scoped3A_257 = arith.constant 12 : i32
      %run_scoped3A_258 = arith.constant 1 : i32
      "tpu.region"() ({
        %run_scoped3A_306 = tpu.sem_alloc : memref<!tpu.dma_semaphore, #tpu.memory_space<semaphore_mem>>
        %dma_start3A_307 = arith.constant 0 : i32
        %dma_start3A_308 = tpu.memref_slice %arg5[%run_scoped3A_257, %run_scoped3A_258, %dma_start3A_307] : memref<16x2x128xi32, #tpu.memory_space<vmem>> -> memref<1x1x128xi32, #tpu.memory_space<vmem>>
        %dma_start3A_309 = tpu.memref_squeeze %dma_start3A_308 : memref<1x1x128xi32, #tpu.memory_space<vmem>> -> memref<128xi32, #tpu.memory_space<vmem>>
        %dma_start3A_310 = arith.constant 0 : i32
        %dma_start3A_311 = arith.constant 0 : i32
        %dma_start3A_312 = tpu.memref_slice %arg8[%dma_start3A_310, %dma_start3A_311] : memref<10240x128xf32, #tpu.memory_space<vmem_shared>> -> memref<10240x128xf32, #tpu.memory_space<vmem_shared>>
        tpu.enqueue_indirect_dma source(%arg6 : memref<128x128xf32, #tpu.memory_space<vmem>>) target(%dma_start3A_312 : memref<10240x128xf32, #tpu.memory_space<vmem_shared>>) offsets(%dma_start3A_309 : memref<128xi32, #tpu.memory_space<vmem>>) semaphore(%run_scoped3A_306 : memref<!tpu.dma_semaphore, #tpu.memory_space<semaphore_mem>>) {add = true}
        %dma_wait3A_313 = arith.constant 0 : i32
        %dma_wait3A_314 = tpu.memref_slice %arg5[%run_scoped3A_257, %run_scoped3A_258, %dma_wait3A_313] : memref<16x2x128xi32, #tpu.memory_space<vmem>> -> memref<1x1x128xi32, #tpu.memory_space<vmem>>
        %dma_wait3A_315 = tpu.memref_squeeze %dma_wait3A_314 : memref<1x1x128xi32, #tpu.memory_space<vmem>> -> memref<128xi32, #tpu.memory_space<vmem>>
        %dma_wait3A_316 = arith.constant 0 : i32
        %dma_wait3A_317 = arith.constant 0 : i32
        %dma_wait3A_318 = tpu.memref_slice %arg8[%dma_wait3A_316, %dma_wait3A_317] : memref<10240x128xf32, #tpu.memory_space<vmem_shared>> -> memref<10240x128xf32, #tpu.memory_space<vmem_shared>>
        tpu.wait_indirect_dma semaphore(%run_scoped3A_306 : memref<!tpu.dma_semaphore, #tpu.memory_space<semaphore_mem>>) src(%arg6 : memref<128x128xf32, #tpu.memory_space<vmem>>) dst(%dma_wait3A_318 : memref<10240x128xf32, #tpu.memory_space<vmem_shared>>)
        tpu.yield
      }) : () -> ()
      %dma_start3A_259 = arith.constant 14 : i32
      %dma_start3A_260 = arith.constant 0 : i32
      %dma_start3A_261 = arith.constant 0 : i32
      %dma_start3A_262 = tpu.memref_slice %arg5[%dma_start3A_259, %dma_start3A_260, %dma_start3A_261] : memref<16x2x128xi32, #tpu.memory_space<vmem>> -> memref<1x1x128xi32, #tpu.memory_space<vmem>>
      %dma_start3A_263 = tpu.memref_squeeze %dma_start3A_262 : memref<1x1x128xi32, #tpu.memory_space<vmem>> -> memref<128xi32, #tpu.memory_space<vmem>>
      %dma_start3A_264 = arith.constant 0 : i32
      %dma_start3A_265 = arith.constant 0 : i32
      %dma_start3A_266 = tpu.memref_slice %arg2[%dma_start3A_264, %dma_start3A_265] : memref<10240x128xf32, #tpu.memory_space<hbm>> -> memref<10240x128xf32, #tpu.memory_space<hbm>>
      tpu.enqueue_indirect_dma source(%dma_start3A_266 : memref<10240x128xf32, #tpu.memory_space<hbm>>) target(%arg6 : memref<128x128xf32, #tpu.memory_space<vmem>>) offsets(%dma_start3A_263 : memref<128xi32, #tpu.memory_space<vmem>>) semaphore(%arg9 : memref<!tpu.dma_semaphore, #tpu.memory_space<semaphore_mem>>)
      %dma_wait3A_267 = arith.constant 13 : i32
      %dma_wait3A_268 = arith.constant 0 : i32
      %dma_wait3A_269 = arith.constant 0 : i32
      %dma_wait3A_270 = tpu.memref_slice %arg5[%dma_wait3A_267, %dma_wait3A_268, %dma_wait3A_269] : memref<16x2x128xi32, #tpu.memory_space<vmem>> -> memref<1x1x128xi32, #tpu.memory_space<vmem>>
      %dma_wait3A_271 = tpu.memref_squeeze %dma_wait3A_270 : memref<1x1x128xi32, #tpu.memory_space<vmem>> -> memref<128xi32, #tpu.memory_space<vmem>>
      %dma_wait3A_272 = arith.constant 0 : i32
      %dma_wait3A_273 = arith.constant 0 : i32
      %dma_wait3A_274 = tpu.memref_slice %arg2[%dma_wait3A_272, %dma_wait3A_273] : memref<10240x128xf32, #tpu.memory_space<hbm>> -> memref<10240x128xf32, #tpu.memory_space<hbm>>
      tpu.wait_indirect_dma semaphore(%arg10 : memref<!tpu.dma_semaphore, #tpu.memory_space<semaphore_mem>>) src(%dma_wait3A_274 : memref<10240x128xf32, #tpu.memory_space<hbm>>) dst(%arg7 : memref<128x128xf32, #tpu.memory_space<vmem>>)
      %run_scoped3A_275 = arith.constant 13 : i32
      %run_scoped3A_276 = arith.constant 1 : i32
      "tpu.region"() ({
        %run_scoped3A_306 = tpu.sem_alloc : memref<!tpu.dma_semaphore, #tpu.memory_space<semaphore_mem>>
        %dma_start3A_307 = arith.constant 0 : i32
        %dma_start3A_308 = tpu.memref_slice %arg5[%run_scoped3A_275, %run_scoped3A_276, %dma_start3A_307] : memref<16x2x128xi32, #tpu.memory_space<vmem>> -> memref<1x1x128xi32, #tpu.memory_space<vmem>>
        %dma_start3A_309 = tpu.memref_squeeze %dma_start3A_308 : memref<1x1x128xi32, #tpu.memory_space<vmem>> -> memref<128xi32, #tpu.memory_space<vmem>>
        %dma_start3A_310 = arith.constant 0 : i32
        %dma_start3A_311 = arith.constant 0 : i32
        %dma_start3A_312 = tpu.memref_slice %arg8[%dma_start3A_310, %dma_start3A_311] : memref<10240x128xf32, #tpu.memory_space<vmem_shared>> -> memref<10240x128xf32, #tpu.memory_space<vmem_shared>>
        tpu.enqueue_indirect_dma source(%arg7 : memref<128x128xf32, #tpu.memory_space<vmem>>) target(%dma_start3A_312 : memref<10240x128xf32, #tpu.memory_space<vmem_shared>>) offsets(%dma_start3A_309 : memref<128xi32, #tpu.memory_space<vmem>>) semaphore(%run_scoped3A_306 : memref<!tpu.dma_semaphore, #tpu.memory_space<semaphore_mem>>) {add = true}
        %dma_wait3A_313 = arith.constant 0 : i32
        %dma_wait3A_314 = tpu.memref_slice %arg5[%run_scoped3A_275, %run_scoped3A_276, %dma_wait3A_313] : memref<16x2x128xi32, #tpu.memory_space<vmem>> -> memref<1x1x128xi32, #tpu.memory_space<vmem>>
        %dma_wait3A_315 = tpu.memref_squeeze %dma_wait3A_314 : memref<1x1x128xi32, #tpu.memory_space<vmem>> -> memref<128xi32, #tpu.memory_space<vmem>>
        %dma_wait3A_316 = arith.constant 0 : i32
        %dma_wait3A_317 = arith.constant 0 : i32
        %dma_wait3A_318 = tpu.memref_slice %arg8[%dma_wait3A_316, %dma_wait3A_317] : memref<10240x128xf32, #tpu.memory_space<vmem_shared>> -> memref<10240x128xf32, #tpu.memory_space<vmem_shared>>
        tpu.wait_indirect_dma semaphore(%run_scoped3A_306 : memref<!tpu.dma_semaphore, #tpu.memory_space<semaphore_mem>>) src(%arg7 : memref<128x128xf32, #tpu.memory_space<vmem>>) dst(%dma_wait3A_318 : memref<10240x128xf32, #tpu.memory_space<vmem_shared>>)
        tpu.yield
      }) : () -> ()
      %dma_start3A_277 = arith.constant 15 : i32
      %dma_start3A_278 = arith.constant 0 : i32
      %dma_start3A_279 = arith.constant 0 : i32
      %dma_start3A_280 = tpu.memref_slice %arg5[%dma_start3A_277, %dma_start3A_278, %dma_start3A_279] : memref<16x2x128xi32, #tpu.memory_space<vmem>> -> memref<1x1x128xi32, #tpu.memory_space<vmem>>
      %dma_start3A_281 = tpu.memref_squeeze %dma_start3A_280 : memref<1x1x128xi32, #tpu.memory_space<vmem>> -> memref<128xi32, #tpu.memory_space<vmem>>
      %dma_start3A_282 = arith.constant 0 : i32
      %dma_start3A_283 = arith.constant 0 : i32
      %dma_start3A_284 = tpu.memref_slice %arg2[%dma_start3A_282, %dma_start3A_283] : memref<10240x128xf32, #tpu.memory_space<hbm>> -> memref<10240x128xf32, #tpu.memory_space<hbm>>
      tpu.enqueue_indirect_dma source(%dma_start3A_284 : memref<10240x128xf32, #tpu.memory_space<hbm>>) target(%arg7 : memref<128x128xf32, #tpu.memory_space<vmem>>) offsets(%dma_start3A_281 : memref<128xi32, #tpu.memory_space<vmem>>) semaphore(%arg10 : memref<!tpu.dma_semaphore, #tpu.memory_space<semaphore_mem>>)
      %dma_wait3A_285 = arith.constant 14 : i32
      %dma_wait3A_286 = arith.constant 0 : i32
      %dma_wait3A_287 = arith.constant 0 : i32
      %dma_wait3A_288 = tpu.memref_slice %arg5[%dma_wait3A_285, %dma_wait3A_286, %dma_wait3A_287] : memref<16x2x128xi32, #tpu.memory_space<vmem>> -> memref<1x1x128xi32, #tpu.memory_space<vmem>>
      %dma_wait3A_289 = tpu.memref_squeeze %dma_wait3A_288 : memref<1x1x128xi32, #tpu.memory_space<vmem>> -> memref<128xi32, #tpu.memory_space<vmem>>
      %dma_wait3A_290 = arith.constant 0 : i32
      %dma_wait3A_291 = arith.constant 0 : i32
      %dma_wait3A_292 = tpu.memref_slice %arg2[%dma_wait3A_290, %dma_wait3A_291] : memref<10240x128xf32, #tpu.memory_space<hbm>> -> memref<10240x128xf32, #tpu.memory_space<hbm>>
      tpu.wait_indirect_dma semaphore(%arg9 : memref<!tpu.dma_semaphore, #tpu.memory_space<semaphore_mem>>) src(%dma_wait3A_292 : memref<10240x128xf32, #tpu.memory_space<hbm>>) dst(%arg6 : memref<128x128xf32, #tpu.memory_space<vmem>>)
      %run_scoped3A_293 = arith.constant 14 : i32
      %run_scoped3A_294 = arith.constant 1 : i32
      "tpu.region"() ({
        %run_scoped3A_306 = tpu.sem_alloc : memref<!tpu.dma_semaphore, #tpu.memory_space<semaphore_mem>>
        %dma_start3A_307 = arith.constant 0 : i32
        %dma_start3A_308 = tpu.memref_slice %arg5[%run_scoped3A_293, %run_scoped3A_294, %dma_start3A_307] : memref<16x2x128xi32, #tpu.memory_space<vmem>> -> memref<1x1x128xi32, #tpu.memory_space<vmem>>
        %dma_start3A_309 = tpu.memref_squeeze %dma_start3A_308 : memref<1x1x128xi32, #tpu.memory_space<vmem>> -> memref<128xi32, #tpu.memory_space<vmem>>
        %dma_start3A_310 = arith.constant 0 : i32
        %dma_start3A_311 = arith.constant 0 : i32
        %dma_start3A_312 = tpu.memref_slice %arg8[%dma_start3A_310, %dma_start3A_311] : memref<10240x128xf32, #tpu.memory_space<vmem_shared>> -> memref<10240x128xf32, #tpu.memory_space<vmem_shared>>
        tpu.enqueue_indirect_dma source(%arg6 : memref<128x128xf32, #tpu.memory_space<vmem>>) target(%dma_start3A_312 : memref<10240x128xf32, #tpu.memory_space<vmem_shared>>) offsets(%dma_start3A_309 : memref<128xi32, #tpu.memory_space<vmem>>) semaphore(%run_scoped3A_306 : memref<!tpu.dma_semaphore, #tpu.memory_space<semaphore_mem>>) {add = true}
        %dma_wait3A_313 = arith.constant 0 : i32
        %dma_wait3A_314 = tpu.memref_slice %arg5[%run_scoped3A_293, %run_scoped3A_294, %dma_wait3A_313] : memref<16x2x128xi32, #tpu.memory_space<vmem>> -> memref<1x1x128xi32, #tpu.memory_space<vmem>>
        %dma_wait3A_315 = tpu.memref_squeeze %dma_wait3A_314 : memref<1x1x128xi32, #tpu.memory_space<vmem>> -> memref<128xi32, #tpu.memory_space<vmem>>
        %dma_wait3A_316 = arith.constant 0 : i32
        %dma_wait3A_317 = arith.constant 0 : i32
        %dma_wait3A_318 = tpu.memref_slice %arg8[%dma_wait3A_316, %dma_wait3A_317] : memref<10240x128xf32, #tpu.memory_space<vmem_shared>> -> memref<10240x128xf32, #tpu.memory_space<vmem_shared>>
        tpu.wait_indirect_dma semaphore(%run_scoped3A_306 : memref<!tpu.dma_semaphore, #tpu.memory_space<semaphore_mem>>) src(%arg6 : memref<128x128xf32, #tpu.memory_space<vmem>>) dst(%dma_wait3A_318 : memref<10240x128xf32, #tpu.memory_space<vmem_shared>>)
        tpu.yield
      }) : () -> ()
      %dma_wait3A_295 = arith.constant 15 : i32
      %dma_wait3A_296 = arith.constant 0 : i32
      %dma_wait3A_297 = arith.constant 0 : i32
      %dma_wait3A_298 = tpu.memref_slice %arg5[%dma_wait3A_295, %dma_wait3A_296, %dma_wait3A_297] : memref<16x2x128xi32, #tpu.memory_space<vmem>> -> memref<1x1x128xi32, #tpu.memory_space<vmem>>
      %dma_wait3A_299 = tpu.memref_squeeze %dma_wait3A_298 : memref<1x1x128xi32, #tpu.memory_space<vmem>> -> memref<128xi32, #tpu.memory_space<vmem>>
      %dma_wait3A_300 = arith.constant 0 : i32
      %dma_wait3A_301 = arith.constant 0 : i32
      %dma_wait3A_302 = tpu.memref_slice %arg2[%dma_wait3A_300, %dma_wait3A_301] : memref<10240x128xf32, #tpu.memory_space<hbm>> -> memref<10240x128xf32, #tpu.memory_space<hbm>>
      tpu.wait_indirect_dma semaphore(%arg10 : memref<!tpu.dma_semaphore, #tpu.memory_space<semaphore_mem>>) src(%dma_wait3A_302 : memref<10240x128xf32, #tpu.memory_space<hbm>>) dst(%arg7 : memref<128x128xf32, #tpu.memory_space<vmem>>)
      %run_scoped3A_303 = arith.constant 15 : i32
      %run_scoped3A_304 = arith.constant 1 : i32
      "tpu.region"() ({
        %run_scoped3A_306 = tpu.sem_alloc : memref<!tpu.dma_semaphore, #tpu.memory_space<semaphore_mem>>
        %dma_start3A_307 = arith.constant 0 : i32
        %dma_start3A_308 = tpu.memref_slice %arg5[%run_scoped3A_303, %run_scoped3A_304, %dma_start3A_307] : memref<16x2x128xi32, #tpu.memory_space<vmem>> -> memref<1x1x128xi32, #tpu.memory_space<vmem>>
        %dma_start3A_309 = tpu.memref_squeeze %dma_start3A_308 : memref<1x1x128xi32, #tpu.memory_space<vmem>> -> memref<128xi32, #tpu.memory_space<vmem>>
        %dma_start3A_310 = arith.constant 0 : i32
        %dma_start3A_311 = arith.constant 0 : i32
        %dma_start3A_312 = tpu.memref_slice %arg8[%dma_start3A_310, %dma_start3A_311] : memref<10240x128xf32, #tpu.memory_space<vmem_shared>> -> memref<10240x128xf32, #tpu.memory_space<vmem_shared>>
        tpu.enqueue_indirect_dma source(%arg7 : memref<128x128xf32, #tpu.memory_space<vmem>>) target(%dma_start3A_312 : memref<10240x128xf32, #tpu.memory_space<vmem_shared>>) offsets(%dma_start3A_309 : memref<128xi32, #tpu.memory_space<vmem>>) semaphore(%run_scoped3A_306 : memref<!tpu.dma_semaphore, #tpu.memory_space<semaphore_mem>>) {add = true}
        %dma_wait3A_313 = arith.constant 0 : i32
        %dma_wait3A_314 = tpu.memref_slice %arg5[%run_scoped3A_303, %run_scoped3A_304, %dma_wait3A_313] : memref<16x2x128xi32, #tpu.memory_space<vmem>> -> memref<1x1x128xi32, #tpu.memory_space<vmem>>
        %dma_wait3A_315 = tpu.memref_squeeze %dma_wait3A_314 : memref<1x1x128xi32, #tpu.memory_space<vmem>> -> memref<128xi32, #tpu.memory_space<vmem>>
        %dma_wait3A_316 = arith.constant 0 : i32
        %dma_wait3A_317 = arith.constant 0 : i32
        %dma_wait3A_318 = tpu.memref_slice %arg8[%dma_wait3A_316, %dma_wait3A_317] : memref<10240x128xf32, #tpu.memory_space<vmem_shared>> -> memref<10240x128xf32, #tpu.memory_space<vmem_shared>>
        tpu.wait_indirect_dma semaphore(%run_scoped3A_306 : memref<!tpu.dma_semaphore, #tpu.memory_space<semaphore_mem>>) src(%arg7 : memref<128x128xf32, #tpu.memory_space<vmem>>) dst(%dma_wait3A_318 : memref<10240x128xf32, #tpu.memory_space<vmem_shared>>)
        tpu.yield
      }) : () -> ()
      %scan3A_305 = arith.constant 0 : i32
      scf.yield %scan3A_305 : i32
    }
    %scan3A_10 = arith.constant 5 : i32
    %barrier3A_11 = arith.constant 0 : index
    tpu.barrier barrier_id(%barrier3A_11)
    %mul3A_12 = arith.constant 640 : i32
    %mul3A_13 = arith.muli %arg1, %mul3A_12 : i32
    %mul3A_14 = arith.constant 640 : i32
    %mul3A_15 = arith.muli %arg1, %mul3A_14 : i32
    "tpu.region"() ({
      %run_scoped3A = tpu.sem_alloc : memref<!tpu.dma_semaphore, #tpu.memory_space<semaphore_mem>>
      %dma_start3A = arith.constant 0 : i32
      %dma_start3A_16 = tpu.memref_slice %arg4[%arg0, %mul3A_15, %dma_start3A] : memref<2x10240x128xf32, #tpu.memory_space<hbm>> -> memref<1x640x128xf32, #tpu.memory_space<hbm>>
      %dma_start3A_17 = tpu.memref_squeeze %dma_start3A_16 : memref<1x640x128xf32, #tpu.memory_space<hbm>> -> memref<640x128xf32, #tpu.memory_space<hbm>>
      %dma_start3A_18 = arith.constant 0 : i32
      %dma_start3A_19 = tpu.memref_slice %arg8[%mul3A_13, %dma_start3A_18] : memref<10240x128xf32, #tpu.memory_space<vmem_shared>> -> memref<640x128xf32, #tpu.memory_space<vmem_shared>>
      tpu.enqueue_dma source(%dma_start3A_19 : memref<640x128xf32, #tpu.memory_space<vmem_shared>>) target(%dma_start3A_17 : memref<640x128xf32, #tpu.memory_space<hbm>>) target_semaphore(%run_scoped3A : memref<!tpu.dma_semaphore, #tpu.memory_space<semaphore_mem>>)
      %dma_wait3A = arith.constant 0 : i32
      %dma_wait3A_20 = tpu.memref_slice %arg4[%arg0, %mul3A_15, %dma_wait3A] : memref<2x10240x128xf32, #tpu.memory_space<hbm>> -> memref<1x640x128xf32, #tpu.memory_space<hbm>>
      %dma_wait3A_21 = tpu.memref_squeeze %dma_wait3A_20 : memref<1x640x128xf32, #tpu.memory_space<hbm>> -> memref<640x128xf32, #tpu.memory_space<hbm>>
      %dma_wait3A_22 = arith.constant 0 : i32
      %dma_wait3A_23 = tpu.memref_slice %arg8[%mul3A_13, %dma_wait3A_22] : memref<10240x128xf32, #tpu.memory_space<vmem_shared>> -> memref<640x128xf32, #tpu.memory_space<vmem_shared>>
      tpu.wait_dma2 semaphore(%run_scoped3A : memref<!tpu.dma_semaphore, #tpu.memory_space<semaphore_mem>>) src(%dma_wait3A_23 : memref<640x128xf32, #tpu.memory_space<vmem_shared>>) dst(%dma_wait3A_21 : memref<640x128xf32, #tpu.memory_space<hbm>>)
      tpu.yield
    }) : () -> ()
    return
  }
}

#map = affine_map<(d0, d1) -> (0, 0)>
#map1 = affine_map<(d0, d1) -> (0, 0, 0, 0)>
#map2 = affine_map<(d0, d1) -> (0, 0, 0)>
module attributes {stable_mosaic.version = 14 : i64} {
  func.func @k(%arg0: i32, %arg1: i32, %arg2: memref<10240x128xf32, #tpu.memory_space<hbm>>, %arg3: memref<32x80x2x128xi32, #tpu.memory_space<hbm>>, %arg4: memref<2x10240x128xf32, #tpu.memory_space<hbm>>, %arg5: memref<16x2x128xi32, #tpu.memory_space<vmem>>, %arg6: memref<128x128xf32, #tpu.memory_space<vmem>>, %arg7: memref<128x128xf32, #tpu.memory_space<vmem>>, %arg8: memref<10240x128xf32, #tpu.memory_space<vmem_shared>>, %arg9: memref<!tpu.dma_semaphore, #tpu.memory_space<semaphore_mem>>, %arg10: memref<!tpu.dma_semaphore, #tpu.memory_space<semaphore_mem>>) attributes {dimension_semantics = [#tpu.dimension_semantics<core_parallel>, #tpu.dimension_semantics<subcore_parallel>], iteration_bounds = array<i64: 2, 16>, scalar_prefetch = 0 : i64, scratch_operands = 6 : i64, tpu.core_type = #tpu.core_type<sc_vector_subcore>, window_params = [{transform_indices = #map}, {transform_indices = #map1}, {transform_indices = #map2}]} {
    %mul3A = arith.constant 2 : i32
    %mul3A_0 = arith.muli %arg1, %mul3A : i32
    %add3A = arith.addi %mul3A_0, %arg0 : i32
    %mul3A_1 = arith.constant 640 : i32
    %mul3A_2 = arith.muli %arg1, %mul3A_1 : i32
    %mul3A_3 = arith.constant 640 : i32
    %mul3A_4 = arith.muli %arg1, %mul3A_3 : i32
    "tpu.region"() ({
      %run_scoped3A = tpu.sem_alloc : memref<!tpu.dma_semaphore, #tpu.memory_space<semaphore_mem>>
      %dma_start3A = arith.constant 0 : i32
      %dma_start3A_16 = tpu.memref_slice %arg8[%mul3A_4, %dma_start3A] : memref<10240x128xf32, #tpu.memory_space<vmem_shared>> -> memref<640x128xf32, #tpu.memory_space<vmem_shared>>
      %dma_start3A_17 = arith.constant 0 : i32
      %dma_start3A_18 = tpu.memref_slice %arg2[%mul3A_2, %dma_start3A_17] : memref<10240x128xf32, #tpu.memory_space<hbm>> -> memref<640x128xf32, #tpu.memory_space<hbm>>
      tpu.enqueue_dma source(%dma_start3A_18 : memref<640x128xf32, #tpu.memory_space<hbm>>) target(%dma_start3A_16 : memref<640x128xf32, #tpu.memory_space<vmem_shared>>) target_semaphore(%run_scoped3A : memref<!tpu.dma_semaphore, #tpu.memory_space<semaphore_mem>>)
      %dma_wait3A = arith.constant 0 : i32
      %dma_wait3A_19 = tpu.memref_slice %arg8[%mul3A_4, %dma_wait3A] : memref<10240x128xf32, #tpu.memory_space<vmem_shared>> -> memref<640x128xf32, #tpu.memory_space<vmem_shared>>
      %dma_wait3A_20 = arith.constant 0 : i32
      %dma_wait3A_21 = tpu.memref_slice %arg2[%mul3A_2, %dma_wait3A_20] : memref<10240x128xf32, #tpu.memory_space<hbm>> -> memref<640x128xf32, #tpu.memory_space<hbm>>
      tpu.wait_dma2 semaphore(%run_scoped3A : memref<!tpu.dma_semaphore, #tpu.memory_space<semaphore_mem>>) src(%dma_wait3A_21 : memref<640x128xf32, #tpu.memory_space<hbm>>) dst(%dma_wait3A_19 : memref<640x128xf32, #tpu.memory_space<vmem_shared>>)
      tpu.yield
    }) : () -> ()
    %barrier3A = arith.constant 0 : index
    tpu.barrier barrier_id(%barrier3A)
    %scan3A = arith.constant 0 : i32
    %scan3A_5 = arith.constant 0 : i32
    %scan3A_6 = arith.constant 5 : i32
    %scan3A_7 = arith.addi %scan3A_5, %scan3A_6 : i32
    %scan3A_8 = arith.constant 1 : i32
    %scan3A_9 = scf.for %scan3A_16 = %scan3A_5 to %scan3A_7 step %scan3A_8 iter_args(%scan3A_17 = %scan3A) -> (i32)  : i32 {
      %mul3A_18 = arith.constant 16 : i32
      %mul3A_19 = arith.muli %scan3A_16, %mul3A_18 : i32
      "tpu.region"() ({
        %run_scoped3A_306 = tpu.sem_alloc : memref<!tpu.dma_semaphore, #tpu.memory_space<semaphore_mem>>
        %dma_start3A_307 = arith.constant 0 : i32
        %dma_start3A_308 = arith.constant 0 : i32
        %dma_start3A_309 = tpu.memref_slice %arg3[%add3A, %mul3A_19, %dma_start3A_307, %dma_start3A_308] : memref<32x80x2x128xi32, #tpu.memory_space<hbm>> -> memref<1x16x2x128xi32, #tpu.memory_space<hbm>>
        %dma_start3A_310 = tpu.memref_squeeze %dma_start3A_309 : memref<1x16x2x128xi32, #tpu.memory_space<hbm>> -> memref<16x2x128xi32, #tpu.memory_space<hbm>>
        %dma_start3A_311 = arith.constant 0 : i32
        %dma_start3A_312 = arith.constant 0 : i32
        %dma_start3A_313 = tpu.memref_slice %arg3[%add3A, %mul3A_19, %dma_start3A_311, %dma_start3A_312] : memref<32x80x2x128xi32, #tpu.memory_space<hbm>> -> memref<1x16x2x128xi32, #tpu.memory_space<hbm>>
        %dma_start3A_314 = tpu.memref_squeeze %dma_start3A_313 : memref<1x16x2x128xi32, #tpu.memory_space<hbm>> -> memref<16x2x128xi32, #tpu.memory_space<hbm>>
        tpu.enqueue_dma source(%dma_start3A_314 : memref<16x2x128xi32, #tpu.memory_space<hbm>>) target(%arg5 : memref<16x2x128xi32, #tpu.memory_space<vmem>>) target_semaphore(%run_scoped3A_306 : memref<!tpu.dma_semaphore, #tpu.memory_space<semaphore_mem>>)
        %dma_wait3A_315 = arith.constant 0 : i32
        %dma_wait3A_316 = arith.constant 0 : i32
        %dma_wait3A_317 = tpu.memref_slice %arg3[%add3A, %mul3A_19, %dma_wait3A_315, %dma_wait3A_316] : memref<32x80x2x128xi32, #tpu.memory_space<hbm>> -> memref<1x16x2x128xi32, #tpu.memory_space<hbm>>
        %dma_wait3A_318 = tpu.memref_squeeze %dma_wait3A_317 : memref<1x16x2x128xi32, #tpu.memory_space<hbm>> -> memref<16x2x128xi32, #tpu.memory_space<hbm>>
        %dma_wait3A_319 = arith.constant 0 : i32
        %dma_wait3A_320 = arith.constant 0 : i32
        %dma_wait3A_321 = tpu.memref_slice %arg3[%add3A, %mul3A_19, %dma_wait3A_319, %dma_wait3A_320] : memref<32x80x2x128xi32, #tpu.memory_space<hbm>> -> memref<1x16x2x128xi32, #tpu.memory_space<hbm>>
        %dma_wait3A_322 = tpu.memref_squeeze %dma_wait3A_321 : memref<1x16x2x128xi32, #tpu.memory_space<hbm>> -> memref<16x2x128xi32, #tpu.memory_space<hbm>>
        tpu.wait_dma2 semaphore(%run_scoped3A_306 : memref<!tpu.dma_semaphore, #tpu.memory_space<semaphore_mem>>) src(%dma_wait3A_322 : memref<16x2x128xi32, #tpu.memory_space<hbm>>) dst(%arg5 : memref<16x2x128xi32, #tpu.memory_space<vmem>>)
        tpu.yield
      }) : () -> ()
      %dma_start3A = arith.constant 0 : i32
      %dma_start3A_20 = arith.constant 0 : i32
      %dma_start3A_21 = arith.constant 0 : i32
      %dma_start3A_22 = tpu.memref_slice %arg5[%dma_start3A, %dma_start3A_20, %dma_start3A_21] : memref<16x2x128xi32, #tpu.memory_space<vmem>> -> memref<1x1x128xi32, #tpu.memory_space<vmem>>
      %dma_start3A_23 = tpu.memref_squeeze %dma_start3A_22 : memref<1x1x128xi32, #tpu.memory_space<vmem>> -> memref<128xi32, #tpu.memory_space<vmem>>
      %dma_start3A_24 = arith.constant 0 : i32
      %dma_start3A_25 = arith.constant 0 : i32
      %dma_start3A_26 = tpu.memref_slice %arg2[%dma_start3A_24, %dma_start3A_25] : memref<10240x128xf32, #tpu.memory_space<hbm>> -> memref<10240x128xf32, #tpu.memory_space<hbm>>
      tpu.enqueue_indirect_dma source(%dma_start3A_26 : memref<10240x128xf32, #tpu.memory_space<hbm>>) target(%arg6 : memref<128x128xf32, #tpu.memory_space<vmem>>) offsets(%dma_start3A_23 : memref<128xi32, #tpu.memory_space<vmem>>) semaphore(%arg9 : memref<!tpu.dma_semaphore, #tpu.memory_space<semaphore_mem>>)
      %dma_start3A_27 = arith.constant 1 : i32
      %dma_start3A_28 = arith.constant 0 : i32
      %dma_start3A_29 = arith.constant 0 : i32
      %dma_start3A_30 = tpu.memref_slice %arg5[%dma_start3A_27, %dma_start3A_28, %dma_start3A_29] : memref<16x2x128xi32, #tpu.memory_space<vmem>> -> memref<1x1x128xi32, #tpu.memory_space<vmem>>
      %dma_start3A_31 = tpu.memref_squeeze %dma_start3A_30 : memref<1x1x128xi32, #tpu.memory_space<vmem>> -> memref<128xi32, #tpu.memory_space<vmem>>
      %dma_start3A_32 = arith.constant 0 : i32
      %dma_start3A_33 = arith.constant 0 : i32
      %dma_start3A_34 = tpu.memref_slice %arg2[%dma_start3A_32, %dma_start3A_33] : memref<10240x128xf32, #tpu.memory_space<hbm>> -> memref<10240x128xf32, #tpu.memory_space<hbm>>
      tpu.enqueue_indirect_dma source(%dma_start3A_34 : memref<10240x128xf32, #tpu.memory_space<hbm>>) target(%arg7 : memref<128x128xf32, #tpu.memory_space<vmem>>) offsets(%dma_start3A_31 : memref<128xi32, #tpu.memory_space<vmem>>) semaphore(%arg10 : memref<!tpu.dma_semaphore, #tpu.memory_space<semaphore_mem>>)
      %dma_wait3A = arith.constant 0 : i32
      %dma_wait3A_35 = arith.constant 0 : i32
      %dma_wait3A_36 = arith.constant 0 : i32
      %dma_wait3A_37 = tpu.memref_slice %arg5[%dma_wait3A, %dma_wait3A_35, %dma_wait3A_36] : memref<16x2x128xi32, #tpu.memory_space<vmem>> -> memref<1x1x128xi32, #tpu.memory_space<vmem>>
      %dma_wait3A_38 = tpu.memref_squeeze %dma_wait3A_37 : memref<1x1x128xi32, #tpu.memory_space<vmem>> -> memref<128xi32, #tpu.memory_space<vmem>>
      %dma_wait3A_39 = arith.constant 0 : i32
      %dma_wait3A_40 = arith.constant 0 : i32
      %dma_wait3A_41 = tpu.memref_slice %arg2[%dma_wait3A_39, %dma_wait3A_40] : memref<10240x128xf32, #tpu.memory_space<hbm>> -> memref<10240x128xf32, #tpu.memory_space<hbm>>
      tpu.wait_indirect_dma semaphore(%arg9 : memref<!tpu.dma_semaphore, #tpu.memory_space<semaphore_mem>>) src(%dma_wait3A_41 : memref<10240x128xf32, #tpu.memory_space<hbm>>) dst(%arg6 : memref<128x128xf32, #tpu.memory_space<vmem>>)
      %run_scoped3A = arith.constant 0 : i32
      %run_scoped3A_42 = arith.constant 1 : i32
      "tpu.region"() ({
        %run_scoped3A_306 = tpu.sem_alloc : memref<!tpu.dma_semaphore, #tpu.memory_space<semaphore_mem>>
        %dma_start3A_307 = arith.constant 0 : i32
        %dma_start3A_308 = tpu.memref_slice %arg5[%run_scoped3A, %run_scoped3A_42, %dma_start3A_307] : memref<16x2x128xi32, #tpu.memory_space<vmem>> -> memref<1x1x128xi32, #tpu.memory_space<vmem>>
        %dma_start3A_309 = tpu.memref_squeeze %dma_start3A_308 : memref<1x1x128xi32, #tpu.memory_space<vmem>> -> memref<128xi32, #tpu.memory_space<vmem>>
        %dma_start3A_310 = arith.constant 0 : i32
        %dma_start3A_311 = arith.constant 0 : i32
        %dma_start3A_312 = tpu.memref_slice %arg8[%dma_start3A_310, %dma_start3A_311] : memref<10240x128xf32, #tpu.memory_space<vmem_shared>> -> memref<10240x128xf32, #tpu.memory_space<vmem_shared>>
        tpu.enqueue_indirect_dma source(%arg6 : memref<128x128xf32, #tpu.memory_space<vmem>>) target(%dma_start3A_312 : memref<10240x128xf32, #tpu.memory_space<vmem_shared>>) offsets(%dma_start3A_309 : memref<128xi32, #tpu.memory_space<vmem>>) semaphore(%run_scoped3A_306 : memref<!tpu.dma_semaphore, #tpu.memory_space<semaphore_mem>>) {add = true}
        %dma_wait3A_313 = arith.constant 0 : i32
        %dma_wait3A_314 = tpu.memref_slice %arg5[%run_scoped3A, %run_scoped3A_42, %dma_wait3A_313] : memref<16x2x128xi32, #tpu.memory_space<vmem>> -> memref<1x1x128xi32, #tpu.memory_space<vmem>>
        %dma_wait3A_315 = tpu.memref_squeeze %dma_wait3A_314 : memref<1x1x128xi32, #tpu.memory_space<vmem>> -> memref<128xi32, #tpu.memory_space<vmem>>
        %dma_wait3A_316 = arith.constant 0 : i32
        %dma_wait3A_317 = arith.constant 0 : i32
        %dma_wait3A_318 = tpu.memref_slice %arg8[%dma_wait3A_316, %dma_wait3A_317] : memref<10240x128xf32, #tpu.memory_space<vmem_shared>> -> memref<10240x128xf32, #tpu.memory_space<vmem_shared>>
        tpu.wait_indirect_dma semaphore(%run_scoped3A_306 : memref<!tpu.dma_semaphore, #tpu.memory_space<semaphore_mem>>) src(%arg6 : memref<128x128xf32, #tpu.memory_space<vmem>>) dst(%dma_wait3A_318 : memref<10240x128xf32, #tpu.memory_space<vmem_shared>>)
        tpu.yield
      }) : () -> ()
      %dma_start3A_43 = arith.constant 2 : i32
      %dma_start3A_44 = arith.constant 0 : i32
      %dma_start3A_45 = arith.constant 0 : i32
      %dma_start3A_46 = tpu.memref_slice %arg5[%dma_start3A_43, %dma_start3A_44, %dma_start3A_45] : memref<16x2x128xi32, #tpu.memory_space<vmem>> -> memref<1x1x128xi32, #tpu.memory_space<vmem>>
      %dma_start3A_47 = tpu.memref_squeeze %dma_start3A_46 : memref<1x1x128xi32, #tpu.memory_space<vmem>> -> memref<128xi32, #tpu.memory_space<vmem>>
      %dma_start3A_48 = arith.constant 0 : i32
      %dma_start3A_49 = arith.constant 0 : i32
      %dma_start3A_50 = tpu.memref_slice %arg2[%dma_start3A_48, %dma_start3A_49] : memref<10240x128xf32, #tpu.memory_space<hbm>> -> memref<10240x128xf32, #tpu.memory_space<hbm>>
      tpu.enqueue_indirect_dma source(%dma_start3A_50 : memref<10240x128xf32, #tpu.memory_space<hbm>>) target(%arg6 : memref<128x128xf32, #tpu.memory_space<vmem>>) offsets(%dma_start3A_47 : memref<128xi32, #tpu.memory_space<vmem>>) semaphore(%arg9 : memref<!tpu.dma_semaphore, #tpu.memory_space<semaphore_mem>>)
      %dma_wait3A_51 = arith.constant 1 : i32
      %dma_wait3A_52 = arith.constant 0 : i32
      %dma_wait3A_53 = arith.constant 0 : i32
      %dma_wait3A_54 = tpu.memref_slice %arg5[%dma_wait3A_51, %dma_wait3A_52, %dma_wait3A_53] : memref<16x2x128xi32, #tpu.memory_space<vmem>> -> memref<1x1x128xi32, #tpu.memory_space<vmem>>
      %dma_wait3A_55 = tpu.memref_squeeze %dma_wait3A_54 : memref<1x1x128xi32, #tpu.memory_space<vmem>> -> memref<128xi32, #tpu.memory_space<vmem>>
      %dma_wait3A_56 = arith.constant 0 : i32
      %dma_wait3A_57 = arith.constant 0 : i32
      %dma_wait3A_58 = tpu.memref_slice %arg2[%dma_wait3A_56, %dma_wait3A_57] : memref<10240x128xf32, #tpu.memory_space<hbm>> -> memref<10240x128xf32, #tpu.memory_space<hbm>>
      tpu.wait_indirect_dma semaphore(%arg10 : memref<!tpu.dma_semaphore, #tpu.memory_space<semaphore_mem>>) src(%dma_wait3A_58 : memref<10240x128xf32, #tpu.memory_space<hbm>>) dst(%arg7 : memref<128x128xf32, #tpu.memory_space<vmem>>)
      %run_scoped3A_59 = arith.constant 1 : i32
      %run_scoped3A_60 = arith.constant 1 : i32
      "tpu.region"() ({
        %run_scoped3A_306 = tpu.sem_alloc : memref<!tpu.dma_semaphore, #tpu.memory_space<semaphore_mem>>
        %dma_start3A_307 = arith.constant 0 : i32
        %dma_start3A_308 = tpu.memref_slice %arg5[%run_scoped3A_59, %run_scoped3A_60, %dma_start3A_307] : memref<16x2x128xi32, #tpu.memory_space<vmem>> -> memref<1x1x128xi32, #tpu.memory_space<vmem>>
        %dma_start3A_309 = tpu.memref_squeeze %dma_start3A_308 : memref<1x1x128xi32, #tpu.memory_space<vmem>> -> memref<128xi32, #tpu.memory_space<vmem>>
        %dma_start3A_310 = arith.constant 0 : i32
        %dma_start3A_311 = arith.constant 0 : i32
        %dma_start3A_312 = tpu.memref_slice %arg8[%dma_start3A_310, %dma_start3A_311] : memref<10240x128xf32, #tpu.memory_space<vmem_shared>> -> memref<10240x128xf32, #tpu.memory_space<vmem_shared>>
        tpu.enqueue_indirect_dma source(%arg7 : memref<128x128xf32, #tpu.memory_space<vmem>>) target(%dma_start3A_312 : memref<10240x128xf32, #tpu.memory_space<vmem_shared>>) offsets(%dma_start3A_309 : memref<128xi32, #tpu.memory_space<vmem>>) semaphore(%run_scoped3A_306 : memref<!tpu.dma_semaphore, #tpu.memory_space<semaphore_mem>>) {add = true}
        %dma_wait3A_313 = arith.constant 0 : i32
        %dma_wait3A_314 = tpu.memref_slice %arg5[%run_scoped3A_59, %run_scoped3A_60, %dma_wait3A_313] : memref<16x2x128xi32, #tpu.memory_space<vmem>> -> memref<1x1x128xi32, #tpu.memory_space<vmem>>
        %dma_wait3A_315 = tpu.memref_squeeze %dma_wait3A_314 : memref<1x1x128xi32, #tpu.memory_space<vmem>> -> memref<128xi32, #tpu.memory_space<vmem>>
        %dma_wait3A_316 = arith.constant 0 : i32
        %dma_wait3A_317 = arith.constant 0 : i32
        %dma_wait3A_318 = tpu.memref_slice %arg8[%dma_wait3A_316, %dma_wait3A_317] : memref<10240x128xf32, #tpu.memory_space<vmem_shared>> -> memref<10240x128xf32, #tpu.memory_space<vmem_shared>>
        tpu.wait_indirect_dma semaphore(%run_scoped3A_306 : memref<!tpu.dma_semaphore, #tpu.memory_space<semaphore_mem>>) src(%arg7 : memref<128x128xf32, #tpu.memory_space<vmem>>) dst(%dma_wait3A_318 : memref<10240x128xf32, #tpu.memory_space<vmem_shared>>)
        tpu.yield
      }) : () -> ()
      %dma_start3A_61 = arith.constant 3 : i32
      %dma_start3A_62 = arith.constant 0 : i32
      %dma_start3A_63 = arith.constant 0 : i32
      %dma_start3A_64 = tpu.memref_slice %arg5[%dma_start3A_61, %dma_start3A_62, %dma_start3A_63] : memref<16x2x128xi32, #tpu.memory_space<vmem>> -> memref<1x1x128xi32, #tpu.memory_space<vmem>>
      %dma_start3A_65 = tpu.memref_squeeze %dma_start3A_64 : memref<1x1x128xi32, #tpu.memory_space<vmem>> -> memref<128xi32, #tpu.memory_space<vmem>>
      %dma_start3A_66 = arith.constant 0 : i32
      %dma_start3A_67 = arith.constant 0 : i32
      %dma_start3A_68 = tpu.memref_slice %arg2[%dma_start3A_66, %dma_start3A_67] : memref<10240x128xf32, #tpu.memory_space<hbm>> -> memref<10240x128xf32, #tpu.memory_space<hbm>>
      tpu.enqueue_indirect_dma source(%dma_start3A_68 : memref<10240x128xf32, #tpu.memory_space<hbm>>) target(%arg7 : memref<128x128xf32, #tpu.memory_space<vmem>>) offsets(%dma_start3A_65 : memref<128xi32, #tpu.memory_space<vmem>>) semaphore(%arg10 : memref<!tpu.dma_semaphore, #tpu.memory_space<semaphore_mem>>)
      %dma_wait3A_69 = arith.constant 2 : i32
      %dma_wait3A_70 = arith.constant 0 : i32
      %dma_wait3A_71 = arith.constant 0 : i32
      %dma_wait3A_72 = tpu.memref_slice %arg5[%dma_wait3A_69, %dma_wait3A_70, %dma_wait3A_71] : memref<16x2x128xi32, #tpu.memory_space<vmem>> -> memref<1x1x128xi32, #tpu.memory_space<vmem>>
      %dma_wait3A_73 = tpu.memref_squeeze %dma_wait3A_72 : memref<1x1x128xi32, #tpu.memory_space<vmem>> -> memref<128xi32, #tpu.memory_space<vmem>>
      %dma_wait3A_74 = arith.constant 0 : i32
      %dma_wait3A_75 = arith.constant 0 : i32
      %dma_wait3A_76 = tpu.memref_slice %arg2[%dma_wait3A_74, %dma_wait3A_75] : memref<10240x128xf32, #tpu.memory_space<hbm>> -> memref<10240x128xf32, #tpu.memory_space<hbm>>
      tpu.wait_indirect_dma semaphore(%arg9 : memref<!tpu.dma_semaphore, #tpu.memory_space<semaphore_mem>>) src(%dma_wait3A_76 : memref<10240x128xf32, #tpu.memory_space<hbm>>) dst(%arg6 : memref<128x128xf32, #tpu.memory_space<vmem>>)
      %run_scoped3A_77 = arith.constant 2 : i32
      %run_scoped3A_78 = arith.constant 1 : i32
      "tpu.region"() ({
        %run_scoped3A_306 = tpu.sem_alloc : memref<!tpu.dma_semaphore, #tpu.memory_space<semaphore_mem>>
        %dma_start3A_307 = arith.constant 0 : i32
        %dma_start3A_308 = tpu.memref_slice %arg5[%run_scoped3A_77, %run_scoped3A_78, %dma_start3A_307] : memref<16x2x128xi32, #tpu.memory_space<vmem>> -> memref<1x1x128xi32, #tpu.memory_space<vmem>>
        %dma_start3A_309 = tpu.memref_squeeze %dma_start3A_308 : memref<1x1x128xi32, #tpu.memory_space<vmem>> -> memref<128xi32, #tpu.memory_space<vmem>>
        %dma_start3A_310 = arith.constant 0 : i32
        %dma_start3A_311 = arith.constant 0 : i32
        %dma_start3A_312 = tpu.memref_slice %arg8[%dma_start3A_310, %dma_start3A_311] : memref<10240x128xf32, #tpu.memory_space<vmem_shared>> -> memref<10240x128xf32, #tpu.memory_space<vmem_shared>>
        tpu.enqueue_indirect_dma source(%arg6 : memref<128x128xf32, #tpu.memory_space<vmem>>) target(%dma_start3A_312 : memref<10240x128xf32, #tpu.memory_space<vmem_shared>>) offsets(%dma_start3A_309 : memref<128xi32, #tpu.memory_space<vmem>>) semaphore(%run_scoped3A_306 : memref<!tpu.dma_semaphore, #tpu.memory_space<semaphore_mem>>) {add = true}
        %dma_wait3A_313 = arith.constant 0 : i32
        %dma_wait3A_314 = tpu.memref_slice %arg5[%run_scoped3A_77, %run_scoped3A_78, %dma_wait3A_313] : memref<16x2x128xi32, #tpu.memory_space<vmem>> -> memref<1x1x128xi32, #tpu.memory_space<vmem>>
        %dma_wait3A_315 = tpu.memref_squeeze %dma_wait3A_314 : memref<1x1x128xi32, #tpu.memory_space<vmem>> -> memref<128xi32, #tpu.memory_space<vmem>>
        %dma_wait3A_316 = arith.constant 0 : i32
        %dma_wait3A_317 = arith.constant 0 : i32
        %dma_wait3A_318 = tpu.memref_slice %arg8[%dma_wait3A_316, %dma_wait3A_317] : memref<10240x128xf32, #tpu.memory_space<vmem_shared>> -> memref<10240x128xf32, #tpu.memory_space<vmem_shared>>
        tpu.wait_indirect_dma semaphore(%run_scoped3A_306 : memref<!tpu.dma_semaphore, #tpu.memory_space<semaphore_mem>>) src(%arg6 : memref<128x128xf32, #tpu.memory_space<vmem>>) dst(%dma_wait3A_318 : memref<10240x128xf32, #tpu.memory_space<vmem_shared>>)
        tpu.yield
      }) : () -> ()
      %dma_start3A_79 = arith.constant 4 : i32
      %dma_start3A_80 = arith.constant 0 : i32
      %dma_start3A_81 = arith.constant 0 : i32
      %dma_start3A_82 = tpu.memref_slice %arg5[%dma_start3A_79, %dma_start3A_80, %dma_start3A_81] : memref<16x2x128xi32, #tpu.memory_space<vmem>> -> memref<1x1x128xi32, #tpu.memory_space<vmem>>
      %dma_start3A_83 = tpu.memref_squeeze %dma_start3A_82 : memref<1x1x128xi32, #tpu.memory_space<vmem>> -> memref<128xi32, #tpu.memory_space<vmem>>
      %dma_start3A_84 = arith.constant 0 : i32
      %dma_start3A_85 = arith.constant 0 : i32
      %dma_start3A_86 = tpu.memref_slice %arg2[%dma_start3A_84, %dma_start3A_85] : memref<10240x128xf32, #tpu.memory_space<hbm>> -> memref<10240x128xf32, #tpu.memory_space<hbm>>
      tpu.enqueue_indirect_dma source(%dma_start3A_86 : memref<10240x128xf32, #tpu.memory_space<hbm>>) target(%arg6 : memref<128x128xf32, #tpu.memory_space<vmem>>) offsets(%dma_start3A_83 : memref<128xi32, #tpu.memory_space<vmem>>) semaphore(%arg9 : memref<!tpu.dma_semaphore, #tpu.memory_space<semaphore_mem>>)
      %dma_wait3A_87 = arith.constant 3 : i32
      %dma_wait3A_88 = arith.constant 0 : i32
      %dma_wait3A_89 = arith.constant 0 : i32
      %dma_wait3A_90 = tpu.memref_slice %arg5[%dma_wait3A_87, %dma_wait3A_88, %dma_wait3A_89] : memref<16x2x128xi32, #tpu.memory_space<vmem>> -> memref<1x1x128xi32, #tpu.memory_space<vmem>>
      %dma_wait3A_91 = tpu.memref_squeeze %dma_wait3A_90 : memref<1x1x128xi32, #tpu.memory_space<vmem>> -> memref<128xi32, #tpu.memory_space<vmem>>
      %dma_wait3A_92 = arith.constant 0 : i32
      %dma_wait3A_93 = arith.constant 0 : i32
      %dma_wait3A_94 = tpu.memref_slice %arg2[%dma_wait3A_92, %dma_wait3A_93] : memref<10240x128xf32, #tpu.memory_space<hbm>> -> memref<10240x128xf32, #tpu.memory_space<hbm>>
      tpu.wait_indirect_dma semaphore(%arg10 : memref<!tpu.dma_semaphore, #tpu.memory_space<semaphore_mem>>) src(%dma_wait3A_94 : memref<10240x128xf32, #tpu.memory_space<hbm>>) dst(%arg7 : memref<128x128xf32, #tpu.memory_space<vmem>>)
      %run_scoped3A_95 = arith.constant 3 : i32
      %run_scoped3A_96 = arith.constant 1 : i32
      "tpu.region"() ({
        %run_scoped3A_306 = tpu.sem_alloc : memref<!tpu.dma_semaphore, #tpu.memory_space<semaphore_mem>>
        %dma_start3A_307 = arith.constant 0 : i32
        %dma_start3A_308 = tpu.memref_slice %arg5[%run_scoped3A_95, %run_scoped3A_96, %dma_start3A_307] : memref<16x2x128xi32, #tpu.memory_space<vmem>> -> memref<1x1x128xi32, #tpu.memory_space<vmem>>
        %dma_start3A_309 = tpu.memref_squeeze %dma_start3A_308 : memref<1x1x128xi32, #tpu.memory_space<vmem>> -> memref<128xi32, #tpu.memory_space<vmem>>
        %dma_start3A_310 = arith.constant 0 : i32
        %dma_start3A_311 = arith.constant 0 : i32
        %dma_start3A_312 = tpu.memref_slice %arg8[%dma_start3A_310, %dma_start3A_311] : memref<10240x128xf32, #tpu.memory_space<vmem_shared>> -> memref<10240x128xf32, #tpu.memory_space<vmem_shared>>
        tpu.enqueue_indirect_dma source(%arg7 : memref<128x128xf32, #tpu.memory_space<vmem>>) target(%dma_start3A_312 : memref<10240x128xf32, #tpu.memory_space<vmem_shared>>) offsets(%dma_start3A_309 : memref<128xi32, #tpu.memory_space<vmem>>) semaphore(%run_scoped3A_306 : memref<!tpu.dma_semaphore, #tpu.memory_space<semaphore_mem>>) {add = true}
        %dma_wait3A_313 = arith.constant 0 : i32
        %dma_wait3A_314 = tpu.memref_slice %arg5[%run_scoped3A_95, %run_scoped3A_96, %dma_wait3A_313] : memref<16x2x128xi32, #tpu.memory_space<vmem>> -> memref<1x1x128xi32, #tpu.memory_space<vmem>>
        %dma_wait3A_315 = tpu.memref_squeeze %dma_wait3A_314 : memref<1x1x128xi32, #tpu.memory_space<vmem>> -> memref<128xi32, #tpu.memory_space<vmem>>
        %dma_wait3A_316 = arith.constant 0 : i32
        %dma_wait3A_317 = arith.constant 0 : i32
        %dma_wait3A_318 = tpu.memref_slice %arg8[%dma_wait3A_316, %dma_wait3A_317] : memref<10240x128xf32, #tpu.memory_space<vmem_shared>> -> memref<10240x128xf32, #tpu.memory_space<vmem_shared>>
        tpu.wait_indirect_dma semaphore(%run_scoped3A_306 : memref<!tpu.dma_semaphore, #tpu.memory_space<semaphore_mem>>) src(%arg7 : memref<128x128xf32, #tpu.memory_space<vmem>>) dst(%dma_wait3A_318 : memref<10240x128xf32, #tpu.memory_space<vmem_shared>>)
        tpu.yield
      }) : () -> ()
      %dma_start3A_97 = arith.constant 5 : i32
      %dma_start3A_98 = arith.constant 0 : i32
      %dma_start3A_99 = arith.constant 0 : i32
      %dma_start3A_100 = tpu.memref_slice %arg5[%dma_start3A_97, %dma_start3A_98, %dma_start3A_99] : memref<16x2x128xi32, #tpu.memory_space<vmem>> -> memref<1x1x128xi32, #tpu.memory_space<vmem>>
      %dma_start3A_101 = tpu.memref_squeeze %dma_start3A_100 : memref<1x1x128xi32, #tpu.memory_space<vmem>> -> memref<128xi32, #tpu.memory_space<vmem>>
      %dma_start3A_102 = arith.constant 0 : i32
      %dma_start3A_103 = arith.constant 0 : i32
      %dma_start3A_104 = tpu.memref_slice %arg2[%dma_start3A_102, %dma_start3A_103] : memref<10240x128xf32, #tpu.memory_space<hbm>> -> memref<10240x128xf32, #tpu.memory_space<hbm>>
      tpu.enqueue_indirect_dma source(%dma_start3A_104 : memref<10240x128xf32, #tpu.memory_space<hbm>>) target(%arg7 : memref<128x128xf32, #tpu.memory_space<vmem>>) offsets(%dma_start3A_101 : memref<128xi32, #tpu.memory_space<vmem>>) semaphore(%arg10 : memref<!tpu.dma_semaphore, #tpu.memory_space<semaphore_mem>>)
      %dma_wait3A_105 = arith.constant 4 : i32
      %dma_wait3A_106 = arith.constant 0 : i32
      %dma_wait3A_107 = arith.constant 0 : i32
      %dma_wait3A_108 = tpu.memref_slice %arg5[%dma_wait3A_105, %dma_wait3A_106, %dma_wait3A_107] : memref<16x2x128xi32, #tpu.memory_space<vmem>> -> memref<1x1x128xi32, #tpu.memory_space<vmem>>
      %dma_wait3A_109 = tpu.memref_squeeze %dma_wait3A_108 : memref<1x1x128xi32, #tpu.memory_space<vmem>> -> memref<128xi32, #tpu.memory_space<vmem>>
      %dma_wait3A_110 = arith.constant 0 : i32
      %dma_wait3A_111 = arith.constant 0 : i32
      %dma_wait3A_112 = tpu.memref_slice %arg2[%dma_wait3A_110, %dma_wait3A_111] : memref<10240x128xf32, #tpu.memory_space<hbm>> -> memref<10240x128xf32, #tpu.memory_space<hbm>>
      tpu.wait_indirect_dma semaphore(%arg9 : memref<!tpu.dma_semaphore, #tpu.memory_space<semaphore_mem>>) src(%dma_wait3A_112 : memref<10240x128xf32, #tpu.memory_space<hbm>>) dst(%arg6 : memref<128x128xf32, #tpu.memory_space<vmem>>)
      %run_scoped3A_113 = arith.constant 4 : i32
      %run_scoped3A_114 = arith.constant 1 : i32
      "tpu.region"() ({
        %run_scoped3A_306 = tpu.sem_alloc : memref<!tpu.dma_semaphore, #tpu.memory_space<semaphore_mem>>
        %dma_start3A_307 = arith.constant 0 : i32
        %dma_start3A_308 = tpu.memref_slice %arg5[%run_scoped3A_113, %run_scoped3A_114, %dma_start3A_307] : memref<16x2x128xi32, #tpu.memory_space<vmem>> -> memref<1x1x128xi32, #tpu.memory_space<vmem>>
        %dma_start3A_309 = tpu.memref_squeeze %dma_start3A_308 : memref<1x1x128xi32, #tpu.memory_space<vmem>> -> memref<128xi32, #tpu.memory_space<vmem>>
        %dma_start3A_310 = arith.constant 0 : i32
        %dma_start3A_311 = arith.constant 0 : i32
        %dma_start3A_312 = tpu.memref_slice %arg8[%dma_start3A_310, %dma_start3A_311] : memref<10240x128xf32, #tpu.memory_space<vmem_shared>> -> memref<10240x128xf32, #tpu.memory_space<vmem_shared>>
        tpu.enqueue_indirect_dma source(%arg6 : memref<128x128xf32, #tpu.memory_space<vmem>>) target(%dma_start3A_312 : memref<10240x128xf32, #tpu.memory_space<vmem_shared>>) offsets(%dma_start3A_309 : memref<128xi32, #tpu.memory_space<vmem>>) semaphore(%run_scoped3A_306 : memref<!tpu.dma_semaphore, #tpu.memory_space<semaphore_mem>>) {add = true}
        %dma_wait3A_313 = arith.constant 0 : i32
        %dma_wait3A_314 = tpu.memref_slice %arg5[%run_scoped3A_113, %run_scoped3A_114, %dma_wait3A_313] : memref<16x2x128xi32, #tpu.memory_space<vmem>> -> memref<1x1x128xi32, #tpu.memory_space<vmem>>
        %dma_wait3A_315 = tpu.memref_squeeze %dma_wait3A_314 : memref<1x1x128xi32, #tpu.memory_space<vmem>> -> memref<128xi32, #tpu.memory_space<vmem>>
        %dma_wait3A_316 = arith.constant 0 : i32
        %dma_wait3A_317 = arith.constant 0 : i32
        %dma_wait3A_318 = tpu.memref_slice %arg8[%dma_wait3A_316, %dma_wait3A_317] : memref<10240x128xf32, #tpu.memory_space<vmem_shared>> -> memref<10240x128xf32, #tpu.memory_space<vmem_shared>>
        tpu.wait_indirect_dma semaphore(%run_scoped3A_306 : memref<!tpu.dma_semaphore, #tpu.memory_space<semaphore_mem>>) src(%arg6 : memref<128x128xf32, #tpu.memory_space<vmem>>) dst(%dma_wait3A_318 : memref<10240x128xf32, #tpu.memory_space<vmem_shared>>)
        tpu.yield
      }) : () -> ()
      %dma_start3A_115 = arith.constant 6 : i32
      %dma_start3A_116 = arith.constant 0 : i32
      %dma_start3A_117 = arith.constant 0 : i32
      %dma_start3A_118 = tpu.memref_slice %arg5[%dma_start3A_115, %dma_start3A_116, %dma_start3A_117] : memref<16x2x128xi32, #tpu.memory_space<vmem>> -> memref<1x1x128xi32, #tpu.memory_space<vmem>>
      %dma_start3A_119 = tpu.memref_squeeze %dma_start3A_118 : memref<1x1x128xi32, #tpu.memory_space<vmem>> -> memref<128xi32, #tpu.memory_space<vmem>>
      %dma_start3A_120 = arith.constant 0 : i32
      %dma_start3A_121 = arith.constant 0 : i32
      %dma_start3A_122 = tpu.memref_slice %arg2[%dma_start3A_120, %dma_start3A_121] : memref<10240x128xf32, #tpu.memory_space<hbm>> -> memref<10240x128xf32, #tpu.memory_space<hbm>>
      tpu.enqueue_indirect_dma source(%dma_start3A_122 : memref<10240x128xf32, #tpu.memory_space<hbm>>) target(%arg6 : memref<128x128xf32, #tpu.memory_space<vmem>>) offsets(%dma_start3A_119 : memref<128xi32, #tpu.memory_space<vmem>>) semaphore(%arg9 : memref<!tpu.dma_semaphore, #tpu.memory_space<semaphore_mem>>)
      %dma_wait3A_123 = arith.constant 5 : i32
      %dma_wait3A_124 = arith.constant 0 : i32
      %dma_wait3A_125 = arith.constant 0 : i32
      %dma_wait3A_126 = tpu.memref_slice %arg5[%dma_wait3A_123, %dma_wait3A_124, %dma_wait3A_125] : memref<16x2x128xi32, #tpu.memory_space<vmem>> -> memref<1x1x128xi32, #tpu.memory_space<vmem>>
      %dma_wait3A_127 = tpu.memref_squeeze %dma_wait3A_126 : memref<1x1x128xi32, #tpu.memory_space<vmem>> -> memref<128xi32, #tpu.memory_space<vmem>>
      %dma_wait3A_128 = arith.constant 0 : i32
      %dma_wait3A_129 = arith.constant 0 : i32
      %dma_wait3A_130 = tpu.memref_slice %arg2[%dma_wait3A_128, %dma_wait3A_129] : memref<10240x128xf32, #tpu.memory_space<hbm>> -> memref<10240x128xf32, #tpu.memory_space<hbm>>
      tpu.wait_indirect_dma semaphore(%arg10 : memref<!tpu.dma_semaphore, #tpu.memory_space<semaphore_mem>>) src(%dma_wait3A_130 : memref<10240x128xf32, #tpu.memory_space<hbm>>) dst(%arg7 : memref<128x128xf32, #tpu.memory_space<vmem>>)
      %run_scoped3A_131 = arith.constant 5 : i32
      %run_scoped3A_132 = arith.constant 1 : i32
      "tpu.region"() ({
        %run_scoped3A_306 = tpu.sem_alloc : memref<!tpu.dma_semaphore, #tpu.memory_space<semaphore_mem>>
        %dma_start3A_307 = arith.constant 0 : i32
        %dma_start3A_308 = tpu.memref_slice %arg5[%run_scoped3A_131, %run_scoped3A_132, %dma_start3A_307] : memref<16x2x128xi32, #tpu.memory_space<vmem>> -> memref<1x1x128xi32, #tpu.memory_space<vmem>>
        %dma_start3A_309 = tpu.memref_squeeze %dma_start3A_308 : memref<1x1x128xi32, #tpu.memory_space<vmem>> -> memref<128xi32, #tpu.memory_space<vmem>>
        %dma_start3A_310 = arith.constant 0 : i32
        %dma_start3A_311 = arith.constant 0 : i32
        %dma_start3A_312 = tpu.memref_slice %arg8[%dma_start3A_310, %dma_start3A_311] : memref<10240x128xf32, #tpu.memory_space<vmem_shared>> -> memref<10240x128xf32, #tpu.memory_space<vmem_shared>>
        tpu.enqueue_indirect_dma source(%arg7 : memref<128x128xf32, #tpu.memory_space<vmem>>) target(%dma_start3A_312 : memref<10240x128xf32, #tpu.memory_space<vmem_shared>>) offsets(%dma_start3A_309 : memref<128xi32, #tpu.memory_space<vmem>>) semaphore(%run_scoped3A_306 : memref<!tpu.dma_semaphore, #tpu.memory_space<semaphore_mem>>) {add = true}
        %dma_wait3A_313 = arith.constant 0 : i32
        %dma_wait3A_314 = tpu.memref_slice %arg5[%run_scoped3A_131, %run_scoped3A_132, %dma_wait3A_313] : memref<16x2x128xi32, #tpu.memory_space<vmem>> -> memref<1x1x128xi32, #tpu.memory_space<vmem>>
        %dma_wait3A_315 = tpu.memref_squeeze %dma_wait3A_314 : memref<1x1x128xi32, #tpu.memory_space<vmem>> -> memref<128xi32, #tpu.memory_space<vmem>>
        %dma_wait3A_316 = arith.constant 0 : i32
        %dma_wait3A_317 = arith.constant 0 : i32
        %dma_wait3A_318 = tpu.memref_slice %arg8[%dma_wait3A_316, %dma_wait3A_317] : memref<10240x128xf32, #tpu.memory_space<vmem_shared>> -> memref<10240x128xf32, #tpu.memory_space<vmem_shared>>
        tpu.wait_indirect_dma semaphore(%run_scoped3A_306 : memref<!tpu.dma_semaphore, #tpu.memory_space<semaphore_mem>>) src(%arg7 : memref<128x128xf32, #tpu.memory_space<vmem>>) dst(%dma_wait3A_318 : memref<10240x128xf32, #tpu.memory_space<vmem_shared>>)
        tpu.yield
      }) : () -> ()
      %dma_start3A_133 = arith.constant 7 : i32
      %dma_start3A_134 = arith.constant 0 : i32
      %dma_start3A_135 = arith.constant 0 : i32
      %dma_start3A_136 = tpu.memref_slice %arg5[%dma_start3A_133, %dma_start3A_134, %dma_start3A_135] : memref<16x2x128xi32, #tpu.memory_space<vmem>> -> memref<1x1x128xi32, #tpu.memory_space<vmem>>
      %dma_start3A_137 = tpu.memref_squeeze %dma_start3A_136 : memref<1x1x128xi32, #tpu.memory_space<vmem>> -> memref<128xi32, #tpu.memory_space<vmem>>
      %dma_start3A_138 = arith.constant 0 : i32
      %dma_start3A_139 = arith.constant 0 : i32
      %dma_start3A_140 = tpu.memref_slice %arg2[%dma_start3A_138, %dma_start3A_139] : memref<10240x128xf32, #tpu.memory_space<hbm>> -> memref<10240x128xf32, #tpu.memory_space<hbm>>
      tpu.enqueue_indirect_dma source(%dma_start3A_140 : memref<10240x128xf32, #tpu.memory_space<hbm>>) target(%arg7 : memref<128x128xf32, #tpu.memory_space<vmem>>) offsets(%dma_start3A_137 : memref<128xi32, #tpu.memory_space<vmem>>) semaphore(%arg10 : memref<!tpu.dma_semaphore, #tpu.memory_space<semaphore_mem>>)
      %dma_wait3A_141 = arith.constant 6 : i32
      %dma_wait3A_142 = arith.constant 0 : i32
      %dma_wait3A_143 = arith.constant 0 : i32
      %dma_wait3A_144 = tpu.memref_slice %arg5[%dma_wait3A_141, %dma_wait3A_142, %dma_wait3A_143] : memref<16x2x128xi32, #tpu.memory_space<vmem>> -> memref<1x1x128xi32, #tpu.memory_space<vmem>>
      %dma_wait3A_145 = tpu.memref_squeeze %dma_wait3A_144 : memref<1x1x128xi32, #tpu.memory_space<vmem>> -> memref<128xi32, #tpu.memory_space<vmem>>
      %dma_wait3A_146 = arith.constant 0 : i32
      %dma_wait3A_147 = arith.constant 0 : i32
      %dma_wait3A_148 = tpu.memref_slice %arg2[%dma_wait3A_146, %dma_wait3A_147] : memref<10240x128xf32, #tpu.memory_space<hbm>> -> memref<10240x128xf32, #tpu.memory_space<hbm>>
      tpu.wait_indirect_dma semaphore(%arg9 : memref<!tpu.dma_semaphore, #tpu.memory_space<semaphore_mem>>) src(%dma_wait3A_148 : memref<10240x128xf32, #tpu.memory_space<hbm>>) dst(%arg6 : memref<128x128xf32, #tpu.memory_space<vmem>>)
      %run_scoped3A_149 = arith.constant 6 : i32
      %run_scoped3A_150 = arith.constant 1 : i32
      "tpu.region"() ({
        %run_scoped3A_306 = tpu.sem_alloc : memref<!tpu.dma_semaphore, #tpu.memory_space<semaphore_mem>>
        %dma_start3A_307 = arith.constant 0 : i32
        %dma_start3A_308 = tpu.memref_slice %arg5[%run_scoped3A_149, %run_scoped3A_150, %dma_start3A_307] : memref<16x2x128xi32, #tpu.memory_space<vmem>> -> memref<1x1x128xi32, #tpu.memory_space<vmem>>
        %dma_start3A_309 = tpu.memref_squeeze %dma_start3A_308 : memref<1x1x128xi32, #tpu.memory_space<vmem>> -> memref<128xi32, #tpu.memory_space<vmem>>
        %dma_start3A_310 = arith.constant 0 : i32
        %dma_start3A_311 = arith.constant 0 : i32
        %dma_start3A_312 = tpu.memref_slice %arg8[%dma_start3A_310, %dma_start3A_311] : memref<10240x128xf32, #tpu.memory_space<vmem_shared>> -> memref<10240x128xf32, #tpu.memory_space<vmem_shared>>
        tpu.enqueue_indirect_dma source(%arg6 : memref<128x128xf32, #tpu.memory_space<vmem>>) target(%dma_start3A_312 : memref<10240x128xf32, #tpu.memory_space<vmem_shared>>) offsets(%dma_start3A_309 : memref<128xi32, #tpu.memory_space<vmem>>) semaphore(%run_scoped3A_306 : memref<!tpu.dma_semaphore, #tpu.memory_space<semaphore_mem>>) {add = true}
        %dma_wait3A_313 = arith.constant 0 : i32
        %dma_wait3A_314 = tpu.memref_slice %arg5[%run_scoped3A_149, %run_scoped3A_150, %dma_wait3A_313] : memref<16x2x128xi32, #tpu.memory_space<vmem>> -> memref<1x1x128xi32, #tpu.memory_space<vmem>>
        %dma_wait3A_315 = tpu.memref_squeeze %dma_wait3A_314 : memref<1x1x128xi32, #tpu.memory_space<vmem>> -> memref<128xi32, #tpu.memory_space<vmem>>
        %dma_wait3A_316 = arith.constant 0 : i32
        %dma_wait3A_317 = arith.constant 0 : i32
        %dma_wait3A_318 = tpu.memref_slice %arg8[%dma_wait3A_316, %dma_wait3A_317] : memref<10240x128xf32, #tpu.memory_space<vmem_shared>> -> memref<10240x128xf32, #tpu.memory_space<vmem_shared>>
        tpu.wait_indirect_dma semaphore(%run_scoped3A_306 : memref<!tpu.dma_semaphore, #tpu.memory_space<semaphore_mem>>) src(%arg6 : memref<128x128xf32, #tpu.memory_space<vmem>>) dst(%dma_wait3A_318 : memref<10240x128xf32, #tpu.memory_space<vmem_shared>>)
        tpu.yield
      }) : () -> ()
      %dma_start3A_151 = arith.constant 8 : i32
      %dma_start3A_152 = arith.constant 0 : i32
      %dma_start3A_153 = arith.constant 0 : i32
      %dma_start3A_154 = tpu.memref_slice %arg5[%dma_start3A_151, %dma_start3A_152, %dma_start3A_153] : memref<16x2x128xi32, #tpu.memory_space<vmem>> -> memref<1x1x128xi32, #tpu.memory_space<vmem>>
      %dma_start3A_155 = tpu.memref_squeeze %dma_start3A_154 : memref<1x1x128xi32, #tpu.memory_space<vmem>> -> memref<128xi32, #tpu.memory_space<vmem>>
      %dma_start3A_156 = arith.constant 0 : i32
      %dma_start3A_157 = arith.constant 0 : i32
      %dma_start3A_158 = tpu.memref_slice %arg2[%dma_start3A_156, %dma_start3A_157] : memref<10240x128xf32, #tpu.memory_space<hbm>> -> memref<10240x128xf32, #tpu.memory_space<hbm>>
      tpu.enqueue_indirect_dma source(%dma_start3A_158 : memref<10240x128xf32, #tpu.memory_space<hbm>>) target(%arg6 : memref<128x128xf32, #tpu.memory_space<vmem>>) offsets(%dma_start3A_155 : memref<128xi32, #tpu.memory_space<vmem>>) semaphore(%arg9 : memref<!tpu.dma_semaphore, #tpu.memory_space<semaphore_mem>>)
      %dma_wait3A_159 = arith.constant 7 : i32
      %dma_wait3A_160 = arith.constant 0 : i32
      %dma_wait3A_161 = arith.constant 0 : i32
      %dma_wait3A_162 = tpu.memref_slice %arg5[%dma_wait3A_159, %dma_wait3A_160, %dma_wait3A_161] : memref<16x2x128xi32, #tpu.memory_space<vmem>> -> memref<1x1x128xi32, #tpu.memory_space<vmem>>
      %dma_wait3A_163 = tpu.memref_squeeze %dma_wait3A_162 : memref<1x1x128xi32, #tpu.memory_space<vmem>> -> memref<128xi32, #tpu.memory_space<vmem>>
      %dma_wait3A_164 = arith.constant 0 : i32
      %dma_wait3A_165 = arith.constant 0 : i32
      %dma_wait3A_166 = tpu.memref_slice %arg2[%dma_wait3A_164, %dma_wait3A_165] : memref<10240x128xf32, #tpu.memory_space<hbm>> -> memref<10240x128xf32, #tpu.memory_space<hbm>>
      tpu.wait_indirect_dma semaphore(%arg10 : memref<!tpu.dma_semaphore, #tpu.memory_space<semaphore_mem>>) src(%dma_wait3A_166 : memref<10240x128xf32, #tpu.memory_space<hbm>>) dst(%arg7 : memref<128x128xf32, #tpu.memory_space<vmem>>)
      %run_scoped3A_167 = arith.constant 7 : i32
      %run_scoped3A_168 = arith.constant 1 : i32
      "tpu.region"() ({
        %run_scoped3A_306 = tpu.sem_alloc : memref<!tpu.dma_semaphore, #tpu.memory_space<semaphore_mem>>
        %dma_start3A_307 = arith.constant 0 : i32
        %dma_start3A_308 = tpu.memref_slice %arg5[%run_scoped3A_167, %run_scoped3A_168, %dma_start3A_307] : memref<16x2x128xi32, #tpu.memory_space<vmem>> -> memref<1x1x128xi32, #tpu.memory_space<vmem>>
        %dma_start3A_309 = tpu.memref_squeeze %dma_start3A_308 : memref<1x1x128xi32, #tpu.memory_space<vmem>> -> memref<128xi32, #tpu.memory_space<vmem>>
        %dma_start3A_310 = arith.constant 0 : i32
        %dma_start3A_311 = arith.constant 0 : i32
        %dma_start3A_312 = tpu.memref_slice %arg8[%dma_start3A_310, %dma_start3A_311] : memref<10240x128xf32, #tpu.memory_space<vmem_shared>> -> memref<10240x128xf32, #tpu.memory_space<vmem_shared>>
        tpu.enqueue_indirect_dma source(%arg7 : memref<128x128xf32, #tpu.memory_space<vmem>>) target(%dma_start3A_312 : memref<10240x128xf32, #tpu.memory_space<vmem_shared>>) offsets(%dma_start3A_309 : memref<128xi32, #tpu.memory_space<vmem>>) semaphore(%run_scoped3A_306 : memref<!tpu.dma_semaphore, #tpu.memory_space<semaphore_mem>>) {add = true}
        %dma_wait3A_313 = arith.constant 0 : i32
        %dma_wait3A_314 = tpu.memref_slice %arg5[%run_scoped3A_167, %run_scoped3A_168, %dma_wait3A_313] : memref<16x2x128xi32, #tpu.memory_space<vmem>> -> memref<1x1x128xi32, #tpu.memory_space<vmem>>
        %dma_wait3A_315 = tpu.memref_squeeze %dma_wait3A_314 : memref<1x1x128xi32, #tpu.memory_space<vmem>> -> memref<128xi32, #tpu.memory_space<vmem>>
        %dma_wait3A_316 = arith.constant 0 : i32
        %dma_wait3A_317 = arith.constant 0 : i32
        %dma_wait3A_318 = tpu.memref_slice %arg8[%dma_wait3A_316, %dma_wait3A_317] : memref<10240x128xf32, #tpu.memory_space<vmem_shared>> -> memref<10240x128xf32, #tpu.memory_space<vmem_shared>>
        tpu.wait_indirect_dma semaphore(%run_scoped3A_306 : memref<!tpu.dma_semaphore, #tpu.memory_space<semaphore_mem>>) src(%arg7 : memref<128x128xf32, #tpu.memory_space<vmem>>) dst(%dma_wait3A_318 : memref<10240x128xf32, #tpu.memory_space<vmem_shared>>)
        tpu.yield
      }) : () -> ()
      %dma_start3A_169 = arith.constant 9 : i32
      %dma_start3A_170 = arith.constant 0 : i32
      %dma_start3A_171 = arith.constant 0 : i32
      %dma_start3A_172 = tpu.memref_slice %arg5[%dma_start3A_169, %dma_start3A_170, %dma_start3A_171] : memref<16x2x128xi32, #tpu.memory_space<vmem>> -> memref<1x1x128xi32, #tpu.memory_space<vmem>>
      %dma_start3A_173 = tpu.memref_squeeze %dma_start3A_172 : memref<1x1x128xi32, #tpu.memory_space<vmem>> -> memref<128xi32, #tpu.memory_space<vmem>>
      %dma_start3A_174 = arith.constant 0 : i32
      %dma_start3A_175 = arith.constant 0 : i32
      %dma_start3A_176 = tpu.memref_slice %arg2[%dma_start3A_174, %dma_start3A_175] : memref<10240x128xf32, #tpu.memory_space<hbm>> -> memref<10240x128xf32, #tpu.memory_space<hbm>>
      tpu.enqueue_indirect_dma source(%dma_start3A_176 : memref<10240x128xf32, #tpu.memory_space<hbm>>) target(%arg7 : memref<128x128xf32, #tpu.memory_space<vmem>>) offsets(%dma_start3A_173 : memref<128xi32, #tpu.memory_space<vmem>>) semaphore(%arg10 : memref<!tpu.dma_semaphore, #tpu.memory_space<semaphore_mem>>)
      %dma_wait3A_177 = arith.constant 8 : i32
      %dma_wait3A_178 = arith.constant 0 : i32
      %dma_wait3A_179 = arith.constant 0 : i32
      %dma_wait3A_180 = tpu.memref_slice %arg5[%dma_wait3A_177, %dma_wait3A_178, %dma_wait3A_179] : memref<16x2x128xi32, #tpu.memory_space<vmem>> -> memref<1x1x128xi32, #tpu.memory_space<vmem>>
      %dma_wait3A_181 = tpu.memref_squeeze %dma_wait3A_180 : memref<1x1x128xi32, #tpu.memory_space<vmem>> -> memref<128xi32, #tpu.memory_space<vmem>>
      %dma_wait3A_182 = arith.constant 0 : i32
      %dma_wait3A_183 = arith.constant 0 : i32
      %dma_wait3A_184 = tpu.memref_slice %arg2[%dma_wait3A_182, %dma_wait3A_183] : memref<10240x128xf32, #tpu.memory_space<hbm>> -> memref<10240x128xf32, #tpu.memory_space<hbm>>
      tpu.wait_indirect_dma semaphore(%arg9 : memref<!tpu.dma_semaphore, #tpu.memory_space<semaphore_mem>>) src(%dma_wait3A_184 : memref<10240x128xf32, #tpu.memory_space<hbm>>) dst(%arg6 : memref<128x128xf32, #tpu.memory_space<vmem>>)
      %run_scoped3A_185 = arith.constant 8 : i32
      %run_scoped3A_186 = arith.constant 1 : i32
      "tpu.region"() ({
        %run_scoped3A_306 = tpu.sem_alloc : memref<!tpu.dma_semaphore, #tpu.memory_space<semaphore_mem>>
        %dma_start3A_307 = arith.constant 0 : i32
        %dma_start3A_308 = tpu.memref_slice %arg5[%run_scoped3A_185, %run_scoped3A_186, %dma_start3A_307] : memref<16x2x128xi32, #tpu.memory_space<vmem>> -> memref<1x1x128xi32, #tpu.memory_space<vmem>>
        %dma_start3A_309 = tpu.memref_squeeze %dma_start3A_308 : memref<1x1x128xi32, #tpu.memory_space<vmem>> -> memref<128xi32, #tpu.memory_space<vmem>>
        %dma_start3A_310 = arith.constant 0 : i32
        %dma_start3A_311 = arith.constant 0 : i32
        %dma_start3A_312 = tpu.memref_slice %arg8[%dma_start3A_310, %dma_start3A_311] : memref<10240x128xf32, #tpu.memory_space<vmem_shared>> -> memref<10240x128xf32, #tpu.memory_space<vmem_shared>>
        tpu.enqueue_indirect_dma source(%arg6 : memref<128x128xf32, #tpu.memory_space<vmem>>) target(%dma_start3A_312 : memref<10240x128xf32, #tpu.memory_space<vmem_shared>>) offsets(%dma_start3A_309 : memref<128xi32, #tpu.memory_space<vmem>>) semaphore(%run_scoped3A_306 : memref<!tpu.dma_semaphore, #tpu.memory_space<semaphore_mem>>) {add = true}
        %dma_wait3A_313 = arith.constant 0 : i32
        %dma_wait3A_314 = tpu.memref_slice %arg5[%run_scoped3A_185, %run_scoped3A_186, %dma_wait3A_313] : memref<16x2x128xi32, #tpu.memory_space<vmem>> -> memref<1x1x128xi32, #tpu.memory_space<vmem>>
        %dma_wait3A_315 = tpu.memref_squeeze %dma_wait3A_314 : memref<1x1x128xi32, #tpu.memory_space<vmem>> -> memref<128xi32, #tpu.memory_space<vmem>>
        %dma_wait3A_316 = arith.constant 0 : i32
        %dma_wait3A_317 = arith.constant 0 : i32
        %dma_wait3A_318 = tpu.memref_slice %arg8[%dma_wait3A_316, %dma_wait3A_317] : memref<10240x128xf32, #tpu.memory_space<vmem_shared>> -> memref<10240x128xf32, #tpu.memory_space<vmem_shared>>
        tpu.wait_indirect_dma semaphore(%run_scoped3A_306 : memref<!tpu.dma_semaphore, #tpu.memory_space<semaphore_mem>>) src(%arg6 : memref<128x128xf32, #tpu.memory_space<vmem>>) dst(%dma_wait3A_318 : memref<10240x128xf32, #tpu.memory_space<vmem_shared>>)
        tpu.yield
      }) : () -> ()
      %dma_start3A_187 = arith.constant 10 : i32
      %dma_start3A_188 = arith.constant 0 : i32
      %dma_start3A_189 = arith.constant 0 : i32
      %dma_start3A_190 = tpu.memref_slice %arg5[%dma_start3A_187, %dma_start3A_188, %dma_start3A_189] : memref<16x2x128xi32, #tpu.memory_space<vmem>> -> memref<1x1x128xi32, #tpu.memory_space<vmem>>
      %dma_start3A_191 = tpu.memref_squeeze %dma_start3A_190 : memref<1x1x128xi32, #tpu.memory_space<vmem>> -> memref<128xi32, #tpu.memory_space<vmem>>
      %dma_start3A_192 = arith.constant 0 : i32
      %dma_start3A_193 = arith.constant 0 : i32
      %dma_start3A_194 = tpu.memref_slice %arg2[%dma_start3A_192, %dma_start3A_193] : memref<10240x128xf32, #tpu.memory_space<hbm>> -> memref<10240x128xf32, #tpu.memory_space<hbm>>
      tpu.enqueue_indirect_dma source(%dma_start3A_194 : memref<10240x128xf32, #tpu.memory_space<hbm>>) target(%arg6 : memref<128x128xf32, #tpu.memory_space<vmem>>) offsets(%dma_start3A_191 : memref<128xi32, #tpu.memory_space<vmem>>) semaphore(%arg9 : memref<!tpu.dma_semaphore, #tpu.memory_space<semaphore_mem>>)
      %dma_wait3A_195 = arith.constant 9 : i32
      %dma_wait3A_196 = arith.constant 0 : i32
      %dma_wait3A_197 = arith.constant 0 : i32
      %dma_wait3A_198 = tpu.memref_slice %arg5[%dma_wait3A_195, %dma_wait3A_196, %dma_wait3A_197] : memref<16x2x128xi32, #tpu.memory_space<vmem>> -> memref<1x1x128xi32, #tpu.memory_space<vmem>>
      %dma_wait3A_199 = tpu.memref_squeeze %dma_wait3A_198 : memref<1x1x128xi32, #tpu.memory_space<vmem>> -> memref<128xi32, #tpu.memory_space<vmem>>
      %dma_wait3A_200 = arith.constant 0 : i32
      %dma_wait3A_201 = arith.constant 0 : i32
      %dma_wait3A_202 = tpu.memref_slice %arg2[%dma_wait3A_200, %dma_wait3A_201] : memref<10240x128xf32, #tpu.memory_space<hbm>> -> memref<10240x128xf32, #tpu.memory_space<hbm>>
      tpu.wait_indirect_dma semaphore(%arg10 : memref<!tpu.dma_semaphore, #tpu.memory_space<semaphore_mem>>) src(%dma_wait3A_202 : memref<10240x128xf32, #tpu.memory_space<hbm>>) dst(%arg7 : memref<128x128xf32, #tpu.memory_space<vmem>>)
      %run_scoped3A_203 = arith.constant 9 : i32
      %run_scoped3A_204 = arith.constant 1 : i32
      "tpu.region"() ({
        %run_scoped3A_306 = tpu.sem_alloc : memref<!tpu.dma_semaphore, #tpu.memory_space<semaphore_mem>>
        %dma_start3A_307 = arith.constant 0 : i32
        %dma_start3A_308 = tpu.memref_slice %arg5[%run_scoped3A_203, %run_scoped3A_204, %dma_start3A_307] : memref<16x2x128xi32, #tpu.memory_space<vmem>> -> memref<1x1x128xi32, #tpu.memory_space<vmem>>
        %dma_start3A_309 = tpu.memref_squeeze %dma_start3A_308 : memref<1x1x128xi32, #tpu.memory_space<vmem>> -> memref<128xi32, #tpu.memory_space<vmem>>
        %dma_start3A_310 = arith.constant 0 : i32
        %dma_start3A_311 = arith.constant 0 : i32
        %dma_start3A_312 = tpu.memref_slice %arg8[%dma_start3A_310, %dma_start3A_311] : memref<10240x128xf32, #tpu.memory_space<vmem_shared>> -> memref<10240x128xf32, #tpu.memory_space<vmem_shared>>
        tpu.enqueue_indirect_dma source(%arg7 : memref<128x128xf32, #tpu.memory_space<vmem>>) target(%dma_start3A_312 : memref<10240x128xf32, #tpu.memory_space<vmem_shared>>) offsets(%dma_start3A_309 : memref<128xi32, #tpu.memory_space<vmem>>) semaphore(%run_scoped3A_306 : memref<!tpu.dma_semaphore, #tpu.memory_space<semaphore_mem>>) {add = true}
        %dma_wait3A_313 = arith.constant 0 : i32
        %dma_wait3A_314 = tpu.memref_slice %arg5[%run_scoped3A_203, %run_scoped3A_204, %dma_wait3A_313] : memref<16x2x128xi32, #tpu.memory_space<vmem>> -> memref<1x1x128xi32, #tpu.memory_space<vmem>>
        %dma_wait3A_315 = tpu.memref_squeeze %dma_wait3A_314 : memref<1x1x128xi32, #tpu.memory_space<vmem>> -> memref<128xi32, #tpu.memory_space<vmem>>
        %dma_wait3A_316 = arith.constant 0 : i32
        %dma_wait3A_317 = arith.constant 0 : i32
        %dma_wait3A_318 = tpu.memref_slice %arg8[%dma_wait3A_316, %dma_wait3A_317] : memref<10240x128xf32, #tpu.memory_space<vmem_shared>> -> memref<10240x128xf32, #tpu.memory_space<vmem_shared>>
        tpu.wait_indirect_dma semaphore(%run_scoped3A_306 : memref<!tpu.dma_semaphore, #tpu.memory_space<semaphore_mem>>) src(%arg7 : memref<128x128xf32, #tpu.memory_space<vmem>>) dst(%dma_wait3A_318 : memref<10240x128xf32, #tpu.memory_space<vmem_shared>>)
        tpu.yield
      }) : () -> ()
      %dma_start3A_205 = arith.constant 11 : i32
      %dma_start3A_206 = arith.constant 0 : i32
      %dma_start3A_207 = arith.constant 0 : i32
      %dma_start3A_208 = tpu.memref_slice %arg5[%dma_start3A_205, %dma_start3A_206, %dma_start3A_207] : memref<16x2x128xi32, #tpu.memory_space<vmem>> -> memref<1x1x128xi32, #tpu.memory_space<vmem>>
      %dma_start3A_209 = tpu.memref_squeeze %dma_start3A_208 : memref<1x1x128xi32, #tpu.memory_space<vmem>> -> memref<128xi32, #tpu.memory_space<vmem>>
      %dma_start3A_210 = arith.constant 0 : i32
      %dma_start3A_211 = arith.constant 0 : i32
      %dma_start3A_212 = tpu.memref_slice %arg2[%dma_start3A_210, %dma_start3A_211] : memref<10240x128xf32, #tpu.memory_space<hbm>> -> memref<10240x128xf32, #tpu.memory_space<hbm>>
      tpu.enqueue_indirect_dma source(%dma_start3A_212 : memref<10240x128xf32, #tpu.memory_space<hbm>>) target(%arg7 : memref<128x128xf32, #tpu.memory_space<vmem>>) offsets(%dma_start3A_209 : memref<128xi32, #tpu.memory_space<vmem>>) semaphore(%arg10 : memref<!tpu.dma_semaphore, #tpu.memory_space<semaphore_mem>>)
      %dma_wait3A_213 = arith.constant 10 : i32
      %dma_wait3A_214 = arith.constant 0 : i32
      %dma_wait3A_215 = arith.constant 0 : i32
      %dma_wait3A_216 = tpu.memref_slice %arg5[%dma_wait3A_213, %dma_wait3A_214, %dma_wait3A_215] : memref<16x2x128xi32, #tpu.memory_space<vmem>> -> memref<1x1x128xi32, #tpu.memory_space<vmem>>
      %dma_wait3A_217 = tpu.memref_squeeze %dma_wait3A_216 : memref<1x1x128xi32, #tpu.memory_space<vmem>> -> memref<128xi32, #tpu.memory_space<vmem>>
      %dma_wait3A_218 = arith.constant 0 : i32
      %dma_wait3A_219 = arith.constant 0 : i32
      %dma_wait3A_220 = tpu.memref_slice %arg2[%dma_wait3A_218, %dma_wait3A_219] : memref<10240x128xf32, #tpu.memory_space<hbm>> -> memref<10240x128xf32, #tpu.memory_space<hbm>>
      tpu.wait_indirect_dma semaphore(%arg9 : memref<!tpu.dma_semaphore, #tpu.memory_space<semaphore_mem>>) src(%dma_wait3A_220 : memref<10240x128xf32, #tpu.memory_space<hbm>>) dst(%arg6 : memref<128x128xf32, #tpu.memory_space<vmem>>)
      %run_scoped3A_221 = arith.constant 10 : i32
      %run_scoped3A_222 = arith.constant 1 : i32
      "tpu.region"() ({
        %run_scoped3A_306 = tpu.sem_alloc : memref<!tpu.dma_semaphore, #tpu.memory_space<semaphore_mem>>
        %dma_start3A_307 = arith.constant 0 : i32
        %dma_start3A_308 = tpu.memref_slice %arg5[%run_scoped3A_221, %run_scoped3A_222, %dma_start3A_307] : memref<16x2x128xi32, #tpu.memory_space<vmem>> -> memref<1x1x128xi32, #tpu.memory_space<vmem>>
        %dma_start3A_309 = tpu.memref_squeeze %dma_start3A_308 : memref<1x1x128xi32, #tpu.memory_space<vmem>> -> memref<128xi32, #tpu.memory_space<vmem>>
        %dma_start3A_310 = arith.constant 0 : i32
        %dma_start3A_311 = arith.constant 0 : i32
        %dma_start3A_312 = tpu.memref_slice %arg8[%dma_start3A_310, %dma_start3A_311] : memref<10240x128xf32, #tpu.memory_space<vmem_shared>> -> memref<10240x128xf32, #tpu.memory_space<vmem_shared>>
        tpu.enqueue_indirect_dma source(%arg6 : memref<128x128xf32, #tpu.memory_space<vmem>>) target(%dma_start3A_312 : memref<10240x128xf32, #tpu.memory_space<vmem_shared>>) offsets(%dma_start3A_309 : memref<128xi32, #tpu.memory_space<vmem>>) semaphore(%run_scoped3A_306 : memref<!tpu.dma_semaphore, #tpu.memory_space<semaphore_mem>>) {add = true}
        %dma_wait3A_313 = arith.constant 0 : i32
        %dma_wait3A_314 = tpu.memref_slice %arg5[%run_scoped3A_221, %run_scoped3A_222, %dma_wait3A_313] : memref<16x2x128xi32, #tpu.memory_space<vmem>> -> memref<1x1x128xi32, #tpu.memory_space<vmem>>
        %dma_wait3A_315 = tpu.memref_squeeze %dma_wait3A_314 : memref<1x1x128xi32, #tpu.memory_space<vmem>> -> memref<128xi32, #tpu.memory_space<vmem>>
        %dma_wait3A_316 = arith.constant 0 : i32
        %dma_wait3A_317 = arith.constant 0 : i32
        %dma_wait3A_318 = tpu.memref_slice %arg8[%dma_wait3A_316, %dma_wait3A_317] : memref<10240x128xf32, #tpu.memory_space<vmem_shared>> -> memref<10240x128xf32, #tpu.memory_space<vmem_shared>>
        tpu.wait_indirect_dma semaphore(%run_scoped3A_306 : memref<!tpu.dma_semaphore, #tpu.memory_space<semaphore_mem>>) src(%arg6 : memref<128x128xf32, #tpu.memory_space<vmem>>) dst(%dma_wait3A_318 : memref<10240x128xf32, #tpu.memory_space<vmem_shared>>)
        tpu.yield
      }) : () -> ()
      %dma_start3A_223 = arith.constant 12 : i32
      %dma_start3A_224 = arith.constant 0 : i32
      %dma_start3A_225 = arith.constant 0 : i32
      %dma_start3A_226 = tpu.memref_slice %arg5[%dma_start3A_223, %dma_start3A_224, %dma_start3A_225] : memref<16x2x128xi32, #tpu.memory_space<vmem>> -> memref<1x1x128xi32, #tpu.memory_space<vmem>>
      %dma_start3A_227 = tpu.memref_squeeze %dma_start3A_226 : memref<1x1x128xi32, #tpu.memory_space<vmem>> -> memref<128xi32, #tpu.memory_space<vmem>>
      %dma_start3A_228 = arith.constant 0 : i32
      %dma_start3A_229 = arith.constant 0 : i32
      %dma_start3A_230 = tpu.memref_slice %arg2[%dma_start3A_228, %dma_start3A_229] : memref<10240x128xf32, #tpu.memory_space<hbm>> -> memref<10240x128xf32, #tpu.memory_space<hbm>>
      tpu.enqueue_indirect_dma source(%dma_start3A_230 : memref<10240x128xf32, #tpu.memory_space<hbm>>) target(%arg6 : memref<128x128xf32, #tpu.memory_space<vmem>>) offsets(%dma_start3A_227 : memref<128xi32, #tpu.memory_space<vmem>>) semaphore(%arg9 : memref<!tpu.dma_semaphore, #tpu.memory_space<semaphore_mem>>)
      %dma_wait3A_231 = arith.constant 11 : i32
      %dma_wait3A_232 = arith.constant 0 : i32
      %dma_wait3A_233 = arith.constant 0 : i32
      %dma_wait3A_234 = tpu.memref_slice %arg5[%dma_wait3A_231, %dma_wait3A_232, %dma_wait3A_233] : memref<16x2x128xi32, #tpu.memory_space<vmem>> -> memref<1x1x128xi32, #tpu.memory_space<vmem>>
      %dma_wait3A_235 = tpu.memref_squeeze %dma_wait3A_234 : memref<1x1x128xi32, #tpu.memory_space<vmem>> -> memref<128xi32, #tpu.memory_space<vmem>>
      %dma_wait3A_236 = arith.constant 0 : i32
      %dma_wait3A_237 = arith.constant 0 : i32
      %dma_wait3A_238 = tpu.memref_slice %arg2[%dma_wait3A_236, %dma_wait3A_237] : memref<10240x128xf32, #tpu.memory_space<hbm>> -> memref<10240x128xf32, #tpu.memory_space<hbm>>
      tpu.wait_indirect_dma semaphore(%arg10 : memref<!tpu.dma_semaphore, #tpu.memory_space<semaphore_mem>>) src(%dma_wait3A_238 : memref<10240x128xf32, #tpu.memory_space<hbm>>) dst(%arg7 : memref<128x128xf32, #tpu.memory_space<vmem>>)
      %run_scoped3A_239 = arith.constant 11 : i32
      %run_scoped3A_240 = arith.constant 1 : i32
      "tpu.region"() ({
        %run_scoped3A_306 = tpu.sem_alloc : memref<!tpu.dma_semaphore, #tpu.memory_space<semaphore_mem>>
        %dma_start3A_307 = arith.constant 0 : i32
        %dma_start3A_308 = tpu.memref_slice %arg5[%run_scoped3A_239, %run_scoped3A_240, %dma_start3A_307] : memref<16x2x128xi32, #tpu.memory_space<vmem>> -> memref<1x1x128xi32, #tpu.memory_space<vmem>>
        %dma_start3A_309 = tpu.memref_squeeze %dma_start3A_308 : memref<1x1x128xi32, #tpu.memory_space<vmem>> -> memref<128xi32, #tpu.memory_space<vmem>>
        %dma_start3A_310 = arith.constant 0 : i32
        %dma_start3A_311 = arith.constant 0 : i32
        %dma_start3A_312 = tpu.memref_slice %arg8[%dma_start3A_310, %dma_start3A_311] : memref<10240x128xf32, #tpu.memory_space<vmem_shared>> -> memref<10240x128xf32, #tpu.memory_space<vmem_shared>>
        tpu.enqueue_indirect_dma source(%arg7 : memref<128x128xf32, #tpu.memory_space<vmem>>) target(%dma_start3A_312 : memref<10240x128xf32, #tpu.memory_space<vmem_shared>>) offsets(%dma_start3A_309 : memref<128xi32, #tpu.memory_space<vmem>>) semaphore(%run_scoped3A_306 : memref<!tpu.dma_semaphore, #tpu.memory_space<semaphore_mem>>) {add = true}
        %dma_wait3A_313 = arith.constant 0 : i32
        %dma_wait3A_314 = tpu.memref_slice %arg5[%run_scoped3A_239, %run_scoped3A_240, %dma_wait3A_313] : memref<16x2x128xi32, #tpu.memory_space<vmem>> -> memref<1x1x128xi32, #tpu.memory_space<vmem>>
        %dma_wait3A_315 = tpu.memref_squeeze %dma_wait3A_314 : memref<1x1x128xi32, #tpu.memory_space<vmem>> -> memref<128xi32, #tpu.memory_space<vmem>>
        %dma_wait3A_316 = arith.constant 0 : i32
        %dma_wait3A_317 = arith.constant 0 : i32
        %dma_wait3A_318 = tpu.memref_slice %arg8[%dma_wait3A_316, %dma_wait3A_317] : memref<10240x128xf32, #tpu.memory_space<vmem_shared>> -> memref<10240x128xf32, #tpu.memory_space<vmem_shared>>
        tpu.wait_indirect_dma semaphore(%run_scoped3A_306 : memref<!tpu.dma_semaphore, #tpu.memory_space<semaphore_mem>>) src(%arg7 : memref<128x128xf32, #tpu.memory_space<vmem>>) dst(%dma_wait3A_318 : memref<10240x128xf32, #tpu.memory_space<vmem_shared>>)
        tpu.yield
      }) : () -> ()
      %dma_start3A_241 = arith.constant 13 : i32
      %dma_start3A_242 = arith.constant 0 : i32
      %dma_start3A_243 = arith.constant 0 : i32
      %dma_start3A_244 = tpu.memref_slice %arg5[%dma_start3A_241, %dma_start3A_242, %dma_start3A_243] : memref<16x2x128xi32, #tpu.memory_space<vmem>> -> memref<1x1x128xi32, #tpu.memory_space<vmem>>
      %dma_start3A_245 = tpu.memref_squeeze %dma_start3A_244 : memref<1x1x128xi32, #tpu.memory_space<vmem>> -> memref<128xi32, #tpu.memory_space<vmem>>
      %dma_start3A_246 = arith.constant 0 : i32
      %dma_start3A_247 = arith.constant 0 : i32
      %dma_start3A_248 = tpu.memref_slice %arg2[%dma_start3A_246, %dma_start3A_247] : memref<10240x128xf32, #tpu.memory_space<hbm>> -> memref<10240x128xf32, #tpu.memory_space<hbm>>
      tpu.enqueue_indirect_dma source(%dma_start3A_248 : memref<10240x128xf32, #tpu.memory_space<hbm>>) target(%arg7 : memref<128x128xf32, #tpu.memory_space<vmem>>) offsets(%dma_start3A_245 : memref<128xi32, #tpu.memory_space<vmem>>) semaphore(%arg10 : memref<!tpu.dma_semaphore, #tpu.memory_space<semaphore_mem>>)
      %dma_wait3A_249 = arith.constant 12 : i32
      %dma_wait3A_250 = arith.constant 0 : i32
      %dma_wait3A_251 = arith.constant 0 : i32
      %dma_wait3A_252 = tpu.memref_slice %arg5[%dma_wait3A_249, %dma_wait3A_250, %dma_wait3A_251] : memref<16x2x128xi32, #tpu.memory_space<vmem>> -> memref<1x1x128xi32, #tpu.memory_space<vmem>>
      %dma_wait3A_253 = tpu.memref_squeeze %dma_wait3A_252 : memref<1x1x128xi32, #tpu.memory_space<vmem>> -> memref<128xi32, #tpu.memory_space<vmem>>
      %dma_wait3A_254 = arith.constant 0 : i32
      %dma_wait3A_255 = arith.constant 0 : i32
      %dma_wait3A_256 = tpu.memref_slice %arg2[%dma_wait3A_254, %dma_wait3A_255] : memref<10240x128xf32, #tpu.memory_space<hbm>> -> memref<10240x128xf32, #tpu.memory_space<hbm>>
      tpu.wait_indirect_dma semaphore(%arg9 : memref<!tpu.dma_semaphore, #tpu.memory_space<semaphore_mem>>) src(%dma_wait3A_256 : memref<10240x128xf32, #tpu.memory_space<hbm>>) dst(%arg6 : memref<128x128xf32, #tpu.memory_space<vmem>>)
      %run_scoped3A_257 = arith.constant 12 : i32
      %run_scoped3A_258 = arith.constant 1 : i32
      "tpu.region"() ({
        %run_scoped3A_306 = tpu.sem_alloc : memref<!tpu.dma_semaphore, #tpu.memory_space<semaphore_mem>>
        %dma_start3A_307 = arith.constant 0 : i32
        %dma_start3A_308 = tpu.memref_slice %arg5[%run_scoped3A_257, %run_scoped3A_258, %dma_start3A_307] : memref<16x2x128xi32, #tpu.memory_space<vmem>> -> memref<1x1x128xi32, #tpu.memory_space<vmem>>
        %dma_start3A_309 = tpu.memref_squeeze %dma_start3A_308 : memref<1x1x128xi32, #tpu.memory_space<vmem>> -> memref<128xi32, #tpu.memory_space<vmem>>
        %dma_start3A_310 = arith.constant 0 : i32
        %dma_start3A_311 = arith.constant 0 : i32
        %dma_start3A_312 = tpu.memref_slice %arg8[%dma_start3A_310, %dma_start3A_311] : memref<10240x128xf32, #tpu.memory_space<vmem_shared>> -> memref<10240x128xf32, #tpu.memory_space<vmem_shared>>
        tpu.enqueue_indirect_dma source(%arg6 : memref<128x128xf32, #tpu.memory_space<vmem>>) target(%dma_start3A_312 : memref<10240x128xf32, #tpu.memory_space<vmem_shared>>) offsets(%dma_start3A_309 : memref<128xi32, #tpu.memory_space<vmem>>) semaphore(%run_scoped3A_306 : memref<!tpu.dma_semaphore, #tpu.memory_space<semaphore_mem>>) {add = true}
        %dma_wait3A_313 = arith.constant 0 : i32
        %dma_wait3A_314 = tpu.memref_slice %arg5[%run_scoped3A_257, %run_scoped3A_258, %dma_wait3A_313] : memref<16x2x128xi32, #tpu.memory_space<vmem>> -> memref<1x1x128xi32, #tpu.memory_space<vmem>>
        %dma_wait3A_315 = tpu.memref_squeeze %dma_wait3A_314 : memref<1x1x128xi32, #tpu.memory_space<vmem>> -> memref<128xi32, #tpu.memory_space<vmem>>
        %dma_wait3A_316 = arith.constant 0 : i32
        %dma_wait3A_317 = arith.constant 0 : i32
        %dma_wait3A_318 = tpu.memref_slice %arg8[%dma_wait3A_316, %dma_wait3A_317] : memref<10240x128xf32, #tpu.memory_space<vmem_shared>> -> memref<10240x128xf32, #tpu.memory_space<vmem_shared>>
        tpu.wait_indirect_dma semaphore(%run_scoped3A_306 : memref<!tpu.dma_semaphore, #tpu.memory_space<semaphore_mem>>) src(%arg6 : memref<128x128xf32, #tpu.memory_space<vmem>>) dst(%dma_wait3A_318 : memref<10240x128xf32, #tpu.memory_space<vmem_shared>>)
        tpu.yield
      }) : () -> ()
      %dma_start3A_259 = arith.constant 14 : i32
      %dma_start3A_260 = arith.constant 0 : i32
      %dma_start3A_261 = arith.constant 0 : i32
      %dma_start3A_262 = tpu.memref_slice %arg5[%dma_start3A_259, %dma_start3A_260, %dma_start3A_261] : memref<16x2x128xi32, #tpu.memory_space<vmem>> -> memref<1x1x128xi32, #tpu.memory_space<vmem>>
      %dma_start3A_263 = tpu.memref_squeeze %dma_start3A_262 : memref<1x1x128xi32, #tpu.memory_space<vmem>> -> memref<128xi32, #tpu.memory_space<vmem>>
      %dma_start3A_264 = arith.constant 0 : i32
      %dma_start3A_265 = arith.constant 0 : i32
      %dma_start3A_266 = tpu.memref_slice %arg2[%dma_start3A_264, %dma_start3A_265] : memref<10240x128xf32, #tpu.memory_space<hbm>> -> memref<10240x128xf32, #tpu.memory_space<hbm>>
      tpu.enqueue_indirect_dma source(%dma_start3A_266 : memref<10240x128xf32, #tpu.memory_space<hbm>>) target(%arg6 : memref<128x128xf32, #tpu.memory_space<vmem>>) offsets(%dma_start3A_263 : memref<128xi32, #tpu.memory_space<vmem>>) semaphore(%arg9 : memref<!tpu.dma_semaphore, #tpu.memory_space<semaphore_mem>>)
      %dma_wait3A_267 = arith.constant 13 : i32
      %dma_wait3A_268 = arith.constant 0 : i32
      %dma_wait3A_269 = arith.constant 0 : i32
      %dma_wait3A_270 = tpu.memref_slice %arg5[%dma_wait3A_267, %dma_wait3A_268, %dma_wait3A_269] : memref<16x2x128xi32, #tpu.memory_space<vmem>> -> memref<1x1x128xi32, #tpu.memory_space<vmem>>
      %dma_wait3A_271 = tpu.memref_squeeze %dma_wait3A_270 : memref<1x1x128xi32, #tpu.memory_space<vmem>> -> memref<128xi32, #tpu.memory_space<vmem>>
      %dma_wait3A_272 = arith.constant 0 : i32
      %dma_wait3A_273 = arith.constant 0 : i32
      %dma_wait3A_274 = tpu.memref_slice %arg2[%dma_wait3A_272, %dma_wait3A_273] : memref<10240x128xf32, #tpu.memory_space<hbm>> -> memref<10240x128xf32, #tpu.memory_space<hbm>>
      tpu.wait_indirect_dma semaphore(%arg10 : memref<!tpu.dma_semaphore, #tpu.memory_space<semaphore_mem>>) src(%dma_wait3A_274 : memref<10240x128xf32, #tpu.memory_space<hbm>>) dst(%arg7 : memref<128x128xf32, #tpu.memory_space<vmem>>)
      %run_scoped3A_275 = arith.constant 13 : i32
      %run_scoped3A_276 = arith.constant 1 : i32
      "tpu.region"() ({
        %run_scoped3A_306 = tpu.sem_alloc : memref<!tpu.dma_semaphore, #tpu.memory_space<semaphore_mem>>
        %dma_start3A_307 = arith.constant 0 : i32
        %dma_start3A_308 = tpu.memref_slice %arg5[%run_scoped3A_275, %run_scoped3A_276, %dma_start3A_307] : memref<16x2x128xi32, #tpu.memory_space<vmem>> -> memref<1x1x128xi32, #tpu.memory_space<vmem>>
        %dma_start3A_309 = tpu.memref_squeeze %dma_start3A_308 : memref<1x1x128xi32, #tpu.memory_space<vmem>> -> memref<128xi32, #tpu.memory_space<vmem>>
        %dma_start3A_310 = arith.constant 0 : i32
        %dma_start3A_311 = arith.constant 0 : i32
        %dma_start3A_312 = tpu.memref_slice %arg8[%dma_start3A_310, %dma_start3A_311] : memref<10240x128xf32, #tpu.memory_space<vmem_shared>> -> memref<10240x128xf32, #tpu.memory_space<vmem_shared>>
        tpu.enqueue_indirect_dma source(%arg7 : memref<128x128xf32, #tpu.memory_space<vmem>>) target(%dma_start3A_312 : memref<10240x128xf32, #tpu.memory_space<vmem_shared>>) offsets(%dma_start3A_309 : memref<128xi32, #tpu.memory_space<vmem>>) semaphore(%run_scoped3A_306 : memref<!tpu.dma_semaphore, #tpu.memory_space<semaphore_mem>>) {add = true}
        %dma_wait3A_313 = arith.constant 0 : i32
        %dma_wait3A_314 = tpu.memref_slice %arg5[%run_scoped3A_275, %run_scoped3A_276, %dma_wait3A_313] : memref<16x2x128xi32, #tpu.memory_space<vmem>> -> memref<1x1x128xi32, #tpu.memory_space<vmem>>
        %dma_wait3A_315 = tpu.memref_squeeze %dma_wait3A_314 : memref<1x1x128xi32, #tpu.memory_space<vmem>> -> memref<128xi32, #tpu.memory_space<vmem>>
        %dma_wait3A_316 = arith.constant 0 : i32
        %dma_wait3A_317 = arith.constant 0 : i32
        %dma_wait3A_318 = tpu.memref_slice %arg8[%dma_wait3A_316, %dma_wait3A_317] : memref<10240x128xf32, #tpu.memory_space<vmem_shared>> -> memref<10240x128xf32, #tpu.memory_space<vmem_shared>>
        tpu.wait_indirect_dma semaphore(%run_scoped3A_306 : memref<!tpu.dma_semaphore, #tpu.memory_space<semaphore_mem>>) src(%arg7 : memref<128x128xf32, #tpu.memory_space<vmem>>) dst(%dma_wait3A_318 : memref<10240x128xf32, #tpu.memory_space<vmem_shared>>)
        tpu.yield
      }) : () -> ()
      %dma_start3A_277 = arith.constant 15 : i32
      %dma_start3A_278 = arith.constant 0 : i32
      %dma_start3A_279 = arith.constant 0 : i32
      %dma_start3A_280 = tpu.memref_slice %arg5[%dma_start3A_277, %dma_start3A_278, %dma_start3A_279] : memref<16x2x128xi32, #tpu.memory_space<vmem>> -> memref<1x1x128xi32, #tpu.memory_space<vmem>>
      %dma_start3A_281 = tpu.memref_squeeze %dma_start3A_280 : memref<1x1x128xi32, #tpu.memory_space<vmem>> -> memref<128xi32, #tpu.memory_space<vmem>>
      %dma_start3A_282 = arith.constant 0 : i32
      %dma_start3A_283 = arith.constant 0 : i32
      %dma_start3A_284 = tpu.memref_slice %arg2[%dma_start3A_282, %dma_start3A_283] : memref<10240x128xf32, #tpu.memory_space<hbm>> -> memref<10240x128xf32, #tpu.memory_space<hbm>>
      tpu.enqueue_indirect_dma source(%dma_start3A_284 : memref<10240x128xf32, #tpu.memory_space<hbm>>) target(%arg7 : memref<128x128xf32, #tpu.memory_space<vmem>>) offsets(%dma_start3A_281 : memref<128xi32, #tpu.memory_space<vmem>>) semaphore(%arg10 : memref<!tpu.dma_semaphore, #tpu.memory_space<semaphore_mem>>)
      %dma_wait3A_285 = arith.constant 14 : i32
      %dma_wait3A_286 = arith.constant 0 : i32
      %dma_wait3A_287 = arith.constant 0 : i32
      %dma_wait3A_288 = tpu.memref_slice %arg5[%dma_wait3A_285, %dma_wait3A_286, %dma_wait3A_287] : memref<16x2x128xi32, #tpu.memory_space<vmem>> -> memref<1x1x128xi32, #tpu.memory_space<vmem>>
      %dma_wait3A_289 = tpu.memref_squeeze %dma_wait3A_288 : memref<1x1x128xi32, #tpu.memory_space<vmem>> -> memref<128xi32, #tpu.memory_space<vmem>>
      %dma_wait3A_290 = arith.constant 0 : i32
      %dma_wait3A_291 = arith.constant 0 : i32
      %dma_wait3A_292 = tpu.memref_slice %arg2[%dma_wait3A_290, %dma_wait3A_291] : memref<10240x128xf32, #tpu.memory_space<hbm>> -> memref<10240x128xf32, #tpu.memory_space<hbm>>
      tpu.wait_indirect_dma semaphore(%arg9 : memref<!tpu.dma_semaphore, #tpu.memory_space<semaphore_mem>>) src(%dma_wait3A_292 : memref<10240x128xf32, #tpu.memory_space<hbm>>) dst(%arg6 : memref<128x128xf32, #tpu.memory_space<vmem>>)
      %run_scoped3A_293 = arith.constant 14 : i32
      %run_scoped3A_294 = arith.constant 1 : i32
      "tpu.region"() ({
        %run_scoped3A_306 = tpu.sem_alloc : memref<!tpu.dma_semaphore, #tpu.memory_space<semaphore_mem>>
        %dma_start3A_307 = arith.constant 0 : i32
        %dma_start3A_308 = tpu.memref_slice %arg5[%run_scoped3A_293, %run_scoped3A_294, %dma_start3A_307] : memref<16x2x128xi32, #tpu.memory_space<vmem>> -> memref<1x1x128xi32, #tpu.memory_space<vmem>>
        %dma_start3A_309 = tpu.memref_squeeze %dma_start3A_308 : memref<1x1x128xi32, #tpu.memory_space<vmem>> -> memref<128xi32, #tpu.memory_space<vmem>>
        %dma_start3A_310 = arith.constant 0 : i32
        %dma_start3A_311 = arith.constant 0 : i32
        %dma_start3A_312 = tpu.memref_slice %arg8[%dma_start3A_310, %dma_start3A_311] : memref<10240x128xf32, #tpu.memory_space<vmem_shared>> -> memref<10240x128xf32, #tpu.memory_space<vmem_shared>>
        tpu.enqueue_indirect_dma source(%arg6 : memref<128x128xf32, #tpu.memory_space<vmem>>) target(%dma_start3A_312 : memref<10240x128xf32, #tpu.memory_space<vmem_shared>>) offsets(%dma_start3A_309 : memref<128xi32, #tpu.memory_space<vmem>>) semaphore(%run_scoped3A_306 : memref<!tpu.dma_semaphore, #tpu.memory_space<semaphore_mem>>) {add = true}
        %dma_wait3A_313 = arith.constant 0 : i32
        %dma_wait3A_314 = tpu.memref_slice %arg5[%run_scoped3A_293, %run_scoped3A_294, %dma_wait3A_313] : memref<16x2x128xi32, #tpu.memory_space<vmem>> -> memref<1x1x128xi32, #tpu.memory_space<vmem>>
        %dma_wait3A_315 = tpu.memref_squeeze %dma_wait3A_314 : memref<1x1x128xi32, #tpu.memory_space<vmem>> -> memref<128xi32, #tpu.memory_space<vmem>>
        %dma_wait3A_316 = arith.constant 0 : i32
        %dma_wait3A_317 = arith.constant 0 : i32
        %dma_wait3A_318 = tpu.memref_slice %arg8[%dma_wait3A_316, %dma_wait3A_317] : memref<10240x128xf32, #tpu.memory_space<vmem_shared>> -> memref<10240x128xf32, #tpu.memory_space<vmem_shared>>
        tpu.wait_indirect_dma semaphore(%run_scoped3A_306 : memref<!tpu.dma_semaphore, #tpu.memory_space<semaphore_mem>>) src(%arg6 : memref<128x128xf32, #tpu.memory_space<vmem>>) dst(%dma_wait3A_318 : memref<10240x128xf32, #tpu.memory_space<vmem_shared>>)
        tpu.yield
      }) : () -> ()
      %dma_wait3A_295 = arith.constant 15 : i32
      %dma_wait3A_296 = arith.constant 0 : i32
      %dma_wait3A_297 = arith.constant 0 : i32
      %dma_wait3A_298 = tpu.memref_slice %arg5[%dma_wait3A_295, %dma_wait3A_296, %dma_wait3A_297] : memref<16x2x128xi32, #tpu.memory_space<vmem>> -> memref<1x1x128xi32, #tpu.memory_space<vmem>>
      %dma_wait3A_299 = tpu.memref_squeeze %dma_wait3A_298 : memref<1x1x128xi32, #tpu.memory_space<vmem>> -> memref<128xi32, #tpu.memory_space<vmem>>
      %dma_wait3A_300 = arith.constant 0 : i32
      %dma_wait3A_301 = arith.constant 0 : i32
      %dma_wait3A_302 = tpu.memref_slice %arg2[%dma_wait3A_300, %dma_wait3A_301] : memref<10240x128xf32, #tpu.memory_space<hbm>> -> memref<10240x128xf32, #tpu.memory_space<hbm>>
      tpu.wait_indirect_dma semaphore(%arg10 : memref<!tpu.dma_semaphore, #tpu.memory_space<semaphore_mem>>) src(%dma_wait3A_302 : memref<10240x128xf32, #tpu.memory_space<hbm>>) dst(%arg7 : memref<128x128xf32, #tpu.memory_space<vmem>>)
      %run_scoped3A_303 = arith.constant 15 : i32
      %run_scoped3A_304 = arith.constant 1 : i32
      "tpu.region"() ({
        %run_scoped3A_306 = tpu.sem_alloc : memref<!tpu.dma_semaphore, #tpu.memory_space<semaphore_mem>>
        %dma_start3A_307 = arith.constant 0 : i32
        %dma_start3A_308 = tpu.memref_slice %arg5[%run_scoped3A_303, %run_scoped3A_304, %dma_start3A_307] : memref<16x2x128xi32, #tpu.memory_space<vmem>> -> memref<1x1x128xi32, #tpu.memory_space<vmem>>
        %dma_start3A_309 = tpu.memref_squeeze %dma_start3A_308 : memref<1x1x128xi32, #tpu.memory_space<vmem>> -> memref<128xi32, #tpu.memory_space<vmem>>
        %dma_start3A_310 = arith.constant 0 : i32
        %dma_start3A_311 = arith.constant 0 : i32
        %dma_start3A_312 = tpu.memref_slice %arg8[%dma_start3A_310, %dma_start3A_311] : memref<10240x128xf32, #tpu.memory_space<vmem_shared>> -> memref<10240x128xf32, #tpu.memory_space<vmem_shared>>
        tpu.enqueue_indirect_dma source(%arg7 : memref<128x128xf32, #tpu.memory_space<vmem>>) target(%dma_start3A_312 : memref<10240x128xf32, #tpu.memory_space<vmem_shared>>) offsets(%dma_start3A_309 : memref<128xi32, #tpu.memory_space<vmem>>) semaphore(%run_scoped3A_306 : memref<!tpu.dma_semaphore, #tpu.memory_space<semaphore_mem>>) {add = true}
        %dma_wait3A_313 = arith.constant 0 : i32
        %dma_wait3A_314 = tpu.memref_slice %arg5[%run_scoped3A_303, %run_scoped3A_304, %dma_wait3A_313] : memref<16x2x128xi32, #tpu.memory_space<vmem>> -> memref<1x1x128xi32, #tpu.memory_space<vmem>>
        %dma_wait3A_315 = tpu.memref_squeeze %dma_wait3A_314 : memref<1x1x128xi32, #tpu.memory_space<vmem>> -> memref<128xi32, #tpu.memory_space<vmem>>
        %dma_wait3A_316 = arith.constant 0 : i32
        %dma_wait3A_317 = arith.constant 0 : i32
        %dma_wait3A_318 = tpu.memref_slice %arg8[%dma_wait3A_316, %dma_wait3A_317] : memref<10240x128xf32, #tpu.memory_space<vmem_shared>> -> memref<10240x128xf32, #tpu.memory_space<vmem_shared>>
        tpu.wait_indirect_dma semaphore(%run_scoped3A_306 : memref<!tpu.dma_semaphore, #tpu.memory_space<semaphore_mem>>) src(%arg7 : memref<128x128xf32, #tpu.memory_space<vmem>>) dst(%dma_wait3A_318 : memref<10240x128xf32, #tpu.memory_space<vmem_shared>>)
        tpu.yield
      }) : () -> ()
      %scan3A_305 = arith.constant 0 : i32
      scf.yield %scan3A_305 : i32
    }
    %scan3A_10 = arith.constant 5 : i32
    %barrier3A_11 = arith.constant 0 : index
    tpu.barrier barrier_id(%barrier3A_11)
    %mul3A_12 = arith.constant 640 : i32
    %mul3A_13 = arith.muli %arg1, %mul3A_12 : i32
    %mul3A_14 = arith.constant 640 : i32
    %mul3A_15 = arith.muli %arg1, %mul3A_14 : i32
    "tpu.region"() ({
      %run_scoped3A = tpu.sem_alloc : memref<!tpu.dma_semaphore, #tpu.memory_space<semaphore_mem>>
      %dma_start3A = arith.constant 0 : i32
      %dma_start3A_16 = tpu.memref_slice %arg4[%arg0, %mul3A_15, %dma_start3A] : memref<2x10240x128xf32, #tpu.memory_space<hbm>> -> memref<1x640x128xf32, #tpu.memory_space<hbm>>
      %dma_start3A_17 = tpu.memref_squeeze %dma_start3A_16 : memref<1x640x128xf32, #tpu.memory_space<hbm>> -> memref<640x128xf32, #tpu.memory_space<hbm>>
      %dma_start3A_18 = arith.constant 0 : i32
      %dma_start3A_19 = tpu.memref_slice %arg8[%mul3A_13, %dma_start3A_18] : memref<10240x128xf32, #tpu.memory_space<vmem_shared>> -> memref<640x128xf32, #tpu.memory_space<vmem_shared>>
      tpu.enqueue_dma source(%dma_start3A_19 : memref<640x128xf32, #tpu.memory_space<vmem_shared>>) target(%dma_start3A_17 : memref<640x128xf32, #tpu.memory_space<hbm>>) target_semaphore(%run_scoped3A : memref<!tpu.dma_semaphore, #tpu.memory_space<semaphore_mem>>)
      %dma_wait3A = arith.constant 0 : i32
      %dma_wait3A_20 = tpu.memref_slice %arg4[%arg0, %mul3A_15, %dma_wait3A] : memref<2x10240x128xf32, #tpu.memory_space<hbm>> -> memref<1x640x128xf32, #tpu.memory_space<hbm>>
      %dma_wait3A_21 = tpu.memref_squeeze %dma_wait3A_20 : memref<1x640x128xf32, #tpu.memory_space<hbm>> -> memref<640x128xf32, #tpu.memory_space<hbm>>
      %dma_wait3A_22 = arith.constant 0 : i32
      %dma_wait3A_23 = tpu.memref_slice %arg8[%mul3A_13, %dma_wait3A_22] : memref<10240x128xf32, #tpu.memory_space<vmem_shared>> -> memref<640x128xf32, #tpu.memory_space<vmem_shared>>
      tpu.wait_dma2 semaphore(%run_scoped3A : memref<!tpu.dma_semaphore, #tpu.memory_space<semaphore_mem>>) src(%dma_wait3A_23 : memref<640x128xf32, #tpu.memory_space<vmem_shared>>) dst(%dma_wait3A_21 : memref<640x128xf32, #tpu.memory_space<hbm>>)
      tpu.yield
    }) : () -> ()
    return
  }
}

module attributes {stable_mosaic.version = 14 : i64} {
  func.func @body(%arg0: i32, %arg1: memref<2x1024x16xf32, #tpu.memory_space<vmem>>, %arg2: memref<1024x128xf32, #tpu.memory_space<vmem>>, %arg3: memref<128x128xf32, #tpu.memory_space<vmem>>, %arg4: memref<1024x128xf32, #tpu.memory_space<vmem>>, %arg5: memref<1024x128xf32, #tpu.memory_space<vmem>>) attributes {dimension_semantics = [#tpu.dimension_semantics<arbitrary>], iteration_bounds = array<i64: 10>, scalar_prefetch = 0 : i64, scratch_operands = 0 : i64, tpu.core_type = #tpu.core_type<tc>, window_params = [{transform_indices = @transform_0, window_bounds = array<i64: 2, 1024, 16>}, {transform_indices = @transform_1, window_bounds = array<i64: 1024, 128>}, {pipeline_mode = #tpu.pipeline_mode<synchronous>, transform_indices = @transform_2, window_bounds = array<i64: 128, 128>}, {transform_indices = @transform_3, window_bounds = array<i64: 1024, 128>}, {transform_indices = @transform_4, window_bounds = array<i64: 1024, 128>}]} {
    %get3A = arith.constant 0 : index
    %get3A_0 = arith.constant 0 : index
    %get3A_1 = arith.constant 0 : index
    %get3A_2 = vector.load %arg1[%get3A, %get3A_0, %get3A_1] : memref<2x1024x16xf32, #tpu.memory_space<vmem>>, vector<1x1024x1xf32>
    %get3A_3 = vector.shape_cast %get3A_2 : vector<1x1024x1xf32> to vector<1024x1xf32>
    %get3A_4 = arith.constant 1 : index
    %get3A_5 = arith.constant 0 : index
    %get3A_6 = arith.constant 0 : index
    %get3A_7 = vector.load %arg1[%get3A_4, %get3A_5, %get3A_6] : memref<2x1024x16xf32, #tpu.memory_space<vmem>>, vector<1x1024x1xf32>
    %get3A_8 = vector.shape_cast %get3A_7 : vector<1x1024x1xf32> to vector<1024x1xf32>
    %add3A = arith.addf %get3A_3, %get3A_8 : vector<1024x1xf32>
    %add3A_9 = arith.constant 1.000000e+00 : f32
    %add3A_10 = vector.broadcast %add3A_9 : f32 to vector<1024x1xf32>
    %add3A_11 = arith.addf %add3A, %add3A_10 : vector<1024x1xf32>
    %rsqrt3A = math.rsqrt %add3A_11 : vector<1024x1xf32>
    %broadcast_in_dim3A = vector.shape_cast %rsqrt3A : vector<1024x1xf32> to vector<1024x1xf32>
    %broadcast_in_dim3A_12 = vector.broadcast %broadcast_in_dim3A : vector<1024x1xf32> to vector<1024x128xf32>
    %swap3A = arith.constant 0 : index
    %swap3A_13 = arith.constant 0 : index
    %swap3A_14 = vector.load %arg4[%swap3A, %swap3A_13] : memref<1024x128xf32, #tpu.memory_space<vmem>>, vector<1024x128xf32>
    tpu.vector_store %arg4[%swap3A, %swap3A_13], %broadcast_in_dim3A_12 {strides = array<i32>} : memref<1024x128xf32, #tpu.memory_space<vmem>>, vector<1024x128xf32>,
    %get3A_15 = arith.constant 0 : index
    %get3A_16 = arith.constant 0 : index
    %get3A_17 = vector.load %arg2[%get3A_15, %get3A_16] : memref<1024x128xf32, #tpu.memory_space<vmem>>, vector<1024x128xf32>
    %mul3A = arith.mulf %get3A_17, %broadcast_in_dim3A_12 : vector<1024x128xf32>
    %get3A_18 = arith.constant 0 : index
    %get3A_19 = arith.constant 0 : index
    %get3A_20 = vector.load %arg3[%get3A_18, %get3A_19] : memref<128x128xf32, #tpu.memory_space<vmem>>, vector<128x128xf32>
    %dot_general3A = arith.constant dense<0.000000e+00> : vector<1024x128xf32>
    %dot_general3A_21 = tpu.matmul %mul3A, %get3A_20, %dot_general3A {dimension_numbers = #tpu.dot_dimension_numbers<[1], [0], [0], [1], [0, 0, 1, 1], [], []>, transpose_lhs_hint = false} : vector<1024x128xf32>, vector<128x128xf32>, vector<1024x128xf32> -> vector<1024x128xf32>
    %swap3A_22 = arith.constant 0 : index
    %swap3A_23 = arith.constant 0 : index
    %swap3A_24 = vector.load %arg5[%swap3A_22, %swap3A_23] : memref<1024x128xf32, #tpu.memory_space<vmem>>, vector<1024x128xf32>
    tpu.vector_store %arg5[%swap3A_22, %swap3A_23], %dot_general3A_21 {strides = array<i32>} : memref<1024x128xf32, #tpu.memory_space<vmem>>, vector<1024x128xf32>,
    return
  }
  func.func @transform_0(%arg0: i32) -> (i32, i32, i32) {
    %c0_i32 = arith.constant 0 : i32
    %c0_i32_0 = arith.constant 0 : i32
    %c0_i32_1 = arith.constant 0 : i32
    return %c0_i32, %arg0, %c0_i32_0 : i32, i32, i32
  }
  func.func @transform_1(%arg0: i32) -> (i32, i32) {
    %c0_i32 = arith.constant 0 : i32
    %c0_i32_0 = arith.constant 0 : i32
    return %arg0, %c0_i32 : i32, i32
  }
  func.func @transform_2(%arg0: i32) -> (i32, i32) {
    %c0_i32 = arith.constant 0 : i32
    %c0_i32_0 = arith.constant 0 : i32
    %c0_i32_1 = arith.constant 0 : i32
    return %c0_i32, %c0_i32_0 : i32, i32
  }
  func.func @transform_3(%arg0: i32) -> (i32, i32) {
    %c0_i32 = arith.constant 0 : i32
    %c0_i32_0 = arith.constant 0 : i32
    return %arg0, %c0_i32 : i32, i32
  }
  func.func @transform_4(%arg0: i32) -> (i32, i32) {
    %c0_i32 = arith.constant 0 : i32
    %c0_i32_0 = arith.constant 0 : i32
    return %arg0, %c0_i32 : i32, i32
  }
}

module attributes {stable_mosaic.version = 14 : i64} {
  func.func @body(%arg0: i32, %arg1: memref<2x1024x128xf32, #tpu.memory_space<vmem>>, %arg2: memref<1024x128xf32, #tpu.memory_space<vmem>>, %arg3: memref<1024x128xf32, #tpu.memory_space<vmem>>, %arg4: memref<1x128xf32, #tpu.memory_space<vmem>>, %arg5: memref<1x128xf32, #tpu.memory_space<vmem>>, %arg6: memref<1x128xf32, #tpu.memory_space<vmem>>, %arg7: memref<128x128xf32, #tpu.memory_space<vmem>>, %arg8: memref<1024x128xf32, #tpu.memory_space<vmem>>) attributes {dimension_semantics = [#tpu.dimension_semantics<arbitrary>], iteration_bounds = array<i64: 10>, scalar_prefetch = 0 : i64, scratch_operands = 0 : i64, tpu.core_type = #tpu.core_type<tc>, window_params = [{transform_indices = @transform_0, window_bounds = array<i64: 2, 1024, 128>}, {transform_indices = @transform_1, window_bounds = array<i64: 1024, 128>}, {transform_indices = @transform_2, window_bounds = array<i64: 1024, 128>}, {pipeline_mode = #tpu.pipeline_mode<synchronous>, transform_indices = @transform_3, window_bounds = array<i64: 1, 128>}, {pipeline_mode = #tpu.pipeline_mode<synchronous>, transform_indices = @transform_4, window_bounds = array<i64: 1, 128>}, {pipeline_mode = #tpu.pipeline_mode<synchronous>, transform_indices = @transform_5, window_bounds = array<i64: 1, 128>}, {pipeline_mode = #tpu.pipeline_mode<synchronous>, transform_indices = @transform_6, window_bounds = array<i64: 128, 128>}, {transform_indices = @transform_7, window_bounds = array<i64: 1024, 128>}]} {
    %get3A = arith.constant 0 : index
    %get3A_0 = arith.constant 0 : index
    %get3A_1 = vector.load %arg3[%get3A, %get3A_0] : memref<1024x128xf32, #tpu.memory_space<vmem>>, vector<1024x128xf32>
    %get3A_2 = arith.constant 0 : index
    %get3A_3 = arith.constant 0 : index
    %get3A_4 = arith.constant 0 : index
    %get3A_5 = vector.load %arg1[%get3A_2, %get3A_3, %get3A_4] : memref<2x1024x128xf32, #tpu.memory_space<vmem>>, vector<1x1024x128xf32>
    %get3A_6 = vector.shape_cast %get3A_5 : vector<1x1024x128xf32> to vector<1024x128xf32>
    %get3A_7 = arith.constant 1 : index
    %get3A_8 = arith.constant 0 : index
    %get3A_9 = arith.constant 0 : index
    %get3A_10 = vector.load %arg1[%get3A_7, %get3A_8, %get3A_9] : memref<2x1024x128xf32, #tpu.memory_space<vmem>>, vector<1x1024x128xf32>
    %get3A_11 = vector.shape_cast %get3A_10 : vector<1x1024x128xf32> to vector<1024x128xf32>
    %add3A = arith.addf %get3A_6, %get3A_11 : vector<1024x128xf32>
    %get3A_12 = arith.constant 0 : index
    %get3A_13 = arith.constant 0 : index
    %get3A_14 = vector.load %arg2[%get3A_12, %get3A_13] : memref<1024x128xf32, #tpu.memory_space<vmem>>, vector<1024x128xf32>
    %sub3A = arith.subf %add3A, %get3A_14 : vector<1024x128xf32>
    %mul3A = arith.mulf %sub3A, %get3A_1 : vector<1024x128xf32>
    %get3A_15 = arith.constant 0 : index
    %get3A_16 = arith.constant 0 : index
    %get3A_17 = vector.load %arg4[%get3A_15, %get3A_16] : memref<1x128xf32, #tpu.memory_space<vmem>>, vector<1x128xf32>
    %add3A_18 = vector.broadcast %get3A_17 : vector<1x128xf32> to vector<1024x128xf32>
    %add3A_19 = arith.addf %mul3A, %add3A_18 : vector<1024x128xf32>
    %get3A_20 = arith.constant 0 : index
    %get3A_21 = arith.constant 0 : index
    %get3A_22 = vector.load %arg5[%get3A_20, %get3A_21] : memref<1x128xf32, #tpu.memory_space<vmem>>, vector<1x128xf32>
    %get3A_23 = arith.constant 0 : index
    %get3A_24 = arith.constant 0 : index
    %get3A_25 = vector.load %arg6[%get3A_23, %get3A_24] : memref<1x128xf32, #tpu.memory_space<vmem>>, vector<1x128xf32>
    %reduce_sum3A = arith.constant dense<0.000000e+00> : vector<1024xf32>
    %reduce_sum3A_26 = vector.multi_reduction <add>, %add3A_19, %reduce_sum3A [1] : vector<1024x128xf32> to vector<1024xf32>
    %broadcast_in_dim3A = vector.shape_cast %reduce_sum3A_26 : vector<1024xf32> to vector<1024x1xf32>
    %div3A = arith.constant 1.280000e+02 : f32
    %div3A_27 = vector.broadcast %div3A : f32 to vector<1024x1xf32>
    %div3A_28 = arith.divf %broadcast_in_dim3A, %div3A_27 : vector<1024x1xf32>
    %sub3A_29 = vector.broadcast %div3A_28 : vector<1024x1xf32> to vector<1024x128xf32>
    %sub3A_30 = arith.subf %add3A_19, %sub3A_29 : vector<1024x128xf32>
    %mul3A_31 = arith.mulf %sub3A_30, %sub3A_30 : vector<1024x128xf32>
    %reduce_sum3A_32 = arith.constant dense<0.000000e+00> : vector<1024xf32>
    %reduce_sum3A_33 = vector.multi_reduction <add>, %mul3A_31, %reduce_sum3A_32 [1] : vector<1024x128xf32> to vector<1024xf32>
    %broadcast_in_dim3A_34 = vector.shape_cast %reduce_sum3A_33 : vector<1024xf32> to vector<1024x1xf32>
    %div3A_35 = arith.constant 1.280000e+02 : f32
    %div3A_36 = vector.broadcast %div3A_35 : f32 to vector<1024x1xf32>
    %div3A_37 = arith.divf %broadcast_in_dim3A_34, %div3A_36 : vector<1024x1xf32>
    %add3A_38 = arith.constant 9.99999974E-6 : f32
    %add3A_39 = vector.broadcast %add3A_38 : f32 to vector<1024x1xf32>
    %add3A_40 = arith.addf %div3A_37, %add3A_39 : vector<1024x1xf32>
    %rsqrt3A = math.rsqrt %add3A_40 : vector<1024x1xf32>
    %mul3A_41 = vector.broadcast %rsqrt3A : vector<1024x1xf32> to vector<1024x128xf32>
    %mul3A_42 = arith.mulf %sub3A_30, %mul3A_41 : vector<1024x128xf32>
    %mul3A_43 = vector.broadcast %get3A_22 : vector<1x128xf32> to vector<1024x128xf32>
    %mul3A_44 = arith.mulf %mul3A_42, %mul3A_43 : vector<1024x128xf32>
    %add3A_45 = vector.broadcast %get3A_25 : vector<1x128xf32> to vector<1024x128xf32>
    %add3A_46 = arith.addf %mul3A_44, %add3A_45 : vector<1024x128xf32>
    %max3A = arith.constant 0.000000e+00 : f32
    %max3A_47 = vector.broadcast %max3A : f32 to vector<1024x128xf32>
    %max3A_48 = arith.maximumf %add3A_46, %max3A_47 : vector<1024x128xf32>
    %mul3A_49 = arith.mulf %max3A_48, %get3A_1 : vector<1024x128xf32>
    %get3A_50 = arith.constant 0 : index
    %get3A_51 = arith.constant 0 : index
    %get3A_52 = vector.load %arg7[%get3A_50, %get3A_51] : memref<128x128xf32, #tpu.memory_space<vmem>>, vector<128x128xf32>
    %dot_general3A = arith.constant dense<0.000000e+00> : vector<1024x128xf32>
    %dot_general3A_53 = tpu.matmul %mul3A_49, %get3A_52, %dot_general3A {dimension_numbers = #tpu.dot_dimension_numbers<[1], [0], [0], [1], [0, 0, 1, 1], [], []>, transpose_lhs_hint = false} : vector<1024x128xf32>, vector<128x128xf32>, vector<1024x128xf32> -> vector<1024x128xf32>
    %swap3A = arith.constant 0 : index
    %swap3A_54 = arith.constant 0 : index
    %swap3A_55 = vector.load %arg8[%swap3A, %swap3A_54] : memref<1024x128xf32, #tpu.memory_space<vmem>>, vector<1024x128xf32>
    tpu.vector_store %arg8[%swap3A, %swap3A_54], %dot_general3A_53 {strides = array<i32>} : memref<1024x128xf32, #tpu.memory_space<vmem>>, vector<1024x128xf32>,
    return
  }
  func.func @transform_0(%arg0: i32) -> (i32, i32, i32) {
    %c0_i32 = arith.constant 0 : i32
    %c0_i32_0 = arith.constant 0 : i32
    %c0_i32_1 = arith.constant 0 : i32
    return %c0_i32, %arg0, %c0_i32_0 : i32, i32, i32
  }
  func.func @transform_1(%arg0: i32) -> (i32, i32) {
    %c0_i32 = arith.constant 0 : i32
    %c0_i32_0 = arith.constant 0 : i32
    return %arg0, %c0_i32 : i32, i32
  }
  func.func @transform_2(%arg0: i32) -> (i32, i32) {
    %c0_i32 = arith.constant 0 : i32
    %c0_i32_0 = arith.constant 0 : i32
    return %arg0, %c0_i32 : i32, i32
  }
  func.func @transform_3(%arg0: i32) -> (i32, i32) {
    %c0_i32 = arith.constant 0 : i32
    %c0_i32_0 = arith.constant 0 : i32
    %c0_i32_1 = arith.constant 0 : i32
    return %c0_i32, %c0_i32_0 : i32, i32
  }
  func.func @transform_4(%arg0: i32) -> (i32, i32) {
    %c0_i32 = arith.constant 0 : i32
    %c0_i32_0 = arith.constant 0 : i32
    %c0_i32_1 = arith.constant 0 : i32
    return %c0_i32, %c0_i32_0 : i32, i32
  }
  func.func @transform_5(%arg0: i32) -> (i32, i32) {
    %c0_i32 = arith.constant 0 : i32
    %c0_i32_0 = arith.constant 0 : i32
    %c0_i32_1 = arith.constant 0 : i32
    return %c0_i32, %c0_i32_0 : i32, i32
  }
  func.func @transform_6(%arg0: i32) -> (i32, i32) {
    %c0_i32 = arith.constant 0 : i32
    %c0_i32_0 = arith.constant 0 : i32
    %c0_i32_1 = arith.constant 0 : i32
    return %c0_i32, %c0_i32_0 : i32, i32
  }
  func.func @transform_7(%arg0: i32) -> (i32, i32) {
    %c0_i32 = arith.constant 0 : i32
    %c0_i32_0 = arith.constant 0 : i32
    return %arg0, %c0_i32 : i32, i32
  }
}

module attributes {stable_mosaic.version = 14 : i64} {
  func.func @body(%arg0: i32, %arg1: memref<2x1024x128xf32, #tpu.memory_space<vmem>>, %arg2: memref<1024x128xf32, #tpu.memory_space<vmem>>, %arg3: memref<1024x128xf32, #tpu.memory_space<vmem>>, %arg4: memref<1x128xf32, #tpu.memory_space<vmem>>, %arg5: memref<1x128xf32, #tpu.memory_space<vmem>>, %arg6: memref<1x128xf32, #tpu.memory_space<vmem>>, %arg7: memref<1024x128xf32, #tpu.memory_space<vmem>>) attributes {dimension_semantics = [#tpu.dimension_semantics<arbitrary>], iteration_bounds = array<i64: 10>, scalar_prefetch = 0 : i64, scratch_operands = 0 : i64, tpu.core_type = #tpu.core_type<tc>, window_params = [{transform_indices = @transform_0, window_bounds = array<i64: 2, 1024, 128>}, {transform_indices = @transform_1, window_bounds = array<i64: 1024, 128>}, {transform_indices = @transform_2, window_bounds = array<i64: 1024, 128>}, {pipeline_mode = #tpu.pipeline_mode<synchronous>, transform_indices = @transform_3, window_bounds = array<i64: 1, 128>}, {pipeline_mode = #tpu.pipeline_mode<synchronous>, transform_indices = @transform_4, window_bounds = array<i64: 1, 128>}, {pipeline_mode = #tpu.pipeline_mode<synchronous>, transform_indices = @transform_5, window_bounds = array<i64: 1, 128>}, {transform_indices = @transform_6, window_bounds = array<i64: 1024, 128>}]} {
    %get3A = arith.constant 0 : index
    %get3A_0 = arith.constant 0 : index
    %get3A_1 = arith.constant 0 : index
    %get3A_2 = vector.load %arg1[%get3A, %get3A_0, %get3A_1] : memref<2x1024x128xf32, #tpu.memory_space<vmem>>, vector<1x1024x128xf32>
    %get3A_3 = vector.shape_cast %get3A_2 : vector<1x1024x128xf32> to vector<1024x128xf32>
    %get3A_4 = arith.constant 1 : index
    %get3A_5 = arith.constant 0 : index
    %get3A_6 = arith.constant 0 : index
    %get3A_7 = vector.load %arg1[%get3A_4, %get3A_5, %get3A_6] : memref<2x1024x128xf32, #tpu.memory_space<vmem>>, vector<1x1024x128xf32>
    %get3A_8 = vector.shape_cast %get3A_7 : vector<1x1024x128xf32> to vector<1024x128xf32>
    %add3A = arith.addf %get3A_3, %get3A_8 : vector<1024x128xf32>
    %get3A_9 = arith.constant 0 : index
    %get3A_10 = arith.constant 0 : index
    %get3A_11 = vector.load %arg2[%get3A_9, %get3A_10] : memref<1024x128xf32, #tpu.memory_space<vmem>>, vector<1024x128xf32>
    %sub3A = arith.subf %add3A, %get3A_11 : vector<1024x128xf32>
    %get3A_12 = arith.constant 0 : index
    %get3A_13 = arith.constant 0 : index
    %get3A_14 = vector.load %arg3[%get3A_12, %get3A_13] : memref<1024x128xf32, #tpu.memory_space<vmem>>, vector<1024x128xf32>
    %mul3A = arith.mulf %sub3A, %get3A_14 : vector<1024x128xf32>
    %get3A_15 = arith.constant 0 : index
    %get3A_16 = arith.constant 0 : index
    %get3A_17 = vector.load %arg4[%get3A_15, %get3A_16] : memref<1x128xf32, #tpu.memory_space<vmem>>, vector<1x128xf32>
    %add3A_18 = vector.broadcast %get3A_17 : vector<1x128xf32> to vector<1024x128xf32>
    %add3A_19 = arith.addf %mul3A, %add3A_18 : vector<1024x128xf32>
    %get3A_20 = arith.constant 0 : index
    %get3A_21 = arith.constant 0 : index
    %get3A_22 = vector.load %arg5[%get3A_20, %get3A_21] : memref<1x128xf32, #tpu.memory_space<vmem>>, vector<1x128xf32>
    %get3A_23 = arith.constant 0 : index
    %get3A_24 = arith.constant 0 : index
    %get3A_25 = vector.load %arg6[%get3A_23, %get3A_24] : memref<1x128xf32, #tpu.memory_space<vmem>>, vector<1x128xf32>
    %reduce_sum3A = arith.constant dense<0.000000e+00> : vector<1024xf32>
    %reduce_sum3A_26 = vector.multi_reduction <add>, %add3A_19, %reduce_sum3A [1] : vector<1024x128xf32> to vector<1024xf32>
    %broadcast_in_dim3A = vector.shape_cast %reduce_sum3A_26 : vector<1024xf32> to vector<1024x1xf32>
    %div3A = arith.constant 1.280000e+02 : f32
    %div3A_27 = vector.broadcast %div3A : f32 to vector<1024x1xf32>
    %div3A_28 = arith.divf %broadcast_in_dim3A, %div3A_27 : vector<1024x1xf32>
    %sub3A_29 = vector.broadcast %div3A_28 : vector<1024x1xf32> to vector<1024x128xf32>
    %sub3A_30 = arith.subf %add3A_19, %sub3A_29 : vector<1024x128xf32>
    %mul3A_31 = arith.mulf %sub3A_30, %sub3A_30 : vector<1024x128xf32>
    %reduce_sum3A_32 = arith.constant dense<0.000000e+00> : vector<1024xf32>
    %reduce_sum3A_33 = vector.multi_reduction <add>, %mul3A_31, %reduce_sum3A_32 [1] : vector<1024x128xf32> to vector<1024xf32>
    %broadcast_in_dim3A_34 = vector.shape_cast %reduce_sum3A_33 : vector<1024xf32> to vector<1024x1xf32>
    %div3A_35 = arith.constant 1.280000e+02 : f32
    %div3A_36 = vector.broadcast %div3A_35 : f32 to vector<1024x1xf32>
    %div3A_37 = arith.divf %broadcast_in_dim3A_34, %div3A_36 : vector<1024x1xf32>
    %add3A_38 = arith.constant 9.99999974E-6 : f32
    %add3A_39 = vector.broadcast %add3A_38 : f32 to vector<1024x1xf32>
    %add3A_40 = arith.addf %div3A_37, %add3A_39 : vector<1024x1xf32>
    %rsqrt3A = math.rsqrt %add3A_40 : vector<1024x1xf32>
    %mul3A_41 = vector.broadcast %rsqrt3A : vector<1024x1xf32> to vector<1024x128xf32>
    %mul3A_42 = arith.mulf %sub3A_30, %mul3A_41 : vector<1024x128xf32>
    %mul3A_43 = vector.broadcast %get3A_22 : vector<1x128xf32> to vector<1024x128xf32>
    %mul3A_44 = arith.mulf %mul3A_42, %mul3A_43 : vector<1024x128xf32>
    %add3A_45 = vector.broadcast %get3A_25 : vector<1x128xf32> to vector<1024x128xf32>
    %add3A_46 = arith.addf %mul3A_44, %add3A_45 : vector<1024x128xf32>
    %swap3A = arith.constant 0 : index
    %swap3A_47 = arith.constant 0 : index
    %swap3A_48 = vector.load %arg7[%swap3A, %swap3A_47] : memref<1024x128xf32, #tpu.memory_space<vmem>>, vector<1024x128xf32>
    tpu.vector_store %arg7[%swap3A, %swap3A_47], %add3A_46 {strides = array<i32>} : memref<1024x128xf32, #tpu.memory_space<vmem>>, vector<1024x128xf32>,
    return
  }
  func.func @transform_0(%arg0: i32) -> (i32, i32, i32) {
    %c0_i32 = arith.constant 0 : i32
    %c0_i32_0 = arith.constant 0 : i32
    %c0_i32_1 = arith.constant 0 : i32
    return %c0_i32, %arg0, %c0_i32_0 : i32, i32, i32
  }
  func.func @transform_1(%arg0: i32) -> (i32, i32) {
    %c0_i32 = arith.constant 0 : i32
    %c0_i32_0 = arith.constant 0 : i32
    return %arg0, %c0_i32 : i32, i32
  }
  func.func @transform_2(%arg0: i32) -> (i32, i32) {
    %c0_i32 = arith.constant 0 : i32
    %c0_i32_0 = arith.constant 0 : i32
    return %arg0, %c0_i32 : i32, i32
  }
  func.func @transform_3(%arg0: i32) -> (i32, i32) {
    %c0_i32 = arith.constant 0 : i32
    %c0_i32_0 = arith.constant 0 : i32
    %c0_i32_1 = arith.constant 0 : i32
    return %c0_i32, %c0_i32_0 : i32, i32
  }
  func.func @transform_4(%arg0: i32) -> (i32, i32) {
    %c0_i32 = arith.constant 0 : i32
    %c0_i32_0 = arith.constant 0 : i32
    %c0_i32_1 = arith.constant 0 : i32
    return %c0_i32, %c0_i32_0 : i32, i32
  }
  func.func @transform_5(%arg0: i32) -> (i32, i32) {
    %c0_i32 = arith.constant 0 : i32
    %c0_i32_0 = arith.constant 0 : i32
    %c0_i32_1 = arith.constant 0 : i32
    return %c0_i32, %c0_i32_0 : i32, i32
  }
  func.func @transform_6(%arg0: i32) -> (i32, i32) {
    %c0_i32 = arith.constant 0 : i32
    %c0_i32_0 = arith.constant 0 : i32
    return %arg0, %c0_i32 : i32, i32
  }
}

</mosaic_0001>

<sc_bundles>
// kernel: kernel.10.cloned.1.call-start
scs
__scs_entry_jumppad:
0x0: {  	(pc) =	sbr.rel $0x88, $3  }
0x1: {  	(tag) =	ssettag $0x0;
	lr =	simm.s32 $0x1  }
0x2: {  	[smem:$0x3F93] =	sst lr;
	_ =	strace $0xD0000000  }
0x3: {  	_ = 	snop  }
0x4: {  	_ = 	snop  }
0x5: {  	_ = 	snop  }
0x6: {  	_ = 	snop  }
0x7: {  	_ = 	snop  }
__scs_overlays_trampoline_lowered:
0x8: {  	[smem:$0x3FA2] =	sst s0  }
0x9: {  	[smem:$0x3FA3] =	sst s1  }
0xa: {  	[smem:$0x3FA4] =	sst s2  }
0xb: {  	[smem:$0x3FA5] =	sst s3  }
0xc: {  	[smem:$0x3FA6] =	sst s4  }
0xd: {  	[smem:$0x3FA7] =	sst s5  }
0xe: {  	[smem:$0x3FA8] =	sst s6  }
0xf: {  	[smem:$0x3FA9] =	sst s7  }
0x10: {  	[smem:$0x3FAA] =	sst s8  }
0x11: {  	[smem:$0x3FAB] =	sst s9;
	s0 =	simm.s32 @!p0 $0x0  }
0x12: {  	s1 =	sld [smem:$0x3F91];
	s0 =	simm.s32 @p0 $0x1  }
0x13: {  	[smem:$0x3FAC] =	sst s0;
	s0 =	simm.s32 @!p1 $0x0  }
0x14: {  	s2 =	sld [smem:$0x3F90];
	s0 =	simm.s32 @p1 $0x1  }
0x15: {  	[smem:$0x3FAD] =	sst s0;
	s0 =	simm.s32 @!p2 $0x0  }
0x16: {  	s3 =	sld [smem:$0x3FDB];
	s0 =	simm.s32 @p2 $0x1  }
0x17: {  	s4 =	simm.s32 $0x1BF5;
	[smem:$0x3FAF] =	sst s0  }
0x18: {  	s0 =	sld [smem:$0x3F92];
	_ =	swait.ge [sflag:s4], $0x0  }
0x19: {  	s7 =	sld [smem:$0x3F93]  }
0x1a: {  	s8 =	sadd.s32 $0xFFFFE003, lr  }
0x1b: {  	s9 =	sadd.s32 $0xFFFFFEF7, lr;
	s5 =	simm.s32 $0xFFFFFFFF;
	p2 =	slt.u32 s8, $0xFFFFF086  }
0x1c: {  	p1 =	slt.u32 s9, $0xF7A;
	s5 =	simm.s32 @!p2 $0x0  }
0x1d: {  	s5 =	simm.s32 @p1 $0x1;
	p0 =	seq.s32 s7, s2  }
0x1e: {  	s7 =	smul.u32 @!p0 $0xF7A, s2;
	p2 =	seq.s32 @!p0 s5, $0x0  }
0x1f: {  	s9 =	smul.u32 $0xF7A, s1;
	s8 =	simm.s32 @!p0 $0x1BF5;
	p2 =	por !p2, p0  }
0x20: {  	[sflag:s8] =	ssyncset.s32 @!p0 $0xFFFFF086;
	s6 =	sadd.s32 @!p0 s3, s7;
	s7 =	simm.s32 @!p0 $0x108  }
0x21: {  	s3 =	sadd.s32 s3, s9;
	s6 =	sadd.s32 @!p0 $0x88, s6;
	s7 =	simm.s32 @p2 $0x1082  }
0x22: {  	[simem:s7], [sflag:s8] =	dma.local @!p0 [hbm:s6], $0xF7A  }
0x23: {  	s9 =	sor.u32 $0xD0000000, s2;
	s6 =	simm.s32 $0x108;
	_ =	swait.ge @!p0 [sflag:s8], $0x0  }
0x24: {  	s3 =	sadd.s32 $0x88, s3;
	s6 =	simm.s32 @!p1 $0x1082;
	[sflag:s4] =	ssyncset.s32 $0xFFFFF086  }
0x25: {  	[simem:s6], [sflag:s4] =	dma.local [hbm:s3], $0xF7A  }
0x26: {  	[smem:$0x3F93] =	sst s1;
	(tag) =	ssettag s2;
	_ =	strace s9  }
0x27: {  	s1 =	sld [smem:$0x3FA3]  }
0x28: {  	s2 =	sld [smem:$0x3FA4]  }
0x29: {  	s4 =	sld [smem:$0x3FA6]  }
0x2a: {  	p0 =	seq.s32 s5, $0x0;
	s5 =	sld [smem:$0x3FA7]  }
0x2b: {  	s6 =	sld [smem:$0x3FA8]  }
0x2c: {  	s7 =	sld [smem:$0x3FA9]  }
0x2d: {  	s3 =	simm.s32 $0x108;
	s8 =	sld [smem:$0x3FAA]  }
0x2e: {  	s3 =	simm.s32 @!p0 $0x1082;
	s9 =	sld [smem:$0x3FAB]  }
0x2f: {  	lr =	sadd.s32 s0, s3;
	s0 =	sld [smem:$0x3FA2]  }
0x30: {  	s3 =	sld [smem:$0x3FA5]  }
0x31: {  	[smem:$0x3FAE] =	sst s10  }
0x32: {  	s10 =	sld [smem:$0x3FAC];
	_ =	sdelay $0x3  }
0x33: {  	p0 =	seq.s32 s10, $0x1;
	s10 =	sld [smem:$0x3FAE];
	_ =	sdelay $0x3  }
0x34: {  	[smem:$0x3FAE] =	sst s10  }
0x35: {  	s10 =	sld [smem:$0x3FAD];
	_ =	sdelay $0x3  }
0x36: {  	p1 =	seq.s32 s10, $0x1;
	s10 =	sld [smem:$0x3FAE];
	_ =	sdelay $0x3  }
0x37: {  	[smem:$0x3FAE] =	sst s10  }
0x38: {  	s10 =	sld [smem:$0x3FAF]  }
0x39: {  	_ = 	snop;
	(pc) =	sbr.ind lr, $3  }
0x3a: {  	_ = 	snop  }
0x3b: {  	_ = 	snop  }
0x3c: {  	p2 =	seq.s32 s10, $0x1;
	s10 =	sld [smem:$0x3FAE]  }
0x3d: {  	_ =	shalt  }
0x3e: {  	_ =	shalt  }
0x3f: {  	_ =	shalt  }
0x40: {  	_ =	shalt  }
0x41: {  	_ =	shalt  }
0x42: {  	_ =	shalt  }
0x43: {  	_ =	shalt  }
0x44: {  	_ =	shalt  }
0x45: {  	_ =	shalt  }
0x46: {  	_ =	shalt  }
0x47: {  	_ =	shalt  }
0x48: {  	_ =	shalt  }
0x49: {  	_ =	shalt  }
0x4a: {  	_ =	shalt  }
0x4b: {  	_ =	shalt  }
0x4c: {  	_ =	shalt  }
0x4d: {  	_ =	shalt  }
0x4e: {  	_ =	shalt  }
0x4f: {  	_ =	shalt  }
0x50: {  	_ =	shalt  }
0x51: {  	_ =	shalt  }
0x52: {  	_ =	shalt  }
0x53: {  	_ =	shalt  }
0x54: {  	_ =	shalt  }
0x55: {  	_ =	shalt  }
0x56: {  	_ =	shalt  }
0x57: {  	_ =	shalt  }
0x58: {  	_ =	shalt  }
0x59: {  	_ =	shalt  }
0x5a: {  	_ =	shalt  }
0x5b: {  	_ =	shalt  }
0x5c: {  	_ =	shalt  }
0x5d: {  	_ =	shalt  }
0x5e: {  	_ =	shalt  }
0x5f: {  	_ =	shalt  }
0x60: {  	_ =	shalt  }
0x61: {  	_ =	shalt  }
0x62: {  	_ =	shalt  }
0x63: {  	_ =	shalt  }
0x64: {  	_ =	shalt  }
0x65: {  	_ =	shalt  }
0x66: {  	_ =	shalt  }
0x67: {  	_ =	shalt  }
0x68: {  	_ =	shalt  }
0x69: {  	_ =	shalt  }
0x6a: {  	_ =	shalt  }
0x6b: {  	_ =	shalt  }
0x6c: {  	_ =	shalt  }
0x6d: {  	_ =	shalt  }
0x6e: {  	_ =	shalt  }
0x6f: {  	_ =	shalt  }
0x70: {  	_ =	shalt  }
0x71: {  	_ =	shalt  }
0x72: {  	_ =	shalt  }
0x73: {  	_ =	shalt  }
0x74: {  	_ =	shalt  }
0x75: {  	_ =	shalt  }
0x76: {  	_ =	shalt  }
0x77: {  	_ =	shalt  }
0x78: {  	_ =	shalt  }
0x79: {  	_ =	shalt  }
0x7a: {  	_ =	shalt  }
0x7b: {  	_ =	shalt  }
0x7c: {  	_ =	shalt  }
0x7d: {  	_ =	shalt  }
0x7e: {  	_ =	shalt  }
0x7f: {  	_ =	shalt  }
0x80: {  	_ =	shalt  }
0x81: {  	_ =	shalt  }
0x82: {  	_ =	shalt  }
0x83: {  	_ =	shalt  }
0x84: {  	_ =	shalt  }
0x85: {  	_ =	shalt  }
0x86: {  	_ =	shalt  }
0x87: {  	_ =	shalt  }
.Lfunc_end0:
.L_simem_size_0:
called_computation_lowered:
.L_overlay_start_0:
0x88: {  	s2 =	sld [smem:$0x3FD9]  }
0x89: {  	s3 =	sld [smem:$0x3FFE];
	_ =	sdelay $0x1  }
0x8a: {  	s1 =	srdreg.scid  }
0x8b: {  	s0 =	sand.u32 $0x1, s1  }
0x8c: {  	s17 =	sshll.u32 s0, $0xA;
	s2 =	sadd.s32 s3, s2  }
0x8d: {  	s2 =	sadd.s32 s2, s17  }
0x8e: {  	[smem:$0x3FBA] =	sst s2  }
0x8f: {  	_ = 	snop  }
0x90: {  	s2 =	sld [smem:$0x3FD0];
	(tm) =	ssettm $0x1  }
0x91: {  	s18 =	sld [smem:$0x3FFB];
	_ =	sdelay $0x3  }
0x92: {  	_ =	strace s18  }
0x93: {  	s3 =	sld [smem:$0x3FFC];
	_ =	sdelay $0x3  }
0x94: {  	_ =	strace s3  }
0x95: {  	s3 =	sld [smem:$0x3FFD];
	_ =	sdelay $0x3  }
0x96: {  	_ =	strace s3  }
0x97: {  	_ =	strace $0x8FFFFFFF  }
0x98: {  	s19 =	sld [smem:$0x3FDB];
	_ =	sdelay $0x1  }
0x99: {  	s4 =	simm.s32 $_scs_section_size  }
0x9a: {  	s5 =	simm.s32 $_size__tile_overlayer_lowered;
	s6 =	simm.s32 $_tile_overlayer_lowered  }
0x9b: {  	s22 =	simm.s32 $0x1BFF;
	s21 =	sshll.u32 s6, $0x1;
	s3 =	sadd.s32 s4, s19  }
0x9c: {  	s7 =	simm.s32 $0x0;
	s20 =	sshll.u32 s5, $0x1;
	s5 =	sadd.s32 s21, s3  }
0x9d: {  	[timem:s7], [sflag:s22] =	dma.local [hbm:s5], s20  }
0x9e: {  	_ =	swait.ge [sflag:s22], s20  }
0x9f: {  	s4 =	ssub.s32 $0x0, s20;
	[sflag:s22] =	ssyncset.done $0x0  }
0xa0: {  	[sflag:s22] =	ssyncadd.s32 s4;
	_ =	sdelay $0x1  }
0xa1: {  	s23 =	simm.s32 $0x1B8B  }
0xa2: {  	_ =	swait.ge [sflag:s23], $0x1  }
0xa3: {  	[sflag:s23] =	ssyncset.done $0x0  }
0xa4: {  	s25 =	simm.s32 $0x1B8E;
	s24 =	sld [smem:$0x3FFE];
	[sflag:s23] =	ssyncadd.s32 $0xFFFFFFFF  }
0xa5: {  	s26 =	simm.s32 $execute0_lowered;
	[smem:$0x3FD2] =	sst s25  }
0xa6: {  	s5 =	sshll.u32 s26, $0x1;
	_ =	strace $0x80000046;
	[dreg:$0x1] =	wrdreg $0xFFFFFFFF  }
0xa7: {  	s28 =	simm.s32 $_size_execute0_lowered;
	s3 =	sadd.s32 s3, s5;
	[dreg:$0x0] =	wrdreg $0x0  }
0xa8: {  	s5 =	sshll.u32 s28, $0x1;
	[dreg:$0x2] =	wrdreg s3  }
0xa9: {  	[dreg:$0x3] =	wrdreg s5  }
0xaa: {  	[dreg:$0x4] =	wrdreg $0xC0  }
0xab: {  	_ =	task [dreg:s7], $0x5FFFF  }
0xac: {  	[dreg:$0x1] =	wrdreg $0xFFFFFFFF  }
0xad: {  	[dreg:$0x0] =	wrdreg $0x60  }
0xae: {  	[dreg:$0x2] =	wrdreg s2  }
0xaf: {  	[dreg:$0x3] =	wrdreg s24  }
0xb0: {  	[dreg:$0x4] =	wrdreg $0x90000  }
0xb1: {  	[dreg:$0x5] =	wrdreg $0x9  }
0xb2: {  	_ =	task.clear_ibuf [dreg:s7], $0x6FFFF;
	_ =	strace $0x90000046  }
0xb3: {  	s29 =	simm.s32 $0x9;
	_ =	strace $0x80000048  }
0xb4: {  	_ =	swait.ge [sflag:s29], $0x1  }
0xb5: {  	[sflag:s29] =	ssyncadd.s32 $0xFFFFFFFF  }
0xb6: {  	_ =	strace $0x90000048  }
0xb7: {  	_ =	sfence  }
0xb8: {  	s30 =	sld [smem:$0x0];
	_ =	sdelay $0x2  }
0xb9: {  	s31 =	sshll.u32 s1, $0xD;
	s1 =	sshrl.u32 s1, $0x2  }
0xba: {  	s3 =	sand.u32 $0x4000, s31;
	s1 =	sadd.s32 s1, s30  }
0xbb: {  	s0 =	sor.u32 s3, s0;
	s1 =	sshll.u32 s1, $0x11  }
0xbc: {  	s0 =	sor.u32 s1, s0  }
0xbd: {  	s0 =	sadd.s32 $0x8F2B, s0  }
0xbe: {  	[sflag:s0] =	ssyncadd.remote.s32 $0x1  }
0xbf: {  	_ =	sfence.sel $0xFFFF  }
0xc0: {  	[dreg:$0x0] =	wrdreg $0xFFFFFFFF;
	(pc) =	sbr.abs _section_cstart, $3  }
0xc1: {  	[dreg:$0x1] =	wrdreg $0xFFFFFFFF  }
0xc2: {  	_ =	task.clear_ibuf [dreg:s7], $0x2FFFF;
	_ =	strace $0x9FFFFFFF  }
0xc3: {  	(tm) =	ssettm $0x7FFFFFFF  }
tec
execute0_lowered:
.L_overlay_start_1:
0x0: {  	(tag) =	ssettag $0x1  }
0x1: {  	s9 =	rddreg [dreg:$0x0]  }
0x2: {  	s6 =	rddreg [dreg:$0x1]  }
0x3: {  	s0 =	srdreg.scid;
	s2 =	rddreg [dreg:$0x2]  }
0x4: {  	s1 =	rddreg [dreg:$0x3];
	s3 =	simm.s32 $0x0;
	s4 =	sand.u32 $0x1, s0  }
0x5: {  	s13 =	simm.s32 $0x1;
	s0 =	stileid.u32;
	s5 =	smul.u32 $0x140000, s4  }
0x6: {  	s14 =	simm.s32 $0x80;
	[smem:$0x7FF] =	sst s3;
	s7 =	smul.u32 $0x14000, s0  }
0x7: {  	s29 =	smul.u32 $0x50000, s0;
	_ =	strace $0x80000047;
	s30 =	ssub.s32 $0x2, s4  }
0x8: {  	s31 =	sshll.u32 s0, $0x1;
	s15 =	sshll.u32 s0, $0x6;
	s8 =	sshrl.u32 s30, $0x1  }
0x9: {  	s15 =	sor.u32 $0x1C01, s15;
	s5 =	sadd.s32 s7, s5;
	s11 =	ssub.s32 s30, s8  }
0xa: {  	s7 =	sshrl.u32 s29, $0x2;
	s5 =	sshrl.u32 s5, $0x3;
	s11 =	smax.u32 s11, $0x1  }
0xb: {  	s10 =	sadd.s32 s5, s6;
	s6 =	sor.u32 s4, s31;
	s4 =	sadd.s32 s7, s2  }
0xc: {  	s5 =	sadd.s32 $0x4000, s4;
	s12 =	smul.u32 $0xA00, s6;
	s6 =	sadd.s32 $0x8000, s4  }
0xd: {  	s7 =	sadd.s32 $0xC000, s4;
	s8 =	sadd.s32 $0x10000, s4;
	s10 =	sadd.s32 $0x3E00, s10  }
0xe: {  	v0 =	vimm.f32 $0.0e+00;
	v1 =	vimm.f32 $1.000000000e+00;
	s16 =	sshrl.u32 s4, $0x3;
	s9 =	sadd.s32 s9, s12;
	s12 =	simm.s32 $0x5000  }
.LBB2_1:
0xf: {  	s17 =	simm.s32 $0x200;
	s18 =	simm.s32 $0x0  }
.LBB2_2:
0x10: {  	p0 =	sne.s32 s17, $0xFE00;
	[tilespmem:s18+$0x5000] =	vst v0;
	s18 =	smov.u32 s17;
	s17 =	sadd.s32 $0x200, s17  }
.Ltmp0:
0x11: {  	(pc) =	sbr.rel @p0 .LBB2_2-.Ltmp0, $2  }
0x12: {  	_ =	sdelay $0x2  }
0x13: {  	s18 =	sshra.s32 s18, $0x2  }
0x14: {  	[tilespmem:s18+$0x5000] =	vst v0  }
0x15: {  	[spmem:s4] =	stream.linear.scatter [tilespmem:s12], [sflag:$0x1], $0x4000, $0x38;
	[tilespmem:$0xB800] =	vst v63  }
0x16: {  	_ =	swait.ge [sflag:s13], $0x4000  }
0x17: {  	[sflag:s13] =	ssyncset.done $0x0  }
0x18: {  	[sflag:s13] =	ssyncadd.s32 $0xFFFFC000  }
0x19: {  	[spmem:s5] =	stream.linear.scatter [tilespmem:s12], [sflag:$0x1], $0x4000, $0x38;
	[tilespmem:$0xB800] =	vst v63  }
0x1a: {  	_ =	swait.ge [sflag:s13], $0x4000  }
0x1b: {  	[sflag:s13] =	ssyncset.done $0x0  }
0x1c: {  	[sflag:s13] =	ssyncadd.s32 $0xFFFFC000  }
0x1d: {  	[spmem:s6] =	stream.linear.scatter [tilespmem:s12], [sflag:$0x1], $0x4000, $0x38;
	[tilespmem:$0xB800] =	vst v63  }
0x1e: {  	_ =	swait.ge [sflag:s13], $0x4000  }
0x1f: {  	[sflag:s13] =	ssyncset.done $0x0  }
0x20: {  	[sflag:s13] =	ssyncadd.s32 $0xFFFFC000  }
0x21: {  	[spmem:s7] =	stream.linear.scatter [tilespmem:s12], [sflag:$0x1], $0x4000, $0x38;
	[tilespmem:$0xB800] =	vst v63  }
0x22: {  	_ =	swait.ge [sflag:s13], $0x4000  }
0x23: {  	[sflag:s13] =	ssyncset.done $0x0  }
0x24: {  	[sflag:s13] =	ssyncadd.s32 $0xFFFFC000  }
0x25: {  	[spmem:s8] =	stream.linear.scatter [tilespmem:s12], [sflag:$0x1], $0x4000, $0x38;
	[tilespmem:$0xB800] =	vst v63  }
0x26: {  	_ =	swait.ge [sflag:s13], $0x4000  }
0x27: {  	[sflag:s13] =	ssyncset.done $0x0  }
0x28: {  	s17 =	simm.s32 $0x0;
	[sflag:s13] =	ssyncadd.s32 $0xFFFFC000  }
0x29: {  	[tilespmem:s17], [sflag:$0x1] =	stream.linear.gather [hbm4b:s9+s17], $0x5000, $0x38;
	[tilespmem:$0xB800] =	vst v63  }
0x2a: {  	_ =	swait.ge [sflag:s13], $0x5000  }
0x2b: {  	[sflag:s13] =	ssyncset.done $0x0  }
0x2c: {  	s18 =	simm.s32 $0x0;
	s17 =	simm.s32 $0x200;
	[sflag:s13] =	ssyncadd.s32 $0xFFFFB000  }
.LBB2_4:
0x2d: {  	p0 =	sne.s32 s17, $0xFE00;
	[tilespmem:s18+$0x5000] =	vst v1;
	s18 =	smov.u32 s17;
	s17 =	sadd.s32 $0x200, s17  }
.Ltmp1:
0x2e: {  	(pc) =	sbr.rel @p0 .LBB2_4-.Ltmp1, $2  }
0x2f: {  	_ =	sdelay $0x2  }
0x30: {  	s18 =	sshra.s32 s18, $0x2  }
0x31: {  	[tilespmem:s18+$0x5000] =	vst v1  }
0x32: {  	s17 =	simm.s32 $0x80;
	[bflag:$0x0] =	sbarrier.arrive $0xFFFF  }
0x33: {  	[spmem:s2] =	stream.indirect.scatter.add.f32 [tilespmem:s12], [sflag:$0x1], $0x10, s17, s14, $0xb8;
	[tilespmem:$0xB800] =	vst v63  }
0x34: {  	_ =	swait.ge [sflag:s13], $0x800  }
0x35: {  	s17 =	simm.s32 $0x600;
	[sflag:s13] =	ssyncset.done $0x0  }
.LBB2_6:
0x36: {  	s18 =	sshra.s32 s17, $0x2;
	[sflag:s13] =	ssyncadd.s32 $0xFFFFF800;
	p0 =	sne.s32 s17, $0x13E00  }
0x37: {  	[spmem:s2] =	stream.indirect.scatter.add.f32 [tilespmem:s12], [sflag:$0x1], $0x10, s18, s14, $0xb8;
	[tilespmem:$0xB800] =	vst v63  }
.Ltmp2:
0x38: {  	_ = 	snop;
	(pc) =	sbr.rel @p0 .LBB2_6-.Ltmp2, $4  }
0x39: {  	_ = 	snop  }
0x3a: {  	s17 =	sadd.s32 $0x400, s17  }
0x3b: {  	_ =	swait.ge [sflag:s13], $0x800  }
0x3c: {  	[sflag:s13] =	ssyncset.done $0x0  }
0x3d: {  	s3 =	sadd.s32 $0x1, s3  }
0x3e: {  	[sflag:s13] =	ssyncadd.s32 $0xFFFFF800;
	p0 =	sne.s32 s3, s11  }
.Ltmp3:
0x3f: {  	[bflag:$0x0] =	sbarrier.arrive $0xFFFF;
	(pc) =	sbr.rel @p0 .LBB2_1-.Ltmp3, $4  }
0x40: {  	[hbm:s10], [sflag:s15] =	dma.local [spmem:s16], $0x2800  }
0x41: {  	_ =	swait.ge [sflag:s13], $0x2800  }
0x42: {  	[sflag:s13] =	ssyncset.done $0x0  }
0x43: {  	[sflag:s13] =	ssyncadd.s32 $0xFFFFD800  }
0x44: {  	_ =	sfence.sel $0x180000  }
0x45: {  	[bflag:$0x0] =	sbarrier.arrive $0xFFFF  }
0x46: {  	p0 =	sne.s32 s0, $0x0;
	_ =	strace $0x90000047  }
0x47: {  	s0 =	sadd.s32 @!p0 $0x100000, s1;
	[bflag:$0x2] =	sbarrier.arrive $0xFFFF  }
0x48: {  	[sflag:s0] =	ssyncadd.tile.s32 @!p0 $0x1;
	_ =	shalt  }
.Lfunc_end2:
_tile_overlayer_lowered:
.L_overlay_start_2:
0x49: {  	(tag) =	ssettag $0x2  }
0x4a: {  	s0 =	rddreg [dreg:$0x0];
	s2 =	stileid.u32  }
0x4b: {  	s1 =	rddreg [dreg:$0x1];
	p0 =	sne.s32 s2, $0x0  }
0x4c: {  	s3 =	rddreg [dreg:$0x2];
	[bflag:$0x3] =	sbarrier.arrive $0xFFFF;
	s2 =	simm.s32 @!p0 $0x1C01  }
0x4d: {  	[timem:s3], [sflag:s2] =	dma.local @!p0 [hbm:s0], s1  }
0x4e: {  	s0 =	simm.s32 @!p0 $0x1  }
0x4f: {  	_ =	swait.ge @!p0 [sflag:s0], s1  }
0x50: {  	s1 =	ssub.s32 @!p0 $0x0, s1;
	[sflag:s0] =	ssyncset.done @!p0 $0x0  }
0x51: {  	[sflag:s0] =	ssyncadd.s32 @!p0 s1  }
0x52: {  	[bflag:$0x3] =	sbarrier.arrive $0xFFFF  }
0x53: {  	_ =	shalt  }

// kernel: kernel.13.cloned.1.call-start
scs
__scs_entry_jumppad:
0x0: {  	(pc) =	sbr.rel $0x88, $3  }
0x1: {  	(tag) =	ssettag $0x0;
	lr =	simm.s32 $0x1  }
0x2: {  	[smem:$0x3F93] =	sst lr;
	_ =	strace $0xD0000000  }
0x3: {  	_ = 	snop  }
0x4: {  	_ = 	snop  }
0x5: {  	_ = 	snop  }
0x6: {  	_ = 	snop  }
0x7: {  	_ = 	snop  }
__scs_overlays_trampoline_lowered:
0x8: {  	[smem:$0x3FA2] =	sst s0  }
0x9: {  	[smem:$0x3FA3] =	sst s1  }
0xa: {  	[smem:$0x3FA4] =	sst s2  }
0xb: {  	[smem:$0x3FA5] =	sst s3  }
0xc: {  	[smem:$0x3FA6] =	sst s4  }
0xd: {  	[smem:$0x3FA7] =	sst s5  }
0xe: {  	[smem:$0x3FA8] =	sst s6  }
0xf: {  	[smem:$0x3FA9] =	sst s7  }
0x10: {  	[smem:$0x3FAA] =	sst s8  }
0x11: {  	[smem:$0x3FAB] =	sst s9;
	s0 =	simm.s32 @!p0 $0x0  }
0x12: {  	s1 =	sld [smem:$0x3F91];
	s0 =	simm.s32 @p0 $0x1  }
0x13: {  	[smem:$0x3FAC] =	sst s0;
	s0 =	simm.s32 @!p1 $0x0  }
0x14: {  	s2 =	sld [smem:$0x3F90];
	s0 =	simm.s32 @p1 $0x1  }
0x15: {  	[smem:$0x3FAD] =	sst s0;
	s0 =	simm.s32 @!p2 $0x0  }
0x16: {  	s3 =	sld [smem:$0x3FDB];
	s0 =	simm.s32 @p2 $0x1  }
0x17: {  	s4 =	simm.s32 $0x1BF5;
	[smem:$0x3FAF] =	sst s0  }
0x18: {  	s0 =	sld [smem:$0x3F92];
	_ =	swait.ge [sflag:s4], $0x0  }
0x19: {  	s7 =	sld [smem:$0x3F93]  }
0x1a: {  	s8 =	sadd.s32 $0xFFFFE003, lr  }
0x1b: {  	s9 =	sadd.s32 $0xFFFFFEF7, lr;
	s5 =	simm.s32 $0xFFFFFFFF;
	p2 =	slt.u32 s8, $0xFFFFF086  }
0x1c: {  	p1 =	slt.u32 s9, $0xF7A;
	s5 =	simm.s32 @!p2 $0x0  }
0x1d: {  	s5 =	simm.s32 @p1 $0x1;
	p0 =	seq.s32 s7, s2  }
0x1e: {  	s7 =	smul.u32 @!p0 $0xF7A, s2;
	p2 =	seq.s32 @!p0 s5, $0x0  }
0x1f: {  	s9 =	smul.u32 $0xF7A, s1;
	s8 =	simm.s32 @!p0 $0x1BF5;
	p2 =	por !p2, p0  }
0x20: {  	[sflag:s8] =	ssyncset.s32 @!p0 $0xFFFFF086;
	s6 =	sadd.s32 @!p0 s3, s7;
	s7 =	simm.s32 @!p0 $0x108  }
0x21: {  	s3 =	sadd.s32 s3, s9;
	s6 =	sadd.s32 @!p0 $0x88, s6;
	s7 =	simm.s32 @p2 $0x1082  }
0x22: {  	[simem:s7], [sflag:s8] =	dma.local @!p0 [hbm:s6], $0xF7A  }
0x23: {  	s9 =	sor.u32 $0xD0000000, s2;
	s6 =	simm.s32 $0x108;
	_ =	swait.ge @!p0 [sflag:s8], $0x0  }
0x24: {  	s3 =	sadd.s32 $0x88, s3;
	s6 =	simm.s32 @!p1 $0x1082;
	[sflag:s4] =	ssyncset.s32 $0xFFFFF086  }
0x25: {  	[simem:s6], [sflag:s4] =	dma.local [hbm:s3], $0xF7A  }
0x26: {  	[smem:$0x3F93] =	sst s1;
	(tag) =	ssettag s2;
	_ =	strace s9  }
0x27: {  	s1 =	sld [smem:$0x3FA3]  }
0x28: {  	s2 =	sld [smem:$0x3FA4]  }
0x29: {  	s4 =	sld [smem:$0x3FA6]  }
0x2a: {  	p0 =	seq.s32 s5, $0x0;
	s5 =	sld [smem:$0x3FA7]  }
0x2b: {  	s6 =	sld [smem:$0x3FA8]  }
0x2c: {  	s7 =	sld [smem:$0x3FA9]  }
0x2d: {  	s3 =	simm.s32 $0x108;
	s8 =	sld [smem:$0x3FAA]  }
0x2e: {  	s3 =	simm.s32 @!p0 $0x1082;
	s9 =	sld [smem:$0x3FAB]  }
0x2f: {  	lr =	sadd.s32 s0, s3;
	s0 =	sld [smem:$0x3FA2]  }
0x30: {  	s3 =	sld [smem:$0x3FA5]  }
0x31: {  	[smem:$0x3FAE] =	sst s10  }
0x32: {  	s10 =	sld [smem:$0x3FAC];
	_ =	sdelay $0x3  }
0x33: {  	p0 =	seq.s32 s10, $0x1;
	s10 =	sld [smem:$0x3FAE];
	_ =	sdelay $0x3  }
0x34: {  	[smem:$0x3FAE] =	sst s10  }
0x35: {  	s10 =	sld [smem:$0x3FAD];
	_ =	sdelay $0x3  }
0x36: {  	p1 =	seq.s32 s10, $0x1;
	s10 =	sld [smem:$0x3FAE];
	_ =	sdelay $0x3  }
0x37: {  	[smem:$0x3FAE] =	sst s10  }
0x38: {  	s10 =	sld [smem:$0x3FAF]  }
0x39: {  	_ = 	snop;
	(pc) =	sbr.ind lr, $3  }
0x3a: {  	_ = 	snop  }
0x3b: {  	_ = 	snop  }
0x3c: {  	p2 =	seq.s32 s10, $0x1;
	s10 =	sld [smem:$0x3FAE]  }
0x3d: {  	_ =	shalt  }
0x3e: {  	_ =	shalt  }
0x3f: {  	_ =	shalt  }
0x40: {  	_ =	shalt  }
0x41: {  	_ =	shalt  }
0x42: {  	_ =	shalt  }
0x43: {  	_ =	shalt  }
0x44: {  	_ =	shalt  }
0x45: {  	_ =	shalt  }
0x46: {  	_ =	shalt  }
0x47: {  	_ =	shalt  }
0x48: {  	_ =	shalt  }
0x49: {  	_ =	shalt  }
0x4a: {  	_ =	shalt  }
0x4b: {  	_ =	shalt  }
0x4c: {  	_ =	shalt  }
0x4d: {  	_ =	shalt  }
0x4e: {  	_ =	shalt  }
0x4f: {  	_ =	shalt  }
0x50: {  	_ =	shalt  }
0x51: {  	_ =	shalt  }
0x52: {  	_ =	shalt  }
0x53: {  	_ =	shalt  }
0x54: {  	_ =	shalt  }
0x55: {  	_ =	shalt  }
0x56: {  	_ =	shalt  }
0x57: {  	_ =	shalt  }
0x58: {  	_ =	shalt  }
0x59: {  	_ =	shalt  }
0x5a: {  	_ =	shalt  }
0x5b: {  	_ =	shalt  }
0x5c: {  	_ =	shalt  }
0x5d: {  	_ =	shalt  }
0x5e: {  	_ =	shalt  }
0x5f: {  	_ =	shalt  }
0x60: {  	_ =	shalt  }
0x61: {  	_ =	shalt  }
0x62: {  	_ =	shalt  }
0x63: {  	_ =	shalt  }
0x64: {  	_ =	shalt  }
0x65: {  	_ =	shalt  }
0x66: {  	_ =	shalt  }
0x67: {  	_ =	shalt  }
0x68: {  	_ =	shalt  }
0x69: {  	_ =	shalt  }
0x6a: {  	_ =	shalt  }
0x6b: {  	_ =	shalt  }
0x6c: {  	_ =	shalt  }
0x6d: {  	_ =	shalt  }
0x6e: {  	_ =	shalt  }
0x6f: {  	_ =	shalt  }
0x70: {  	_ =	shalt  }
0x71: {  	_ =	shalt  }
0x72: {  	_ =	shalt  }
0x73: {  	_ =	shalt  }
0x74: {  	_ =	shalt  }
0x75: {  	_ =	shalt  }
0x76: {  	_ =	shalt  }
0x77: {  	_ =	shalt  }
0x78: {  	_ =	shalt  }
0x79: {  	_ =	shalt  }
0x7a: {  	_ =	shalt  }
0x7b: {  	_ =	shalt  }
0x7c: {  	_ =	shalt  }
0x7d: {  	_ =	shalt  }
0x7e: {  	_ =	shalt  }
0x7f: {  	_ =	shalt  }
0x80: {  	_ =	shalt  }
0x81: {  	_ =	shalt  }
0x82: {  	_ =	shalt  }
0x83: {  	_ =	shalt  }
0x84: {  	_ =	shalt  }
0x85: {  	_ =	shalt  }
0x86: {  	_ =	shalt  }
0x87: {  	_ =	shalt  }
.Lfunc_end0:
.L_simem_size_0:
called_computation.1_lowered:
.L_overlay_start_0:
0x88: {  	s2 =	sld [smem:$0x3FD9]  }
0x89: {  	s3 =	sld [smem:$0x3FFE];
	_ =	sdelay $0x1  }
0x8a: {  	s1 =	srdreg.scid  }
0x8b: {  	s0 =	sand.u32 $0x1, s1  }
0x8c: {  	s17 =	sshll.u32 s0, $0xA;
	s2 =	sadd.s32 s3, s2  }
0x8d: {  	s2 =	sadd.s32 s2, s17  }
0x8e: {  	[smem:$0x3FBA] =	sst s2  }
0x8f: {  	_ = 	snop  }
0x90: {  	s2 =	sld [smem:$0x3FD0];
	(tm) =	ssettm $0x1  }
0x91: {  	s18 =	sld [smem:$0x3FFB];
	_ =	sdelay $0x3  }
0x92: {  	_ =	strace s18  }
0x93: {  	s3 =	sld [smem:$0x3FFC];
	_ =	sdelay $0x3  }
0x94: {  	_ =	strace s3  }
0x95: {  	s3 =	sld [smem:$0x3FFD];
	_ =	sdelay $0x3  }
0x96: {  	_ =	strace s3  }
0x97: {  	_ =	strace $0x8FFFFFFF  }
0x98: {  	s19 =	sld [smem:$0x3FDB];
	_ =	sdelay $0x1  }
0x99: {  	s4 =	simm.s32 $_scs_section_size  }
0x9a: {  	s5 =	simm.s32 $_size__tile_overlayer_lowered;
	s6 =	simm.s32 $_tile_overlayer_lowered  }
0x9b: {  	s22 =	simm.s32 $0x1BFF;
	s21 =	sshll.u32 s6, $0x1;
	s3 =	sadd.s32 s4, s19  }
0x9c: {  	s7 =	simm.s32 $0x0;
	s20 =	sshll.u32 s5, $0x1;
	s5 =	sadd.s32 s21, s3  }
0x9d: {  	[timem:s7], [sflag:s22] =	dma.local [hbm:s5], s20  }
0x9e: {  	_ =	swait.ge [sflag:s22], s20  }
0x9f: {  	s4 =	ssub.s32 $0x0, s20;
	[sflag:s22] =	ssyncset.done $0x0  }
0xa0: {  	[sflag:s22] =	ssyncadd.s32 s4;
	_ =	sdelay $0x1  }
0xa1: {  	s23 =	simm.s32 $0x1B8B  }
0xa2: {  	_ =	swait.ge [sflag:s23], $0x1  }
0xa3: {  	[sflag:s23] =	ssyncset.done $0x0  }
0xa4: {  	s25 =	simm.s32 $0x1B8E;
	s24 =	sld [smem:$0x3FFE];
	[sflag:s23] =	ssyncadd.s32 $0xFFFFFFFF  }
0xa5: {  	s26 =	simm.s32 $execute0_lowered;
	[smem:$0x3FD2] =	sst s25  }
0xa6: {  	s5 =	sshll.u32 s26, $0x1;
	_ =	strace $0x80000049;
	[dreg:$0x1] =	wrdreg $0xFFFFFFFF  }
0xa7: {  	s28 =	simm.s32 $_size_execute0_lowered;
	s3 =	sadd.s32 s3, s5;
	[dreg:$0x0] =	wrdreg $0x0  }
0xa8: {  	s5 =	sshll.u32 s28, $0x1;
	[dreg:$0x2] =	wrdreg s3  }
0xa9: {  	[dreg:$0x3] =	wrdreg s5  }
0xaa: {  	[dreg:$0x4] =	wrdreg $0xC0  }
0xab: {  	_ =	task [dreg:s7], $0x5FFFF  }
0xac: {  	[dreg:$0x1] =	wrdreg $0xFFFFFFFF  }
0xad: {  	[dreg:$0x0] =	wrdreg $0x60  }
0xae: {  	[dreg:$0x2] =	wrdreg s24  }
0xaf: {  	[dreg:$0x3] =	wrdreg s2  }
0xb0: {  	[dreg:$0x4] =	wrdreg $0x90000  }
0xb1: {  	[dreg:$0x5] =	wrdreg $0x9  }
0xb2: {  	_ =	task.clear_ibuf [dreg:s7], $0x6FFFF;
	_ =	strace $0x90000049  }
0xb3: {  	s29 =	simm.s32 $0x9;
	_ =	strace $0x8000004B  }
0xb4: {  	_ =	swait.ge [sflag:s29], $0x1  }
0xb5: {  	[sflag:s29] =	ssyncadd.s32 $0xFFFFFFFF  }
0xb6: {  	_ =	strace $0x9000004B  }
0xb7: {  	_ =	sfence  }
0xb8: {  	s30 =	sld [smem:$0x0];
	_ =	sdelay $0x2  }
0xb9: {  	s31 =	sshll.u32 s1, $0xD;
	s1 =	sshrl.u32 s1, $0x2  }
0xba: {  	s3 =	sand.u32 $0x4000, s31;
	s1 =	sadd.s32 s1, s30  }
0xbb: {  	s0 =	sor.u32 s3, s0;
	s1 =	sshll.u32 s1, $0x11  }
0xbc: {  	s0 =	sor.u32 s1, s0  }
0xbd: {  	s0 =	sadd.s32 $0x8F2B, s0  }
0xbe: {  	[sflag:s0] =	ssyncadd.remote.s32 $0x1  }
0xbf: {  	_ =	sfence.sel $0xFFFF  }
0xc0: {  	[dreg:$0x0] =	wrdreg $0xFFFFFFFF;
	(pc) =	sbr.abs _section_cstart, $3  }
0xc1: {  	[dreg:$0x1] =	wrdreg $0xFFFFFFFF  }
0xc2: {  	_ =	task.clear_ibuf [dreg:s7], $0x2FFFF;
	_ =	strace $0x9FFFFFFF  }
0xc3: {  	(tm) =	ssettm $0x7FFFFFFF  }
tec
execute0_lowered:
.L_overlay_start_1:
0x0: {  	(tag) =	ssettag $0x1  }
0x1: {  	s0 =	rddreg [dreg:$0x0]  }
0x2: {  	s1 =	rddreg [dreg:$0x1]  }
0x3: {  	s2 =	rddreg [dreg:$0x2];
	s4 =	srdreg.scid  }
0x4: {  	s12 =	stileid.u32;
	s3 =	simm.s32 $0x0;
	s15 =	simm.s32 $0x100  }
0x5: {  	s16 =	simm.s32 $0x200;
	s17 =	simm.s32 $0x180;
	s19 =	simm.s32 $0x300  }
0x6: {  	s20 =	simm.s32 $0x280;
	s21 =	simm.s32 $0x400;
	[smem:$0x7FF] =	sst s3  }
0x7: {  	s22 =	simm.s32 $0x380;
	_ =	strace $0x8000004A;
	[dreg:$0x5] =	wrdreg s15  }
0x8: {  	s23 =	simm.s32 $0x500;
	s24 =	simm.s32 $0x480;
	[dreg:$0x6] =	wrdreg s16  }
0x9: {  	s25 =	simm.s32 $0x600;
	s26 =	simm.s32 $0x580;
	[dreg:$0x7] =	wrdreg s17  }
0xa: {  	s28 =	simm.s32 $0xB80;
	s29 =	simm.s32 $0xD00;
	[dreg:$0x8] =	wrdreg s19  }
0xb: {  	s30 =	simm.s32 $0xC80;
	s31 =	simm.s32 $0xE00;
	[dreg:$0x9] =	wrdreg s20  }
0xc: {  	s5 =	sand.u32 $0x1, s4;
	s6 =	smul.u32 $0x14000, s12;
	[dreg:$0xa] =	wrdreg s21  }
0xd: {  	s4 =	sadd.s32 $0x3E00, s0;
	s8 =	smul.u32 $0xA000, s12;
	[dreg:$0xb] =	wrdreg s22  }
0xe: {  	s11 =	smul.u32 $0x50000, s12;
	s14 =	sshll.u32 s12, $0x6;
	[dreg:$0xc] =	wrdreg s23  }
0xf: {  	s12 =	simm.s32 $0x1000;
	s7 =	smul.u32 $0x140000, s5;
	[dreg:$0xd] =	wrdreg s24  }
0x10: {  	s9 =	ssub.s32 $0x2, s5;
	s5 =	smul.u32 $0x5000, s5;
	[dreg:$0xe] =	wrdreg s25  }
0x11: {  	s15 =	simm.s32 $0x2;
	[dreg:$0xf] =	wrdreg s26;
	s16 =	simm.s32 $0x700  }
0x12: {  	s17 =	simm.s32 $0x680;
	s19 =	simm.s32 $0x780;
	s20 =	simm.s32 $0x900  }
0x13: {  	s21 =	simm.s32 $0x880;
	s22 =	simm.s32 $0xA00;
	s23 =	simm.s32 $0x980  }
0x14: {  	s24 =	simm.s32 $0xB00;
	s25 =	simm.s32 $0xA80;
	s26 =	simm.s32 $0xC00  }
0x15: {  	s10 =	sshrl.u32 s9, $0x1;
	s13 =	sshrl.u32 s11, $0x2;
	s11 =	simm.s32 $0x80  }
0x16: {  	s7 =	sadd.s32 s6, s7;
	s10 =	ssub.s32 s9, s10;
	s5 =	sadd.s32 s5, s8  }
0x17: {  	s6 =	sshrl.u32 s6, $0x3;
	s8 =	sadd.s32 s13, s2;
	s9 =	sor.u32 $0x1C03, s14  }
0x18: {  	s13 =	simm.s32 $0x5000;
	s14 =	simm.s32 $0x1;
	s7 =	sshrl.u32 s7, $0x3  }
0x19: {  	s5 =	sshrl.u32 s5, $0x3;
	s6 =	sadd.s32 s4, s6;
	[dreg:$0x11] =	wrdreg s9  }
0x1a: {  	s18 =	smax.u32 s10, $0x1;
	s8 =	sshrl.u32 s8, $0x3;
	[dreg:$0x10] =	wrdreg s6  }
0x1b: {  	s10 =	simm.s32 $0x3;
	s0 =	sadd.s32 s7, s0;
	[dreg:$0x13] =	wrdreg s18  }
0x1c: {  	s1 =	sadd.s32 s5, s1;
	s18 =	simm.s32 $0x800;
	[dreg:$0x14] =	wrdreg s8  }
0x1d: {  	s5 =	simm.s32 $0xE80;
	s6 =	simm.s32 $0x0;
	[dreg:$0x4] =	wrdreg s1  }
0x1e: {  	s7 =	simm.s32 $0xF80;
	s0 =	sadd.s32 $0x2BE00, s0;
	[dreg:$0x15] =	wrdreg s6  }
0x1f: {  	s1 =	simm.s32 $0xF00;
	[dreg:$0x12] =	wrdreg s0;
	s0 =	simm.s32 $0xD80  }
.LBB2_1:
0x20: {  	s6 =	rddreg [dreg:$0x10]  }
0x21: {  	[spmem:s8], [sflag:s9] =	dma.local [hbm:s6], $0x2800  }
0x22: {  	_ =	swait.ge [sflag:s10], $0x2800  }
0x23: {  	[sflag:s10] =	ssyncset.done $0x0  }
0x24: {  	[sflag:s10] =	ssyncadd.s32 $0xFFFFD800  }
0x25: {  	[bflag:$0x0] =	sbarrier.arrive $0xFFFF  }
0x26: {  	s8 =	rddreg [dreg:$0x4]  }
0x27: {  	s6 =	sadd.s32 $0x0, s8  }
0x28: {  	[tilespmem:s3], [sflag:$0x3] =	stream.linear.gather [hbm4b:s6+s3], $0x1000, $0x38;
	[tilespmem:$0x1D000] =	vst v63  }
0x29: {  	_ =	swait.ge [sflag:s10], $0x1000  }
0x2a: {  	[sflag:s10] =	ssyncset.done $0x0  }
0x2b: {  	[sflag:s10] =	ssyncadd.s32 $0xFFFFF000  }
0x2c: {  	[tilespmem:s12], [sflag:$0x1] =	stream.indirect.gather [hbm4b:s4+s11], $0x80, s3, s11, $0xb8;
	[tilespmem:$0x1D000] =	vst v63  }
0x2d: {  	s9 =	rddreg [dreg:$0x5]  }
0x2e: {  	[tilespmem:s13], [sflag:$0x2] =	stream.indirect.gather [hbm4b:s4+s11], $0x80, s9, s11, $0xb8;
	[tilespmem:$0x1D000] =	vst v63  }
0x2f: {  	_ =	swait.ge [sflag:s14], $0x4000  }
0x30: {  	[sflag:s14] =	ssyncset.done $0x0  }
0x31: {  	[sflag:s14] =	ssyncadd.s32 $0xFFFFC000  }
0x32: {  	[spmem:s2] =	stream.indirect.scatter.add.f32 [tilespmem:s12], [sflag:$0x3], $0x80, s11, s11, $0xb8;
	[tilespmem:$0x1D000] =	vst v63  }
0x33: {  	_ =	swait.ge [sflag:s10], $0x4000  }
0x34: {  	[sflag:s10] =	ssyncset.done $0x0  }
0x35: {  	s8 =	rddreg [dreg:$0x6];
	[sflag:s10] =	ssyncadd.s32 $0xFFFFC000  }
0x36: {  	[tilespmem:s12], [sflag:$0x1] =	stream.indirect.gather [hbm4b:s4+s11], $0x80, s8, s11, $0xb8;
	[tilespmem:$0x1D000] =	vst v63  }
0x37: {  	_ =	swait.ge [sflag:s15], $0x4000  }
0x38: {  	[sflag:s15] =	ssyncset.done $0x0  }
0x39: {  	s9 =	rddreg [dreg:$0x7];
	[sflag:s15] =	ssyncadd.s32 $0xFFFFC000  }
0x3a: {  	[spmem:s2] =	stream.indirect.scatter.add.f32 [tilespmem:s13], [sflag:$0x3], $0x80, s9, s11, $0xb8;
	[tilespmem:$0x1D000] =	vst v63  }
0x3b: {  	_ =	swait.ge [sflag:s10], $0x4000  }
0x3c: {  	[sflag:s10] =	ssyncset.done $0x0  }
0x3d: {  	s8 =	rddreg [dreg:$0x8];
	[sflag:s10] =	ssyncadd.s32 $0xFFFFC000  }
0x3e: {  	[tilespmem:s13], [sflag:$0x2] =	stream.indirect.gather [hbm4b:s4+s11], $0x80, s8, s11, $0xb8;
	[tilespmem:$0x1D000] =	vst v63  }
0x3f: {  	_ =	swait.ge [sflag:s14], $0x4000  }
0x40: {  	[sflag:s14] =	ssyncset.done $0x0  }
0x41: {  	s9 =	rddreg [dreg:$0x9];
	[sflag:s14] =	ssyncadd.s32 $0xFFFFC000  }
0x42: {  	[spmem:s2] =	stream.indirect.scatter.add.f32 [tilespmem:s12], [sflag:$0x3], $0x80, s9, s11, $0xb8;
	[tilespmem:$0x1D000] =	vst v63  }
0x43: {  	_ =	swait.ge [sflag:s10], $0x4000  }
0x44: {  	[sflag:s10] =	ssyncset.done $0x0  }
0x45: {  	s8 =	rddreg [dreg:$0xa];
	[sflag:s10] =	ssyncadd.s32 $0xFFFFC000  }
0x46: {  	[tilespmem:s12], [sflag:$0x1] =	stream.indirect.gather [hbm4b:s4+s11], $0x80, s8, s11, $0xb8;
	[tilespmem:$0x1D000] =	vst v63  }
0x47: {  	_ =	swait.ge [sflag:s15], $0x4000  }
0x48: {  	[sflag:s15] =	ssyncset.done $0x0  }
0x49: {  	s9 =	rddreg [dreg:$0xb];
	[sflag:s15] =	ssyncadd.s32 $0xFFFFC000  }
0x4a: {  	[spmem:s2] =	stream.indirect.scatter.add.f32 [tilespmem:s13], [sflag:$0x3], $0x80, s9, s11, $0xb8;
	[tilespmem:$0x1D000] =	vst v63  }
0x4b: {  	_ =	swait.ge [sflag:s10], $0x4000  }
0x4c: {  	[sflag:s10] =	ssyncset.done $0x0  }
0x4d: {  	s8 =	rddreg [dreg:$0xc];
	[sflag:s10] =	ssyncadd.s32 $0xFFFFC000  }
0x4e: {  	[tilespmem:s13], [sflag:$0x2] =	stream.indirect.gather [hbm4b:s4+s11], $0x80, s8, s11, $0xb8;
	[tilespmem:$0x1D000] =	vst v63  }
0x4f: {  	_ =	swait.ge [sflag:s14], $0x4000  }
0x50: {  	[sflag:s14] =	ssyncset.done $0x0  }
0x51: {  	s9 =	rddreg [dreg:$0xd];
	[sflag:s14] =	ssyncadd.s32 $0xFFFFC000  }
0x52: {  	[spmem:s2] =	stream.indirect.scatter.add.f32 [tilespmem:s12], [sflag:$0x3], $0x80, s9, s11, $0xb8;
	[tilespmem:$0x1D000] =	vst v63  }
0x53: {  	_ =	swait.ge [sflag:s10], $0x4000  }
0x54: {  	[sflag:s10] =	ssyncset.done $0x0  }
0x55: {  	s8 =	rddreg [dreg:$0xe];
	[sflag:s10] =	ssyncadd.s32 $0xFFFFC000  }
0x56: {  	[tilespmem:s12], [sflag:$0x1] =	stream.indirect.gather [hbm4b:s4+s11], $0x80, s8, s11, $0xb8;
	[tilespmem:$0x1D000] =	vst v63  }
0x57: {  	_ =	swait.ge [sflag:s15], $0x4000  }
0x58: {  	[sflag:s15] =	ssyncset.done $0x0  }
0x59: {  	s9 =	rddreg [dreg:$0xf];
	[sflag:s15] =	ssyncadd.s32 $0xFFFFC000  }
0x5a: {  	[spmem:s2] =	stream.indirect.scatter.add.f32 [tilespmem:s13], [sflag:$0x3], $0x80, s9, s11, $0xb8;
	[tilespmem:$0x1D000] =	vst v63  }
0x5b: {  	_ =	swait.ge [sflag:s10], $0x4000  }
0x5c: {  	[sflag:s10] =	ssyncset.done $0x0  }
0x5d: {  	[sflag:s10] =	ssyncadd.s32 $0xFFFFC000  }
0x5e: {  	[tilespmem:s13], [sflag:$0x2] =	stream.indirect.gather [hbm4b:s4+s11], $0x80, s16, s11, $0xb8;
	[tilespmem:$0x1D000] =	vst v63  }
0x5f: {  	_ =	swait.ge [sflag:s14], $0x4000  }
0x60: {  	[sflag:s14] =	ssyncset.done $0x0  }
0x61: {  	[sflag:s14] =	ssyncadd.s32 $0xFFFFC000  }
0x62: {  	[spmem:s2] =	stream.indirect.scatter.add.f32 [tilespmem:s12], [sflag:$0x3], $0x80, s17, s11, $0xb8;
	[tilespmem:$0x1D000] =	vst v63  }
0x63: {  	_ =	swait.ge [sflag:s10], $0x4000  }
0x64: {  	[sflag:s10] =	ssyncset.done $0x0  }
0x65: {  	[sflag:s10] =	ssyncadd.s32 $0xFFFFC000  }
0x66: {  	[tilespmem:s12], [sflag:$0x1] =	stream.indirect.gather [hbm4b:s4+s11], $0x80, s18, s11, $0xb8;
	[tilespmem:$0x1D000] =	vst v63  }
0x67: {  	_ =	swait.ge [sflag:s15], $0x4000  }
0x68: {  	[sflag:s15] =	ssyncset.done $0x0  }
0x69: {  	[sflag:s15] =	ssyncadd.s32 $0xFFFFC000  }
0x6a: {  	[spmem:s2] =	stream.indirect.scatter.add.f32 [tilespmem:s13], [sflag:$0x3], $0x80, s19, s11, $0xb8;
	[tilespmem:$0x1D000] =	vst v63  }
0x6b: {  	_ =	swait.ge [sflag:s10], $0x4000  }
0x6c: {  	[sflag:s10] =	ssyncset.done $0x0  }
0x6d: {  	[sflag:s10] =	ssyncadd.s32 $0xFFFFC000  }
0x6e: {  	[tilespmem:s13], [sflag:$0x2] =	stream.indirect.gather [hbm4b:s4+s11], $0x80, s20, s11, $0xb8;
	[tilespmem:$0x1D000] =	vst v63  }
0x6f: {  	_ =	swait.ge [sflag:s14], $0x4000  }
0x70: {  	[sflag:s14] =	ssyncset.done $0x0  }
0x71: {  	[sflag:s14] =	ssyncadd.s32 $0xFFFFC000  }
0x72: {  	[spmem:s2] =	stream.indirect.scatter.add.f32 [tilespmem:s12], [sflag:$0x3], $0x80, s21, s11, $0xb8;
	[tilespmem:$0x1D000] =	vst v63  }
0x73: {  	_ =	swait.ge [sflag:s10], $0x4000  }
0x74: {  	[sflag:s10] =	ssyncset.done $0x0  }
0x75: {  	[sflag:s10] =	ssyncadd.s32 $0xFFFFC000  }
0x76: {  	[tilespmem:s12], [sflag:$0x1] =	stream.indirect.gather [hbm4b:s4+s11], $0x80, s22, s11, $0xb8;
	[tilespmem:$0x1D000] =	vst v63  }
0x77: {  	_ =	swait.ge [sflag:s15], $0x4000  }
0x78: {  	[sflag:s15] =	ssyncset.done $0x0  }
0x79: {  	[sflag:s15] =	ssyncadd.s32 $0xFFFFC000  }
0x7a: {  	[spmem:s2] =	stream.indirect.scatter.add.f32 [tilespmem:s13], [sflag:$0x3], $0x80, s23, s11, $0xb8;
	[tilespmem:$0x1D000] =	vst v63  }
0x7b: {  	_ =	swait.ge [sflag:s10], $0x4000  }
0x7c: {  	[sflag:s10] =	ssyncset.done $0x0  }
0x7d: {  	[sflag:s10] =	ssyncadd.s32 $0xFFFFC000  }
0x7e: {  	[tilespmem:s13], [sflag:$0x2] =	stream.indirect.gather [hbm4b:s4+s11], $0x80, s24, s11, $0xb8;
	[tilespmem:$0x1D000] =	vst v63  }
0x7f: {  	_ =	swait.ge [sflag:s14], $0x4000  }
0x80: {  	[sflag:s14] =	ssyncset.done $0x0  }
0x81: {  	[sflag:s14] =	ssyncadd.s32 $0xFFFFC000  }
0x82: {  	[spmem:s2] =	stream.indirect.scatter.add.f32 [tilespmem:s12], [sflag:$0x3], $0x80, s25, s11, $0xb8;
	[tilespmem:$0x1D000] =	vst v63  }
0x83: {  	_ =	swait.ge [sflag:s10], $0x4000  }
0x84: {  	[sflag:s10] =	ssyncset.done $0x0  }
0x85: {  	[sflag:s10] =	ssyncadd.s32 $0xFFFFC000  }
0x86: {  	[tilespmem:s12], [sflag:$0x1] =	stream.indirect.gather [hbm4b:s4+s11], $0x80, s26, s11, $0xb8;
	[tilespmem:$0x1D000] =	vst v63  }
0x87: {  	_ =	swait.ge [sflag:s15], $0x4000  }
0x88: {  	[sflag:s15] =	ssyncset.done $0x0  }
0x89: {  	[sflag:s15] =	ssyncadd.s32 $0xFFFFC000  }
0x8a: {  	[spmem:s2] =	stream.indirect.scatter.add.f32 [tilespmem:s13], [sflag:$0x3], $0x80, s28, s11, $0xb8;
	[tilespmem:$0x1D000] =	vst v63  }
0x8b: {  	_ =	swait.ge [sflag:s10], $0x4000  }
0x8c: {  	[sflag:s10] =	ssyncset.done $0x0  }
0x8d: {  	[sflag:s10] =	ssyncadd.s32 $0xFFFFC000  }
0x8e: {  	[tilespmem:s13], [sflag:$0x2] =	stream.indirect.gather [hbm4b:s4+s11], $0x80, s29, s11, $0xb8;
	[tilespmem:$0x1D000] =	vst v63  }
0x8f: {  	_ =	swait.ge [sflag:s14], $0x4000  }
0x90: {  	[sflag:s14] =	ssyncset.done $0x0  }
0x91: {  	[sflag:s14] =	ssyncadd.s32 $0xFFFFC000  }
0x92: {  	[spmem:s2] =	stream.indirect.scatter.add.f32 [tilespmem:s12], [sflag:$0x3], $0x80, s30, s11, $0xb8;
	[tilespmem:$0x1D000] =	vst v63  }
0x93: {  	_ =	swait.ge [sflag:s10], $0x4000  }
0x94: {  	[sflag:s10] =	ssyncset.done $0x0  }
0x95: {  	[sflag:s10] =	ssyncadd.s32 $0xFFFFC000  }
0x96: {  	[tilespmem:s12], [sflag:$0x1] =	stream.indirect.gather [hbm4b:s4+s11], $0x80, s31, s11, $0xb8;
	[tilespmem:$0x1D000] =	vst v63  }
0x97: {  	_ =	swait.ge [sflag:s15], $0x4000  }
0x98: {  	[sflag:s15] =	ssyncset.done $0x0  }
0x99: {  	[sflag:s15] =	ssyncadd.s32 $0xFFFFC000  }
0x9a: {  	[spmem:s2] =	stream.indirect.scatter.add.f32 [tilespmem:s13], [sflag:$0x3], $0x80, s0, s11, $0xb8;
	[tilespmem:$0x1D000] =	vst v63  }
0x9b: {  	_ =	swait.ge [sflag:s10], $0x4000  }
0x9c: {  	[sflag:s10] =	ssyncset.done $0x0  }
0x9d: {  	[sflag:s10] =	ssyncadd.s32 $0xFFFFC000  }
0x9e: {  	[tilespmem:s13], [sflag:$0x2] =	stream.indirect.gather [hbm4b:s4+s11], $0x80, s1, s11, $0xb8;
	[tilespmem:$0x1D000] =	vst v63  }
0x9f: {  	_ =	swait.ge [sflag:s14], $0x4000  }
0xa0: {  	[sflag:s14] =	ssyncset.done $0x0  }
0xa1: {  	[sflag:s14] =	ssyncadd.s32 $0xFFFFC000  }
0xa2: {  	[spmem:s2] =	stream.indirect.scatter.add.f32 [tilespmem:s12], [sflag:$0x3], $0x80, s5, s11, $0xb8;
	[tilespmem:$0x1D000] =	vst v63  }
0xa3: {  	_ =	swait.ge [sflag:s10], $0x4000  }
0xa4: {  	[sflag:s10] =	ssyncset.done $0x0  }
0xa5: {  	[sflag:s10] =	ssyncadd.s32 $0xFFFFC000  }
0xa6: {  	_ =	swait.ge [sflag:s15], $0x4000  }
0xa7: {  	[sflag:s15] =	ssyncset.done $0x0  }
0xa8: {  	[sflag:s15] =	ssyncadd.s32 $0xFFFFC000  }
0xa9: {  	[spmem:s2] =	stream.indirect.scatter.add.f32 [tilespmem:s13], [sflag:$0x3], $0x80, s7, s11, $0xb8;
	[tilespmem:$0x1D000] =	vst v63  }
0xaa: {  	s6 =	simm.s32 $0x200;
	_ =	swait.ge [sflag:s10], $0x4000  }
.LBB2_2:
0xab: {  	s9 =	rddreg [dreg:$0x4];
	s8 =	smov.u32 s6;
	[sflag:s10] =	ssyncset.done $0x0  }
0xac: {  	s8 =	sadd.s32 s8, s9;
	[sflag:s10] =	ssyncadd.s32 $0xFFFFC000  }
0xad: {  	[tilespmem:s3], [sflag:$0x3] =	stream.linear.gather [hbm4b:s8+s3], $0x1000, $0x38;
	[tilespmem:$0x1D000] =	vst v63  }
0xae: {  	_ =	swait.ge [sflag:s10], $0x1000  }
0xaf: {  	[sflag:s10] =	ssyncset.done $0x0  }
0xb0: {  	[sflag:s10] =	ssyncadd.s32 $0xFFFFF000  }
0xb1: {  	[tilespmem:s12], [sflag:$0x1] =	stream.indirect.gather [hbm4b:s4+s11], $0x80, s3, s11, $0xb8;
	[tilespmem:$0x1D000] =	vst v63  }
0xb2: {  	s9 =	rddreg [dreg:$0x5]  }
0xb3: {  	[tilespmem:s13], [sflag:$0x2] =	stream.indirect.gather [hbm4b:s4+s11], $0x80, s9, s11, $0xb8;
	[tilespmem:$0x1D000] =	vst v63  }
0xb4: {  	_ =	swait.ge [sflag:s14], $0x4000  }
0xb5: {  	[sflag:s14] =	ssyncset.done $0x0  }
0xb6: {  	[sflag:s14] =	ssyncadd.s32 $0xFFFFC000  }
0xb7: {  	[spmem:s2] =	stream.indirect.scatter.add.f32 [tilespmem:s12], [sflag:$0x3], $0x80, s11, s11, $0xb8;
	[tilespmem:$0x1D000] =	vst v63  }
0xb8: {  	_ =	swait.ge [sflag:s10], $0x4000  }
0xb9: {  	[sflag:s10] =	ssyncset.done $0x0  }
0xba: {  	s9 =	rddreg [dreg:$0x6];
	[sflag:s10] =	ssyncadd.s32 $0xFFFFC000  }
0xbb: {  	[tilespmem:s12], [sflag:$0x1] =	stream.indirect.gather [hbm4b:s4+s11], $0x80, s9, s11, $0xb8;
	[tilespmem:$0x1D000] =	vst v63  }
0xbc: {  	_ =	swait.ge [sflag:s15], $0x4000  }
0xbd: {  	[sflag:s15] =	ssyncset.done $0x0  }
0xbe: {  	s9 =	rddreg [dreg:$0x7];
	[sflag:s15] =	ssyncadd.s32 $0xFFFFC000  }
0xbf: {  	[spmem:s2] =	stream.indirect.scatter.add.f32 [tilespmem:s13], [sflag:$0x3], $0x80, s9, s11, $0xb8;
	[tilespmem:$0x1D000] =	vst v63  }
0xc0: {  	_ =	swait.ge [sflag:s10], $0x4000  }
0xc1: {  	[sflag:s10] =	ssyncset.done $0x0  }
0xc2: {  	s9 =	rddreg [dreg:$0x8];
	[sflag:s10] =	ssyncadd.s32 $0xFFFFC000  }
0xc3: {  	[tilespmem:s13], [sflag:$0x2] =	stream.indirect.gather [hbm4b:s4+s11], $0x80, s9, s11, $0xb8;
	[tilespmem:$0x1D000] =	vst v63  }
0xc4: {  	_ =	swait.ge [sflag:s14], $0x4000  }
0xc5: {  	[sflag:s14] =	ssyncset.done $0x0  }
0xc6: {  	s9 =	rddreg [dreg:$0x9];
	[sflag:s14] =	ssyncadd.s32 $0xFFFFC000  }
0xc7: {  	[spmem:s2] =	stream.indirect.scatter.add.f32 [tilespmem:s12], [sflag:$0x3], $0x80, s9, s11, $0xb8;
	[tilespmem:$0x1D000] =	vst v63  }
0xc8: {  	_ =	swait.ge [sflag:s10], $0x4000  }
0xc9: {  	[sflag:s10] =	ssyncset.done $0x0  }
0xca: {  	s9 =	rddreg [dreg:$0xa];
	[sflag:s10] =	ssyncadd.s32 $0xFFFFC000  }
0xcb: {  	[tilespmem:s12], [sflag:$0x1] =	stream.indirect.gather [hbm4b:s4+s11], $0x80, s9, s11, $0xb8;
	[tilespmem:$0x1D000] =	vst v63  }
0xcc: {  	_ =	swait.ge [sflag:s15], $0x4000  }
0xcd: {  	[sflag:s15] =	ssyncset.done $0x0  }
0xce: {  	s9 =	rddreg [dreg:$0xb];
	[sflag:s15] =	ssyncadd.s32 $0xFFFFC000  }
0xcf: {  	[spmem:s2] =	stream.indirect.scatter.add.f32 [tilespmem:s13], [sflag:$0x3], $0x80, s9, s11, $0xb8;
	[tilespmem:$0x1D000] =	vst v63  }
0xd0: {  	_ =	swait.ge [sflag:s10], $0x4000  }
0xd1: {  	[sflag:s10] =	ssyncset.done $0x0  }
0xd2: {  	s9 =	rddreg [dreg:$0xc];
	[sflag:s10] =	ssyncadd.s32 $0xFFFFC000  }
0xd3: {  	[tilespmem:s13], [sflag:$0x2] =	stream.indirect.gather [hbm4b:s4+s11], $0x80, s9, s11, $0xb8;
	[tilespmem:$0x1D000] =	vst v63  }
0xd4: {  	_ =	swait.ge [sflag:s14], $0x4000  }
0xd5: {  	[sflag:s14] =	ssyncset.done $0x0  }
0xd6: {  	s9 =	rddreg [dreg:$0xd];
	[sflag:s14] =	ssyncadd.s32 $0xFFFFC000  }
0xd7: {  	[spmem:s2] =	stream.indirect.scatter.add.f32 [tilespmem:s12], [sflag:$0x3], $0x80, s9, s11, $0xb8;
	[tilespmem:$0x1D000] =	vst v63  }
0xd8: {  	_ =	swait.ge [sflag:s10], $0x4000  }
0xd9: {  	[sflag:s10] =	ssyncset.done $0x0  }
0xda: {  	s9 =	rddreg [dreg:$0xe];
	[sflag:s10] =	ssyncadd.s32 $0xFFFFC000  }
0xdb: {  	[tilespmem:s12], [sflag:$0x1] =	stream.indirect.gather [hbm4b:s4+s11], $0x80, s9, s11, $0xb8;
	[tilespmem:$0x1D000] =	vst v63  }
0xdc: {  	_ =	swait.ge [sflag:s15], $0x4000  }
0xdd: {  	[sflag:s15] =	ssyncset.done $0x0  }
0xde: {  	s9 =	rddreg [dreg:$0xf];
	[sflag:s15] =	ssyncadd.s32 $0xFFFFC000  }
0xdf: {  	[spmem:s2] =	stream.indirect.scatter.add.f32 [tilespmem:s13], [sflag:$0x3], $0x80, s9, s11, $0xb8;
	[tilespmem:$0x1D000] =	vst v63  }
0xe0: {  	_ =	swait.ge [sflag:s10], $0x4000  }
0xe1: {  	[sflag:s10] =	ssyncset.done $0x0  }
0xe2: {  	[sflag:s10] =	ssyncadd.s32 $0xFFFFC000  }
0xe3: {  	[tilespmem:s13], [sflag:$0x2] =	stream.indirect.gather [hbm4b:s4+s11], $0x80, s16, s11, $0xb8;
	[tilespmem:$0x1D000] =	vst v63  }
0xe4: {  	_ =	swait.ge [sflag:s14], $0x4000  }
0xe5: {  	[sflag:s14] =	ssyncset.done $0x0  }
0xe6: {  	[sflag:s14] =	ssyncadd.s32 $0xFFFFC000  }
0xe7: {  	[spmem:s2] =	stream.indirect.scatter.add.f32 [tilespmem:s12], [sflag:$0x3], $0x80, s17, s11, $0xb8;
	[tilespmem:$0x1D000] =	vst v63  }
0xe8: {  	_ =	swait.ge [sflag:s10], $0x4000  }
0xe9: {  	[sflag:s10] =	ssyncset.done $0x0  }
0xea: {  	[sflag:s10] =	ssyncadd.s32 $0xFFFFC000  }
0xeb: {  	[tilespmem:s12], [sflag:$0x1] =	stream.indirect.gather [hbm4b:s4+s11], $0x80, s18, s11, $0xb8;
	[tilespmem:$0x1D000] =	vst v63  }
0xec: {  	_ =	swait.ge [sflag:s15], $0x4000  }
0xed: {  	[sflag:s15] =	ssyncset.done $0x0  }
0xee: {  	[sflag:s15] =	ssyncadd.s32 $0xFFFFC000  }
0xef: {  	[spmem:s2] =	stream.indirect.scatter.add.f32 [tilespmem:s13], [sflag:$0x3], $0x80, s19, s11, $0xb8;
	[tilespmem:$0x1D000] =	vst v63  }
0xf0: {  	_ =	swait.ge [sflag:s10], $0x4000  }
0xf1: {  	[sflag:s10] =	ssyncset.done $0x0  }
0xf2: {  	[sflag:s10] =	ssyncadd.s32 $0xFFFFC000  }
0xf3: {  	[tilespmem:s13], [sflag:$0x2] =	stream.indirect.gather [hbm4b:s4+s11], $0x80, s20, s11, $0xb8;
	[tilespmem:$0x1D000] =	vst v63  }
0xf4: {  	_ =	swait.ge [sflag:s14], $0x4000  }
0xf5: {  	[sflag:s14] =	ssyncset.done $0x0  }
0xf6: {  	[sflag:s14] =	ssyncadd.s32 $0xFFFFC000  }
0xf7: {  	[spmem:s2] =	stream.indirect.scatter.add.f32 [tilespmem:s12], [sflag:$0x3], $0x80, s21, s11, $0xb8;
	[tilespmem:$0x1D000] =	vst v63  }
0xf8: {  	_ =	swait.ge [sflag:s10], $0x4000  }
0xf9: {  	[sflag:s10] =	ssyncset.done $0x0  }
0xfa: {  	[sflag:s10] =	ssyncadd.s32 $0xFFFFC000  }
0xfb: {  	[tilespmem:s12], [sflag:$0x1] =	stream.indirect.gather [hbm4b:s4+s11], $0x80, s22, s11, $0xb8;
	[tilespmem:$0x1D000] =	vst v63  }
0xfc: {  	_ =	swait.ge [sflag:s15], $0x4000  }
0xfd: {  	[sflag:s15] =	ssyncset.done $0x0  }
0xfe: {  	[sflag:s15] =	ssyncadd.s32 $0xFFFFC000  }
0xff: {  	[spmem:s2] =	stream.indirect.scatter.add.f32 [tilespmem:s13], [sflag:$0x3], $0x80, s23, s11, $0xb8;
	[tilespmem:$0x1D000] =	vst v63  }
0x100: {  	_ =	swait.ge [sflag:s10], $0x4000  }
0x101: {  	[sflag:s10] =	ssyncset.done $0x0  }
0x102: {  	[sflag:s10] =	ssyncadd.s32 $0xFFFFC000  }
0x103: {  	[tilespmem:s13], [sflag:$0x2] =	stream.indirect.gather [hbm4b:s4+s11], $0x80, s24, s11, $0xb8;
	[tilespmem:$0x1D000] =	vst v63  }
0x104: {  	_ =	swait.ge [sflag:s14], $0x4000  }
0x105: {  	[sflag:s14] =	ssyncset.done $0x0  }
0x106: {  	[sflag:s14] =	ssyncadd.s32 $0xFFFFC000  }
0x107: {  	[spmem:s2] =	stream.indirect.scatter.add.f32 [tilespmem:s12], [sflag:$0x3], $0x80, s25, s11, $0xb8;
	[tilespmem:$0x1D000] =	vst v63  }
0x108: {  	_ =	swait.ge [sflag:s10], $0x4000  }
0x109: {  	[sflag:s10] =	ssyncset.done $0x0  }
0x10a: {  	[sflag:s10] =	ssyncadd.s32 $0xFFFFC000  }
0x10b: {  	[tilespmem:s12], [sflag:$0x1] =	stream.indirect.gather [hbm4b:s4+s11], $0x80, s26, s11, $0xb8;
	[tilespmem:$0x1D000] =	vst v63  }
0x10c: {  	_ =	swait.ge [sflag:s15], $0x4000  }
0x10d: {  	[sflag:s15] =	ssyncset.done $0x0  }
0x10e: {  	[sflag:s15] =	ssyncadd.s32 $0xFFFFC000  }
0x10f: {  	[spmem:s2] =	stream.indirect.scatter.add.f32 [tilespmem:s13], [sflag:$0x3], $0x80, s28, s11, $0xb8;
	[tilespmem:$0x1D000] =	vst v63  }
0x110: {  	_ =	swait.ge [sflag:s10], $0x4000  }
0x111: {  	[sflag:s10] =	ssyncset.done $0x0  }
0x112: {  	[sflag:s10] =	ssyncadd.s32 $0xFFFFC000  }
0x113: {  	[tilespmem:s13], [sflag:$0x2] =	stream.indirect.gather [hbm4b:s4+s11], $0x80, s29, s11, $0xb8;
	[tilespmem:$0x1D000] =	vst v63  }
0x114: {  	_ =	swait.ge [sflag:s14], $0x4000  }
0x115: {  	[sflag:s14] =	ssyncset.done $0x0  }
0x116: {  	[sflag:s14] =	ssyncadd.s32 $0xFFFFC000  }
0x117: {  	[spmem:s2] =	stream.indirect.scatter.add.f32 [tilespmem:s12], [sflag:$0x3], $0x80, s30, s11, $0xb8;
	[tilespmem:$0x1D000] =	vst v63  }
0x118: {  	_ =	swait.ge [sflag:s10], $0x4000  }
0x119: {  	[sflag:s10] =	ssyncset.done $0x0  }
0x11a: {  	[sflag:s10] =	ssyncadd.s32 $0xFFFFC000  }
0x11b: {  	[tilespmem:s12], [sflag:$0x1] =	stream.indirect.gather [hbm4b:s4+s11], $0x80, s31, s11, $0xb8;
	[tilespmem:$0x1D000] =	vst v63  }
0x11c: {  	_ =	swait.ge [sflag:s15], $0x4000  }
0x11d: {  	[sflag:s15] =	ssyncset.done $0x0  }
0x11e: {  	[sflag:s15] =	ssyncadd.s32 $0xFFFFC000  }
0x11f: {  	[spmem:s2] =	stream.indirect.scatter.add.f32 [tilespmem:s13], [sflag:$0x3], $0x80, s0, s11, $0xb8;
	[tilespmem:$0x1D000] =	vst v63  }
0x120: {  	_ =	swait.ge [sflag:s10], $0x4000  }
0x121: {  	[sflag:s10] =	ssyncset.done $0x0  }
0x122: {  	[sflag:s10] =	ssyncadd.s32 $0xFFFFC000  }
0x123: {  	[tilespmem:s13], [sflag:$0x2] =	stream.indirect.gather [hbm4b:s4+s11], $0x80, s1, s11, $0xb8;
	[tilespmem:$0x1D000] =	vst v63  }
0x124: {  	_ =	swait.ge [sflag:s14], $0x4000  }
0x125: {  	[sflag:s14] =	ssyncset.done $0x0  }
0x126: {  	[sflag:s14] =	ssyncadd.s32 $0xFFFFC000  }
0x127: {  	[spmem:s2] =	stream.indirect.scatter.add.f32 [tilespmem:s12], [sflag:$0x3], $0x80, s5, s11, $0xb8;
	[tilespmem:$0x1D000] =	vst v63  }
0x128: {  	_ =	swait.ge [sflag:s10], $0x4000  }
0x129: {  	[sflag:s10] =	ssyncset.done $0x0  }
0x12a: {  	p0 =	sne.s32 s6, $0x800;
	[sflag:s10] =	ssyncadd.s32 $0xFFFFC000  }
.Ltmp0:
0x12b: {  	_ =	swait.ge [sflag:s15], $0x4000;
	(pc) =	sbr.rel @p0 .LBB2_2-.Ltmp0, $4  }
0x12c: {  	[sflag:s15] =	ssyncset.done $0x0  }
0x12d: {  	[sflag:s15] =	ssyncadd.s32 $0xFFFFC000  }
0x12e: {  	[spmem:s2] =	stream.indirect.scatter.add.f32 [tilespmem:s13], [sflag:$0x3], $0x80, s7, s11, $0xb8;
	[tilespmem:$0x1D000] =	vst v63  }
0x12f: {  	s6 =	sadd.s32 $0x200, s6;
	_ =	swait.ge [sflag:s10], $0x4000  }
0x130: {  	[sflag:s10] =	ssyncset.done $0x0  }
0x131: {  	[sflag:s10] =	ssyncadd.s32 $0xFFFFC000  }
0x132: {  	[bflag:$0x0] =	sbarrier.arrive $0xFFFF  }
0x133: {  	s9 =	rddreg [dreg:$0x11]  }
0x134: {  	s6 =	rddreg [dreg:$0x12]  }
0x135: {  	s8 =	rddreg [dreg:$0x14]  }
0x136: {  	[hbm:s6], [sflag:s9] =	dma.local [spmem:s8], $0x2800  }
0x137: {  	_ =	swait.ge [sflag:s10], $0x2800  }
0x138: {  	s6 =	rddreg [dreg:$0x15]  }
0x139: {  	s9 =	sadd.s32 $0x1, s6;
	s6 =	rddreg [dreg:$0x13]  }
0x13a: {  	p0 =	sne.s32 s9, s6  }
.Ltmp1:
0x13b: {  	_ = 	snop;
	(pc) =	sbr.rel @p0 .LBB2_1-.Ltmp1, $3  }
0x13c: {  	_ =	sdelay $0x1  }
0x13d: {  	[sflag:s10] =	ssyncset.done $0x0;
	[dreg:$0x15] =	wrdreg s9  }
0x13e: {  	[sflag:s10] =	ssyncadd.s32 $0xFFFFD800;
	s9 =	rddreg [dreg:$0x11]  }
0x13f: {  	_ =	sfence.sel $0x180000  }
0x140: {  	[bflag:$0x0] =	sbarrier.arrive $0xFFFF  }
0x141: {  	_ =	strace $0x9000004A  }
0x142: {  	s0 =	stileid.u32;
	[bflag:$0x2] =	sbarrier.arrive $0xFFFF  }
0x143: {  	p0 =	sne.s32 s0, $0x0;
	s0 =	rddreg [dreg:$0x3]  }
0x144: {  	s0 =	sadd.s32 @!p0 $0x100000, s0  }
0x145: {  	[sflag:s0] =	ssyncadd.tile.s32 @!p0 $0x1;
	_ =	shalt  }
.Lfunc_end2:
_tile_overlayer_lowered:
.L_overlay_start_2:
0x146: {  	(tag) =	ssettag $0x2  }
0x147: {  	s0 =	rddreg [dreg:$0x0];
	s2 =	stileid.u32  }
0x148: {  	s1 =	rddreg [dreg:$0x1];
	p0 =	sne.s32 s2, $0x0  }
0x149: {  	s3 =	rddreg [dreg:$0x2];
	[bflag:$0x3] =	sbarrier.arrive $0xFFFF;
	s2 =	simm.s32 @!p0 $0x1C03  }
0x14a: {  	[timem:s3], [sflag:s2] =	dma.local @!p0 [hbm:s0], s1  }
0x14b: {  	s0 =	simm.s32 @!p0 $0x3  }
0x14c: {  	_ =	swait.ge @!p0 [sflag:s0], s1  }
0x14d: {  	s1 =	ssub.s32 @!p0 $0x0, s1;
	[sflag:s0] =	ssyncset.done @!p0 $0x0  }
0x14e: {  	[sflag:s0] =	ssyncadd.s32 @!p0 s1  }
0x14f: {  	[bflag:$0x3] =	sbarrier.arrive $0xFFFF  }
0x150: {  	_ =	shalt  }

// kernel: kernel.16.cloned.1.call-start
scs
__scs_entry_jumppad:
0x0: {  	(pc) =	sbr.rel $0x88, $3  }
0x1: {  	(tag) =	ssettag $0x0;
	lr =	simm.s32 $0x1  }
0x2: {  	[smem:$0x3F93] =	sst lr;
	_ =	strace $0xD0000000  }
0x3: {  	_ = 	snop  }
0x4: {  	_ = 	snop  }
0x5: {  	_ = 	snop  }
0x6: {  	_ = 	snop  }
0x7: {  	_ = 	snop  }
__scs_overlays_trampoline_lowered:
0x8: {  	[smem:$0x3FA2] =	sst s0  }
0x9: {  	[smem:$0x3FA3] =	sst s1  }
0xa: {  	[smem:$0x3FA4] =	sst s2  }
0xb: {  	[smem:$0x3FA5] =	sst s3  }
0xc: {  	[smem:$0x3FA6] =	sst s4  }
0xd: {  	[smem:$0x3FA7] =	sst s5  }
0xe: {  	[smem:$0x3FA8] =	sst s6  }
0xf: {  	[smem:$0x3FA9] =	sst s7  }
0x10: {  	[smem:$0x3FAA] =	sst s8  }
0x11: {  	[smem:$0x3FAB] =	sst s9;
	s0 =	simm.s32 @!p0 $0x0  }
0x12: {  	s1 =	sld [smem:$0x3F91];
	s0 =	simm.s32 @p0 $0x1  }
0x13: {  	[smem:$0x3FAC] =	sst s0;
	s0 =	simm.s32 @!p1 $0x0  }
0x14: {  	s2 =	sld [smem:$0x3F90];
	s0 =	simm.s32 @p1 $0x1  }
0x15: {  	[smem:$0x3FAD] =	sst s0;
	s0 =	simm.s32 @!p2 $0x0  }
0x16: {  	s3 =	sld [smem:$0x3FDB];
	s0 =	simm.s32 @p2 $0x1  }
0x17: {  	s4 =	simm.s32 $0x1BF5;
	[smem:$0x3FAF] =	sst s0  }
0x18: {  	s0 =	sld [smem:$0x3F92];
	_ =	swait.ge [sflag:s4], $0x0  }
0x19: {  	s7 =	sld [smem:$0x3F93]  }
0x1a: {  	s8 =	sadd.s32 $0xFFFFE003, lr  }
0x1b: {  	s9 =	sadd.s32 $0xFFFFFEF7, lr;
	s5 =	simm.s32 $0xFFFFFFFF;
	p2 =	slt.u32 s8, $0xFFFFF086  }
0x1c: {  	p1 =	slt.u32 s9, $0xF7A;
	s5 =	simm.s32 @!p2 $0x0  }
0x1d: {  	s5 =	simm.s32 @p1 $0x1;
	p0 =	seq.s32 s7, s2  }
0x1e: {  	s7 =	smul.u32 @!p0 $0xF7A, s2;
	p2 =	seq.s32 @!p0 s5, $0x0  }
0x1f: {  	s9 =	smul.u32 $0xF7A, s1;
	s8 =	simm.s32 @!p0 $0x1BF5;
	p2 =	por !p2, p0  }
0x20: {  	[sflag:s8] =	ssyncset.s32 @!p0 $0xFFFFF086;
	s6 =	sadd.s32 @!p0 s3, s7;
	s7 =	simm.s32 @!p0 $0x108  }
0x21: {  	s3 =	sadd.s32 s3, s9;
	s6 =	sadd.s32 @!p0 $0x88, s6;
	s7 =	simm.s32 @p2 $0x1082  }
0x22: {  	[simem:s7], [sflag:s8] =	dma.local @!p0 [hbm:s6], $0xF7A  }
0x23: {  	s9 =	sor.u32 $0xD0000000, s2;
	s6 =	simm.s32 $0x108;
	_ =	swait.ge @!p0 [sflag:s8], $0x0  }
0x24: {  	s3 =	sadd.s32 $0x88, s3;
	s6 =	simm.s32 @!p1 $0x1082;
	[sflag:s4] =	ssyncset.s32 $0xFFFFF086  }
0x25: {  	[simem:s6], [sflag:s4] =	dma.local [hbm:s3], $0xF7A  }
0x26: {  	[smem:$0x3F93] =	sst s1;
	(tag) =	ssettag s2;
	_ =	strace s9  }
0x27: {  	s1 =	sld [smem:$0x3FA3]  }
0x28: {  	s2 =	sld [smem:$0x3FA4]  }
0x29: {  	s4 =	sld [smem:$0x3FA6]  }
0x2a: {  	p0 =	seq.s32 s5, $0x0;
	s5 =	sld [smem:$0x3FA7]  }
0x2b: {  	s6 =	sld [smem:$0x3FA8]  }
0x2c: {  	s7 =	sld [smem:$0x3FA9]  }
0x2d: {  	s3 =	simm.s32 $0x108;
	s8 =	sld [smem:$0x3FAA]  }
0x2e: {  	s3 =	simm.s32 @!p0 $0x1082;
	s9 =	sld [smem:$0x3FAB]  }
0x2f: {  	lr =	sadd.s32 s0, s3;
	s0 =	sld [smem:$0x3FA2]  }
0x30: {  	s3 =	sld [smem:$0x3FA5]  }
0x31: {  	[smem:$0x3FAE] =	sst s10  }
0x32: {  	s10 =	sld [smem:$0x3FAC];
	_ =	sdelay $0x3  }
0x33: {  	p0 =	seq.s32 s10, $0x1;
	s10 =	sld [smem:$0x3FAE];
	_ =	sdelay $0x3  }
0x34: {  	[smem:$0x3FAE] =	sst s10  }
0x35: {  	s10 =	sld [smem:$0x3FAD];
	_ =	sdelay $0x3  }
0x36: {  	p1 =	seq.s32 s10, $0x1;
	s10 =	sld [smem:$0x3FAE];
	_ =	sdelay $0x3  }
0x37: {  	[smem:$0x3FAE] =	sst s10  }
0x38: {  	s10 =	sld [smem:$0x3FAF]  }
0x39: {  	_ = 	snop;
	(pc) =	sbr.ind lr, $3  }
0x3a: {  	_ = 	snop  }
0x3b: {  	_ = 	snop  }
0x3c: {  	p2 =	seq.s32 s10, $0x1;
	s10 =	sld [smem:$0x3FAE]  }
0x3d: {  	_ =	shalt  }
0x3e: {  	_ =	shalt  }
0x3f: {  	_ =	shalt  }
0x40: {  	_ =	shalt  }
0x41: {  	_ =	shalt  }
0x42: {  	_ =	shalt  }
0x43: {  	_ =	shalt  }
0x44: {  	_ =	shalt  }
0x45: {  	_ =	shalt  }
0x46: {  	_ =	shalt  }
0x47: {  	_ =	shalt  }
0x48: {  	_ =	shalt  }
0x49: {  	_ =	shalt  }
0x4a: {  	_ =	shalt  }
0x4b: {  	_ =	shalt  }
0x4c: {  	_ =	shalt  }
0x4d: {  	_ =	shalt  }
0x4e: {  	_ =	shalt  }
0x4f: {  	_ =	shalt  }
0x50: {  	_ =	shalt  }
0x51: {  	_ =	shalt  }
0x52: {  	_ =	shalt  }
0x53: {  	_ =	shalt  }
0x54: {  	_ =	shalt  }
0x55: {  	_ =	shalt  }
0x56: {  	_ =	shalt  }
0x57: {  	_ =	shalt  }
0x58: {  	_ =	shalt  }
0x59: {  	_ =	shalt  }
0x5a: {  	_ =	shalt  }
0x5b: {  	_ =	shalt  }
0x5c: {  	_ =	shalt  }
0x5d: {  	_ =	shalt  }
0x5e: {  	_ =	shalt  }
0x5f: {  	_ =	shalt  }
0x60: {  	_ =	shalt  }
0x61: {  	_ =	shalt  }
0x62: {  	_ =	shalt  }
0x63: {  	_ =	shalt  }
0x64: {  	_ =	shalt  }
0x65: {  	_ =	shalt  }
0x66: {  	_ =	shalt  }
0x67: {  	_ =	shalt  }
0x68: {  	_ =	shalt  }
0x69: {  	_ =	shalt  }
0x6a: {  	_ =	shalt  }
0x6b: {  	_ =	shalt  }
0x6c: {  	_ =	shalt  }
0x6d: {  	_ =	shalt  }
0x6e: {  	_ =	shalt  }
0x6f: {  	_ =	shalt  }
0x70: {  	_ =	shalt  }
0x71: {  	_ =	shalt  }
0x72: {  	_ =	shalt  }
0x73: {  	_ =	shalt  }
0x74: {  	_ =	shalt  }
0x75: {  	_ =	shalt  }
0x76: {  	_ =	shalt  }
0x77: {  	_ =	shalt  }
0x78: {  	_ =	shalt  }
0x79: {  	_ =	shalt  }
0x7a: {  	_ =	shalt  }
0x7b: {  	_ =	shalt  }
0x7c: {  	_ =	shalt  }
0x7d: {  	_ =	shalt  }
0x7e: {  	_ =	shalt  }
0x7f: {  	_ =	shalt  }
0x80: {  	_ =	shalt  }
0x81: {  	_ =	shalt  }
0x82: {  	_ =	shalt  }
0x83: {  	_ =	shalt  }
0x84: {  	_ =	shalt  }
0x85: {  	_ =	shalt  }
0x86: {  	_ =	shalt  }
0x87: {  	_ =	shalt  }
.Lfunc_end0:
.L_simem_size_0:
called_computation.2_lowered:
.L_overlay_start_0:
0x88: {  	s2 =	sld [smem:$0x3FD9]  }
0x89: {  	s3 =	sld [smem:$0x3FFE];
	_ =	sdelay $0x1  }
0x8a: {  	s1 =	srdreg.scid  }
0x8b: {  	s0 =	sand.u32 $0x1, s1  }
0x8c: {  	s17 =	sshll.u32 s0, $0xA;
	s2 =	sadd.s32 s3, s2  }
0x8d: {  	s2 =	sadd.s32 s2, s17  }
0x8e: {  	[smem:$0x3FBA] =	sst s2  }
0x8f: {  	_ = 	snop  }
0x90: {  	s2 =	sld [smem:$0x3FD0];
	(tm) =	ssettm $0x1  }
0x91: {  	s18 =	sld [smem:$0x3FFB];
	_ =	sdelay $0x3  }
0x92: {  	_ =	strace s18  }
0x93: {  	s3 =	sld [smem:$0x3FFC];
	_ =	sdelay $0x3  }
0x94: {  	_ =	strace s3  }
0x95: {  	s3 =	sld [smem:$0x3FFD];
	_ =	sdelay $0x3  }
0x96: {  	_ =	strace s3  }
0x97: {  	_ =	strace $0x8FFFFFFF  }
0x98: {  	s19 =	sld [smem:$0x3FDB];
	_ =	sdelay $0x1  }
0x99: {  	s4 =	simm.s32 $_scs_section_size  }
0x9a: {  	s5 =	simm.s32 $_size__tile_overlayer_lowered;
	s6 =	simm.s32 $_tile_overlayer_lowered  }
0x9b: {  	s22 =	simm.s32 $0x1BFF;
	s21 =	sshll.u32 s6, $0x1;
	s3 =	sadd.s32 s4, s19  }
0x9c: {  	s7 =	simm.s32 $0x0;
	s20 =	sshll.u32 s5, $0x1;
	s5 =	sadd.s32 s21, s3  }
0x9d: {  	[timem:s7], [sflag:s22] =	dma.local [hbm:s5], s20  }
0x9e: {  	_ =	swait.ge [sflag:s22], s20  }
0x9f: {  	s4 =	ssub.s32 $0x0, s20;
	[sflag:s22] =	ssyncset.done $0x0  }
0xa0: {  	[sflag:s22] =	ssyncadd.s32 s4;
	_ =	sdelay $0x1  }
0xa1: {  	s23 =	simm.s32 $0x1B8B  }
0xa2: {  	_ =	swait.ge [sflag:s23], $0x1  }
0xa3: {  	[sflag:s23] =	ssyncset.done $0x0  }
0xa4: {  	s25 =	simm.s32 $0x1B8E;
	s24 =	sld [smem:$0x3FFE];
	[sflag:s23] =	ssyncadd.s32 $0xFFFFFFFF  }
0xa5: {  	s26 =	simm.s32 $execute0_lowered;
	[smem:$0x3FD2] =	sst s25  }
0xa6: {  	s5 =	sshll.u32 s26, $0x1;
	_ =	strace $0x8000004C;
	[dreg:$0x1] =	wrdreg $0xFFFFFFFF  }
0xa7: {  	s28 =	simm.s32 $_size_execute0_lowered;
	s3 =	sadd.s32 s3, s5;
	[dreg:$0x0] =	wrdreg $0x0  }
0xa8: {  	s5 =	sshll.u32 s28, $0x1;
	[dreg:$0x2] =	wrdreg s3  }
0xa9: {  	[dreg:$0x3] =	wrdreg s5  }
0xaa: {  	[dreg:$0x4] =	wrdreg $0xC0  }
0xab: {  	_ =	task [dreg:s7], $0x5FFFF  }
0xac: {  	[dreg:$0x1] =	wrdreg $0xFFFFFFFF  }
0xad: {  	[dreg:$0x0] =	wrdreg $0x60  }
0xae: {  	[dreg:$0x2] =	wrdreg s24  }
0xaf: {  	[dreg:$0x3] =	wrdreg s2  }
0xb0: {  	[dreg:$0x4] =	wrdreg $0x90000  }
0xb1: {  	[dreg:$0x5] =	wrdreg $0x9  }
0xb2: {  	_ =	task.clear_ibuf [dreg:s7], $0x6FFFF;
	_ =	strace $0x9000004C  }
0xb3: {  	s29 =	simm.s32 $0x9;
	_ =	strace $0x8000004E  }
0xb4: {  	_ =	swait.ge [sflag:s29], $0x1  }
0xb5: {  	[sflag:s29] =	ssyncadd.s32 $0xFFFFFFFF  }
0xb6: {  	_ =	strace $0x9000004E  }
0xb7: {  	_ =	sfence  }
0xb8: {  	s30 =	sld [smem:$0x0];
	_ =	sdelay $0x2  }
0xb9: {  	s31 =	sshll.u32 s1, $0xD;
	s1 =	sshrl.u32 s1, $0x2  }
0xba: {  	s3 =	sand.u32 $0x4000, s31;
	s1 =	sadd.s32 s1, s30  }
0xbb: {  	s0 =	sor.u32 s3, s0;
	s1 =	sshll.u32 s1, $0x11  }
0xbc: {  	s0 =	sor.u32 s1, s0  }
0xbd: {  	s0 =	sadd.s32 $0x8F2B, s0  }
0xbe: {  	[sflag:s0] =	ssyncadd.remote.s32 $0x1  }
0xbf: {  	_ =	sfence.sel $0xFFFF  }
0xc0: {  	[dreg:$0x0] =	wrdreg $0xFFFFFFFF;
	(pc) =	sbr.abs _section_cstart, $3  }
0xc1: {  	[dreg:$0x1] =	wrdreg $0xFFFFFFFF  }
0xc2: {  	_ =	task.clear_ibuf [dreg:s7], $0x2FFFF;
	_ =	strace $0x9FFFFFFF  }
0xc3: {  	(tm) =	ssettm $0x7FFFFFFF  }
tec
execute0_lowered:
.L_overlay_start_1:
0x0: {  	(tag) =	ssettag $0x1  }
0x1: {  	s0 =	rddreg [dreg:$0x0]  }
0x2: {  	s1 =	rddreg [dreg:$0x1]  }
0x3: {  	s2 =	rddreg [dreg:$0x2];
	s4 =	srdreg.scid  }
0x4: {  	s12 =	stileid.u32;
	s3 =	simm.s32 $0x0;
	s15 =	simm.s32 $0x100  }
0x5: {  	s16 =	simm.s32 $0x200;
	s17 =	simm.s32 $0x180;
	s19 =	simm.s32 $0x300  }
0x6: {  	s20 =	simm.s32 $0x280;
	s21 =	simm.s32 $0x400;
	[smem:$0x7FF] =	sst s3  }
0x7: {  	s22 =	simm.s32 $0x380;
	_ =	strace $0x8000004D;
	[dreg:$0x5] =	wrdreg s15  }
0x8: {  	s23 =	simm.s32 $0x500;
	s24 =	simm.s32 $0x480;
	[dreg:$0x6] =	wrdreg s16  }
0x9: {  	s25 =	simm.s32 $0x600;
	s26 =	simm.s32 $0x580;
	[dreg:$0x7] =	wrdreg s17  }
0xa: {  	s28 =	simm.s32 $0xB80;
	s29 =	simm.s32 $0xD00;
	[dreg:$0x8] =	wrdreg s19  }
0xb: {  	s30 =	simm.s32 $0xC80;
	s31 =	simm.s32 $0xE00;
	[dreg:$0x9] =	wrdreg s20  }
0xc: {  	s5 =	sand.u32 $0x1, s4;
	s6 =	smul.u32 $0x14000, s12;
	[dreg:$0xa] =	wrdreg s21  }
0xd: {  	s4 =	sadd.s32 $0x3E00, s0;
	s8 =	smul.u32 $0xA000, s12;
	[dreg:$0xb] =	wrdreg s22  }
0xe: {  	s11 =	smul.u32 $0x50000, s12;
	s14 =	sshll.u32 s12, $0x6;
	[dreg:$0xc] =	wrdreg s23  }
0xf: {  	s12 =	simm.s32 $0x1000;
	s7 =	smul.u32 $0x140000, s5;
	[dreg:$0xd] =	wrdreg s24  }
0x10: {  	s9 =	ssub.s32 $0x2, s5;
	s5 =	smul.u32 $0x5000, s5;
	[dreg:$0xe] =	wrdreg s25  }
0x11: {  	s15 =	simm.s32 $0x2;
	[dreg:$0xf] =	wrdreg s26;
	s16 =	simm.s32 $0x700  }
0x12: {  	s17 =	simm.s32 $0x680;
	s19 =	simm.s32 $0x780;
	s20 =	simm.s32 $0x900  }
0x13: {  	s21 =	simm.s32 $0x880;
	s22 =	simm.s32 $0xA00;
	s23 =	simm.s32 $0x980  }
0x14: {  	s24 =	simm.s32 $0xB00;
	s25 =	simm.s32 $0xA80;
	s26 =	simm.s32 $0xC00  }
0x15: {  	s10 =	sshrl.u32 s9, $0x1;
	s13 =	sshrl.u32 s11, $0x2;
	s11 =	simm.s32 $0x80  }
0x16: {  	s7 =	sadd.s32 s6, s7;
	s10 =	ssub.s32 s9, s10;
	s5 =	sadd.s32 s5, s8  }
0x17: {  	s6 =	sshrl.u32 s6, $0x3;
	s8 =	sadd.s32 s13, s2;
	s9 =	sor.u32 $0x1C03, s14  }
0x18: {  	s13 =	simm.s32 $0x5000;
	s14 =	simm.s32 $0x1;
	s7 =	sshrl.u32 s7, $0x3  }
0x19: {  	s5 =	sshrl.u32 s5, $0x3;
	s6 =	sadd.s32 s4, s6;
	[dreg:$0x11] =	wrdreg s9  }
0x1a: {  	s18 =	smax.u32 s10, $0x1;
	s8 =	sshrl.u32 s8, $0x3;
	[dreg:$0x10] =	wrdreg s6  }
0x1b: {  	s10 =	simm.s32 $0x3;
	s0 =	sadd.s32 s7, s0;
	[dreg:$0x13] =	wrdreg s18  }
0x1c: {  	s1 =	sadd.s32 s5, s1;
	s18 =	simm.s32 $0x800;
	[dreg:$0x14] =	wrdreg s8  }
0x1d: {  	s5 =	simm.s32 $0xE80;
	s6 =	simm.s32 $0x0;
	[dreg:$0x4] =	wrdreg s1  }
0x1e: {  	s7 =	simm.s32 $0xF80;
	s0 =	sadd.s32 $0x2BE00, s0;
	[dreg:$0x15] =	wrdreg s6  }
0x1f: {  	s1 =	simm.s32 $0xF00;
	[dreg:$0x12] =	wrdreg s0;
	s0 =	simm.s32 $0xD80  }
.LBB2_1:
0x20: {  	s6 =	rddreg [dreg:$0x10]  }
0x21: {  	[spmem:s8], [sflag:s9] =	dma.local [hbm:s6], $0x2800  }
0x22: {  	_ =	swait.ge [sflag:s10], $0x2800  }
0x23: {  	[sflag:s10] =	ssyncset.done $0x0  }
0x24: {  	[sflag:s10] =	ssyncadd.s32 $0xFFFFD800  }
0x25: {  	[bflag:$0x0] =	sbarrier.arrive $0xFFFF  }
0x26: {  	s8 =	rddreg [dreg:$0x4]  }
0x27: {  	s6 =	sadd.s32 $0x0, s8  }
0x28: {  	[tilespmem:s3], [sflag:$0x3] =	stream.linear.gather [hbm4b:s6+s3], $0x1000, $0x38;
	[tilespmem:$0x1D000] =	vst v63  }
0x29: {  	_ =	swait.ge [sflag:s10], $0x1000  }
0x2a: {  	[sflag:s10] =	ssyncset.done $0x0  }
0x2b: {  	[sflag:s10] =	ssyncadd.s32 $0xFFFFF000  }
0x2c: {  	[tilespmem:s12], [sflag:$0x1] =	stream.indirect.gather [hbm4b:s4+s11], $0x80, s3, s11, $0xb8;
	[tilespmem:$0x1D000] =	vst v63  }
0x2d: {  	s9 =	rddreg [dreg:$0x5]  }
0x2e: {  	[tilespmem:s13], [sflag:$0x2] =	stream.indirect.gather [hbm4b:s4+s11], $0x80, s9, s11, $0xb8;
	[tilespmem:$0x1D000] =	vst v63  }
0x2f: {  	_ =	swait.ge [sflag:s14], $0x4000  }
0x30: {  	[sflag:s14] =	ssyncset.done $0x0  }
0x31: {  	[sflag:s14] =	ssyncadd.s32 $0xFFFFC000  }
0x32: {  	[spmem:s2] =	stream.indirect.scatter.add.f32 [tilespmem:s12], [sflag:$0x3], $0x80, s11, s11, $0xb8;
	[tilespmem:$0x1D000] =	vst v63  }
0x33: {  	_ =	swait.ge [sflag:s10], $0x4000  }
0x34: {  	[sflag:s10] =	ssyncset.done $0x0  }
0x35: {  	s8 =	rddreg [dreg:$0x6];
	[sflag:s10] =	ssyncadd.s32 $0xFFFFC000  }
0x36: {  	[tilespmem:s12], [sflag:$0x1] =	stream.indirect.gather [hbm4b:s4+s11], $0x80, s8, s11, $0xb8;
	[tilespmem:$0x1D000] =	vst v63  }
0x37: {  	_ =	swait.ge [sflag:s15], $0x4000  }
0x38: {  	[sflag:s15] =	ssyncset.done $0x0  }
0x39: {  	s9 =	rddreg [dreg:$0x7];
	[sflag:s15] =	ssyncadd.s32 $0xFFFFC000  }
0x3a: {  	[spmem:s2] =	stream.indirect.scatter.add.f32 [tilespmem:s13], [sflag:$0x3], $0x80, s9, s11, $0xb8;
	[tilespmem:$0x1D000] =	vst v63  }
0x3b: {  	_ =	swait.ge [sflag:s10], $0x4000  }
0x3c: {  	[sflag:s10] =	ssyncset.done $0x0  }
0x3d: {  	s8 =	rddreg [dreg:$0x8];
	[sflag:s10] =	ssyncadd.s32 $0xFFFFC000  }
0x3e: {  	[tilespmem:s13], [sflag:$0x2] =	stream.indirect.gather [hbm4b:s4+s11], $0x80, s8, s11, $0xb8;
	[tilespmem:$0x1D000] =	vst v63  }
0x3f: {  	_ =	swait.ge [sflag:s14], $0x4000  }
0x40: {  	[sflag:s14] =	ssyncset.done $0x0  }
0x41: {  	s9 =	rddreg [dreg:$0x9];
	[sflag:s14] =	ssyncadd.s32 $0xFFFFC000  }
0x42: {  	[spmem:s2] =	stream.indirect.scatter.add.f32 [tilespmem:s12], [sflag:$0x3], $0x80, s9, s11, $0xb8;
	[tilespmem:$0x1D000] =	vst v63  }
0x43: {  	_ =	swait.ge [sflag:s10], $0x4000  }
0x44: {  	[sflag:s10] =	ssyncset.done $0x0  }
0x45: {  	s8 =	rddreg [dreg:$0xa];
	[sflag:s10] =	ssyncadd.s32 $0xFFFFC000  }
0x46: {  	[tilespmem:s12], [sflag:$0x1] =	stream.indirect.gather [hbm4b:s4+s11], $0x80, s8, s11, $0xb8;
	[tilespmem:$0x1D000] =	vst v63  }
0x47: {  	_ =	swait.ge [sflag:s15], $0x4000  }
0x48: {  	[sflag:s15] =	ssyncset.done $0x0  }
0x49: {  	s9 =	rddreg [dreg:$0xb];
	[sflag:s15] =	ssyncadd.s32 $0xFFFFC000  }
0x4a: {  	[spmem:s2] =	stream.indirect.scatter.add.f32 [tilespmem:s13], [sflag:$0x3], $0x80, s9, s11, $0xb8;
	[tilespmem:$0x1D000] =	vst v63  }
0x4b: {  	_ =	swait.ge [sflag:s10], $0x4000  }
0x4c: {  	[sflag:s10] =	ssyncset.done $0x0  }
0x4d: {  	s8 =	rddreg [dreg:$0xc];
	[sflag:s10] =	ssyncadd.s32 $0xFFFFC000  }
0x4e: {  	[tilespmem:s13], [sflag:$0x2] =	stream.indirect.gather [hbm4b:s4+s11], $0x80, s8, s11, $0xb8;
	[tilespmem:$0x1D000] =	vst v63  }
0x4f: {  	_ =	swait.ge [sflag:s14], $0x4000  }
0x50: {  	[sflag:s14] =	ssyncset.done $0x0  }
0x51: {  	s9 =	rddreg [dreg:$0xd];
	[sflag:s14] =	ssyncadd.s32 $0xFFFFC000  }
0x52: {  	[spmem:s2] =	stream.indirect.scatter.add.f32 [tilespmem:s12], [sflag:$0x3], $0x80, s9, s11, $0xb8;
	[tilespmem:$0x1D000] =	vst v63  }
0x53: {  	_ =	swait.ge [sflag:s10], $0x4000  }
0x54: {  	[sflag:s10] =	ssyncset.done $0x0  }
0x55: {  	s8 =	rddreg [dreg:$0xe];
	[sflag:s10] =	ssyncadd.s32 $0xFFFFC000  }
0x56: {  	[tilespmem:s12], [sflag:$0x1] =	stream.indirect.gather [hbm4b:s4+s11], $0x80, s8, s11, $0xb8;
	[tilespmem:$0x1D000] =	vst v63  }
0x57: {  	_ =	swait.ge [sflag:s15], $0x4000  }
0x58: {  	[sflag:s15] =	ssyncset.done $0x0  }
0x59: {  	s9 =	rddreg [dreg:$0xf];
	[sflag:s15] =	ssyncadd.s32 $0xFFFFC000  }
0x5a: {  	[spmem:s2] =	stream.indirect.scatter.add.f32 [tilespmem:s13], [sflag:$0x3], $0x80, s9, s11, $0xb8;
	[tilespmem:$0x1D000] =	vst v63  }
0x5b: {  	_ =	swait.ge [sflag:s10], $0x4000  }
0x5c: {  	[sflag:s10] =	ssyncset.done $0x0  }
0x5d: {  	[sflag:s10] =	ssyncadd.s32 $0xFFFFC000  }
0x5e: {  	[tilespmem:s13], [sflag:$0x2] =	stream.indirect.gather [hbm4b:s4+s11], $0x80, s16, s11, $0xb8;
	[tilespmem:$0x1D000] =	vst v63  }
0x5f: {  	_ =	swait.ge [sflag:s14], $0x4000  }
0x60: {  	[sflag:s14] =	ssyncset.done $0x0  }
0x61: {  	[sflag:s14] =	ssyncadd.s32 $0xFFFFC000  }
0x62: {  	[spmem:s2] =	stream.indirect.scatter.add.f32 [tilespmem:s12], [sflag:$0x3], $0x80, s17, s11, $0xb8;
	[tilespmem:$0x1D000] =	vst v63  }
0x63: {  	_ =	swait.ge [sflag:s10], $0x4000  }
0x64: {  	[sflag:s10] =	ssyncset.done $0x0  }
0x65: {  	[sflag:s10] =	ssyncadd.s32 $0xFFFFC000  }
0x66: {  	[tilespmem:s12], [sflag:$0x1] =	stream.indirect.gather [hbm4b:s4+s11], $0x80, s18, s11, $0xb8;
	[tilespmem:$0x1D000] =	vst v63  }
0x67: {  	_ =	swait.ge [sflag:s15], $0x4000  }
0x68: {  	[sflag:s15] =	ssyncset.done $0x0  }
0x69: {  	[sflag:s15] =	ssyncadd.s32 $0xFFFFC000  }
0x6a: {  	[spmem:s2] =	stream.indirect.scatter.add.f32 [tilespmem:s13], [sflag:$0x3], $0x80, s19, s11, $0xb8;
	[tilespmem:$0x1D000] =	vst v63  }
0x6b: {  	_ =	swait.ge [sflag:s10], $0x4000  }
0x6c: {  	[sflag:s10] =	ssyncset.done $0x0  }
0x6d: {  	[sflag:s10] =	ssyncadd.s32 $0xFFFFC000  }
0x6e: {  	[tilespmem:s13], [sflag:$0x2] =	stream.indirect.gather [hbm4b:s4+s11], $0x80, s20, s11, $0xb8;
	[tilespmem:$0x1D000] =	vst v63  }
0x6f: {  	_ =	swait.ge [sflag:s14], $0x4000  }
0x70: {  	[sflag:s14] =	ssyncset.done $0x0  }
0x71: {  	[sflag:s14] =	ssyncadd.s32 $0xFFFFC000  }
0x72: {  	[spmem:s2] =	stream.indirect.scatter.add.f32 [tilespmem:s12], [sflag:$0x3], $0x80, s21, s11, $0xb8;
	[tilespmem:$0x1D000] =	vst v63  }
0x73: {  	_ =	swait.ge [sflag:s10], $0x4000  }
0x74: {  	[sflag:s10] =	ssyncset.done $0x0  }
0x75: {  	[sflag:s10] =	ssyncadd.s32 $0xFFFFC000  }
0x76: {  	[tilespmem:s12], [sflag:$0x1] =	stream.indirect.gather [hbm4b:s4+s11], $0x80, s22, s11, $0xb8;
	[tilespmem:$0x1D000] =	vst v63  }
0x77: {  	_ =	swait.ge [sflag:s15], $0x4000  }
0x78: {  	[sflag:s15] =	ssyncset.done $0x0  }
0x79: {  	[sflag:s15] =	ssyncadd.s32 $0xFFFFC000  }
0x7a: {  	[spmem:s2] =	stream.indirect.scatter.add.f32 [tilespmem:s13], [sflag:$0x3], $0x80, s23, s11, $0xb8;
	[tilespmem:$0x1D000] =	vst v63  }
0x7b: {  	_ =	swait.ge [sflag:s10], $0x4000  }
0x7c: {  	[sflag:s10] =	ssyncset.done $0x0  }
0x7d: {  	[sflag:s10] =	ssyncadd.s32 $0xFFFFC000  }
0x7e: {  	[tilespmem:s13], [sflag:$0x2] =	stream.indirect.gather [hbm4b:s4+s11], $0x80, s24, s11, $0xb8;
	[tilespmem:$0x1D000] =	vst v63  }
0x7f: {  	_ =	swait.ge [sflag:s14], $0x4000  }
0x80: {  	[sflag:s14] =	ssyncset.done $0x0  }
0x81: {  	[sflag:s14] =	ssyncadd.s32 $0xFFFFC000  }
0x82: {  	[spmem:s2] =	stream.indirect.scatter.add.f32 [tilespmem:s12], [sflag:$0x3], $0x80, s25, s11, $0xb8;
	[tilespmem:$0x1D000] =	vst v63  }
0x83: {  	_ =	swait.ge [sflag:s10], $0x4000  }
0x84: {  	[sflag:s10] =	ssyncset.done $0x0  }
0x85: {  	[sflag:s10] =	ssyncadd.s32 $0xFFFFC000  }
0x86: {  	[tilespmem:s12], [sflag:$0x1] =	stream.indirect.gather [hbm4b:s4+s11], $0x80, s26, s11, $0xb8;
	[tilespmem:$0x1D000] =	vst v63  }
0x87: {  	_ =	swait.ge [sflag:s15], $0x4000  }
0x88: {  	[sflag:s15] =	ssyncset.done $0x0  }
0x89: {  	[sflag:s15] =	ssyncadd.s32 $0xFFFFC000  }
0x8a: {  	[spmem:s2] =	stream.indirect.scatter.add.f32 [tilespmem:s13], [sflag:$0x3], $0x80, s28, s11, $0xb8;
	[tilespmem:$0x1D000] =	vst v63  }
0x8b: {  	_ =	swait.ge [sflag:s10], $0x4000  }
0x8c: {  	[sflag:s10] =	ssyncset.done $0x0  }
0x8d: {  	[sflag:s10] =	ssyncadd.s32 $0xFFFFC000  }
0x8e: {  	[tilespmem:s13], [sflag:$0x2] =	stream.indirect.gather [hbm4b:s4+s11], $0x80, s29, s11, $0xb8;
	[tilespmem:$0x1D000] =	vst v63  }
0x8f: {  	_ =	swait.ge [sflag:s14], $0x4000  }
0x90: {  	[sflag:s14] =	ssyncset.done $0x0  }
0x91: {  	[sflag:s14] =	ssyncadd.s32 $0xFFFFC000  }
0x92: {  	[spmem:s2] =	stream.indirect.scatter.add.f32 [tilespmem:s12], [sflag:$0x3], $0x80, s30, s11, $0xb8;
	[tilespmem:$0x1D000] =	vst v63  }
0x93: {  	_ =	swait.ge [sflag:s10], $0x4000  }
0x94: {  	[sflag:s10] =	ssyncset.done $0x0  }
0x95: {  	[sflag:s10] =	ssyncadd.s32 $0xFFFFC000  }
0x96: {  	[tilespmem:s12], [sflag:$0x1] =	stream.indirect.gather [hbm4b:s4+s11], $0x80, s31, s11, $0xb8;
	[tilespmem:$0x1D000] =	vst v63  }
0x97: {  	_ =	swait.ge [sflag:s15], $0x4000  }
0x98: {  	[sflag:s15] =	ssyncset.done $0x0  }
0x99: {  	[sflag:s15] =	ssyncadd.s32 $0xFFFFC000  }
0x9a: {  	[spmem:s2] =	stream.indirect.scatter.add.f32 [tilespmem:s13], [sflag:$0x3], $0x80, s0, s11, $0xb8;
	[tilespmem:$0x1D000] =	vst v63  }
0x9b: {  	_ =	swait.ge [sflag:s10], $0x4000  }
0x9c: {  	[sflag:s10] =	ssyncset.done $0x0  }
0x9d: {  	[sflag:s10] =	ssyncadd.s32 $0xFFFFC000  }
0x9e: {  	[tilespmem:s13], [sflag:$0x2] =	stream.indirect.gather [hbm4b:s4+s11], $0x80, s1, s11, $0xb8;
	[tilespmem:$0x1D000] =	vst v63  }
0x9f: {  	_ =	swait.ge [sflag:s14], $0x4000  }
0xa0: {  	[sflag:s14] =	ssyncset.done $0x0  }
0xa1: {  	[sflag:s14] =	ssyncadd.s32 $0xFFFFC000  }
0xa2: {  	[spmem:s2] =	stream.indirect.scatter.add.f32 [tilespmem:s12], [sflag:$0x3], $0x80, s5, s11, $0xb8;
	[tilespmem:$0x1D000] =	vst v63  }
0xa3: {  	_ =	swait.ge [sflag:s10], $0x4000  }
0xa4: {  	[sflag:s10] =	ssyncset.done $0x0  }
0xa5: {  	[sflag:s10] =	ssyncadd.s32 $0xFFFFC000  }
0xa6: {  	_ =	swait.ge [sflag:s15], $0x4000  }
0xa7: {  	[sflag:s15] =	ssyncset.done $0x0  }
0xa8: {  	[sflag:s15] =	ssyncadd.s32 $0xFFFFC000  }
0xa9: {  	[spmem:s2] =	stream.indirect.scatter.add.f32 [tilespmem:s13], [sflag:$0x3], $0x80, s7, s11, $0xb8;
	[tilespmem:$0x1D000] =	vst v63  }
0xaa: {  	s6 =	simm.s32 $0x200;
	_ =	swait.ge [sflag:s10], $0x4000  }
.LBB2_2:
0xab: {  	s9 =	rddreg [dreg:$0x4];
	s8 =	smov.u32 s6;
	[sflag:s10] =	ssyncset.done $0x0  }
0xac: {  	s8 =	sadd.s32 s8, s9;
	[sflag:s10] =	ssyncadd.s32 $0xFFFFC000  }
0xad: {  	[tilespmem:s3], [sflag:$0x3] =	stream.linear.gather [hbm4b:s8+s3], $0x1000, $0x38;
	[tilespmem:$0x1D000] =	vst v63  }
0xae: {  	_ =	swait.ge [sflag:s10], $0x1000  }
0xaf: {  	[sflag:s10] =	ssyncset.done $0x0  }
0xb0: {  	[sflag:s10] =	ssyncadd.s32 $0xFFFFF000  }
0xb1: {  	[tilespmem:s12], [sflag:$0x1] =	stream.indirect.gather [hbm4b:s4+s11], $0x80, s3, s11, $0xb8;
	[tilespmem:$0x1D000] =	vst v63  }
0xb2: {  	s9 =	rddreg [dreg:$0x5]  }
0xb3: {  	[tilespmem:s13], [sflag:$0x2] =	stream.indirect.gather [hbm4b:s4+s11], $0x80, s9, s11, $0xb8;
	[tilespmem:$0x1D000] =	vst v63  }
0xb4: {  	_ =	swait.ge [sflag:s14], $0x4000  }
0xb5: {  	[sflag:s14] =	ssyncset.done $0x0  }
0xb6: {  	[sflag:s14] =	ssyncadd.s32 $0xFFFFC000  }
0xb7: {  	[spmem:s2] =	stream.indirect.scatter.add.f32 [tilespmem:s12], [sflag:$0x3], $0x80, s11, s11, $0xb8;
	[tilespmem:$0x1D000] =	vst v63  }
0xb8: {  	_ =	swait.ge [sflag:s10], $0x4000  }
0xb9: {  	[sflag:s10] =	ssyncset.done $0x0  }
0xba: {  	s9 =	rddreg [dreg:$0x6];
	[sflag:s10] =	ssyncadd.s32 $0xFFFFC000  }
0xbb: {  	[tilespmem:s12], [sflag:$0x1] =	stream.indirect.gather [hbm4b:s4+s11], $0x80, s9, s11, $0xb8;
	[tilespmem:$0x1D000] =	vst v63  }
0xbc: {  	_ =	swait.ge [sflag:s15], $0x4000  }
0xbd: {  	[sflag:s15] =	ssyncset.done $0x0  }
0xbe: {  	s9 =	rddreg [dreg:$0x7];
	[sflag:s15] =	ssyncadd.s32 $0xFFFFC000  }
0xbf: {  	[spmem:s2] =	stream.indirect.scatter.add.f32 [tilespmem:s13], [sflag:$0x3], $0x80, s9, s11, $0xb8;
	[tilespmem:$0x1D000] =	vst v63  }
0xc0: {  	_ =	swait.ge [sflag:s10], $0x4000  }
0xc1: {  	[sflag:s10] =	ssyncset.done $0x0  }
0xc2: {  	s9 =	rddreg [dreg:$0x8];
	[sflag:s10] =	ssyncadd.s32 $0xFFFFC000  }
0xc3: {  	[tilespmem:s13], [sflag:$0x2] =	stream.indirect.gather [hbm4b:s4+s11], $0x80, s9, s11, $0xb8;
	[tilespmem:$0x1D000] =	vst v63  }
0xc4: {  	_ =	swait.ge [sflag:s14], $0x4000  }
0xc5: {  	[sflag:s14] =	ssyncset.done $0x0  }
0xc6: {  	s9 =	rddreg [dreg:$0x9];
	[sflag:s14] =	ssyncadd.s32 $0xFFFFC000  }
0xc7: {  	[spmem:s2] =	stream.indirect.scatter.add.f32 [tilespmem:s12], [sflag:$0x3], $0x80, s9, s11, $0xb8;
	[tilespmem:$0x1D000] =	vst v63  }
0xc8: {  	_ =	swait.ge [sflag:s10], $0x4000  }
0xc9: {  	[sflag:s10] =	ssyncset.done $0x0  }
0xca: {  	s9 =	rddreg [dreg:$0xa];
	[sflag:s10] =	ssyncadd.s32 $0xFFFFC000  }
0xcb: {  	[tilespmem:s12], [sflag:$0x1] =	stream.indirect.gather [hbm4b:s4+s11], $0x80, s9, s11, $0xb8;
	[tilespmem:$0x1D000] =	vst v63  }
0xcc: {  	_ =	swait.ge [sflag:s15], $0x4000  }
0xcd: {  	[sflag:s15] =	ssyncset.done $0x0  }
0xce: {  	s9 =	rddreg [dreg:$0xb];
	[sflag:s15] =	ssyncadd.s32 $0xFFFFC000  }
0xcf: {  	[spmem:s2] =	stream.indirect.scatter.add.f32 [tilespmem:s13], [sflag:$0x3], $0x80, s9, s11, $0xb8;
	[tilespmem:$0x1D000] =	vst v63  }
0xd0: {  	_ =	swait.ge [sflag:s10], $0x4000  }
0xd1: {  	[sflag:s10] =	ssyncset.done $0x0  }
0xd2: {  	s9 =	rddreg [dreg:$0xc];
	[sflag:s10] =	ssyncadd.s32 $0xFFFFC000  }
0xd3: {  	[tilespmem:s13], [sflag:$0x2] =	stream.indirect.gather [hbm4b:s4+s11], $0x80, s9, s11, $0xb8;
	[tilespmem:$0x1D000] =	vst v63  }
0xd4: {  	_ =	swait.ge [sflag:s14], $0x4000  }
0xd5: {  	[sflag:s14] =	ssyncset.done $0x0  }
0xd6: {  	s9 =	rddreg [dreg:$0xd];
	[sflag:s14] =	ssyncadd.s32 $0xFFFFC000  }
0xd7: {  	[spmem:s2] =	stream.indirect.scatter.add.f32 [tilespmem:s12], [sflag:$0x3], $0x80, s9, s11, $0xb8;
	[tilespmem:$0x1D000] =	vst v63  }
0xd8: {  	_ =	swait.ge [sflag:s10], $0x4000  }
0xd9: {  	[sflag:s10] =	ssyncset.done $0x0  }
0xda: {  	s9 =	rddreg [dreg:$0xe];
	[sflag:s10] =	ssyncadd.s32 $0xFFFFC000  }
0xdb: {  	[tilespmem:s12], [sflag:$0x1] =	stream.indirect.gather [hbm4b:s4+s11], $0x80, s9, s11, $0xb8;
	[tilespmem:$0x1D000] =	vst v63  }
0xdc: {  	_ =	swait.ge [sflag:s15], $0x4000  }
0xdd: {  	[sflag:s15] =	ssyncset.done $0x0  }
0xde: {  	s9 =	rddreg [dreg:$0xf];
	[sflag:s15] =	ssyncadd.s32 $0xFFFFC000  }
0xdf: {  	[spmem:s2] =	stream.indirect.scatter.add.f32 [tilespmem:s13], [sflag:$0x3], $0x80, s9, s11, $0xb8;
	[tilespmem:$0x1D000] =	vst v63  }
0xe0: {  	_ =	swait.ge [sflag:s10], $0x4000  }
0xe1: {  	[sflag:s10] =	ssyncset.done $0x0  }
0xe2: {  	[sflag:s10] =	ssyncadd.s32 $0xFFFFC000  }
0xe3: {  	[tilespmem:s13], [sflag:$0x2] =	stream.indirect.gather [hbm4b:s4+s11], $0x80, s16, s11, $0xb8;
	[tilespmem:$0x1D000] =	vst v63  }
0xe4: {  	_ =	swait.ge [sflag:s14], $0x4000  }
0xe5: {  	[sflag:s14] =	ssyncset.done $0x0  }
0xe6: {  	[sflag:s14] =	ssyncadd.s32 $0xFFFFC000  }
0xe7: {  	[spmem:s2] =	stream.indirect.scatter.add.f32 [tilespmem:s12], [sflag:$0x3], $0x80, s17, s11, $0xb8;
	[tilespmem:$0x1D000] =	vst v63  }
0xe8: {  	_ =	swait.ge [sflag:s10], $0x4000  }
0xe9: {  	[sflag:s10] =	ssyncset.done $0x0  }
0xea: {  	[sflag:s10] =	ssyncadd.s32 $0xFFFFC000  }
0xeb: {  	[tilespmem:s12], [sflag:$0x1] =	stream.indirect.gather [hbm4b:s4+s11], $0x80, s18, s11, $0xb8;
	[tilespmem:$0x1D000] =	vst v63  }
0xec: {  	_ =	swait.ge [sflag:s15], $0x4000  }
0xed: {  	[sflag:s15] =	ssyncset.done $0x0  }
0xee: {  	[sflag:s15] =	ssyncadd.s32 $0xFFFFC000  }
0xef: {  	[spmem:s2] =	stream.indirect.scatter.add.f32 [tilespmem:s13], [sflag:$0x3], $0x80, s19, s11, $0xb8;
	[tilespmem:$0x1D000] =	vst v63  }
0xf0: {  	_ =	swait.ge [sflag:s10], $0x4000  }
0xf1: {  	[sflag:s10] =	ssyncset.done $0x0  }
0xf2: {  	[sflag:s10] =	ssyncadd.s32 $0xFFFFC000  }
0xf3: {  	[tilespmem:s13], [sflag:$0x2] =	stream.indirect.gather [hbm4b:s4+s11], $0x80, s20, s11, $0xb8;
	[tilespmem:$0x1D000] =	vst v63  }
0xf4: {  	_ =	swait.ge [sflag:s14], $0x4000  }
0xf5: {  	[sflag:s14] =	ssyncset.done $0x0  }
0xf6: {  	[sflag:s14] =	ssyncadd.s32 $0xFFFFC000  }
0xf7: {  	[spmem:s2] =	stream.indirect.scatter.add.f32 [tilespmem:s12], [sflag:$0x3], $0x80, s21, s11, $0xb8;
	[tilespmem:$0x1D000] =	vst v63  }
0xf8: {  	_ =	swait.ge [sflag:s10], $0x4000  }
0xf9: {  	[sflag:s10] =	ssyncset.done $0x0  }
0xfa: {  	[sflag:s10] =	ssyncadd.s32 $0xFFFFC000  }
0xfb: {  	[tilespmem:s12], [sflag:$0x1] =	stream.indirect.gather [hbm4b:s4+s11], $0x80, s22, s11, $0xb8;
	[tilespmem:$0x1D000] =	vst v63  }
0xfc: {  	_ =	swait.ge [sflag:s15], $0x4000  }
0xfd: {  	[sflag:s15] =	ssyncset.done $0x0  }
0xfe: {  	[sflag:s15] =	ssyncadd.s32 $0xFFFFC000  }
0xff: {  	[spmem:s2] =	stream.indirect.scatter.add.f32 [tilespmem:s13], [sflag:$0x3], $0x80, s23, s11, $0xb8;
	[tilespmem:$0x1D000] =	vst v63  }
0x100: {  	_ =	swait.ge [sflag:s10], $0x4000  }
0x101: {  	[sflag:s10] =	ssyncset.done $0x0  }
0x102: {  	[sflag:s10] =	ssyncadd.s32 $0xFFFFC000  }
0x103: {  	[tilespmem:s13], [sflag:$0x2] =	stream.indirect.gather [hbm4b:s4+s11], $0x80, s24, s11, $0xb8;
	[tilespmem:$0x1D000] =	vst v63  }
0x104: {  	_ =	swait.ge [sflag:s14], $0x4000  }
0x105: {  	[sflag:s14] =	ssyncset.done $0x0  }
0x106: {  	[sflag:s14] =	ssyncadd.s32 $0xFFFFC000  }
0x107: {  	[spmem:s2] =	stream.indirect.scatter.add.f32 [tilespmem:s12], [sflag:$0x3], $0x80, s25, s11, $0xb8;
	[tilespmem:$0x1D000] =	vst v63  }
0x108: {  	_ =	swait.ge [sflag:s10], $0x4000  }
0x109: {  	[sflag:s10] =	ssyncset.done $0x0  }
0x10a: {  	[sflag:s10] =	ssyncadd.s32 $0xFFFFC000  }
0x10b: {  	[tilespmem:s12], [sflag:$0x1] =	stream.indirect.gather [hbm4b:s4+s11], $0x80, s26, s11, $0xb8;
	[tilespmem:$0x1D000] =	vst v63  }
0x10c: {  	_ =	swait.ge [sflag:s15], $0x4000  }
0x10d: {  	[sflag:s15] =	ssyncset.done $0x0  }
0x10e: {  	[sflag:s15] =	ssyncadd.s32 $0xFFFFC000  }
0x10f: {  	[spmem:s2] =	stream.indirect.scatter.add.f32 [tilespmem:s13], [sflag:$0x3], $0x80, s28, s11, $0xb8;
	[tilespmem:$0x1D000] =	vst v63  }
0x110: {  	_ =	swait.ge [sflag:s10], $0x4000  }
0x111: {  	[sflag:s10] =	ssyncset.done $0x0  }
0x112: {  	[sflag:s10] =	ssyncadd.s32 $0xFFFFC000  }
0x113: {  	[tilespmem:s13], [sflag:$0x2] =	stream.indirect.gather [hbm4b:s4+s11], $0x80, s29, s11, $0xb8;
	[tilespmem:$0x1D000] =	vst v63  }
0x114: {  	_ =	swait.ge [sflag:s14], $0x4000  }
0x115: {  	[sflag:s14] =	ssyncset.done $0x0  }
0x116: {  	[sflag:s14] =	ssyncadd.s32 $0xFFFFC000  }
0x117: {  	[spmem:s2] =	stream.indirect.scatter.add.f32 [tilespmem:s12], [sflag:$0x3], $0x80, s30, s11, $0xb8;
	[tilespmem:$0x1D000] =	vst v63  }
0x118: {  	_ =	swait.ge [sflag:s10], $0x4000  }
0x119: {  	[sflag:s10] =	ssyncset.done $0x0  }
0x11a: {  	[sflag:s10] =	ssyncadd.s32 $0xFFFFC000  }
0x11b: {  	[tilespmem:s12], [sflag:$0x1] =	stream.indirect.gather [hbm4b:s4+s11], $0x80, s31, s11, $0xb8;
	[tilespmem:$0x1D000] =	vst v63  }
0x11c: {  	_ =	swait.ge [sflag:s15], $0x4000  }
0x11d: {  	[sflag:s15] =	ssyncset.done $0x0  }
0x11e: {  	[sflag:s15] =	ssyncadd.s32 $0xFFFFC000  }
0x11f: {  	[spmem:s2] =	stream.indirect.scatter.add.f32 [tilespmem:s13], [sflag:$0x3], $0x80, s0, s11, $0xb8;
	[tilespmem:$0x1D000] =	vst v63  }
0x120: {  	_ =	swait.ge [sflag:s10], $0x4000  }
0x121: {  	[sflag:s10] =	ssyncset.done $0x0  }
0x122: {  	[sflag:s10] =	ssyncadd.s32 $0xFFFFC000  }
0x123: {  	[tilespmem:s13], [sflag:$0x2] =	stream.indirect.gather [hbm4b:s4+s11], $0x80, s1, s11, $0xb8;
	[tilespmem:$0x1D000] =	vst v63  }
0x124: {  	_ =	swait.ge [sflag:s14], $0x4000  }
0x125: {  	[sflag:s14] =	ssyncset.done $0x0  }
0x126: {  	[sflag:s14] =	ssyncadd.s32 $0xFFFFC000  }
0x127: {  	[spmem:s2] =	stream.indirect.scatter.add.f32 [tilespmem:s12], [sflag:$0x3], $0x80, s5, s11, $0xb8;
	[tilespmem:$0x1D000] =	vst v63  }
0x128: {  	_ =	swait.ge [sflag:s10], $0x4000  }
0x129: {  	[sflag:s10] =	ssyncset.done $0x0  }
0x12a: {  	p0 =	sne.s32 s6, $0x800;
	[sflag:s10] =	ssyncadd.s32 $0xFFFFC000  }
.Ltmp0:
0x12b: {  	_ =	swait.ge [sflag:s15], $0x4000;
	(pc) =	sbr.rel @p0 .LBB2_2-.Ltmp0, $4  }
0x12c: {  	[sflag:s15] =	ssyncset.done $0x0  }
0x12d: {  	[sflag:s15] =	ssyncadd.s32 $0xFFFFC000  }
0x12e: {  	[spmem:s2] =	stream.indirect.scatter.add.f32 [tilespmem:s13], [sflag:$0x3], $0x80, s7, s11, $0xb8;
	[tilespmem:$0x1D000] =	vst v63  }
0x12f: {  	s6 =	sadd.s32 $0x200, s6;
	_ =	swait.ge [sflag:s10], $0x4000  }
0x130: {  	[sflag:s10] =	ssyncset.done $0x0  }
0x131: {  	[sflag:s10] =	ssyncadd.s32 $0xFFFFC000  }
0x132: {  	[bflag:$0x0] =	sbarrier.arrive $0xFFFF  }
0x133: {  	s9 =	rddreg [dreg:$0x11]  }
0x134: {  	s6 =	rddreg [dreg:$0x12]  }
0x135: {  	s8 =	rddreg [dreg:$0x14]  }
0x136: {  	[hbm:s6], [sflag:s9] =	dma.local [spmem:s8], $0x2800  }
0x137: {  	_ =	swait.ge [sflag:s10], $0x2800  }
0x138: {  	s6 =	rddreg [dreg:$0x15]  }
0x139: {  	s9 =	sadd.s32 $0x1, s6;
	s6 =	rddreg [dreg:$0x13]  }
0x13a: {  	p0 =	sne.s32 s9, s6  }
.Ltmp1:
0x13b: {  	_ = 	snop;
	(pc) =	sbr.rel @p0 .LBB2_1-.Ltmp1, $3  }
0x13c: {  	_ =	sdelay $0x1  }
0x13d: {  	[sflag:s10] =	ssyncset.done $0x0;
	[dreg:$0x15] =	wrdreg s9  }
0x13e: {  	[sflag:s10] =	ssyncadd.s32 $0xFFFFD800;
	s9 =	rddreg [dreg:$0x11]  }
0x13f: {  	_ =	sfence.sel $0x180000  }
0x140: {  	[bflag:$0x0] =	sbarrier.arrive $0xFFFF  }
0x141: {  	_ =	strace $0x9000004D  }
0x142: {  	s0 =	stileid.u32;
	[bflag:$0x2] =	sbarrier.arrive $0xFFFF  }
0x143: {  	p0 =	sne.s32 s0, $0x0;
	s0 =	rddreg [dreg:$0x3]  }
0x144: {  	s0 =	sadd.s32 @!p0 $0x100000, s0  }
0x145: {  	[sflag:s0] =	ssyncadd.tile.s32 @!p0 $0x1;
	_ =	shalt  }
.Lfunc_end2:
_tile_overlayer_lowered:
.L_overlay_start_2:
0x146: {  	(tag) =	ssettag $0x2  }
0x147: {  	s0 =	rddreg [dreg:$0x0];
	s2 =	stileid.u32  }
0x148: {  	s1 =	rddreg [dreg:$0x1];
	p0 =	sne.s32 s2, $0x0  }
0x149: {  	s3 =	rddreg [dreg:$0x2];
	[bflag:$0x3] =	sbarrier.arrive $0xFFFF;
	s2 =	simm.s32 @!p0 $0x1C03  }
0x14a: {  	[timem:s3], [sflag:s2] =	dma.local @!p0 [hbm:s0], s1  }
0x14b: {  	s0 =	simm.s32 @!p0 $0x3  }
0x14c: {  	_ =	swait.ge @!p0 [sflag:s0], s1  }
0x14d: {  	s1 =	ssub.s32 @!p0 $0x0, s1;
	[sflag:s0] =	ssyncset.done @!p0 $0x0  }
0x14e: {  	[sflag:s0] =	ssyncadd.s32 @!p0 s1  }
0x14f: {  	[bflag:$0x3] =	sbarrier.arrive $0xFFFF  }
0x150: {  	_ =	shalt  }

// kernel: kernel.19.cloned.1.call-start
scs
__scs_entry_jumppad:
0x0: {  	(pc) =	sbr.rel $0x88, $3  }
0x1: {  	(tag) =	ssettag $0x0;
	lr =	simm.s32 $0x1  }
0x2: {  	[smem:$0x3F93] =	sst lr;
	_ =	strace $0xD0000000  }
0x3: {  	_ = 	snop  }
0x4: {  	_ = 	snop  }
0x5: {  	_ = 	snop  }
0x6: {  	_ = 	snop  }
0x7: {  	_ = 	snop  }
__scs_overlays_trampoline_lowered:
0x8: {  	[smem:$0x3FA2] =	sst s0  }
0x9: {  	[smem:$0x3FA3] =	sst s1  }
0xa: {  	[smem:$0x3FA4] =	sst s2  }
0xb: {  	[smem:$0x3FA5] =	sst s3  }
0xc: {  	[smem:$0x3FA6] =	sst s4  }
0xd: {  	[smem:$0x3FA7] =	sst s5  }
0xe: {  	[smem:$0x3FA8] =	sst s6  }
0xf: {  	[smem:$0x3FA9] =	sst s7  }
0x10: {  	[smem:$0x3FAA] =	sst s8  }
0x11: {  	[smem:$0x3FAB] =	sst s9;
	s0 =	simm.s32 @!p0 $0x0  }
0x12: {  	s1 =	sld [smem:$0x3F91];
	s0 =	simm.s32 @p0 $0x1  }
0x13: {  	[smem:$0x3FAC] =	sst s0;
	s0 =	simm.s32 @!p1 $0x0  }
0x14: {  	s2 =	sld [smem:$0x3F90];
	s0 =	simm.s32 @p1 $0x1  }
0x15: {  	[smem:$0x3FAD] =	sst s0;
	s0 =	simm.s32 @!p2 $0x0  }
0x16: {  	s3 =	sld [smem:$0x3FDB];
	s0 =	simm.s32 @p2 $0x1  }
0x17: {  	s4 =	simm.s32 $0x1BF5;
	[smem:$0x3FAF] =	sst s0  }
0x18: {  	s0 =	sld [smem:$0x3F92];
	_ =	swait.ge [sflag:s4], $0x0  }
0x19: {  	s7 =	sld [smem:$0x3F93]  }
0x1a: {  	s8 =	sadd.s32 $0xFFFFE003, lr  }
0x1b: {  	s9 =	sadd.s32 $0xFFFFFEF7, lr;
	s5 =	simm.s32 $0xFFFFFFFF;
	p2 =	slt.u32 s8, $0xFFFFF086  }
0x1c: {  	p1 =	slt.u32 s9, $0xF7A;
	s5 =	simm.s32 @!p2 $0x0  }
0x1d: {  	s5 =	simm.s32 @p1 $0x1;
	p0 =	seq.s32 s7, s2  }
0x1e: {  	s7 =	smul.u32 @!p0 $0xF7A, s2;
	p2 =	seq.s32 @!p0 s5, $0x0  }
0x1f: {  	s9 =	smul.u32 $0xF7A, s1;
	s8 =	simm.s32 @!p0 $0x1BF5;
	p2 =	por !p2, p0  }
0x20: {  	[sflag:s8] =	ssyncset.s32 @!p0 $0xFFFFF086;
	s6 =	sadd.s32 @!p0 s3, s7;
	s7 =	simm.s32 @!p0 $0x108  }
0x21: {  	s3 =	sadd.s32 s3, s9;
	s6 =	sadd.s32 @!p0 $0x88, s6;
	s7 =	simm.s32 @p2 $0x1082  }
0x22: {  	[simem:s7], [sflag:s8] =	dma.local @!p0 [hbm:s6], $0xF7A  }
0x23: {  	s9 =	sor.u32 $0xD0000000, s2;
	s6 =	simm.s32 $0x108;
	_ =	swait.ge @!p0 [sflag:s8], $0x0  }
0x24: {  	s3 =	sadd.s32 $0x88, s3;
	s6 =	simm.s32 @!p1 $0x1082;
	[sflag:s4] =	ssyncset.s32 $0xFFFFF086  }
0x25: {  	[simem:s6], [sflag:s4] =	dma.local [hbm:s3], $0xF7A  }
0x26: {  	[smem:$0x3F93] =	sst s1;
	(tag) =	ssettag s2;
	_ =	strace s9  }
0x27: {  	s1 =	sld [smem:$0x3FA3]  }
0x28: {  	s2 =	sld [smem:$0x3FA4]  }
0x29: {  	s4 =	sld [smem:$0x3FA6]  }
0x2a: {  	p0 =	seq.s32 s5, $0x0;
	s5 =	sld [smem:$0x3FA7]  }
0x2b: {  	s6 =	sld [smem:$0x3FA8]  }
0x2c: {  	s7 =	sld [smem:$0x3FA9]  }
0x2d: {  	s3 =	simm.s32 $0x108;
	s8 =	sld [smem:$0x3FAA]  }
0x2e: {  	s3 =	simm.s32 @!p0 $0x1082;
	s9 =	sld [smem:$0x3FAB]  }
0x2f: {  	lr =	sadd.s32 s0, s3;
	s0 =	sld [smem:$0x3FA2]  }
0x30: {  	s3 =	sld [smem:$0x3FA5]  }
0x31: {  	[smem:$0x3FAE] =	sst s10  }
0x32: {  	s10 =	sld [smem:$0x3FAC];
	_ =	sdelay $0x3  }
0x33: {  	p0 =	seq.s32 s10, $0x1;
	s10 =	sld [smem:$0x3FAE];
	_ =	sdelay $0x3  }
0x34: {  	[smem:$0x3FAE] =	sst s10  }
0x35: {  	s10 =	sld [smem:$0x3FAD];
	_ =	sdelay $0x3  }
0x36: {  	p1 =	seq.s32 s10, $0x1;
	s10 =	sld [smem:$0x3FAE];
	_ =	sdelay $0x3  }
0x37: {  	[smem:$0x3FAE] =	sst s10  }
0x38: {  	s10 =	sld [smem:$0x3FAF]  }
0x39: {  	_ = 	snop;
	(pc) =	sbr.ind lr, $3  }
0x3a: {  	_ = 	snop  }
0x3b: {  	_ = 	snop  }
0x3c: {  	p2 =	seq.s32 s10, $0x1;
	s10 =	sld [smem:$0x3FAE]  }
0x3d: {  	_ =	shalt  }
0x3e: {  	_ =	shalt  }
0x3f: {  	_ =	shalt  }
0x40: {  	_ =	shalt  }
0x41: {  	_ =	shalt  }
0x42: {  	_ =	shalt  }
0x43: {  	_ =	shalt  }
0x44: {  	_ =	shalt  }
0x45: {  	_ =	shalt  }
0x46: {  	_ =	shalt  }
0x47: {  	_ =	shalt  }
0x48: {  	_ =	shalt  }
0x49: {  	_ =	shalt  }
0x4a: {  	_ =	shalt  }
0x4b: {  	_ =	shalt  }
0x4c: {  	_ =	shalt  }
0x4d: {  	_ =	shalt  }
0x4e: {  	_ =	shalt  }
0x4f: {  	_ =	shalt  }
0x50: {  	_ =	shalt  }
0x51: {  	_ =	shalt  }
0x52: {  	_ =	shalt  }
0x53: {  	_ =	shalt  }
0x54: {  	_ =	shalt  }
0x55: {  	_ =	shalt  }
0x56: {  	_ =	shalt  }
0x57: {  	_ =	shalt  }
0x58: {  	_ =	shalt  }
0x59: {  	_ =	shalt  }
0x5a: {  	_ =	shalt  }
0x5b: {  	_ =	shalt  }
0x5c: {  	_ =	shalt  }
0x5d: {  	_ =	shalt  }
0x5e: {  	_ =	shalt  }
0x5f: {  	_ =	shalt  }
0x60: {  	_ =	shalt  }
0x61: {  	_ =	shalt  }
0x62: {  	_ =	shalt  }
0x63: {  	_ =	shalt  }
0x64: {  	_ =	shalt  }
0x65: {  	_ =	shalt  }
0x66: {  	_ =	shalt  }
0x67: {  	_ =	shalt  }
0x68: {  	_ =	shalt  }
0x69: {  	_ =	shalt  }
0x6a: {  	_ =	shalt  }
0x6b: {  	_ =	shalt  }
0x6c: {  	_ =	shalt  }
0x6d: {  	_ =	shalt  }
0x6e: {  	_ =	shalt  }
0x6f: {  	_ =	shalt  }
0x70: {  	_ =	shalt  }
0x71: {  	_ =	shalt  }
0x72: {  	_ =	shalt  }
0x73: {  	_ =	shalt  }
0x74: {  	_ =	shalt  }
0x75: {  	_ =	shalt  }
0x76: {  	_ =	shalt  }
0x77: {  	_ =	shalt  }
0x78: {  	_ =	shalt  }
0x79: {  	_ =	shalt  }
0x7a: {  	_ =	shalt  }
0x7b: {  	_ =	shalt  }
0x7c: {  	_ =	shalt  }
0x7d: {  	_ =	shalt  }
0x7e: {  	_ =	shalt  }
0x7f: {  	_ =	shalt  }
0x80: {  	_ =	shalt  }
0x81: {  	_ =	shalt  }
0x82: {  	_ =	shalt  }
0x83: {  	_ =	shalt  }
0x84: {  	_ =	shalt  }
0x85: {  	_ =	shalt  }
0x86: {  	_ =	shalt  }
0x87: {  	_ =	shalt  }
.Lfunc_end0:
.L_simem_size_0:
called_computation.3_lowered:
.L_overlay_start_0:
0x88: {  	s2 =	sld [smem:$0x3FD9]  }
0x89: {  	s3 =	sld [smem:$0x3FFE];
	_ =	sdelay $0x1  }
0x8a: {  	s1 =	srdreg.scid  }
0x8b: {  	s0 =	sand.u32 $0x1, s1  }
0x8c: {  	s17 =	sshll.u32 s0, $0xA;
	s2 =	sadd.s32 s3, s2  }
0x8d: {  	s2 =	sadd.s32 s2, s17  }
0x8e: {  	[smem:$0x3FBA] =	sst s2  }
0x8f: {  	_ = 	snop  }
0x90: {  	s2 =	sld [smem:$0x3FD0];
	(tm) =	ssettm $0x1  }
0x91: {  	s18 =	sld [smem:$0x3FFB];
	_ =	sdelay $0x3  }
0x92: {  	_ =	strace s18  }
0x93: {  	s3 =	sld [smem:$0x3FFC];
	_ =	sdelay $0x3  }
0x94: {  	_ =	strace s3  }
0x95: {  	s3 =	sld [smem:$0x3FFD];
	_ =	sdelay $0x3  }
0x96: {  	_ =	strace s3  }
0x97: {  	_ =	strace $0x8FFFFFFF  }
0x98: {  	s19 =	sld [smem:$0x3FDB];
	_ =	sdelay $0x1  }
0x99: {  	s4 =	simm.s32 $_scs_section_size  }
0x9a: {  	s5 =	simm.s32 $_size__tile_overlayer_lowered;
	s6 =	simm.s32 $_tile_overlayer_lowered  }
0x9b: {  	s22 =	simm.s32 $0x1BFF;
	s21 =	sshll.u32 s6, $0x1;
	s3 =	sadd.s32 s4, s19  }
0x9c: {  	s7 =	simm.s32 $0x0;
	s20 =	sshll.u32 s5, $0x1;
	s5 =	sadd.s32 s21, s3  }
0x9d: {  	[timem:s7], [sflag:s22] =	dma.local [hbm:s5], s20  }
0x9e: {  	_ =	swait.ge [sflag:s22], s20  }
0x9f: {  	s4 =	ssub.s32 $0x0, s20;
	[sflag:s22] =	ssyncset.done $0x0  }
0xa0: {  	[sflag:s22] =	ssyncadd.s32 s4;
	_ =	sdelay $0x1  }
0xa1: {  	s23 =	simm.s32 $0x1B8B  }
0xa2: {  	_ =	swait.ge [sflag:s23], $0x1  }
0xa3: {  	[sflag:s23] =	ssyncset.done $0x0  }
0xa4: {  	s25 =	simm.s32 $0x1B8E;
	s24 =	sld [smem:$0x3FFE];
	[sflag:s23] =	ssyncadd.s32 $0xFFFFFFFF  }
0xa5: {  	s26 =	simm.s32 $execute0_lowered;
	[smem:$0x3FD2] =	sst s25  }
0xa6: {  	s5 =	sshll.u32 s26, $0x1;
	_ =	strace $0x8000004F;
	[dreg:$0x1] =	wrdreg $0xFFFFFFFF  }
0xa7: {  	s28 =	simm.s32 $_size_execute0_lowered;
	s3 =	sadd.s32 s3, s5;
	[dreg:$0x0] =	wrdreg $0x0  }
0xa8: {  	s5 =	sshll.u32 s28, $0x1;
	[dreg:$0x2] =	wrdreg s3  }
0xa9: {  	[dreg:$0x3] =	wrdreg s5  }
0xaa: {  	[dreg:$0x4] =	wrdreg $0xC0  }
0xab: {  	_ =	task [dreg:s7], $0x5FFFF  }
0xac: {  	[dreg:$0x1] =	wrdreg $0xFFFFFFFF  }
0xad: {  	[dreg:$0x0] =	wrdreg $0x60  }
0xae: {  	[dreg:$0x2] =	wrdreg s24  }
0xaf: {  	[dreg:$0x3] =	wrdreg s2  }
0xb0: {  	[dreg:$0x4] =	wrdreg $0x90000  }
0xb1: {  	[dreg:$0x5] =	wrdreg $0x9  }
0xb2: {  	_ =	task.clear_ibuf [dreg:s7], $0x6FFFF;
	_ =	strace $0x9000004F  }
0xb3: {  	s29 =	simm.s32 $0x9;
	_ =	strace $0x80000051  }
0xb4: {  	_ =	swait.ge [sflag:s29], $0x1  }
0xb5: {  	[sflag:s29] =	ssyncadd.s32 $0xFFFFFFFF  }
0xb6: {  	_ =	strace $0x90000051  }
0xb7: {  	_ =	sfence  }
0xb8: {  	s30 =	sld [smem:$0x0];
	_ =	sdelay $0x2  }
0xb9: {  	s31 =	sshll.u32 s1, $0xD;
	s1 =	sshrl.u32 s1, $0x2  }
0xba: {  	s3 =	sand.u32 $0x4000, s31;
	s1 =	sadd.s32 s1, s30  }
0xbb: {  	s0 =	sor.u32 s3, s0;
	s1 =	sshll.u32 s1, $0x11  }
0xbc: {  	s0 =	sor.u32 s1, s0  }
0xbd: {  	s0 =	sadd.s32 $0x8F2B, s0  }
0xbe: {  	[sflag:s0] =	ssyncadd.remote.s32 $0x1  }
0xbf: {  	_ =	sfence.sel $0xFFFF  }
0xc0: {  	[dreg:$0x0] =	wrdreg $0xFFFFFFFF;
	(pc) =	sbr.abs _section_cstart, $3  }
0xc1: {  	[dreg:$0x1] =	wrdreg $0xFFFFFFFF  }
0xc2: {  	_ =	task.clear_ibuf [dreg:s7], $0x2FFFF;
	_ =	strace $0x9FFFFFFF  }
0xc3: {  	(tm) =	ssettm $0x7FFFFFFF  }
tec
execute0_lowered:
.L_overlay_start_1:
0x0: {  	(tag) =	ssettag $0x1  }
0x1: {  	s0 =	rddreg [dreg:$0x0]  }
0x2: {  	s1 =	rddreg [dreg:$0x1]  }
0x3: {  	s2 =	rddreg [dreg:$0x2];
	s4 =	srdreg.scid  }
0x4: {  	s12 =	stileid.u32;
	s3 =	simm.s32 $0x0;
	s15 =	simm.s32 $0x100  }
0x5: {  	s16 =	simm.s32 $0x200;
	s17 =	simm.s32 $0x180;
	s19 =	simm.s32 $0x300  }
0x6: {  	s20 =	simm.s32 $0x280;
	s21 =	simm.s32 $0x400;
	[smem:$0x7FF] =	sst s3  }
0x7: {  	s22 =	simm.s32 $0x380;
	_ =	strace $0x80000050;
	[dreg:$0x5] =	wrdreg s15  }
0x8: {  	s23 =	simm.s32 $0x500;
	s24 =	simm.s32 $0x480;
	[dreg:$0x6] =	wrdreg s16  }
0x9: {  	s25 =	simm.s32 $0x600;
	s26 =	simm.s32 $0x580;
	[dreg:$0x7] =	wrdreg s17  }
0xa: {  	s28 =	simm.s32 $0xB80;
	s29 =	simm.s32 $0xD00;
	[dreg:$0x8] =	wrdreg s19  }
0xb: {  	s30 =	simm.s32 $0xC80;
	s31 =	simm.s32 $0xE00;
	[dreg:$0x9] =	wrdreg s20  }
0xc: {  	s5 =	sand.u32 $0x1, s4;
	s6 =	smul.u32 $0x14000, s12;
	[dreg:$0xa] =	wrdreg s21  }
0xd: {  	s4 =	sadd.s32 $0x3E00, s0;
	s8 =	smul.u32 $0xA000, s12;
	[dreg:$0xb] =	wrdreg s22  }
0xe: {  	s11 =	smul.u32 $0x50000, s12;
	s14 =	sshll.u32 s12, $0x6;
	[dreg:$0xc] =	wrdreg s23  }
0xf: {  	s12 =	simm.s32 $0x1000;
	s7 =	smul.u32 $0x140000, s5;
	[dreg:$0xd] =	wrdreg s24  }
0x10: {  	s9 =	ssub.s32 $0x2, s5;
	s5 =	smul.u32 $0x5000, s5;
	[dreg:$0xe] =	wrdreg s25  }
0x11: {  	s15 =	simm.s32 $0x2;
	[dreg:$0xf] =	wrdreg s26;
	s16 =	simm.s32 $0x700  }
0x12: {  	s17 =	simm.s32 $0x680;
	s19 =	simm.s32 $0x780;
	s20 =	simm.s32 $0x900  }
0x13: {  	s21 =	simm.s32 $0x880;
	s22 =	simm.s32 $0xA00;
	s23 =	simm.s32 $0x980  }
0x14: {  	s24 =	simm.s32 $0xB00;
	s25 =	simm.s32 $0xA80;
	s26 =	simm.s32 $0xC00  }
0x15: {  	s10 =	sshrl.u32 s9, $0x1;
	s13 =	sshrl.u32 s11, $0x2;
	s11 =	simm.s32 $0x80  }
0x16: {  	s7 =	sadd.s32 s6, s7;
	s10 =	ssub.s32 s9, s10;
	s5 =	sadd.s32 s5, s8  }
0x17: {  	s6 =	sshrl.u32 s6, $0x3;
	s8 =	sadd.s32 s13, s2;
	s9 =	sor.u32 $0x1C03, s14  }
0x18: {  	s13 =	simm.s32 $0x5000;
	s14 =	simm.s32 $0x1;
	s7 =	sshrl.u32 s7, $0x3  }
0x19: {  	s5 =	sshrl.u32 s5, $0x3;
	s6 =	sadd.s32 s4, s6;
	[dreg:$0x11] =	wrdreg s9  }
0x1a: {  	s18 =	smax.u32 s10, $0x1;
	s8 =	sshrl.u32 s8, $0x3;
	[dreg:$0x10] =	wrdreg s6  }
0x1b: {  	s10 =	simm.s32 $0x3;
	s0 =	sadd.s32 s7, s0;
	[dreg:$0x13] =	wrdreg s18  }
0x1c: {  	s1 =	sadd.s32 s5, s1;
	s18 =	simm.s32 $0x800;
	[dreg:$0x14] =	wrdreg s8  }
0x1d: {  	s5 =	simm.s32 $0xE80;
	s6 =	simm.s32 $0x0;
	[dreg:$0x4] =	wrdreg s1  }
0x1e: {  	s7 =	simm.s32 $0xF80;
	s0 =	sadd.s32 $0x2BE00, s0;
	[dreg:$0x15] =	wrdreg s6  }
0x1f: {  	s1 =	simm.s32 $0xF00;
	[dreg:$0x12] =	wrdreg s0;
	s0 =	simm.s32 $0xD80  }
.LBB2_1:
0x20: {  	s6 =	rddreg [dreg:$0x10]  }
0x21: {  	[spmem:s8], [sflag:s9] =	dma.local [hbm:s6], $0x2800  }
0x22: {  	_ =	swait.ge [sflag:s10], $0x2800  }
0x23: {  	[sflag:s10] =	ssyncset.done $0x0  }
0x24: {  	[sflag:s10] =	ssyncadd.s32 $0xFFFFD800  }
0x25: {  	[bflag:$0x0] =	sbarrier.arrive $0xFFFF  }
0x26: {  	s8 =	rddreg [dreg:$0x4]  }
0x27: {  	s6 =	sadd.s32 $0x0, s8  }
0x28: {  	[tilespmem:s3], [sflag:$0x3] =	stream.linear.gather [hbm4b:s6+s3], $0x1000, $0x38;
	[tilespmem:$0x1D000] =	vst v63  }
0x29: {  	_ =	swait.ge [sflag:s10], $0x1000  }
0x2a: {  	[sflag:s10] =	ssyncset.done $0x0  }
0x2b: {  	[sflag:s10] =	ssyncadd.s32 $0xFFFFF000  }
0x2c: {  	[tilespmem:s12], [sflag:$0x1] =	stream.indirect.gather [hbm4b:s4+s11], $0x80, s3, s11, $0xb8;
	[tilespmem:$0x1D000] =	vst v63  }
0x2d: {  	s9 =	rddreg [dreg:$0x5]  }
0x2e: {  	[tilespmem:s13], [sflag:$0x2] =	stream.indirect.gather [hbm4b:s4+s11], $0x80, s9, s11, $0xb8;
	[tilespmem:$0x1D000] =	vst v63  }
0x2f: {  	_ =	swait.ge [sflag:s14], $0x4000  }
0x30: {  	[sflag:s14] =	ssyncset.done $0x0  }
0x31: {  	[sflag:s14] =	ssyncadd.s32 $0xFFFFC000  }
0x32: {  	[spmem:s2] =	stream.indirect.scatter.add.f32 [tilespmem:s12], [sflag:$0x3], $0x80, s11, s11, $0xb8;
	[tilespmem:$0x1D000] =	vst v63  }
0x33: {  	_ =	swait.ge [sflag:s10], $0x4000  }
0x34: {  	[sflag:s10] =	ssyncset.done $0x0  }
0x35: {  	s8 =	rddreg [dreg:$0x6];
	[sflag:s10] =	ssyncadd.s32 $0xFFFFC000  }
0x36: {  	[tilespmem:s12], [sflag:$0x1] =	stream.indirect.gather [hbm4b:s4+s11], $0x80, s8, s11, $0xb8;
	[tilespmem:$0x1D000] =	vst v63  }
0x37: {  	_ =	swait.ge [sflag:s15], $0x4000  }
0x38: {  	[sflag:s15] =	ssyncset.done $0x0  }
0x39: {  	s9 =	rddreg [dreg:$0x7];
	[sflag:s15] =	ssyncadd.s32 $0xFFFFC000  }
0x3a: {  	[spmem:s2] =	stream.indirect.scatter.add.f32 [tilespmem:s13], [sflag:$0x3], $0x80, s9, s11, $0xb8;
	[tilespmem:$0x1D000] =	vst v63  }
0x3b: {  	_ =	swait.ge [sflag:s10], $0x4000  }
0x3c: {  	[sflag:s10] =	ssyncset.done $0x0  }
0x3d: {  	s8 =	rddreg [dreg:$0x8];
	[sflag:s10] =	ssyncadd.s32 $0xFFFFC000  }
0x3e: {  	[tilespmem:s13], [sflag:$0x2] =	stream.indirect.gather [hbm4b:s4+s11], $0x80, s8, s11, $0xb8;
	[tilespmem:$0x1D000] =	vst v63  }
0x3f: {  	_ =	swait.ge [sflag:s14], $0x4000  }
0x40: {  	[sflag:s14] =	ssyncset.done $0x0  }
0x41: {  	s9 =	rddreg [dreg:$0x9];
	[sflag:s14] =	ssyncadd.s32 $0xFFFFC000  }
0x42: {  	[spmem:s2] =	stream.indirect.scatter.add.f32 [tilespmem:s12], [sflag:$0x3], $0x80, s9, s11, $0xb8;
	[tilespmem:$0x1D000] =	vst v63  }
0x43: {  	_ =	swait.ge [sflag:s10], $0x4000  }
0x44: {  	[sflag:s10] =	ssyncset.done $0x0  }
0x45: {  	s8 =	rddreg [dreg:$0xa];
	[sflag:s10] =	ssyncadd.s32 $0xFFFFC000  }
0x46: {  	[tilespmem:s12], [sflag:$0x1] =	stream.indirect.gather [hbm4b:s4+s11], $0x80, s8, s11, $0xb8;
	[tilespmem:$0x1D000] =	vst v63  }
0x47: {  	_ =	swait.ge [sflag:s15], $0x4000  }
0x48: {  	[sflag:s15] =	ssyncset.done $0x0  }
0x49: {  	s9 =	rddreg [dreg:$0xb];
	[sflag:s15] =	ssyncadd.s32 $0xFFFFC000  }
0x4a: {  	[spmem:s2] =	stream.indirect.scatter.add.f32 [tilespmem:s13], [sflag:$0x3], $0x80, s9, s11, $0xb8;
	[tilespmem:$0x1D000] =	vst v63  }
0x4b: {  	_ =	swait.ge [sflag:s10], $0x4000  }
0x4c: {  	[sflag:s10] =	ssyncset.done $0x0  }
0x4d: {  	s8 =	rddreg [dreg:$0xc];
	[sflag:s10] =	ssyncadd.s32 $0xFFFFC000  }
0x4e: {  	[tilespmem:s13], [sflag:$0x2] =	stream.indirect.gather [hbm4b:s4+s11], $0x80, s8, s11, $0xb8;
	[tilespmem:$0x1D000] =	vst v63  }
0x4f: {  	_ =	swait.ge [sflag:s14], $0x4000  }
0x50: {  	[sflag:s14] =	ssyncset.done $0x0  }
0x51: {  	s9 =	rddreg [dreg:$0xd];
	[sflag:s14] =	ssyncadd.s32 $0xFFFFC000  }
0x52: {  	[spmem:s2] =	stream.indirect.scatter.add.f32 [tilespmem:s12], [sflag:$0x3], $0x80, s9, s11, $0xb8;
	[tilespmem:$0x1D000] =	vst v63  }
0x53: {  	_ =	swait.ge [sflag:s10], $0x4000  }
0x54: {  	[sflag:s10] =	ssyncset.done $0x0  }
0x55: {  	s8 =	rddreg [dreg:$0xe];
	[sflag:s10] =	ssyncadd.s32 $0xFFFFC000  }
0x56: {  	[tilespmem:s12], [sflag:$0x1] =	stream.indirect.gather [hbm4b:s4+s11], $0x80, s8, s11, $0xb8;
	[tilespmem:$0x1D000] =	vst v63  }
0x57: {  	_ =	swait.ge [sflag:s15], $0x4000  }
0x58: {  	[sflag:s15] =	ssyncset.done $0x0  }
0x59: {  	s9 =	rddreg [dreg:$0xf];
	[sflag:s15] =	ssyncadd.s32 $0xFFFFC000  }
0x5a: {  	[spmem:s2] =	stream.indirect.scatter.add.f32 [tilespmem:s13], [sflag:$0x3], $0x80, s9, s11, $0xb8;
	[tilespmem:$0x1D000] =	vst v63  }
0x5b: {  	_ =	swait.ge [sflag:s10], $0x4000  }
0x5c: {  	[sflag:s10] =	ssyncset.done $0x0  }
0x5d: {  	[sflag:s10] =	ssyncadd.s32 $0xFFFFC000  }
0x5e: {  	[tilespmem:s13], [sflag:$0x2] =	stream.indirect.gather [hbm4b:s4+s11], $0x80, s16, s11, $0xb8;
	[tilespmem:$0x1D000] =	vst v63  }
0x5f: {  	_ =	swait.ge [sflag:s14], $0x4000  }
0x60: {  	[sflag:s14] =	ssyncset.done $0x0  }
0x61: {  	[sflag:s14] =	ssyncadd.s32 $0xFFFFC000  }
0x62: {  	[spmem:s2] =	stream.indirect.scatter.add.f32 [tilespmem:s12], [sflag:$0x3], $0x80, s17, s11, $0xb8;
	[tilespmem:$0x1D000] =	vst v63  }
0x63: {  	_ =	swait.ge [sflag:s10], $0x4000  }
0x64: {  	[sflag:s10] =	ssyncset.done $0x0  }
0x65: {  	[sflag:s10] =	ssyncadd.s32 $0xFFFFC000  }
0x66: {  	[tilespmem:s12], [sflag:$0x1] =	stream.indirect.gather [hbm4b:s4+s11], $0x80, s18, s11, $0xb8;
	[tilespmem:$0x1D000] =	vst v63  }
0x67: {  	_ =	swait.ge [sflag:s15], $0x4000  }
0x68: {  	[sflag:s15] =	ssyncset.done $0x0  }
0x69: {  	[sflag:s15] =	ssyncadd.s32 $0xFFFFC000  }
0x6a: {  	[spmem:s2] =	stream.indirect.scatter.add.f32 [tilespmem:s13], [sflag:$0x3], $0x80, s19, s11, $0xb8;
	[tilespmem:$0x1D000] =	vst v63  }
0x6b: {  	_ =	swait.ge [sflag:s10], $0x4000  }
0x6c: {  	[sflag:s10] =	ssyncset.done $0x0  }
0x6d: {  	[sflag:s10] =	ssyncadd.s32 $0xFFFFC000  }
0x6e: {  	[tilespmem:s13], [sflag:$0x2] =	stream.indirect.gather [hbm4b:s4+s11], $0x80, s20, s11, $0xb8;
	[tilespmem:$0x1D000] =	vst v63  }
0x6f: {  	_ =	swait.ge [sflag:s14], $0x4000  }
0x70: {  	[sflag:s14] =	ssyncset.done $0x0  }
0x71: {  	[sflag:s14] =	ssyncadd.s32 $0xFFFFC000  }
0x72: {  	[spmem:s2] =	stream.indirect.scatter.add.f32 [tilespmem:s12], [sflag:$0x3], $0x80, s21, s11, $0xb8;
	[tilespmem:$0x1D000] =	vst v63  }
0x73: {  	_ =	swait.ge [sflag:s10], $0x4000  }
0x74: {  	[sflag:s10] =	ssyncset.done $0x0  }
0x75: {  	[sflag:s10] =	ssyncadd.s32 $0xFFFFC000  }
0x76: {  	[tilespmem:s12], [sflag:$0x1] =	stream.indirect.gather [hbm4b:s4+s11], $0x80, s22, s11, $0xb8;
	[tilespmem:$0x1D000] =	vst v63  }
0x77: {  	_ =	swait.ge [sflag:s15], $0x4000  }
0x78: {  	[sflag:s15] =	ssyncset.done $0x0  }
0x79: {  	[sflag:s15] =	ssyncadd.s32 $0xFFFFC000  }
0x7a: {  	[spmem:s2] =	stream.indirect.scatter.add.f32 [tilespmem:s13], [sflag:$0x3], $0x80, s23, s11, $0xb8;
	[tilespmem:$0x1D000] =	vst v63  }
0x7b: {  	_ =	swait.ge [sflag:s10], $0x4000  }
0x7c: {  	[sflag:s10] =	ssyncset.done $0x0  }
0x7d: {  	[sflag:s10] =	ssyncadd.s32 $0xFFFFC000  }
0x7e: {  	[tilespmem:s13], [sflag:$0x2] =	stream.indirect.gather [hbm4b:s4+s11], $0x80, s24, s11, $0xb8;
	[tilespmem:$0x1D000] =	vst v63  }
0x7f: {  	_ =	swait.ge [sflag:s14], $0x4000  }
0x80: {  	[sflag:s14] =	ssyncset.done $0x0  }
0x81: {  	[sflag:s14] =	ssyncadd.s32 $0xFFFFC000  }
0x82: {  	[spmem:s2] =	stream.indirect.scatter.add.f32 [tilespmem:s12], [sflag:$0x3], $0x80, s25, s11, $0xb8;
	[tilespmem:$0x1D000] =	vst v63  }
0x83: {  	_ =	swait.ge [sflag:s10], $0x4000  }
0x84: {  	[sflag:s10] =	ssyncset.done $0x0  }
0x85: {  	[sflag:s10] =	ssyncadd.s32 $0xFFFFC000  }
0x86: {  	[tilespmem:s12], [sflag:$0x1] =	stream.indirect.gather [hbm4b:s4+s11], $0x80, s26, s11, $0xb8;
	[tilespmem:$0x1D000] =	vst v63  }
0x87: {  	_ =	swait.ge [sflag:s15], $0x4000  }
0x88: {  	[sflag:s15] =	ssyncset.done $0x0  }
0x89: {  	[sflag:s15] =	ssyncadd.s32 $0xFFFFC000  }
0x8a: {  	[spmem:s2] =	stream.indirect.scatter.add.f32 [tilespmem:s13], [sflag:$0x3], $0x80, s28, s11, $0xb8;
	[tilespmem:$0x1D000] =	vst v63  }
0x8b: {  	_ =	swait.ge [sflag:s10], $0x4000  }
0x8c: {  	[sflag:s10] =	ssyncset.done $0x0  }
0x8d: {  	[sflag:s10] =	ssyncadd.s32 $0xFFFFC000  }
0x8e: {  	[tilespmem:s13], [sflag:$0x2] =	stream.indirect.gather [hbm4b:s4+s11], $0x80, s29, s11, $0xb8;
	[tilespmem:$0x1D000] =	vst v63  }
0x8f: {  	_ =	swait.ge [sflag:s14], $0x4000  }
0x90: {  	[sflag:s14] =	ssyncset.done $0x0  }
0x91: {  	[sflag:s14] =	ssyncadd.s32 $0xFFFFC000  }
0x92: {  	[spmem:s2] =	stream.indirect.scatter.add.f32 [tilespmem:s12], [sflag:$0x3], $0x80, s30, s11, $0xb8;
	[tilespmem:$0x1D000] =	vst v63  }
0x93: {  	_ =	swait.ge [sflag:s10], $0x4000  }
0x94: {  	[sflag:s10] =	ssyncset.done $0x0  }
0x95: {  	[sflag:s10] =	ssyncadd.s32 $0xFFFFC000  }
0x96: {  	[tilespmem:s12], [sflag:$0x1] =	stream.indirect.gather [hbm4b:s4+s11], $0x80, s31, s11, $0xb8;
	[tilespmem:$0x1D000] =	vst v63  }
0x97: {  	_ =	swait.ge [sflag:s15], $0x4000  }
0x98: {  	[sflag:s15] =	ssyncset.done $0x0  }
0x99: {  	[sflag:s15] =	ssyncadd.s32 $0xFFFFC000  }
0x9a: {  	[spmem:s2] =	stream.indirect.scatter.add.f32 [tilespmem:s13], [sflag:$0x3], $0x80, s0, s11, $0xb8;
	[tilespmem:$0x1D000] =	vst v63  }
0x9b: {  	_ =	swait.ge [sflag:s10], $0x4000  }
0x9c: {  	[sflag:s10] =	ssyncset.done $0x0  }
0x9d: {  	[sflag:s10] =	ssyncadd.s32 $0xFFFFC000  }
0x9e: {  	[tilespmem:s13], [sflag:$0x2] =	stream.indirect.gather [hbm4b:s4+s11], $0x80, s1, s11, $0xb8;
	[tilespmem:$0x1D000] =	vst v63  }
0x9f: {  	_ =	swait.ge [sflag:s14], $0x4000  }
0xa0: {  	[sflag:s14] =	ssyncset.done $0x0  }
0xa1: {  	[sflag:s14] =	ssyncadd.s32 $0xFFFFC000  }
0xa2: {  	[spmem:s2] =	stream.indirect.scatter.add.f32 [tilespmem:s12], [sflag:$0x3], $0x80, s5, s11, $0xb8;
	[tilespmem:$0x1D000] =	vst v63  }
0xa3: {  	_ =	swait.ge [sflag:s10], $0x4000  }
0xa4: {  	[sflag:s10] =	ssyncset.done $0x0  }
0xa5: {  	[sflag:s10] =	ssyncadd.s32 $0xFFFFC000  }
0xa6: {  	_ =	swait.ge [sflag:s15], $0x4000  }
0xa7: {  	[sflag:s15] =	ssyncset.done $0x0  }
0xa8: {  	[sflag:s15] =	ssyncadd.s32 $0xFFFFC000  }
0xa9: {  	[spmem:s2] =	stream.indirect.scatter.add.f32 [tilespmem:s13], [sflag:$0x3], $0x80, s7, s11, $0xb8;
	[tilespmem:$0x1D000] =	vst v63  }
0xaa: {  	s6 =	simm.s32 $0x200;
	_ =	swait.ge [sflag:s10], $0x4000  }
.LBB2_2:
0xab: {  	s9 =	rddreg [dreg:$0x4];
	s8 =	smov.u32 s6;
	[sflag:s10] =	ssyncset.done $0x0  }
0xac: {  	s8 =	sadd.s32 s8, s9;
	[sflag:s10] =	ssyncadd.s32 $0xFFFFC000  }
0xad: {  	[tilespmem:s3], [sflag:$0x3] =	stream.linear.gather [hbm4b:s8+s3], $0x1000, $0x38;
	[tilespmem:$0x1D000] =	vst v63  }
0xae: {  	_ =	swait.ge [sflag:s10], $0x1000  }
0xaf: {  	[sflag:s10] =	ssyncset.done $0x0  }
0xb0: {  	[sflag:s10] =	ssyncadd.s32 $0xFFFFF000  }
0xb1: {  	[tilespmem:s12], [sflag:$0x1] =	stream.indirect.gather [hbm4b:s4+s11], $0x80, s3, s11, $0xb8;
	[tilespmem:$0x1D000] =	vst v63  }
0xb2: {  	s9 =	rddreg [dreg:$0x5]  }
0xb3: {  	[tilespmem:s13], [sflag:$0x2] =	stream.indirect.gather [hbm4b:s4+s11], $0x80, s9, s11, $0xb8;
	[tilespmem:$0x1D000] =	vst v63  }
0xb4: {  	_ =	swait.ge [sflag:s14], $0x4000  }
0xb5: {  	[sflag:s14] =	ssyncset.done $0x0  }
0xb6: {  	[sflag:s14] =	ssyncadd.s32 $0xFFFFC000  }
0xb7: {  	[spmem:s2] =	stream.indirect.scatter.add.f32 [tilespmem:s12], [sflag:$0x3], $0x80, s11, s11, $0xb8;
	[tilespmem:$0x1D000] =	vst v63  }
0xb8: {  	_ =	swait.ge [sflag:s10], $0x4000  }
0xb9: {  	[sflag:s10] =	ssyncset.done $0x0  }
0xba: {  	s9 =	rddreg [dreg:$0x6];
	[sflag:s10] =	ssyncadd.s32 $0xFFFFC000  }
0xbb: {  	[tilespmem:s12], [sflag:$0x1] =	stream.indirect.gather [hbm4b:s4+s11], $0x80, s9, s11, $0xb8;
	[tilespmem:$0x1D000] =	vst v63  }
0xbc: {  	_ =	swait.ge [sflag:s15], $0x4000  }
0xbd: {  	[sflag:s15] =	ssyncset.done $0x0  }
0xbe: {  	s9 =	rddreg [dreg:$0x7];
	[sflag:s15] =	ssyncadd.s32 $0xFFFFC000  }
0xbf: {  	[spmem:s2] =	stream.indirect.scatter.add.f32 [tilespmem:s13], [sflag:$0x3], $0x80, s9, s11, $0xb8;
	[tilespmem:$0x1D000] =	vst v63  }
0xc0: {  	_ =	swait.ge [sflag:s10], $0x4000  }
0xc1: {  	[sflag:s10] =	ssyncset.done $0x0  }
0xc2: {  	s9 =	rddreg [dreg:$0x8];
	[sflag:s10] =	ssyncadd.s32 $0xFFFFC000  }
0xc3: {  	[tilespmem:s13], [sflag:$0x2] =	stream.indirect.gather [hbm4b:s4+s11], $0x80, s9, s11, $0xb8;
	[tilespmem:$0x1D000] =	vst v63  }
0xc4: {  	_ =	swait.ge [sflag:s14], $0x4000  }
0xc5: {  	[sflag:s14] =	ssyncset.done $0x0  }
0xc6: {  	s9 =	rddreg [dreg:$0x9];
	[sflag:s14] =	ssyncadd.s32 $0xFFFFC000  }
0xc7: {  	[spmem:s2] =	stream.indirect.scatter.add.f32 [tilespmem:s12], [sflag:$0x3], $0x80, s9, s11, $0xb8;
	[tilespmem:$0x1D000] =	vst v63  }
0xc8: {  	_ =	swait.ge [sflag:s10], $0x4000  }
0xc9: {  	[sflag:s10] =	ssyncset.done $0x0  }
0xca: {  	s9 =	rddreg [dreg:$0xa];
	[sflag:s10] =	ssyncadd.s32 $0xFFFFC000  }
0xcb: {  	[tilespmem:s12], [sflag:$0x1] =	stream.indirect.gather [hbm4b:s4+s11], $0x80, s9, s11, $0xb8;
	[tilespmem:$0x1D000] =	vst v63  }
0xcc: {  	_ =	swait.ge [sflag:s15], $0x4000  }
0xcd: {  	[sflag:s15] =	ssyncset.done $0x0  }
0xce: {  	s9 =	rddreg [dreg:$0xb];
	[sflag:s15] =	ssyncadd.s32 $0xFFFFC000  }
0xcf: {  	[spmem:s2] =	stream.indirect.scatter.add.f32 [tilespmem:s13], [sflag:$0x3], $0x80, s9, s11, $0xb8;
	[tilespmem:$0x1D000] =	vst v63  }
0xd0: {  	_ =	swait.ge [sflag:s10], $0x4000  }
0xd1: {  	[sflag:s10] =	ssyncset.done $0x0  }
0xd2: {  	s9 =	rddreg [dreg:$0xc];
	[sflag:s10] =	ssyncadd.s32 $0xFFFFC000  }
0xd3: {  	[tilespmem:s13], [sflag:$0x2] =	stream.indirect.gather [hbm4b:s4+s11], $0x80, s9, s11, $0xb8;
	[tilespmem:$0x1D000] =	vst v63  }
0xd4: {  	_ =	swait.ge [sflag:s14], $0x4000  }
0xd5: {  	[sflag:s14] =	ssyncset.done $0x0  }
0xd6: {  	s9 =	rddreg [dreg:$0xd];
	[sflag:s14] =	ssyncadd.s32 $0xFFFFC000  }
0xd7: {  	[spmem:s2] =	stream.indirect.scatter.add.f32 [tilespmem:s12], [sflag:$0x3], $0x80, s9, s11, $0xb8;
	[tilespmem:$0x1D000] =	vst v63  }
0xd8: {  	_ =	swait.ge [sflag:s10], $0x4000  }
0xd9: {  	[sflag:s10] =	ssyncset.done $0x0  }
0xda: {  	s9 =	rddreg [dreg:$0xe];
	[sflag:s10] =	ssyncadd.s32 $0xFFFFC000  }
0xdb: {  	[tilespmem:s12], [sflag:$0x1] =	stream.indirect.gather [hbm4b:s4+s11], $0x80, s9, s11, $0xb8;
	[tilespmem:$0x1D000] =	vst v63  }
0xdc: {  	_ =	swait.ge [sflag:s15], $0x4000  }
0xdd: {  	[sflag:s15] =	ssyncset.done $0x0  }
0xde: {  	s9 =	rddreg [dreg:$0xf];
	[sflag:s15] =	ssyncadd.s32 $0xFFFFC000  }
0xdf: {  	[spmem:s2] =	stream.indirect.scatter.add.f32 [tilespmem:s13], [sflag:$0x3], $0x80, s9, s11, $0xb8;
	[tilespmem:$0x1D000] =	vst v63  }
0xe0: {  	_ =	swait.ge [sflag:s10], $0x4000  }
0xe1: {  	[sflag:s10] =	ssyncset.done $0x0  }
0xe2: {  	[sflag:s10] =	ssyncadd.s32 $0xFFFFC000  }
0xe3: {  	[tilespmem:s13], [sflag:$0x2] =	stream.indirect.gather [hbm4b:s4+s11], $0x80, s16, s11, $0xb8;
	[tilespmem:$0x1D000] =	vst v63  }
0xe4: {  	_ =	swait.ge [sflag:s14], $0x4000  }
0xe5: {  	[sflag:s14] =	ssyncset.done $0x0  }
0xe6: {  	[sflag:s14] =	ssyncadd.s32 $0xFFFFC000  }
0xe7: {  	[spmem:s2] =	stream.indirect.scatter.add.f32 [tilespmem:s12], [sflag:$0x3], $0x80, s17, s11, $0xb8;
	[tilespmem:$0x1D000] =	vst v63  }
0xe8: {  	_ =	swait.ge [sflag:s10], $0x4000  }
0xe9: {  	[sflag:s10] =	ssyncset.done $0x0  }
0xea: {  	[sflag:s10] =	ssyncadd.s32 $0xFFFFC000  }
0xeb: {  	[tilespmem:s12], [sflag:$0x1] =	stream.indirect.gather [hbm4b:s4+s11], $0x80, s18, s11, $0xb8;
	[tilespmem:$0x1D000] =	vst v63  }
0xec: {  	_ =	swait.ge [sflag:s15], $0x4000  }
0xed: {  	[sflag:s15] =	ssyncset.done $0x0  }
0xee: {  	[sflag:s15] =	ssyncadd.s32 $0xFFFFC000  }
0xef: {  	[spmem:s2] =	stream.indirect.scatter.add.f32 [tilespmem:s13], [sflag:$0x3], $0x80, s19, s11, $0xb8;
	[tilespmem:$0x1D000] =	vst v63  }
0xf0: {  	_ =	swait.ge [sflag:s10], $0x4000  }
0xf1: {  	[sflag:s10] =	ssyncset.done $0x0  }
0xf2: {  	[sflag:s10] =	ssyncadd.s32 $0xFFFFC000  }
0xf3: {  	[tilespmem:s13], [sflag:$0x2] =	stream.indirect.gather [hbm4b:s4+s11], $0x80, s20, s11, $0xb8;
	[tilespmem:$0x1D000] =	vst v63  }
0xf4: {  	_ =	swait.ge [sflag:s14], $0x4000  }
0xf5: {  	[sflag:s14] =	ssyncset.done $0x0  }
0xf6: {  	[sflag:s14] =	ssyncadd.s32 $0xFFFFC000  }
0xf7: {  	[spmem:s2] =	stream.indirect.scatter.add.f32 [tilespmem:s12], [sflag:$0x3], $0x80, s21, s11, $0xb8;
	[tilespmem:$0x1D000] =	vst v63  }
0xf8: {  	_ =	swait.ge [sflag:s10], $0x4000  }
0xf9: {  	[sflag:s10] =	ssyncset.done $0x0  }
0xfa: {  	[sflag:s10] =	ssyncadd.s32 $0xFFFFC000  }
0xfb: {  	[tilespmem:s12], [sflag:$0x1] =	stream.indirect.gather [hbm4b:s4+s11], $0x80, s22, s11, $0xb8;
	[tilespmem:$0x1D000] =	vst v63  }
0xfc: {  	_ =	swait.ge [sflag:s15], $0x4000  }
0xfd: {  	[sflag:s15] =	ssyncset.done $0x0  }
0xfe: {  	[sflag:s15] =	ssyncadd.s32 $0xFFFFC000  }
0xff: {  	[spmem:s2] =	stream.indirect.scatter.add.f32 [tilespmem:s13], [sflag:$0x3], $0x80, s23, s11, $0xb8;
	[tilespmem:$0x1D000] =	vst v63  }
0x100: {  	_ =	swait.ge [sflag:s10], $0x4000  }
0x101: {  	[sflag:s10] =	ssyncset.done $0x0  }
0x102: {  	[sflag:s10] =	ssyncadd.s32 $0xFFFFC000  }
0x103: {  	[tilespmem:s13], [sflag:$0x2] =	stream.indirect.gather [hbm4b:s4+s11], $0x80, s24, s11, $0xb8;
	[tilespmem:$0x1D000] =	vst v63  }
0x104: {  	_ =	swait.ge [sflag:s14], $0x4000  }
0x105: {  	[sflag:s14] =	ssyncset.done $0x0  }
0x106: {  	[sflag:s14] =	ssyncadd.s32 $0xFFFFC000  }
0x107: {  	[spmem:s2] =	stream.indirect.scatter.add.f32 [tilespmem:s12], [sflag:$0x3], $0x80, s25, s11, $0xb8;
	[tilespmem:$0x1D000] =	vst v63  }
0x108: {  	_ =	swait.ge [sflag:s10], $0x4000  }
0x109: {  	[sflag:s10] =	ssyncset.done $0x0  }
0x10a: {  	[sflag:s10] =	ssyncadd.s32 $0xFFFFC000  }
0x10b: {  	[tilespmem:s12], [sflag:$0x1] =	stream.indirect.gather [hbm4b:s4+s11], $0x80, s26, s11, $0xb8;
	[tilespmem:$0x1D000] =	vst v63  }
0x10c: {  	_ =	swait.ge [sflag:s15], $0x4000  }
0x10d: {  	[sflag:s15] =	ssyncset.done $0x0  }
0x10e: {  	[sflag:s15] =	ssyncadd.s32 $0xFFFFC000  }
0x10f: {  	[spmem:s2] =	stream.indirect.scatter.add.f32 [tilespmem:s13], [sflag:$0x3], $0x80, s28, s11, $0xb8;
	[tilespmem:$0x1D000] =	vst v63  }
0x110: {  	_ =	swait.ge [sflag:s10], $0x4000  }
0x111: {  	[sflag:s10] =	ssyncset.done $0x0  }
0x112: {  	[sflag:s10] =	ssyncadd.s32 $0xFFFFC000  }
0x113: {  	[tilespmem:s13], [sflag:$0x2] =	stream.indirect.gather [hbm4b:s4+s11], $0x80, s29, s11, $0xb8;
	[tilespmem:$0x1D000] =	vst v63  }
0x114: {  	_ =	swait.ge [sflag:s14], $0x4000  }
0x115: {  	[sflag:s14] =	ssyncset.done $0x0  }
0x116: {  	[sflag:s14] =	ssyncadd.s32 $0xFFFFC000  }
0x117: {  	[spmem:s2] =	stream.indirect.scatter.add.f32 [tilespmem:s12], [sflag:$0x3], $0x80, s30, s11, $0xb8;
	[tilespmem:$0x1D000] =	vst v63  }
0x118: {  	_ =	swait.ge [sflag:s10], $0x4000  }
0x119: {  	[sflag:s10] =	ssyncset.done $0x0  }
0x11a: {  	[sflag:s10] =	ssyncadd.s32 $0xFFFFC000  }
0x11b: {  	[tilespmem:s12], [sflag:$0x1] =	stream.indirect.gather [hbm4b:s4+s11], $0x80, s31, s11, $0xb8;
	[tilespmem:$0x1D000] =	vst v63  }
0x11c: {  	_ =	swait.ge [sflag:s15], $0x4000  }
0x11d: {  	[sflag:s15] =	ssyncset.done $0x0  }
0x11e: {  	[sflag:s15] =	ssyncadd.s32 $0xFFFFC000  }
0x11f: {  	[spmem:s2] =	stream.indirect.scatter.add.f32 [tilespmem:s13], [sflag:$0x3], $0x80, s0, s11, $0xb8;
	[tilespmem:$0x1D000] =	vst v63  }
0x120: {  	_ =	swait.ge [sflag:s10], $0x4000  }
0x121: {  	[sflag:s10] =	ssyncset.done $0x0  }
0x122: {  	[sflag:s10] =	ssyncadd.s32 $0xFFFFC000  }
0x123: {  	[tilespmem:s13], [sflag:$0x2] =	stream.indirect.gather [hbm4b:s4+s11], $0x80, s1, s11, $0xb8;
	[tilespmem:$0x1D000] =	vst v63  }
0x124: {  	_ =	swait.ge [sflag:s14], $0x4000  }
0x125: {  	[sflag:s14] =	ssyncset.done $0x0  }
0x126: {  	[sflag:s14] =	ssyncadd.s32 $0xFFFFC000  }
0x127: {  	[spmem:s2] =	stream.indirect.scatter.add.f32 [tilespmem:s12], [sflag:$0x3], $0x80, s5, s11, $0xb8;
	[tilespmem:$0x1D000] =	vst v63  }
0x128: {  	_ =	swait.ge [sflag:s10], $0x4000  }
0x129: {  	[sflag:s10] =	ssyncset.done $0x0  }
0x12a: {  	p0 =	sne.s32 s6, $0x800;
	[sflag:s10] =	ssyncadd.s32 $0xFFFFC000  }
.Ltmp0:
0x12b: {  	_ =	swait.ge [sflag:s15], $0x4000;
	(pc) =	sbr.rel @p0 .LBB2_2-.Ltmp0, $4  }
0x12c: {  	[sflag:s15] =	ssyncset.done $0x0  }
0x12d: {  	[sflag:s15] =	ssyncadd.s32 $0xFFFFC000  }
0x12e: {  	[spmem:s2] =	stream.indirect.scatter.add.f32 [tilespmem:s13], [sflag:$0x3], $0x80, s7, s11, $0xb8;
	[tilespmem:$0x1D000] =	vst v63  }
0x12f: {  	s6 =	sadd.s32 $0x200, s6;
	_ =	swait.ge [sflag:s10], $0x4000  }
0x130: {  	[sflag:s10] =	ssyncset.done $0x0  }
0x131: {  	[sflag:s10] =	ssyncadd.s32 $0xFFFFC000  }
0x132: {  	[bflag:$0x0] =	sbarrier.arrive $0xFFFF  }
0x133: {  	s9 =	rddreg [dreg:$0x11]  }
0x134: {  	s6 =	rddreg [dreg:$0x12]  }
0x135: {  	s8 =	rddreg [dreg:$0x14]  }
0x136: {  	[hbm:s6], [sflag:s9] =	dma.local [spmem:s8], $0x2800  }
0x137: {  	_ =	swait.ge [sflag:s10], $0x2800  }
0x138: {  	s6 =	rddreg [dreg:$0x15]  }
0x139: {  	s9 =	sadd.s32 $0x1, s6;
	s6 =	rddreg [dreg:$0x13]  }
0x13a: {  	p0 =	sne.s32 s9, s6  }
.Ltmp1:
0x13b: {  	_ = 	snop;
	(pc) =	sbr.rel @p0 .LBB2_1-.Ltmp1, $3  }
0x13c: {  	_ =	sdelay $0x1  }
0x13d: {  	[sflag:s10] =	ssyncset.done $0x0;
	[dreg:$0x15] =	wrdreg s9  }
0x13e: {  	[sflag:s10] =	ssyncadd.s32 $0xFFFFD800;
	s9 =	rddreg [dreg:$0x11]  }
0x13f: {  	_ =	sfence.sel $0x180000  }
0x140: {  	[bflag:$0x0] =	sbarrier.arrive $0xFFFF  }
0x141: {  	_ =	strace $0x90000050  }
0x142: {  	s0 =	stileid.u32;
	[bflag:$0x2] =	sbarrier.arrive $0xFFFF  }
0x143: {  	p0 =	sne.s32 s0, $0x0;
	s0 =	rddreg [dreg:$0x3]  }
0x144: {  	s0 =	sadd.s32 @!p0 $0x100000, s0  }
0x145: {  	[sflag:s0] =	ssyncadd.tile.s32 @!p0 $0x1;
	_ =	shalt  }
.Lfunc_end2:
_tile_overlayer_lowered:
.L_overlay_start_2:
0x146: {  	(tag) =	ssettag $0x2  }
0x147: {  	s0 =	rddreg [dreg:$0x0];
	s2 =	stileid.u32  }
0x148: {  	s1 =	rddreg [dreg:$0x1];
	p0 =	sne.s32 s2, $0x0  }
0x149: {  	s3 =	rddreg [dreg:$0x2];
	[bflag:$0x3] =	sbarrier.arrive $0xFFFF;
	s2 =	simm.s32 @!p0 $0x1C03  }
0x14a: {  	[timem:s3], [sflag:s2] =	dma.local @!p0 [hbm:s0], s1  }
0x14b: {  	s0 =	simm.s32 @!p0 $0x3  }
0x14c: {  	_ =	swait.ge @!p0 [sflag:s0], s1  }
0x14d: {  	s1 =	ssub.s32 @!p0 $0x0, s1;
	[sflag:s0] =	ssyncset.done @!p0 $0x0  }
0x14e: {  	[sflag:s0] =	ssyncadd.s32 @!p0 s1  }
0x14f: {  	[bflag:$0x3] =	sbarrier.arrive $0xFFFF  }
0x150: {  	_ =	shalt  }

</sc_bundles>
